<compile_context>
chip_gen: v7x
topology: tpu7x:2x2x1
jax: 0.10.2.dev20260603
libtpu: 0.0.44.dev20260713+nightly
codegen_flags: <defaults>
</compile_context>

<pallas_src>
import functools
import numpy as np
import jax
import jax.numpy as jnp
from jax import lax
from jax.experimental import pallas as pl
from jax.experimental.pallas import tpu as pltpu
from jax.experimental.pallas import tpu_sc as plsc

H = 64
W = 64
N = H * W
EH = H * (W - 1)
E = 2 * EH
C = 21
NCH = C + 1
SIGMA_LOW = 0.02
SIGMA_HIGH = 1.0

ORD = 0
UF = 8064
ADJN = 12160
DEG = 28544
QUE = 32640
PAR = 36736
IBUF_WORDS = 40832
PARB = 0
QUEB = 4096
WE = 0
WN = 8064
ADJW = 12160
ABUF = 0
WX = 65536
DEN = 69632
FBUF_WORDS = 73728


def _tree_sum(get, n):
    if n < 8:
        r = get(0)
        for i in range(1, n):
            r = r + get(i)
        return r
    if n <= 128:
        r = [get(j) for j in range(8)]
        nb = n - (n % 8)
        for i in range(8, nb, 8):
            for j in range(8):
                r[j] = r[j] + get(i + j)
        res = ((r[0] + r[1]) + (r[2] + r[3])) + ((r[4] + r[5]) + (r[6] + r[7]))
        for i in range(nb, n):
            res = res + get(i)
        return res
    n2 = n // 2
    n2 -= n2 % 8
    return _tree_sum(get, n2) + _tree_sum(lambda i: get(n2 + i), n - n2)


def _edge_weight_kernel(f_ref, wh_ref, wv_ref):
    x = f_ref[...]
    dh = x[:, :, :-1] - x[:, :, 1:]
    dv = x[:, :-1, :] - x[:, 1:, :]
    sh = dh * dh
    sv = dv * dv
    c = x.shape[0]
    wh_ref[...] = _tree_sum(lambda i: sh[i], c)
    wv_ref[...] = _tree_sum(lambda i: sv[i], c)


def _edge_weights(feat):
    c = feat.shape[0]
    wh, wv = pl.pallas_call(
        _edge_weight_kernel,
        out_shape=(
            jax.ShapeDtypeStruct((H, W - 1), jnp.float32),
            jax.ShapeDtypeStruct((H - 1, W), jnp.float32),
        ),
    )(feat)
    return jnp.concatenate([wh.reshape(-1), wv.reshape(-1)], axis=0)


def _sigmoid_kernel(x_ref, o_ref):
    o_ref[...] = jax.nn.sigmoid(x_ref[...])


def _loss_kernel(p_ref, a_ref, r_ref, loss_ref, n_ref):
    acc = jnp.float32(0.0)
    for b in range(2):
        d = jnp.abs(p_ref[b * C:(b + 1) * C, :] - a_ref[b * C:(b + 1) * C, :])
        acc = acc + jnp.sum(r_ref[b:b + 1, :] * d)
    loss_ref[...] = acc.reshape(1, 1)
    n_ref[...] = jnp.sum(r_ref[...]).reshape(1, 1)


def _iota16():
    return lax.broadcasted_iota(jnp.int32, (16,), 0)


def _sc_body(order_hbm, we_hbm, x_hbm, out_hbm,
             ibuf, fbuf, parent_sh, queue_sh, wexp_sh, denom_sh):
    cid = lax.axis_index("c")
    sid = lax.axis_index("s")
    iota = _iota16()
    mask0 = iota == 0

    def splat(x):
        return jnp.full((16,), x, dtype=jnp.int32)

    def gi(idx):
        return plsc.load_gather(ibuf, [idx])

    def gf(idx):
        return plsc.load_gather(fbuf, [idx])

    def si(idx, val, mask=None):
        plsc.store_scatter(ibuf, [idx], val, mask=mask)

    def sf(idx, val, mask=None):
        plsc.store_scatter(fbuf, [idx], val, mask=mask)

    @pl.when(sid < 2)
    def _phase_a():
        tree = cid * 2 + sid
        pltpu.sync_copy(order_hbm.at[tree], ibuf.at[pl.ds(ORD, E)])
        pltpu.sync_copy(we_hbm.at[tree], fbuf.at[pl.ds(WE, E)])

        def init_body(i, _):
            base = splat(i * 16) + iota
            si(splat(UF) + base, base)
            si(splat(DEG) + base, jnp.zeros((16,), jnp.int32))
            si(splat(PAR) + base, jnp.full((16,), -1, jnp.int32))
            return 0

        lax.fori_loop(0, N // 16, init_body, 0)
        si(splat(PAR), jnp.zeros((16,), jnp.int32), mask=mask0)
        si(splat(QUE), jnp.zeros((16,), jnp.int32), mask=mask0)
        sf(splat(WN), jnp.full((16,), 1e30, jnp.float32), mask=mask0)

        def find(x):
            def cond(cur):
                return jnp.any(gi(splat(UF) + cur) != cur)

            def body(cur):
                p = gi(splat(UF) + cur)
                gp = gi(splat(UF) + p)
                si(splat(UF) + cur, gp, mask=mask0)
                return gp

            return lax.while_loop(cond, body, x)

        def edge_body(e, _):
            eid = gi(splat(ORD + e))
            is_h = eid < EH
            r = eid // (W - 1)
            cc = eid - r * (W - 1)
            k = eid - EH
            u = jnp.where(is_h, r * W + cc, k)
            v = jnp.where(is_h, r * W + cc + 1, k + W)
            ru = find(u)
            rv = find(v)
            take = jnp.any(ru != rv)

            @pl.when(take)
            def _():
                si(splat(UF) + ru, rv, mask=mask0)
                wev = gf(splat(WE) + eid)
                du = gi(splat(DEG) + u)
                si(splat(ADJN) + u * 4 + du, v, mask=mask0)
                sf(splat(ADJW) + u * 4 + du, wev, mask=mask0)
                si(splat(DEG) + u, du + 1, mask=mask0)
                dv = gi(splat(DEG) + v)
                si(splat(ADJN) + v * 4 + dv, u, mask=mask0)
                sf(splat(ADJW) + v * 4 + dv, wev, mask=mask0)
                si(splat(DEG) + v, dv + 1, mask=mask0)

            return 0

        lax.fori_loop(0, E, edge_body, 0)

        def bfs_body(t, tail):
            node = gi(splat(QUE + t))
            degn = gi(splat(DEG) + node)
            m = iota < degn
            slot_idx = jnp.where(m, node * 4 + iota, 0)
            nbr = gi(splat(ADJN) + slot_idx)
            wv = gf(splat(ADJW) + slot_idx)
            pv = gi(splat(PAR) + jnp.where(m, nbr, 0))
            new = m & (pv < 0)
            cnt = plsc.cumsum(new.astype(jnp.int32))
            pos = jnp.where(new, tail + cnt - 1, 0)
            si(splat(QUE) + pos, nbr, mask=new)
            si(splat(PAR) + jnp.where(new, nbr, 0), node, mask=new)
            sf(splat(WN) + jnp.where(new, nbr, 0), wv, mask=new)
            return tail + plsc.all_reduce_population_count(new)

        lax.fori_loop(0, N, bfs_body, splat(1))

        sigma = jnp.where(sid == 0, jnp.float32(SIGMA_LOW),
                          jnp.float32(SIGMA_HIGH))

        def exp_body(i, _):
            idx = splat(WN + i * 16) + iota
            sf(idx, jnp.exp(-(gf(idx) / sigma)))
            return 0

        lax.fori_loop(0, N // 16, exp_body, 0)

        pltpu.sync_copy(ibuf.at[pl.ds(PAR, N)], parent_sh.at[sid])
        pltpu.sync_copy(ibuf.at[pl.ds(QUE, N)], queue_sh.at[sid])
        pltpu.sync_copy(fbuf.at[pl.ds(WN, N)], wexp_sh.at[sid])

    plsc.subcore_barrier()

    @pl.when(sid < 2)
    def _load_x():
        pltpu.sync_copy(x_hbm.at[cid, sid], fbuf.at[pl.ds(ABUF, N * 16)])

    for lvl in range(2):
        @pl.when(sid < 2)
        def _sweeps(lvl=lvl):
            pltpu.sync_copy(parent_sh.at[lvl], ibuf.at[pl.ds(PARB, N)])
            pltpu.sync_copy(queue_sh.at[lvl], ibuf.at[pl.ds(QUEB, N)])
            pltpu.sync_copy(wexp_sh.at[lvl], fbuf.at[pl.ds(WX, N)])

            def down_body(t, _):
                node = gi(splat(QUEB + N - 1 - t))
                p = gi(splat(PARB) + node)
                wv = gf(splat(WX) + node)
                arow = gf(splat(ABUF) + node * 16 + iota)
                plsc.addupdate_scatter(fbuf, [splat(ABUF) + p * 16 + iota],
                                       wv * arow)
                return 0

            lax.fori_loop(0, N, down_body, 0)

            def up_body(t, _):
                node = gi(splat(QUEB + t))
                p = gi(splat(PARB) + node)
                wv = gf(splat(WX) + node)
                arow = gf(splat(ABUF) + node * 16 + iota)
                fp = gf(splat(ABUF) + p * 16 + iota)
                sf(splat(ABUF) + node * 16 + iota,
                   arow + wv * (fp - wv * arow))
                return 0

            lax.fori_loop(0, N, up_body, 0)

            @pl.when(sid == 1)
            def _push_denom():
                def den_body(i, _):
                    base = splat(i * 16) + iota
                    sf(splat(DEN) + base, gf(splat(ABUF) + base * 16 + 5))
                    return 0

                lax.fori_loop(0, N // 16, den_body, 0)
                pltpu.sync_copy(fbuf.at[pl.ds(DEN, N)], denom_sh)

        plsc.subcore_barrier()

        @pl.when(sid < 2)
        def _normalize(lvl=lvl):
            pltpu.sync_copy(denom_sh, fbuf.at[pl.ds(DEN, N)])

            def norm_body(t, _):
                d = jnp.maximum(gf(splat(DEN + t)), jnp.float32(1e-12))
                idx = splat(ABUF + t * 16) + iota
                v = gf(idx) / d
                v = jnp.where(sid == 1,
                              jnp.where(iota == 5, jnp.float32(1.0),
                                        jnp.where(iota < 5, v,
                                                  jnp.float32(0.0))),
                              v)
                sf(idx, v)
                return 0

            lax.fori_loop(0, N, norm_body, 0)

        plsc.subcore_barrier()

    @pl.when(sid < 2)
    def _store_out():
        pltpu.sync_copy(fbuf.at[pl.ds(ABUF, N * 16)], out_hbm.at[cid, sid])


@jax.jit
def kernel(preds, low_feats, high_feats, unlabeled_ROIs):
    B = preds.shape[0]

    prob = pl.pallas_call(
        _sigmoid_kernel,
        out_shape=jax.ShapeDtypeStruct(preds.shape, jnp.float32),
    )(preds)

    w_all = jnp.stack([_edge_weights(low_feats[0]),
                       _edge_weights(high_feats[0]),
                       _edge_weights(low_feats[1]),
                       _edge_weights(high_feats[1])], axis=0)
    order_all = jnp.argsort(w_all, axis=1, stable=True).astype(jnp.int32)

    xt = prob.reshape(B, C, N).transpose(0, 2, 1)
    pad = jnp.zeros((B, N, 11), jnp.float32)
    ones = jnp.ones((B, N, 1), jnp.float32)
    xp = jnp.concatenate([xt, ones, pad[..., :10]], axis=2)
    x_in = xp.reshape(B, N, 2, 16).transpose(0, 2, 1, 3).reshape(B, 2, N * 16)

    sc = functools.partial(
        pl.kernel,
        out_type=jax.ShapeDtypeStruct((B, 2, N * 16), jnp.float32),
        mesh=plsc.VectorSubcoreMesh(core_axis_name="c", subcore_axis_name="s",
                                    num_cores=2, num_subcores=16),
        scratch_types=[
            pltpu.VMEM((IBUF_WORDS,), jnp.int32),
            pltpu.VMEM((FBUF_WORDS,), jnp.float32),
            pltpu.VMEM_SHARED((2, N), jnp.int32),
            pltpu.VMEM_SHARED((2, N), jnp.int32),
            pltpu.VMEM_SHARED((2, N), jnp.float32),
            pltpu.VMEM_SHARED((N,), jnp.float32),
        ],
        compiler_params=pltpu.CompilerParams(needs_layout_passes=False),
    )
    out = sc(_sc_body)(order_all, w_all, x_in)

    AS = (out.reshape(B, 2, N, 16).transpose(0, 2, 1, 3)
          .reshape(B, N, 32)[..., :C])
    AS = AS.transpose(0, 2, 1).reshape(B * C, N)

    ri = (jnp.arange(H) * (unlabeled_ROIs.shape[2] // H)).astype(jnp.int32)
    ci = (jnp.arange(W) * (unlabeled_ROIs.shape[3] // W)).astype(jnp.int32)
    roi = unlabeled_ROIs[:, 0][:, ri, :][:, :, ci].reshape(B, N)

    loss, n = pl.pallas_call(
        _loss_kernel,
        out_shape=(
            jax.ShapeDtypeStruct((1, 1), jnp.float32),
            jax.ShapeDtypeStruct((1, 1), jnp.float32),
        ),
    )(prob.reshape(B * C, N), AS, roi)
    loss = loss[0, 0]
    n = n[0, 0]
    return jnp.where(n > 0, loss / jnp.maximum(n, 1.0), jnp.float32(0.0))

# --- scband reference (transcript-rebuilt; emitter-appended) ---
"""Pipeline reference for scband-tree-energy-loss-68925635166493 (READ-ONLY COPY).

The authoritative reference and input builder live on the scoring server;
editing this copy changes nothing except your own understanding.
"""

import jax, jax.numpy as jnp
import numpy as np

SIGMA = 0.02

def _grid_edges(H, W):
    idx = np.arange(H * W).reshape(H, W)
    e_h = np.stack([idx[:, :-1].ravel(), idx[:, 1:].ravel()], axis=1)
    e_v = np.stack([idx[:-1, :].ravel(), idx[1:, :].ravel()], axis=1)
    return np.concatenate([e_h, e_v], axis=0)

def _pairwise_sum(x):
    n = x.shape[-1]
    if n < 8:
        r = x[..., 0]
        for i in range(1, n):
            r = r + x[..., i]
        return r
    if n <= 128:
        r = [x[..., j] for j in range(8)]
        nb = n - (n % 8)
        for i in range(8, nb, 8):
            for j in range(8):
                r[j] = r[j] + x[..., i + j]
        res = ((r[0] + r[1]) + (r[2] + r[3])) + ((r[4] + r[5]) + (r[6] + r[7]))
        for i in range(nb, n):
            res = res + x[..., i]
        return res
    n2 = n // 2
    n2 -= n2 % 8
    return _pairwise_sum(x[..., :n2]) + _pairwise_sum(x[..., n2:])

def _kruskal(edges, w, N):
    order = jnp.argsort(w, stable=True)
    E = edges.shape[0]
    eu = edges[:, 0]
    ev = edges[:, 1]
    def body(i, carry):
        uf, sel = carry
        for _ in range(3):
            uf = uf[uf]
        ei = order[i]
        ru = uf[eu[ei]]
        rv = uf[ev[ei]]
        take = ru != rv
        uf = uf.at[jnp.where(take, ru, rv)].set(rv)
        sel = sel.at[ei].set(take)
        return uf, sel
    uf0 = jnp.arange(N, dtype=jnp.int32)
    sel0 = jnp.zeros((E,), dtype=bool)
    _, sel = jax.lax.fori_loop(0, E, body, (uf0, sel0))
    return sel

def _root_tree(edges, sel, N):
    eu = edges[:, 0]
    ev = edges[:, 1]
    INF = jnp.int32(N)
    dist0 = jnp.full((N,), INF, dtype=jnp.int32).at[0].set(0)
    def cond(carry):
        return carry[1]
    def body(carry):
        dist, _ = carry
        cv = jnp.where(sel, dist[eu] + 1, INF)
        cu = jnp.where(sel, dist[ev] + 1, INF)
        nd = dist.at[ev].min(cv)
        nd = nd.at[eu].min(cu)
        return nd, jnp.any(nd != dist)
    dist, _ = jax.lax.while_loop(cond, body, (dist0, jnp.bool_(True)))
    mv = sel & (dist[eu] + 1 == dist[ev])
    mu = sel & (dist[ev] + 1 == dist[eu])
    p = jnp.full((N,), -1, dtype=jnp.int32)
    p = p.at[ev].max(jnp.where(mv, eu, -1))
    p = p.at[eu].max(jnp.where(mu, ev, -1))
    parent = jnp.where(p < 0, jnp.arange(N, dtype=jnp.int32), p)
    return parent, dist

def _build_mst(emb):
    C, H, W = emb.shape
    N = H * W
    f = emb.reshape(C, N).T
    edges = jnp.asarray(_grid_edges(H, W), dtype=jnp.int32)
    d = f[edges[:, 0]] - f[edges[:, 1]]
    w = _pairwise_sum(d * d)
    sel = _kruskal(edges, w, N)
    return _root_tree(edges, sel, N)

def _tree_filter(x, emb, parent, depth, sigma):
    diff = emb - emb[parent]
    dist = jnp.sum(diff * diff, axis=1)
    w = jnp.exp(-dist / sigma)
    w = w.at[0].set(0.0)
    ones = jnp.ones((x.shape[0], 1), x.dtype)
    A = jnp.concatenate([x, ones], axis=1)
    dmax = depth.max()
    def down(i, A_):
        d_ = dmax - i
        m = jnp.where(depth == d_, w, jnp.zeros_like(w))
        return A_.at[parent].add(m[:, None] * A_)
    A = jax.lax.fori_loop(0, dmax, down, A)
    def up(i, F_):
        upd = A + w[:, None] * (F_[parent] - w[:, None] * A)
        return jnp.where((depth == i)[:, None], upd, F_)
    F = jax.lax.fori_loop(1, dmax + 1, up, A)
    return F[:, :-1] / jnp.clip(F[:, -1:], 1e-12, None)

def _nearest_resize(x, h, w):
    H, W = x.shape[-2], x.shape[-1]
    ri = (jnp.arange(h) * (H / h)).astype(jnp.int32)
    ci = (jnp.arange(w) * (W / w)).astype(jnp.int32)
    return x[..., ri, :][..., :, ci]

def _forward(preds, low_feats, high_feats, unlabeled_ROIs, trees_low, trees_high):
    B, C, H, W = preds.shape
    roi = _nearest_resize(unlabeled_ROIs, H, W)
    n = roi.sum()
    prob = jax.nn.sigmoid(preds)
    outs = []
    for b in range(B):
        x = prob[b].reshape(C, H * W).T
        emb_l = low_feats[b].reshape(low_feats.shape[1], H * W).T
        AS = _tree_filter(x, emb_l, trees_low[b][0], trees_low[b][1], SIGMA)
        emb_h = high_feats[b].reshape(high_feats.shape[1], H * W).T
        AS = _tree_filter(AS, emb_h, trees_high[b][0], trees_high[b][1], 1.0)
        outs.append(AS.T.reshape(C, H, W))
    AS = jnp.stack(outs, axis=0)
    loss = (roi * jnp.abs(prob - AS)).sum()
    return jnp.where(n > 0, loss / jnp.maximum(n, 1.0), 0.0)

def setup_inputs(seed: int = 0):
    key = jax.random.key(seed)
    k1, k2, k3, k4 = jax.random.split(key, 4)
    preds = jax.random.normal(k1, (2, 21, 64, 64), dtype=jnp.float32)
    low_feats = 0.05 * jax.random.normal(k2, (2, 3, 64, 64), dtype=jnp.float32)
    high_feats = 0.05 * jax.random.normal(k3, (2, 256, 64, 64), dtype=jnp.float32)
    unlabeled_ROIs = jnp.round(jax.random.uniform(k4, (2, 1, 512, 512), dtype=jnp.float32))
    return {"preds": preds, "low_feats": low_feats, "high_feats": high_feats, "unlabeled_ROIs": unlabeled_ROIs}

def reference(preds, low_feats, high_feats, unlabeled_ROIs):
    B = preds.shape[0]
    trees_low = [_build_mst(low_feats[b]) for b in range(B)]
    trees_high = [_build_mst(high_feats[b]) for b in range(B)]
    return _forward(preds, low_feats, high_feats, unlabeled_ROIs, trees_low, trees_high)

if __name__ == "__main__":
    import jax
    _d = setup_inputs()
    print(jax.jit(kernel)(*tuple(_d.values())))

</pallas_src>

<mosaic_0001>
#map = affine_map<(d0, d1) -> (0, 0)>
#map1 = affine_map<(d0, d1) -> (0, 0, 0)>
module attributes {stable_mosaic.version = 14 : i64} {
  func.func @_sc_body(%arg0: i32, %arg1: i32, %arg2: memref<4x8064xi32, #tpu.memory_space<hbm>>, %arg3: memref<4x8064xf32, #tpu.memory_space<hbm>>, %arg4: memref<2x2x65536xf32, #tpu.memory_space<hbm>>, %arg5: memref<2x2x65536xf32, #tpu.memory_space<hbm>>, %arg6: memref<40832xi32, #tpu.memory_space<vmem>>, %arg7: memref<73728xf32, #tpu.memory_space<vmem>>, %arg8: memref<2x4096xi32, #tpu.memory_space<vmem_shared>>, %arg9: memref<2x4096xi32, #tpu.memory_space<vmem_shared>>, %arg10: memref<2x4096xf32, #tpu.memory_space<vmem_shared>>, %arg11: memref<4096xf32, #tpu.memory_space<vmem_shared>>) attributes {dimension_semantics = [#tpu.dimension_semantics<core_parallel>, #tpu.dimension_semantics<subcore_parallel>], iteration_bounds = array<i64: 2, 16>, scalar_prefetch = 0 : i64, scratch_operands = 6 : i64, tpu.core_type = #tpu.core_type<sc_vector_subcore>, window_params = [{transform_indices = #map}, {transform_indices = #map}, {transform_indices = #map1}, {transform_indices = #map1}]} {
    %iota3A = tpu.iota {dimensions = array<i32: 0>} : vector<16xi32>
    %eq3A = arith.constant 0 : i32
    %eq3A_0 = vector.broadcast %eq3A : i32 to vector<16xi32>
    %eq3A_1 = arith.cmpi eq, %iota3A, %eq3A_0 : vector<16xi32>
    %lt3A = arith.constant 2 : i32
    %lt3A_2 = arith.cmpi slt, %arg1, %lt3A : i32
    %convert_element_type3A = arith.extui %lt3A_2 : i1 to i32
    %cond3A = arith.constant 0 : i32
    %cond3A_3 = arith.cmpi ne, %convert_element_type3A, %cond3A : i32
    scf.if %cond3A_3 {
      %mul3A = arith.constant 2 : i32
      %mul3A_38 = arith.muli %arg0, %mul3A : i32
      %add3A = arith.addi %mul3A_38, %arg1 : i32
      "tpu.region"() ({
        %run_scoped3A = tpu.sem_alloc : memref<!tpu.dma_semaphore, #tpu.memory_space<semaphore_mem>>
        %dma_start3A = arith.constant 0 : i32
        %dma_start3A_81 = tpu.memref_slice %arg6[%dma_start3A] : memref<40832xi32, #tpu.memory_space<vmem>> -> memref<8064xi32, #tpu.memory_space<vmem>>
        %dma_start3A_82 = arith.constant 0 : i32
        %dma_start3A_83 = tpu.memref_slice %arg2[%add3A, %dma_start3A_82] : memref<4x8064xi32, #tpu.memory_space<hbm>> -> memref<1x8064xi32, #tpu.memory_space<hbm>>
        %dma_start3A_84 = tpu.memref_squeeze %dma_start3A_83 : memref<1x8064xi32, #tpu.memory_space<hbm>> -> memref<8064xi32, #tpu.memory_space<hbm>>
        %dma_start3A_85 = arith.constant 0 : i32
        %dma_start3A_86 = tpu.memref_slice %arg6[%dma_start3A_85] : memref<40832xi32, #tpu.memory_space<vmem>> -> memref<8064xi32, #tpu.memory_space<vmem>>
        %dma_start3A_87 = arith.constant 0 : i32
        %dma_start3A_88 = tpu.memref_slice %arg2[%add3A, %dma_start3A_87] : memref<4x8064xi32, #tpu.memory_space<hbm>> -> memref<1x8064xi32, #tpu.memory_space<hbm>>
        %dma_start3A_89 = tpu.memref_squeeze %dma_start3A_88 : memref<1x8064xi32, #tpu.memory_space<hbm>> -> memref<8064xi32, #tpu.memory_space<hbm>>
        tpu.enqueue_dma source(%dma_start3A_89 : memref<8064xi32, #tpu.memory_space<hbm>>) target(%dma_start3A_86 : memref<8064xi32, #tpu.memory_space<vmem>>) target_semaphore(%run_scoped3A : memref<!tpu.dma_semaphore, #tpu.memory_space<semaphore_mem>>)
        %dma_wait3A = arith.constant 0 : i32
        %dma_wait3A_90 = tpu.memref_slice %arg6[%dma_wait3A] : memref<40832xi32, #tpu.memory_space<vmem>> -> memref<8064xi32, #tpu.memory_space<vmem>>
        %dma_wait3A_91 = arith.constant 0 : i32
        %dma_wait3A_92 = tpu.memref_slice %arg2[%add3A, %dma_wait3A_91] : memref<4x8064xi32, #tpu.memory_space<hbm>> -> memref<1x8064xi32, #tpu.memory_space<hbm>>
        %dma_wait3A_93 = tpu.memref_squeeze %dma_wait3A_92 : memref<1x8064xi32, #tpu.memory_space<hbm>> -> memref<8064xi32, #tpu.memory_space<hbm>>
        %dma_wait3A_94 = arith.constant 0 : i32
        %dma_wait3A_95 = tpu.memref_slice %arg6[%dma_wait3A_94] : memref<40832xi32, #tpu.memory_space<vmem>> -> memref<8064xi32, #tpu.memory_space<vmem>>
        %dma_wait3A_96 = arith.constant 0 : i32
        %dma_wait3A_97 = tpu.memref_slice %arg2[%add3A, %dma_wait3A_96] : memref<4x8064xi32, #tpu.memory_space<hbm>> -> memref<1x8064xi32, #tpu.memory_space<hbm>>
        %dma_wait3A_98 = tpu.memref_squeeze %dma_wait3A_97 : memref<1x8064xi32, #tpu.memory_space<hbm>> -> memref<8064xi32, #tpu.memory_space<hbm>>
        tpu.wait_dma2 semaphore(%run_scoped3A : memref<!tpu.dma_semaphore, #tpu.memory_space<semaphore_mem>>) src(%dma_wait3A_98 : memref<8064xi32, #tpu.memory_space<hbm>>) dst(%dma_wait3A_95 : memref<8064xi32, #tpu.memory_space<vmem>>)
        tpu.yield
      }) : () -> ()
      "tpu.region"() ({
        %run_scoped3A = tpu.sem_alloc : memref<!tpu.dma_semaphore, #tpu.memory_space<semaphore_mem>>
        %dma_start3A = arith.constant 0 : i32
        %dma_start3A_81 = tpu.memref_slice %arg7[%dma_start3A] : memref<73728xf32, #tpu.memory_space<vmem>> -> memref<8064xf32, #tpu.memory_space<vmem>>
        %dma_start3A_82 = arith.constant 0 : i32
        %dma_start3A_83 = tpu.memref_slice %arg3[%add3A, %dma_start3A_82] : memref<4x8064xf32, #tpu.memory_space<hbm>> -> memref<1x8064xf32, #tpu.memory_space<hbm>>
        %dma_start3A_84 = tpu.memref_squeeze %dma_start3A_83 : memref<1x8064xf32, #tpu.memory_space<hbm>> -> memref<8064xf32, #tpu.memory_space<hbm>>
        %dma_start3A_85 = arith.constant 0 : i32
        %dma_start3A_86 = tpu.memref_slice %arg7[%dma_start3A_85] : memref<73728xf32, #tpu.memory_space<vmem>> -> memref<8064xf32, #tpu.memory_space<vmem>>
        %dma_start3A_87 = arith.constant 0 : i32
        %dma_start3A_88 = tpu.memref_slice %arg3[%add3A, %dma_start3A_87] : memref<4x8064xf32, #tpu.memory_space<hbm>> -> memref<1x8064xf32, #tpu.memory_space<hbm>>
        %dma_start3A_89 = tpu.memref_squeeze %dma_start3A_88 : memref<1x8064xf32, #tpu.memory_space<hbm>> -> memref<8064xf32, #tpu.memory_space<hbm>>
        tpu.enqueue_dma source(%dma_start3A_89 : memref<8064xf32, #tpu.memory_space<hbm>>) target(%dma_start3A_86 : memref<8064xf32, #tpu.memory_space<vmem>>) target_semaphore(%run_scoped3A : memref<!tpu.dma_semaphore, #tpu.memory_space<semaphore_mem>>)
        %dma_wait3A = arith.constant 0 : i32
        %dma_wait3A_90 = tpu.memref_slice %arg7[%dma_wait3A] : memref<73728xf32, #tpu.memory_space<vmem>> -> memref<8064xf32, #tpu.memory_space<vmem>>
        %dma_wait3A_91 = arith.constant 0 : i32
        %dma_wait3A_92 = tpu.memref_slice %arg3[%add3A, %dma_wait3A_91] : memref<4x8064xf32, #tpu.memory_space<hbm>> -> memref<1x8064xf32, #tpu.memory_space<hbm>>
        %dma_wait3A_93 = tpu.memref_squeeze %dma_wait3A_92 : memref<1x8064xf32, #tpu.memory_space<hbm>> -> memref<8064xf32, #tpu.memory_space<hbm>>
        %dma_wait3A_94 = arith.constant 0 : i32
        %dma_wait3A_95 = tpu.memref_slice %arg7[%dma_wait3A_94] : memref<73728xf32, #tpu.memory_space<vmem>> -> memref<8064xf32, #tpu.memory_space<vmem>>
        %dma_wait3A_96 = arith.constant 0 : i32
        %dma_wait3A_97 = tpu.memref_slice %arg3[%add3A, %dma_wait3A_96] : memref<4x8064xf32, #tpu.memory_space<hbm>> -> memref<1x8064xf32, #tpu.memory_space<hbm>>
        %dma_wait3A_98 = tpu.memref_squeeze %dma_wait3A_97 : memref<1x8064xf32, #tpu.memory_space<hbm>> -> memref<8064xf32, #tpu.memory_space<hbm>>
        tpu.wait_dma2 semaphore(%run_scoped3A : memref<!tpu.dma_semaphore, #tpu.memory_space<semaphore_mem>>) src(%dma_wait3A_98 : memref<8064xf32, #tpu.memory_space<hbm>>) dst(%dma_wait3A_95 : memref<8064xf32, #tpu.memory_space<vmem>>)
        tpu.yield
      }) : () -> ()
      %scan3A = arith.constant 0 : i32
      %scan3A_39 = arith.constant 0 : i32
      %scan3A_40 = arith.constant 256 : i32
      %scan3A_41 = arith.addi %scan3A_39, %scan3A_40 : i32
      %scan3A_42 = arith.constant 1 : i32
      %scan3A_43 = scf.for %scan3A_81 = %scan3A_39 to %scan3A_41 step %scan3A_42 iter_args(%scan3A_82 = %scan3A) -> (i32)  : i32 {
        %mul3A_83 = arith.constant 16 : i32
        %mul3A_84 = arith.muli %scan3A_81, %mul3A_83 : i32
        %broadcast_in_dim3A_85 = vector.broadcast %mul3A_84 : i32 to vector<16xi32>
        %add3A_86 = arith.addi %broadcast_in_dim3A_85, %iota3A : vector<16xi32>
        %broadcast_in_dim3A_87 = arith.constant 8064 : i32
        %broadcast_in_dim3A_88 = vector.broadcast %broadcast_in_dim3A_87 : i32 to vector<16xi32>
        %add3A_89 = arith.addi %broadcast_in_dim3A_88, %add3A_86 : vector<16xi32>
        tpu.vector_store_idx %arg6[%add3A_89], %add3A_86 : memref<40832xi32, #tpu.memory_space<vmem>>[vector<16xi32>], vector<16xi32>,
        %broadcast_in_dim3A_90 = arith.constant 28544 : i32
        %broadcast_in_dim3A_91 = vector.broadcast %broadcast_in_dim3A_90 : i32 to vector<16xi32>
        %add3A_92 = arith.addi %broadcast_in_dim3A_91, %add3A_86 : vector<16xi32>
        %broadcast_in_dim3A_93 = arith.constant 0 : i32
        %broadcast_in_dim3A_94 = vector.broadcast %broadcast_in_dim3A_93 : i32 to vector<16xi32>
        tpu.vector_store_idx %arg6[%add3A_92], %broadcast_in_dim3A_94 : memref<40832xi32, #tpu.memory_space<vmem>>[vector<16xi32>], vector<16xi32>,
        %broadcast_in_dim3A_95 = arith.constant 36736 : i32
        %broadcast_in_dim3A_96 = vector.broadcast %broadcast_in_dim3A_95 : i32 to vector<16xi32>
        %add3A_97 = arith.addi %broadcast_in_dim3A_96, %add3A_86 : vector<16xi32>
        %broadcast_in_dim3A_98 = arith.constant -1 : i32
        %broadcast_in_dim3A_99 = vector.broadcast %broadcast_in_dim3A_98 : i32 to vector<16xi32>
        tpu.vector_store_idx %arg6[%add3A_97], %broadcast_in_dim3A_99 : memref<40832xi32, #tpu.memory_space<vmem>>[vector<16xi32>], vector<16xi32>,
        %scan3A_100 = arith.constant 0 : i32
        scf.yield %scan3A_100 : i32
      }
      %scan3A_44 = arith.constant 256 : i32
      %broadcast_in_dim3A = arith.constant 36736 : i32
      %broadcast_in_dim3A_45 = vector.broadcast %broadcast_in_dim3A : i32 to vector<16xi32>
      %broadcast_in_dim3A_46 = arith.constant 0 : i32
      %broadcast_in_dim3A_47 = vector.broadcast %broadcast_in_dim3A_46 : i32 to vector<16xi32>
      tpu.vector_store_idx %arg6[%broadcast_in_dim3A_45], %broadcast_in_dim3A_47 masked %eq3A_1 : memref<40832xi32, #tpu.memory_space<vmem>>[vector<16xi32>], vector<16xi32>, vector<16xi1>
      %broadcast_in_dim3A_48 = arith.constant 32640 : i32
      %broadcast_in_dim3A_49 = vector.broadcast %broadcast_in_dim3A_48 : i32 to vector<16xi32>
      %broadcast_in_dim3A_50 = arith.constant 0 : i32
      %broadcast_in_dim3A_51 = vector.broadcast %broadcast_in_dim3A_50 : i32 to vector<16xi32>
      tpu.vector_store_idx %arg6[%broadcast_in_dim3A_49], %broadcast_in_dim3A_51 masked %eq3A_1 : memref<40832xi32, #tpu.memory_space<vmem>>[vector<16xi32>], vector<16xi32>, vector<16xi1>
      %broadcast_in_dim3A_52 = arith.constant 8064 : i32
      %broadcast_in_dim3A_53 = vector.broadcast %broadcast_in_dim3A_52 : i32 to vector<16xi32>
      %broadcast_in_dim3A_54 = arith.constant 1.000000e+30 : f32
      %broadcast_in_dim3A_55 = vector.broadcast %broadcast_in_dim3A_54 : f32 to vector<16xf32>
      tpu.vector_store_idx %arg7[%broadcast_in_dim3A_53], %broadcast_in_dim3A_55 masked %eq3A_1 : memref<73728xf32, #tpu.memory_space<vmem>>[vector<16xi32>], vector<16xf32>, vector<16xi1>
      %scan3A_56 = arith.constant 0 : i32
      %scan3A_57 = arith.constant 0 : i32
      %scan3A_58 = arith.constant 8064 : i32
      %scan3A_59 = arith.addi %scan3A_57, %scan3A_58 : i32
      %scan3A_60 = arith.constant 1 : i32
      %scan3A_61 = scf.for %scan3A_81 = %scan3A_57 to %scan3A_59 step %scan3A_60 iter_args(%scan3A_82 = %scan3A_56) -> (i32)  : i32 {
        %add3A_83 = arith.constant 0 : i32
        %add3A_84 = arith.addi %add3A_83, %scan3A_81 : i32
        %broadcast_in_dim3A_85 = vector.broadcast %add3A_84 : i32 to vector<16xi32>
        %gather3A = tpu.vector_load_idx %arg6[%broadcast_in_dim3A_85] : memref<40832xi32, #tpu.memory_space<vmem>>[vector<16xi32>], vector<16xi32>,
        %lt3A_86 = arith.constant 4032 : i32
        %lt3A_87 = vector.broadcast %lt3A_86 : i32 to vector<16xi32>
        %lt3A_88 = arith.cmpi slt, %gather3A, %lt3A_87 : vector<16xi32>
        %jit3A_89 = arith.constant 63 : i32
        %div3A = vector.broadcast %jit3A_89 : i32 to vector<16xi32>
        %div3A_90 = arith.divsi %gather3A, %div3A : vector<16xi32>
        %sign3A = arith.constant 0 : i32
        %sign3A_91 = vector.broadcast %sign3A : i32 to vector<16xi32>
        %sign3A_92 = arith.cmpi sgt, %gather3A, %sign3A_91 : vector<16xi32>
        %sign3A_93 = arith.extui %sign3A_92 : vector<16xi1> to vector<16xi32>
        %sign3A_94 = arith.constant 0 : i32
        %sign3A_95 = vector.broadcast %sign3A_94 : i32 to vector<16xi32>
        %sign3A_96 = arith.cmpi slt, %gather3A, %sign3A_95 : vector<16xi32>
        %sign3A_97 = arith.extui %sign3A_96 : vector<16xi1> to vector<16xi32>
        %sign3A_98 = arith.subi %sign3A_93, %sign3A_97 : vector<16xi32>
        %sign3A_99 = arith.constant 0 : i32
        %sign3A_100 = arith.cmpi sgt, %jit3A_89, %sign3A_99 : i32
        %sign3A_101 = arith.extui %sign3A_100 : i1 to i32
        %sign3A_102 = arith.constant 0 : i32
        %sign3A_103 = arith.cmpi slt, %jit3A_89, %sign3A_102 : i32
        %sign3A_104 = arith.extui %sign3A_103 : i1 to i32
        %sign3A_105 = arith.subi %sign3A_101, %sign3A_104 : i32
        %ne3A = vector.broadcast %sign3A_105 : i32 to vector<16xi32>
        %ne3A_106 = arith.cmpi ne, %sign3A_98, %ne3A : vector<16xi32>
        %rem3A = vector.broadcast %jit3A_89 : i32 to vector<16xi32>
        %rem3A_107 = arith.remsi %gather3A, %rem3A : vector<16xi32>
        %ne3A_108 = arith.constant 0 : i32
        %ne3A_109 = vector.broadcast %ne3A_108 : i32 to vector<16xi32>
        %ne3A_110 = arith.cmpi ne, %rem3A_107, %ne3A_109 : vector<16xi32>
        %and3A = arith.andi %ne3A_106, %ne3A_110 : vector<16xi1>
        %sub3A = arith.constant 1 : i32
        %sub3A_111 = vector.broadcast %sub3A : i32 to vector<16xi32>
        %sub3A_112 = arith.subi %div3A_90, %sub3A_111 : vector<16xi32>
        %select_n3A_113 = arith.select %and3A, %sub3A_112, %div3A_90 : vector<16xi1>, vector<16xi32>
        %mul3A_114 = arith.constant 63 : i32
        %mul3A_115 = vector.broadcast %mul3A_114 : i32 to vector<16xi32>
        %mul3A_116 = arith.muli %select_n3A_113, %mul3A_115 : vector<16xi32>
        %sub3A_117 = arith.subi %gather3A, %mul3A_116 : vector<16xi32>
        %sub3A_118 = arith.constant 4032 : i32
        %sub3A_119 = vector.broadcast %sub3A_118 : i32 to vector<16xi32>
        %sub3A_120 = arith.subi %gather3A, %sub3A_119 : vector<16xi32>
        %mul3A_121 = arith.constant 64 : i32
        %mul3A_122 = vector.broadcast %mul3A_121 : i32 to vector<16xi32>
        %mul3A_123 = arith.muli %select_n3A_113, %mul3A_122 : vector<16xi32>
        %add3A_124 = arith.addi %mul3A_123, %sub3A_117 : vector<16xi32>
        %select_n3A_125 = arith.select %lt3A_88, %add3A_124, %sub3A_120 : vector<16xi1>, vector<16xi32>
        %mul3A_126 = arith.constant 64 : i32
        %mul3A_127 = vector.broadcast %mul3A_126 : i32 to vector<16xi32>
        %mul3A_128 = arith.muli %select_n3A_113, %mul3A_127 : vector<16xi32>
        %add3A_129 = arith.addi %mul3A_128, %sub3A_117 : vector<16xi32>
        %add3A_130 = arith.constant 1 : i32
        %add3A_131 = vector.broadcast %add3A_130 : i32 to vector<16xi32>
        %add3A_132 = arith.addi %add3A_129, %add3A_131 : vector<16xi32>
        %add3A_133 = arith.constant 64 : i32
        %add3A_134 = vector.broadcast %add3A_133 : i32 to vector<16xi32>
        %add3A_135 = arith.addi %sub3A_120, %add3A_134 : vector<16xi32>
        %select_n3A_136 = arith.select %lt3A_88, %add3A_132, %add3A_135 : vector<16xi1>, vector<16xi32>
        %while3A = scf.while (%while3A_153 = %select_n3A_125) : (vector<16xi32>) -> vector<16xi32> {
          %broadcast_in_dim3A_154 = arith.constant 8064 : i32
          %broadcast_in_dim3A_155 = vector.broadcast %broadcast_in_dim3A_154 : i32 to vector<16xi32>
          %add3A_156 = arith.addi %broadcast_in_dim3A_155, %while3A_153 : vector<16xi32>
          %gather3A_157 = tpu.vector_load_idx %arg6[%add3A_156] : memref<40832xi32, #tpu.memory_space<vmem>>[vector<16xi32>], vector<16xi32>,
          %ne3A_158 = arith.cmpi ne, %gather3A_157, %while3A_153 : vector<16xi32>
          %reduce_or3A_159 = arith.constant 1.000000e+00 : f32
          %reduce_or3A_160 = arith.constant 0.000000e+00 : f32
          %reduce_or3A_161 = vector.broadcast %reduce_or3A_159 : f32 to vector<16xf32>
          %reduce_or3A_162 = vector.broadcast %reduce_or3A_160 : f32 to vector<16xf32>
          %reduce_or3A_163 = arith.select %ne3A_158, %reduce_or3A_161, %reduce_or3A_162 : vector<16xi1>, vector<16xf32>
          %reduce_or3A_164 = arith.constant true
          %reduce_or3A_165 = vector.broadcast %reduce_or3A_164 : i1 to vector<16xi1>
          %reduce_or3A_166 = tpu.scan <max>, %reduce_or3A_163 masked %reduce_or3A_165 : vector<16xf32>, vector<16xi1> -> vector<16xf32>
          %reduce_or3A_167 = vector.extract %reduce_or3A_166[15] : f32 from vector<16xf32>
          %reduce_or3A_168 = arith.constant 0.000000e+00 : f32
          %reduce_or3A_169 = arith.cmpf ogt, %reduce_or3A_167, %reduce_or3A_168 : f32
          scf.condition(%reduce_or3A_169) %while3A_153 : vector<16xi32>
        } do {
        ^bb0(%while3A_153: vector<16xi32>):
          %broadcast_in_dim3A_154 = arith.constant 8064 : i32
          %broadcast_in_dim3A_155 = vector.broadcast %broadcast_in_dim3A_154 : i32 to vector<16xi32>
          %add3A_156 = arith.addi %broadcast_in_dim3A_155, %while3A_153 : vector<16xi32>
          %gather3A_157 = tpu.vector_load_idx %arg6[%add3A_156] : memref<40832xi32, #tpu.memory_space<vmem>>[vector<16xi32>], vector<16xi32>,
          %broadcast_in_dim3A_158 = arith.constant 8064 : i32
          %broadcast_in_dim3A_159 = vector.broadcast %broadcast_in_dim3A_158 : i32 to vector<16xi32>
          %add3A_160 = arith.addi %broadcast_in_dim3A_159, %gather3A_157 : vector<16xi32>
          %gather3A_161 = tpu.vector_load_idx %arg6[%add3A_160] : memref<40832xi32, #tpu.memory_space<vmem>>[vector<16xi32>], vector<16xi32>,
          %broadcast_in_dim3A_162 = arith.constant 8064 : i32
          %broadcast_in_dim3A_163 = vector.broadcast %broadcast_in_dim3A_162 : i32 to vector<16xi32>
          %add3A_164 = arith.addi %broadcast_in_dim3A_163, %while3A_153 : vector<16xi32>
          tpu.vector_store_idx %arg6[%add3A_164], %gather3A_161 masked %eq3A_1 : memref<40832xi32, #tpu.memory_space<vmem>>[vector<16xi32>], vector<16xi32>, vector<16xi1>
          scf.yield %gather3A_161 : vector<16xi32>
        }
        %while3A_137 = scf.while (%while3A_153 = %select_n3A_136) : (vector<16xi32>) -> vector<16xi32> {
          %broadcast_in_dim3A_154 = arith.constant 8064 : i32
          %broadcast_in_dim3A_155 = vector.broadcast %broadcast_in_dim3A_154 : i32 to vector<16xi32>
          %add3A_156 = arith.addi %broadcast_in_dim3A_155, %while3A_153 : vector<16xi32>
          %gather3A_157 = tpu.vector_load_idx %arg6[%add3A_156] : memref<40832xi32, #tpu.memory_space<vmem>>[vector<16xi32>], vector<16xi32>,
          %ne3A_158 = arith.cmpi ne, %gather3A_157, %while3A_153 : vector<16xi32>
          %reduce_or3A_159 = arith.constant 1.000000e+00 : f32
          %reduce_or3A_160 = arith.constant 0.000000e+00 : f32
          %reduce_or3A_161 = vector.broadcast %reduce_or3A_159 : f32 to vector<16xf32>
          %reduce_or3A_162 = vector.broadcast %reduce_or3A_160 : f32 to vector<16xf32>
          %reduce_or3A_163 = arith.select %ne3A_158, %reduce_or3A_161, %reduce_or3A_162 : vector<16xi1>, vector<16xf32>
          %reduce_or3A_164 = arith.constant true
          %reduce_or3A_165 = vector.broadcast %reduce_or3A_164 : i1 to vector<16xi1>
          %reduce_or3A_166 = tpu.scan <max>, %reduce_or3A_163 masked %reduce_or3A_165 : vector<16xf32>, vector<16xi1> -> vector<16xf32>
          %reduce_or3A_167 = vector.extract %reduce_or3A_166[15] : f32 from vector<16xf32>
          %reduce_or3A_168 = arith.constant 0.000000e+00 : f32
          %reduce_or3A_169 = arith.cmpf ogt, %reduce_or3A_167, %reduce_or3A_168 : f32
          scf.condition(%reduce_or3A_169) %while3A_153 : vector<16xi32>
        } do {
        ^bb0(%while3A_153: vector<16xi32>):
          %broadcast_in_dim3A_154 = arith.constant 8064 : i32
          %broadcast_in_dim3A_155 = vector.broadcast %broadcast_in_dim3A_154 : i32 to vector<16xi32>
          %add3A_156 = arith.addi %broadcast_in_dim3A_155, %while3A_153 : vector<16xi32>
          %gather3A_157 = tpu.vector_load_idx %arg6[%add3A_156] : memref<40832xi32, #tpu.memory_space<vmem>>[vector<16xi32>], vector<16xi32>,
          %broadcast_in_dim3A_158 = arith.constant 8064 : i32
          %broadcast_in_dim3A_159 = vector.broadcast %broadcast_in_dim3A_158 : i32 to vector<16xi32>
          %add3A_160 = arith.addi %broadcast_in_dim3A_159, %gather3A_157 : vector<16xi32>
          %gather3A_161 = tpu.vector_load_idx %arg6[%add3A_160] : memref<40832xi32, #tpu.memory_space<vmem>>[vector<16xi32>], vector<16xi32>,
          %broadcast_in_dim3A_162 = arith.constant 8064 : i32
          %broadcast_in_dim3A_163 = vector.broadcast %broadcast_in_dim3A_162 : i32 to vector<16xi32>
          %add3A_164 = arith.addi %broadcast_in_dim3A_163, %while3A_153 : vector<16xi32>
          tpu.vector_store_idx %arg6[%add3A_164], %gather3A_161 masked %eq3A_1 : memref<40832xi32, #tpu.memory_space<vmem>>[vector<16xi32>], vector<16xi32>, vector<16xi1>
          scf.yield %gather3A_161 : vector<16xi32>
        }
        %ne3A_138 = arith.cmpi ne, %while3A, %while3A_137 : vector<16xi32>
        %reduce_or3A = arith.constant 1.000000e+00 : f32
        %reduce_or3A_139 = arith.constant 0.000000e+00 : f32
        %reduce_or3A_140 = vector.broadcast %reduce_or3A : f32 to vector<16xf32>
        %reduce_or3A_141 = vector.broadcast %reduce_or3A_139 : f32 to vector<16xf32>
        %reduce_or3A_142 = arith.select %ne3A_138, %reduce_or3A_140, %reduce_or3A_141 : vector<16xi1>, vector<16xf32>
        %reduce_or3A_143 = arith.constant true
        %reduce_or3A_144 = vector.broadcast %reduce_or3A_143 : i1 to vector<16xi1>
        %reduce_or3A_145 = tpu.scan <max>, %reduce_or3A_142 masked %reduce_or3A_144 : vector<16xf32>, vector<16xi1> -> vector<16xf32>
        %reduce_or3A_146 = vector.extract %reduce_or3A_145[15] : f32 from vector<16xf32>
        %reduce_or3A_147 = arith.constant 0.000000e+00 : f32
        %reduce_or3A_148 = arith.cmpf ogt, %reduce_or3A_146, %reduce_or3A_147 : f32
        %convert_element_type3A_149 = arith.extui %reduce_or3A_148 : i1 to i32
        %cond3A_150 = arith.constant 0 : i32
        %cond3A_151 = arith.cmpi ne, %convert_element_type3A_149, %cond3A_150 : i32
        scf.if %cond3A_151 {
          %broadcast_in_dim3A_153 = arith.constant 8064 : i32
          %broadcast_in_dim3A_154 = vector.broadcast %broadcast_in_dim3A_153 : i32 to vector<16xi32>
          %add3A_155 = arith.addi %broadcast_in_dim3A_154, %while3A : vector<16xi32>
          tpu.vector_store_idx %arg6[%add3A_155], %while3A_137 masked %eq3A_1 : memref<40832xi32, #tpu.memory_space<vmem>>[vector<16xi32>], vector<16xi32>, vector<16xi1>
          %broadcast_in_dim3A_156 = arith.constant 0 : i32
          %broadcast_in_dim3A_157 = vector.broadcast %broadcast_in_dim3A_156 : i32 to vector<16xi32>
          %add3A_158 = arith.addi %broadcast_in_dim3A_157, %gather3A : vector<16xi32>
          %gather3A_159 = tpu.vector_load_idx %arg7[%add3A_158] : memref<73728xf32, #tpu.memory_space<vmem>>[vector<16xi32>], vector<16xf32>,
          %broadcast_in_dim3A_160 = arith.constant 28544 : i32
          %broadcast_in_dim3A_161 = vector.broadcast %broadcast_in_dim3A_160 : i32 to vector<16xi32>
          %add3A_162 = arith.addi %broadcast_in_dim3A_161, %select_n3A_125 : vector<16xi32>
          %gather3A_163 = tpu.vector_load_idx %arg6[%add3A_162] : memref<40832xi32, #tpu.memory_space<vmem>>[vector<16xi32>], vector<16xi32>,
          %broadcast_in_dim3A_164 = arith.constant 12160 : i32
          %broadcast_in_dim3A_165 = vector.broadcast %broadcast_in_dim3A_164 : i32 to vector<16xi32>
          %mul3A_166 = arith.constant 4 : i32
          %mul3A_167 = vector.broadcast %mul3A_166 : i32 to vector<16xi32>
          %mul3A_168 = arith.muli %select_n3A_125, %mul3A_167 : vector<16xi32>
          %add3A_169 = arith.addi %broadcast_in_dim3A_165, %mul3A_168 : vector<16xi32>
          %add3A_170 = arith.addi %add3A_169, %gather3A_163 : vector<16xi32>
          tpu.vector_store_idx %arg6[%add3A_170], %select_n3A_136 masked %eq3A_1 : memref<40832xi32, #tpu.memory_space<vmem>>[vector<16xi32>], vector<16xi32>, vector<16xi1>
          %broadcast_in_dim3A_171 = arith.constant 12160 : i32
          %broadcast_in_dim3A_172 = vector.broadcast %broadcast_in_dim3A_171 : i32 to vector<16xi32>
          %mul3A_173 = arith.constant 4 : i32
          %mul3A_174 = vector.broadcast %mul3A_173 : i32 to vector<16xi32>
          %mul3A_175 = arith.muli %select_n3A_125, %mul3A_174 : vector<16xi32>
          %add3A_176 = arith.addi %broadcast_in_dim3A_172, %mul3A_175 : vector<16xi32>
          %add3A_177 = arith.addi %add3A_176, %gather3A_163 : vector<16xi32>
          tpu.vector_store_idx %arg7[%add3A_177], %gather3A_159 masked %eq3A_1 : memref<73728xf32, #tpu.memory_space<vmem>>[vector<16xi32>], vector<16xf32>, vector<16xi1>
          %broadcast_in_dim3A_178 = arith.constant 28544 : i32
          %broadcast_in_dim3A_179 = vector.broadcast %broadcast_in_dim3A_178 : i32 to vector<16xi32>
          %add3A_180 = arith.addi %broadcast_in_dim3A_179, %select_n3A_125 : vector<16xi32>
          %add3A_181 = arith.constant 1 : i32
          %add3A_182 = vector.broadcast %add3A_181 : i32 to vector<16xi32>
          %add3A_183 = arith.addi %gather3A_163, %add3A_182 : vector<16xi32>
          tpu.vector_store_idx %arg6[%add3A_180], %add3A_183 masked %eq3A_1 : memref<40832xi32, #tpu.memory_space<vmem>>[vector<16xi32>], vector<16xi32>, vector<16xi1>
          %broadcast_in_dim3A_184 = arith.constant 28544 : i32
          %broadcast_in_dim3A_185 = vector.broadcast %broadcast_in_dim3A_184 : i32 to vector<16xi32>
          %add3A_186 = arith.addi %broadcast_in_dim3A_185, %select_n3A_136 : vector<16xi32>
          %gather3A_187 = tpu.vector_load_idx %arg6[%add3A_186] : memref<40832xi32, #tpu.memory_space<vmem>>[vector<16xi32>], vector<16xi32>,
          %broadcast_in_dim3A_188 = arith.constant 12160 : i32
          %broadcast_in_dim3A_189 = vector.broadcast %broadcast_in_dim3A_188 : i32 to vector<16xi32>
          %mul3A_190 = arith.constant 4 : i32
          %mul3A_191 = vector.broadcast %mul3A_190 : i32 to vector<16xi32>
          %mul3A_192 = arith.muli %select_n3A_136, %mul3A_191 : vector<16xi32>
          %add3A_193 = arith.addi %broadcast_in_dim3A_189, %mul3A_192 : vector<16xi32>
          %add3A_194 = arith.addi %add3A_193, %gather3A_187 : vector<16xi32>
          tpu.vector_store_idx %arg6[%add3A_194], %select_n3A_125 masked %eq3A_1 : memref<40832xi32, #tpu.memory_space<vmem>>[vector<16xi32>], vector<16xi32>, vector<16xi1>
          %broadcast_in_dim3A_195 = arith.constant 12160 : i32
          %broadcast_in_dim3A_196 = vector.broadcast %broadcast_in_dim3A_195 : i32 to vector<16xi32>
          %mul3A_197 = arith.constant 4 : i32
          %mul3A_198 = vector.broadcast %mul3A_197 : i32 to vector<16xi32>
          %mul3A_199 = arith.muli %select_n3A_136, %mul3A_198 : vector<16xi32>
          %add3A_200 = arith.addi %broadcast_in_dim3A_196, %mul3A_199 : vector<16xi32>
          %add3A_201 = arith.addi %add3A_200, %gather3A_187 : vector<16xi32>
          tpu.vector_store_idx %arg7[%add3A_201], %gather3A_159 masked %eq3A_1 : memref<73728xf32, #tpu.memory_space<vmem>>[vector<16xi32>], vector<16xf32>, vector<16xi1>
          %broadcast_in_dim3A_202 = arith.constant 28544 : i32
          %broadcast_in_dim3A_203 = vector.broadcast %broadcast_in_dim3A_202 : i32 to vector<16xi32>
          %add3A_204 = arith.addi %broadcast_in_dim3A_203, %select_n3A_136 : vector<16xi32>
          %add3A_205 = arith.constant 1 : i32
          %add3A_206 = vector.broadcast %add3A_205 : i32 to vector<16xi32>
          %add3A_207 = arith.addi %gather3A_187, %add3A_206 : vector<16xi32>
          tpu.vector_store_idx %arg6[%add3A_204], %add3A_207 masked %eq3A_1 : memref<40832xi32, #tpu.memory_space<vmem>>[vector<16xi32>], vector<16xi32>, vector<16xi1>
        } else {
        }
        %scan3A_152 = arith.constant 0 : i32
        scf.yield %scan3A_152 : i32
      }
      %scan3A_62 = arith.constant 8064 : i32
      %broadcast_in_dim3A_63 = arith.constant 1 : i32
      %broadcast_in_dim3A_64 = vector.broadcast %broadcast_in_dim3A_63 : i32 to vector<16xi32>
      %scan3A_65 = arith.constant 0 : i32
      %scan3A_66 = arith.constant 4096 : i32
      %scan3A_67 = arith.addi %scan3A_65, %scan3A_66 : i32
      %scan3A_68 = arith.constant 1 : i32
      %scan3A_69 = scf.for %scan3A_81 = %scan3A_65 to %scan3A_67 step %scan3A_68 iter_args(%scan3A_82 = %broadcast_in_dim3A_64) -> (vector<16xi32>)  : i32 {
        %add3A_83 = arith.constant 32640 : i32
        %add3A_84 = arith.addi %add3A_83, %scan3A_81 : i32
        %broadcast_in_dim3A_85 = vector.broadcast %add3A_84 : i32 to vector<16xi32>
        %gather3A = tpu.vector_load_idx %arg6[%broadcast_in_dim3A_85] : memref<40832xi32, #tpu.memory_space<vmem>>[vector<16xi32>], vector<16xi32>,
        %broadcast_in_dim3A_86 = arith.constant 28544 : i32
        %broadcast_in_dim3A_87 = vector.broadcast %broadcast_in_dim3A_86 : i32 to vector<16xi32>
        %add3A_88 = arith.addi %broadcast_in_dim3A_87, %gather3A : vector<16xi32>
        %gather3A_89 = tpu.vector_load_idx %arg6[%add3A_88] : memref<40832xi32, #tpu.memory_space<vmem>>[vector<16xi32>], vector<16xi32>,
        %lt3A_90 = arith.cmpi slt, %iota3A, %gather3A_89 : vector<16xi32>
        %mul3A_91 = arith.constant 4 : i32
        %mul3A_92 = vector.broadcast %mul3A_91 : i32 to vector<16xi32>
        %mul3A_93 = arith.muli %gather3A, %mul3A_92 : vector<16xi32>
        %add3A_94 = arith.addi %mul3A_93, %iota3A : vector<16xi32>
        %jit3A_95 = arith.constant 0 : i32
        %broadcast_in_dim3A_96 = vector.broadcast %jit3A_95 : i32 to vector<16xi32>
        %select_n3A_97 = arith.select %lt3A_90, %add3A_94, %broadcast_in_dim3A_96 : vector<16xi1>, vector<16xi32>
        %broadcast_in_dim3A_98 = arith.constant 12160 : i32
        %broadcast_in_dim3A_99 = vector.broadcast %broadcast_in_dim3A_98 : i32 to vector<16xi32>
        %add3A_100 = arith.addi %broadcast_in_dim3A_99, %select_n3A_97 : vector<16xi32>
        %gather3A_101 = tpu.vector_load_idx %arg6[%add3A_100] : memref<40832xi32, #tpu.memory_space<vmem>>[vector<16xi32>], vector<16xi32>,
        %broadcast_in_dim3A_102 = arith.constant 12160 : i32
        %broadcast_in_dim3A_103 = vector.broadcast %broadcast_in_dim3A_102 : i32 to vector<16xi32>
        %add3A_104 = arith.addi %broadcast_in_dim3A_103, %select_n3A_97 : vector<16xi32>
        %gather3A_105 = tpu.vector_load_idx %arg7[%add3A_104] : memref<73728xf32, #tpu.memory_space<vmem>>[vector<16xi32>], vector<16xf32>,
        %broadcast_in_dim3A_106 = arith.constant 36736 : i32
        %broadcast_in_dim3A_107 = vector.broadcast %broadcast_in_dim3A_106 : i32 to vector<16xi32>
        %jit3A_108 = arith.constant 0 : i32
        %broadcast_in_dim3A_109 = vector.broadcast %jit3A_108 : i32 to vector<16xi32>
        %select_n3A_110 = arith.select %lt3A_90, %gather3A_101, %broadcast_in_dim3A_109 : vector<16xi1>, vector<16xi32>
        %add3A_111 = arith.addi %broadcast_in_dim3A_107, %select_n3A_110 : vector<16xi32>
        %gather3A_112 = tpu.vector_load_idx %arg6[%add3A_111] : memref<40832xi32, #tpu.memory_space<vmem>>[vector<16xi32>], vector<16xi32>,
        %lt3A_113 = arith.constant 0 : i32
        %lt3A_114 = vector.broadcast %lt3A_113 : i32 to vector<16xi32>
        %lt3A_115 = arith.cmpi slt, %gather3A_112, %lt3A_114 : vector<16xi32>
        %and3A = arith.andi %lt3A_90, %lt3A_115 : vector<16xi1>
        %convert_element_type3A_116 = arith.extui %and3A : vector<16xi1> to vector<16xi32>
        %broadcast_in_dim3A_117 = arith.constant true
        %broadcast_in_dim3A_118 = vector.broadcast %broadcast_in_dim3A_117 : i1 to vector<16xi1>
        %masked_cumsum3A = tpu.scan <sum>, %convert_element_type3A_116 masked %broadcast_in_dim3A_118 : vector<16xi32>, vector<16xi1> -> vector<16xi32>
        %add3A_119 = arith.addi %scan3A_82, %masked_cumsum3A : vector<16xi32>
        %sub3A = arith.constant 1 : i32
        %sub3A_120 = vector.broadcast %sub3A : i32 to vector<16xi32>
        %sub3A_121 = arith.subi %add3A_119, %sub3A_120 : vector<16xi32>
        %jit3A_122 = arith.constant 0 : i32
        %broadcast_in_dim3A_123 = vector.broadcast %jit3A_122 : i32 to vector<16xi32>
        %select_n3A_124 = arith.select %and3A, %sub3A_121, %broadcast_in_dim3A_123 : vector<16xi1>, vector<16xi32>
        %broadcast_in_dim3A_125 = arith.constant 32640 : i32
        %broadcast_in_dim3A_126 = vector.broadcast %broadcast_in_dim3A_125 : i32 to vector<16xi32>
        %add3A_127 = arith.addi %broadcast_in_dim3A_126, %select_n3A_124 : vector<16xi32>
        tpu.vector_store_idx %arg6[%add3A_127], %gather3A_101 masked %and3A : memref<40832xi32, #tpu.memory_space<vmem>>[vector<16xi32>], vector<16xi32>, vector<16xi1>
        %broadcast_in_dim3A_128 = arith.constant 36736 : i32
        %broadcast_in_dim3A_129 = vector.broadcast %broadcast_in_dim3A_128 : i32 to vector<16xi32>
        %jit3A_130 = arith.constant 0 : i32
        %broadcast_in_dim3A_131 = vector.broadcast %jit3A_130 : i32 to vector<16xi32>
        %select_n3A_132 = arith.select %and3A, %gather3A_101, %broadcast_in_dim3A_131 : vector<16xi1>, vector<16xi32>
        %add3A_133 = arith.addi %broadcast_in_dim3A_129, %select_n3A_132 : vector<16xi32>
        tpu.vector_store_idx %arg6[%add3A_133], %gather3A masked %and3A : memref<40832xi32, #tpu.memory_space<vmem>>[vector<16xi32>], vector<16xi32>, vector<16xi1>
        %broadcast_in_dim3A_134 = arith.constant 8064 : i32
        %broadcast_in_dim3A_135 = vector.broadcast %broadcast_in_dim3A_134 : i32 to vector<16xi32>
        %jit3A_136 = arith.constant 0 : i32
        %broadcast_in_dim3A_137 = vector.broadcast %jit3A_136 : i32 to vector<16xi32>
        %select_n3A_138 = arith.select %and3A, %gather3A_101, %broadcast_in_dim3A_137 : vector<16xi1>, vector<16xi32>
        %add3A_139 = arith.addi %broadcast_in_dim3A_135, %select_n3A_138 : vector<16xi32>
        tpu.vector_store_idx %arg7[%add3A_139], %gather3A_105 masked %and3A : memref<73728xf32, #tpu.memory_space<vmem>>[vector<16xi32>], vector<16xf32>, vector<16xi1>
        %all_reduce_population_count3A = tpu.all_reduce %and3A {dim = 0 : i64, kind = #tpu.reduction_kind<sum>} : vector<16xi1> -> vector<16xi32>
        %add3A_140 = arith.addi %scan3A_82, %all_reduce_population_count3A : vector<16xi32>
        scf.yield %add3A_140 : vector<16xi32>
      }
      %scan3A_70 = arith.constant 4096 : i32
      %eq3A_71 = arith.constant 0 : i32
      %eq3A_72 = arith.cmpi eq, %arg1, %eq3A_71 : i32
      %jit3A = arith.constant 2.000000e-02 : f32
      %jit3A_73 = arith.constant 1.000000e+00 : f32
      %select_n3A = arith.select %eq3A_72, %jit3A, %jit3A_73 : f32
      %scan3A_74 = arith.constant 0 : i32
      %scan3A_75 = arith.constant 0 : i32
      %scan3A_76 = arith.constant 256 : i32
      %scan3A_77 = arith.addi %scan3A_75, %scan3A_76 : i32
      %scan3A_78 = arith.constant 1 : i32
      %scan3A_79 = scf.for %scan3A_81 = %scan3A_75 to %scan3A_77 step %scan3A_78 iter_args(%scan3A_82 = %scan3A_74) -> (i32)  : i32 {
        %mul3A_83 = arith.constant 16 : i32
        %mul3A_84 = arith.muli %scan3A_81, %mul3A_83 : i32
        %add3A_85 = arith.constant 8064 : i32
        %add3A_86 = arith.addi %add3A_85, %mul3A_84 : i32
        %broadcast_in_dim3A_87 = vector.broadcast %add3A_86 : i32 to vector<16xi32>
        %add3A_88 = arith.addi %broadcast_in_dim3A_87, %iota3A : vector<16xi32>
        %gather3A = tpu.vector_load_idx %arg7[%add3A_88] : memref<73728xf32, #tpu.memory_space<vmem>>[vector<16xi32>], vector<16xf32>,
        %div3A = vector.broadcast %select_n3A : f32 to vector<16xf32>
        %div3A_89 = arith.divf %gather3A, %div3A : vector<16xf32>
        %neg3A = arith.constant 0.000000e+00 : f32
        %neg3A_90 = vector.broadcast %neg3A : f32 to vector<16xf32>
        %neg3A_91 = arith.subf %neg3A_90, %div3A_89 : vector<16xf32>
        %exp3A = math.exp %neg3A_91 : vector<16xf32>
        tpu.vector_store_idx %arg7[%add3A_88], %exp3A : memref<73728xf32, #tpu.memory_space<vmem>>[vector<16xi32>], vector<16xf32>,
        %scan3A_92 = arith.constant 0 : i32
        scf.yield %scan3A_92 : i32
      }
      %scan3A_80 = arith.constant 256 : i32
      "tpu.region"() ({
        %run_scoped3A = tpu.sem_alloc : memref<!tpu.dma_semaphore, #tpu.memory_space<semaphore_mem>>
        %dma_start3A = arith.constant 36736 : i32
        %dma_start3A_81 = tpu.memref_slice %arg6[%dma_start3A] : memref<40832xi32, #tpu.memory_space<vmem>> -> memref<4096xi32, #tpu.memory_space<vmem>>
        %dma_start3A_82 = arith.constant 0 : i32
        %dma_start3A_83 = tpu.memref_slice %arg8[%arg1, %dma_start3A_82] : memref<2x4096xi32, #tpu.memory_space<vmem_shared>> -> memref<1x4096xi32, #tpu.memory_space<vmem_shared>>
        %dma_start3A_84 = tpu.memref_squeeze %dma_start3A_83 : memref<1x4096xi32, #tpu.memory_space<vmem_shared>> -> memref<4096xi32, #tpu.memory_space<vmem_shared>>
        %dma_start3A_85 = arith.constant 0 : i32
        %dma_start3A_86 = tpu.memref_slice %arg8[%arg1, %dma_start3A_85] : memref<2x4096xi32, #tpu.memory_space<vmem_shared>> -> memref<1x4096xi32, #tpu.memory_space<vmem_shared>>
        %dma_start3A_87 = tpu.memref_squeeze %dma_start3A_86 : memref<1x4096xi32, #tpu.memory_space<vmem_shared>> -> memref<4096xi32, #tpu.memory_space<vmem_shared>>
        %dma_start3A_88 = arith.constant 36736 : i32
        %dma_start3A_89 = tpu.memref_slice %arg6[%dma_start3A_88] : memref<40832xi32, #tpu.memory_space<vmem>> -> memref<4096xi32, #tpu.memory_space<vmem>>
        tpu.enqueue_dma source(%dma_start3A_89 : memref<4096xi32, #tpu.memory_space<vmem>>) target(%dma_start3A_87 : memref<4096xi32, #tpu.memory_space<vmem_shared>>) target_semaphore(%run_scoped3A : memref<!tpu.dma_semaphore, #tpu.memory_space<semaphore_mem>>)
        %dma_wait3A = arith.constant 36736 : i32
        %dma_wait3A_90 = tpu.memref_slice %arg6[%dma_wait3A] : memref<40832xi32, #tpu.memory_space<vmem>> -> memref<4096xi32, #tpu.memory_space<vmem>>
        %dma_wait3A_91 = arith.constant 0 : i32
        %dma_wait3A_92 = tpu.memref_slice %arg8[%arg1, %dma_wait3A_91] : memref<2x4096xi32, #tpu.memory_space<vmem_shared>> -> memref<1x4096xi32, #tpu.memory_space<vmem_shared>>
        %dma_wait3A_93 = tpu.memref_squeeze %dma_wait3A_92 : memref<1x4096xi32, #tpu.memory_space<vmem_shared>> -> memref<4096xi32, #tpu.memory_space<vmem_shared>>
        %dma_wait3A_94 = arith.constant 0 : i32
        %dma_wait3A_95 = tpu.memref_slice %arg8[%arg1, %dma_wait3A_94] : memref<2x4096xi32, #tpu.memory_space<vmem_shared>> -> memref<1x4096xi32, #tpu.memory_space<vmem_shared>>
        %dma_wait3A_96 = tpu.memref_squeeze %dma_wait3A_95 : memref<1x4096xi32, #tpu.memory_space<vmem_shared>> -> memref<4096xi32, #tpu.memory_space<vmem_shared>>
        %dma_wait3A_97 = arith.constant 36736 : i32
        %dma_wait3A_98 = tpu.memref_slice %arg6[%dma_wait3A_97] : memref<40832xi32, #tpu.memory_space<vmem>> -> memref<4096xi32, #tpu.memory_space<vmem>>
        tpu.wait_dma2 semaphore(%run_scoped3A : memref<!tpu.dma_semaphore, #tpu.memory_space<semaphore_mem>>) src(%dma_wait3A_98 : memref<4096xi32, #tpu.memory_space<vmem>>) dst(%dma_wait3A_96 : memref<4096xi32, #tpu.memory_space<vmem_shared>>)
        tpu.yield
      }) : () -> ()
      "tpu.region"() ({
        %run_scoped3A = tpu.sem_alloc : memref<!tpu.dma_semaphore, #tpu.memory_space<semaphore_mem>>
        %dma_start3A = arith.constant 32640 : i32
        %dma_start3A_81 = tpu.memref_slice %arg6[%dma_start3A] : memref<40832xi32, #tpu.memory_space<vmem>> -> memref<4096xi32, #tpu.memory_space<vmem>>
        %dma_start3A_82 = arith.constant 0 : i32
        %dma_start3A_83 = tpu.memref_slice %arg9[%arg1, %dma_start3A_82] : memref<2x4096xi32, #tpu.memory_space<vmem_shared>> -> memref<1x4096xi32, #tpu.memory_space<vmem_shared>>
        %dma_start3A_84 = tpu.memref_squeeze %dma_start3A_83 : memref<1x4096xi32, #tpu.memory_space<vmem_shared>> -> memref<4096xi32, #tpu.memory_space<vmem_shared>>
        %dma_start3A_85 = arith.constant 0 : i32
        %dma_start3A_86 = tpu.memref_slice %arg9[%arg1, %dma_start3A_85] : memref<2x4096xi32, #tpu.memory_space<vmem_shared>> -> memref<1x4096xi32, #tpu.memory_space<vmem_shared>>
        %dma_start3A_87 = tpu.memref_squeeze %dma_start3A_86 : memref<1x4096xi32, #tpu.memory_space<vmem_shared>> -> memref<4096xi32, #tpu.memory_space<vmem_shared>>
        %dma_start3A_88 = arith.constant 32640 : i32
        %dma_start3A_89 = tpu.memref_slice %arg6[%dma_start3A_88] : memref<40832xi32, #tpu.memory_space<vmem>> -> memref<4096xi32, #tpu.memory_space<vmem>>
        tpu.enqueue_dma source(%dma_start3A_89 : memref<4096xi32, #tpu.memory_space<vmem>>) target(%dma_start3A_87 : memref<4096xi32, #tpu.memory_space<vmem_shared>>) target_semaphore(%run_scoped3A : memref<!tpu.dma_semaphore, #tpu.memory_space<semaphore_mem>>)
        %dma_wait3A = arith.constant 32640 : i32
        %dma_wait3A_90 = tpu.memref_slice %arg6[%dma_wait3A] : memref<40832xi32, #tpu.memory_space<vmem>> -> memref<4096xi32, #tpu.memory_space<vmem>>
        %dma_wait3A_91 = arith.constant 0 : i32
        %dma_wait3A_92 = tpu.memref_slice %arg9[%arg1, %dma_wait3A_91] : memref<2x4096xi32, #tpu.memory_space<vmem_shared>> -> memref<1x4096xi32, #tpu.memory_space<vmem_shared>>
        %dma_wait3A_93 = tpu.memref_squeeze %dma_wait3A_92 : memref<1x4096xi32, #tpu.memory_space<vmem_shared>> -> memref<4096xi32, #tpu.memory_space<vmem_shared>>
        %dma_wait3A_94 = arith.constant 0 : i32
        %dma_wait3A_95 = tpu.memref_slice %arg9[%arg1, %dma_wait3A_94] : memref<2x4096xi32, #tpu.memory_space<vmem_shared>> -> memref<1x4096xi32, #tpu.memory_space<vmem_shared>>
        %dma_wait3A_96 = tpu.memref_squeeze %dma_wait3A_95 : memref<1x4096xi32, #tpu.memory_space<vmem_shared>> -> memref<4096xi32, #tpu.memory_space<vmem_shared>>
        %dma_wait3A_97 = arith.constant 32640 : i32
        %dma_wait3A_98 = tpu.memref_slice %arg6[%dma_wait3A_97] : memref<40832xi32, #tpu.memory_space<vmem>> -> memref<4096xi32, #tpu.memory_space<vmem>>
        tpu.wait_dma2 semaphore(%run_scoped3A : memref<!tpu.dma_semaphore, #tpu.memory_space<semaphore_mem>>) src(%dma_wait3A_98 : memref<4096xi32, #tpu.memory_space<vmem>>) dst(%dma_wait3A_96 : memref<4096xi32, #tpu.memory_space<vmem_shared>>)
        tpu.yield
      }) : () -> ()
      "tpu.region"() ({
        %run_scoped3A = tpu.sem_alloc : memref<!tpu.dma_semaphore, #tpu.memory_space<semaphore_mem>>
        %dma_start3A = arith.constant 8064 : i32
        %dma_start3A_81 = tpu.memref_slice %arg7[%dma_start3A] : memref<73728xf32, #tpu.memory_space<vmem>> -> memref<4096xf32, #tpu.memory_space<vmem>>
        %dma_start3A_82 = arith.constant 0 : i32
        %dma_start3A_83 = tpu.memref_slice %arg10[%arg1, %dma_start3A_82] : memref<2x4096xf32, #tpu.memory_space<vmem_shared>> -> memref<1x4096xf32, #tpu.memory_space<vmem_shared>>
        %dma_start3A_84 = tpu.memref_squeeze %dma_start3A_83 : memref<1x4096xf32, #tpu.memory_space<vmem_shared>> -> memref<4096xf32, #tpu.memory_space<vmem_shared>>
        %dma_start3A_85 = arith.constant 0 : i32
        %dma_start3A_86 = tpu.memref_slice %arg10[%arg1, %dma_start3A_85] : memref<2x4096xf32, #tpu.memory_space<vmem_shared>> -> memref<1x4096xf32, #tpu.memory_space<vmem_shared>>
        %dma_start3A_87 = tpu.memref_squeeze %dma_start3A_86 : memref<1x4096xf32, #tpu.memory_space<vmem_shared>> -> memref<4096xf32, #tpu.memory_space<vmem_shared>>
        %dma_start3A_88 = arith.constant 8064 : i32
        %dma_start3A_89 = tpu.memref_slice %arg7[%dma_start3A_88] : memref<73728xf32, #tpu.memory_space<vmem>> -> memref<4096xf32, #tpu.memory_space<vmem>>
        tpu.enqueue_dma source(%dma_start3A_89 : memref<4096xf32, #tpu.memory_space<vmem>>) target(%dma_start3A_87 : memref<4096xf32, #tpu.memory_space<vmem_shared>>) target_semaphore(%run_scoped3A : memref<!tpu.dma_semaphore, #tpu.memory_space<semaphore_mem>>)
        %dma_wait3A = arith.constant 8064 : i32
        %dma_wait3A_90 = tpu.memref_slice %arg7[%dma_wait3A] : memref<73728xf32, #tpu.memory_space<vmem>> -> memref<4096xf32, #tpu.memory_space<vmem>>
        %dma_wait3A_91 = arith.constant 0 : i32
        %dma_wait3A_92 = tpu.memref_slice %arg10[%arg1, %dma_wait3A_91] : memref<2x4096xf32, #tpu.memory_space<vmem_shared>> -> memref<1x4096xf32, #tpu.memory_space<vmem_shared>>
        %dma_wait3A_93 = tpu.memref_squeeze %dma_wait3A_92 : memref<1x4096xf32, #tpu.memory_space<vmem_shared>> -> memref<4096xf32, #tpu.memory_space<vmem_shared>>
        %dma_wait3A_94 = arith.constant 0 : i32
        %dma_wait3A_95 = tpu.memref_slice %arg10[%arg1, %dma_wait3A_94] : memref<2x4096xf32, #tpu.memory_space<vmem_shared>> -> memref<1x4096xf32, #tpu.memory_space<vmem_shared>>
        %dma_wait3A_96 = tpu.memref_squeeze %dma_wait3A_95 : memref<1x4096xf32, #tpu.memory_space<vmem_shared>> -> memref<4096xf32, #tpu.memory_space<vmem_shared>>
        %dma_wait3A_97 = arith.constant 8064 : i32
        %dma_wait3A_98 = tpu.memref_slice %arg7[%dma_wait3A_97] : memref<73728xf32, #tpu.memory_space<vmem>> -> memref<4096xf32, #tpu.memory_space<vmem>>
        tpu.wait_dma2 semaphore(%run_scoped3A : memref<!tpu.dma_semaphore, #tpu.memory_space<semaphore_mem>>) src(%dma_wait3A_98 : memref<4096xf32, #tpu.memory_space<vmem>>) dst(%dma_wait3A_96 : memref<4096xf32, #tpu.memory_space<vmem_shared>>)
        tpu.yield
      }) : () -> ()
    } else {
    }
    %barrier3A = arith.constant 0 : index
    tpu.barrier barrier_id(%barrier3A)
    %lt3A_4 = arith.constant 2 : i32
    %lt3A_5 = arith.cmpi slt, %arg1, %lt3A_4 : i32
    %convert_element_type3A_6 = arith.extui %lt3A_5 : i1 to i32
    %cond3A_7 = arith.constant 0 : i32
    %cond3A_8 = arith.cmpi ne, %convert_element_type3A_6, %cond3A_7 : i32
    scf.if %cond3A_8 {
      "tpu.region"() ({
        %run_scoped3A = tpu.sem_alloc : memref<!tpu.dma_semaphore, #tpu.memory_space<semaphore_mem>>
        %dma_start3A = arith.constant 0 : i32
        %dma_start3A_38 = tpu.memref_slice %arg7[%dma_start3A] : memref<73728xf32, #tpu.memory_space<vmem>> -> memref<65536xf32, #tpu.memory_space<vmem>>
        %dma_start3A_39 = arith.constant 0 : i32
        %dma_start3A_40 = tpu.memref_slice %arg4[%arg0, %arg1, %dma_start3A_39] : memref<2x2x65536xf32, #tpu.memory_space<hbm>> -> memref<1x1x65536xf32, #tpu.memory_space<hbm>>
        %dma_start3A_41 = tpu.memref_squeeze %dma_start3A_40 : memref<1x1x65536xf32, #tpu.memory_space<hbm>> -> memref<65536xf32, #tpu.memory_space<hbm>>
        %dma_start3A_42 = arith.constant 0 : i32
        %dma_start3A_43 = tpu.memref_slice %arg7[%dma_start3A_42] : memref<73728xf32, #tpu.memory_space<vmem>> -> memref<65536xf32, #tpu.memory_space<vmem>>
        %dma_start3A_44 = arith.constant 0 : i32
        %dma_start3A_45 = tpu.memref_slice %arg4[%arg0, %arg1, %dma_start3A_44] : memref<2x2x65536xf32, #tpu.memory_space<hbm>> -> memref<1x1x65536xf32, #tpu.memory_space<hbm>>
        %dma_start3A_46 = tpu.memref_squeeze %dma_start3A_45 : memref<1x1x65536xf32, #tpu.memory_space<hbm>> -> memref<65536xf32, #tpu.memory_space<hbm>>
        tpu.enqueue_dma source(%dma_start3A_46 : memref<65536xf32, #tpu.memory_space<hbm>>) target(%dma_start3A_43 : memref<65536xf32, #tpu.memory_space<vmem>>) target_semaphore(%run_scoped3A : memref<!tpu.dma_semaphore, #tpu.memory_space<semaphore_mem>>)
        %dma_wait3A = arith.constant 0 : i32
        %dma_wait3A_47 = tpu.memref_slice %arg7[%dma_wait3A] : memref<73728xf32, #tpu.memory_space<vmem>> -> memref<65536xf32, #tpu.memory_space<vmem>>
        %dma_wait3A_48 = arith.constant 0 : i32
        %dma_wait3A_49 = tpu.memref_slice %arg4[%arg0, %arg1, %dma_wait3A_48] : memref<2x2x65536xf32, #tpu.memory_space<hbm>> -> memref<1x1x65536xf32, #tpu.memory_space<hbm>>
        %dma_wait3A_50 = tpu.memref_squeeze %dma_wait3A_49 : memref<1x1x65536xf32, #tpu.memory_space<hbm>> -> memref<65536xf32, #tpu.memory_space<hbm>>
        %dma_wait3A_51 = arith.constant 0 : i32
        %dma_wait3A_52 = tpu.memref_slice %arg7[%dma_wait3A_51] : memref<73728xf32, #tpu.memory_space<vmem>> -> memref<65536xf32, #tpu.memory_space<vmem>>
        %dma_wait3A_53 = arith.constant 0 : i32
        %dma_wait3A_54 = tpu.memref_slice %arg4[%arg0, %arg1, %dma_wait3A_53] : memref<2x2x65536xf32, #tpu.memory_space<hbm>> -> memref<1x1x65536xf32, #tpu.memory_space<hbm>>
        %dma_wait3A_55 = tpu.memref_squeeze %dma_wait3A_54 : memref<1x1x65536xf32, #tpu.memory_space<hbm>> -> memref<65536xf32, #tpu.memory_space<hbm>>
        tpu.wait_dma2 semaphore(%run_scoped3A : memref<!tpu.dma_semaphore, #tpu.memory_space<semaphore_mem>>) src(%dma_wait3A_55 : memref<65536xf32, #tpu.memory_space<hbm>>) dst(%dma_wait3A_52 : memref<65536xf32, #tpu.memory_space<vmem>>)
        tpu.yield
      }) : () -> ()
    } else {
    }
    %lt3A_9 = arith.constant 2 : i32
    %lt3A_10 = arith.cmpi slt, %arg1, %lt3A_9 : i32
    %convert_element_type3A_11 = arith.extui %lt3A_10 : i1 to i32
    %cond3A_12 = arith.constant 0 : i32
    %cond3A_13 = arith.cmpi ne, %convert_element_type3A_11, %cond3A_12 : i32
    scf.if %cond3A_13 {
      %run_scoped3A = arith.constant 0 : i32
      "tpu.region"() ({
        %run_scoped3A_58 = tpu.sem_alloc : memref<!tpu.dma_semaphore, #tpu.memory_space<semaphore_mem>>
        %dma_start3A = arith.constant 0 : i32
        %dma_start3A_59 = tpu.memref_slice %arg6[%dma_start3A] : memref<40832xi32, #tpu.memory_space<vmem>> -> memref<4096xi32, #tpu.memory_space<vmem>>
        %dma_start3A_60 = arith.constant 0 : i32
        %dma_start3A_61 = tpu.memref_slice %arg8[%run_scoped3A, %dma_start3A_60] : memref<2x4096xi32, #tpu.memory_space<vmem_shared>> -> memref<1x4096xi32, #tpu.memory_space<vmem_shared>>
        %dma_start3A_62 = tpu.memref_squeeze %dma_start3A_61 : memref<1x4096xi32, #tpu.memory_space<vmem_shared>> -> memref<4096xi32, #tpu.memory_space<vmem_shared>>
        %dma_start3A_63 = arith.constant 0 : i32
        %dma_start3A_64 = tpu.memref_slice %arg6[%dma_start3A_63] : memref<40832xi32, #tpu.memory_space<vmem>> -> memref<4096xi32, #tpu.memory_space<vmem>>
        %dma_start3A_65 = arith.constant 0 : i32
        %dma_start3A_66 = tpu.memref_slice %arg8[%run_scoped3A, %dma_start3A_65] : memref<2x4096xi32, #tpu.memory_space<vmem_shared>> -> memref<1x4096xi32, #tpu.memory_space<vmem_shared>>
        %dma_start3A_67 = tpu.memref_squeeze %dma_start3A_66 : memref<1x4096xi32, #tpu.memory_space<vmem_shared>> -> memref<4096xi32, #tpu.memory_space<vmem_shared>>
        tpu.enqueue_dma source(%dma_start3A_67 : memref<4096xi32, #tpu.memory_space<vmem_shared>>) target(%dma_start3A_64 : memref<4096xi32, #tpu.memory_space<vmem>>) target_semaphore(%run_scoped3A_58 : memref<!tpu.dma_semaphore, #tpu.memory_space<semaphore_mem>>)
        %dma_wait3A = arith.constant 0 : i32
        %dma_wait3A_68 = tpu.memref_slice %arg6[%dma_wait3A] : memref<40832xi32, #tpu.memory_space<vmem>> -> memref<4096xi32, #tpu.memory_space<vmem>>
        %dma_wait3A_69 = arith.constant 0 : i32
        %dma_wait3A_70 = tpu.memref_slice %arg8[%run_scoped3A, %dma_wait3A_69] : memref<2x4096xi32, #tpu.memory_space<vmem_shared>> -> memref<1x4096xi32, #tpu.memory_space<vmem_shared>>
        %dma_wait3A_71 = tpu.memref_squeeze %dma_wait3A_70 : memref<1x4096xi32, #tpu.memory_space<vmem_shared>> -> memref<4096xi32, #tpu.memory_space<vmem_shared>>
        %dma_wait3A_72 = arith.constant 0 : i32
        %dma_wait3A_73 = tpu.memref_slice %arg6[%dma_wait3A_72] : memref<40832xi32, #tpu.memory_space<vmem>> -> memref<4096xi32, #tpu.memory_space<vmem>>
        %dma_wait3A_74 = arith.constant 0 : i32
        %dma_wait3A_75 = tpu.memref_slice %arg8[%run_scoped3A, %dma_wait3A_74] : memref<2x4096xi32, #tpu.memory_space<vmem_shared>> -> memref<1x4096xi32, #tpu.memory_space<vmem_shared>>
        %dma_wait3A_76 = tpu.memref_squeeze %dma_wait3A_75 : memref<1x4096xi32, #tpu.memory_space<vmem_shared>> -> memref<4096xi32, #tpu.memory_space<vmem_shared>>
        tpu.wait_dma2 semaphore(%run_scoped3A_58 : memref<!tpu.dma_semaphore, #tpu.memory_space<semaphore_mem>>) src(%dma_wait3A_76 : memref<4096xi32, #tpu.memory_space<vmem_shared>>) dst(%dma_wait3A_73 : memref<4096xi32, #tpu.memory_space<vmem>>)
        tpu.yield
      }) : () -> ()
      %run_scoped3A_38 = arith.constant 0 : i32
      "tpu.region"() ({
        %run_scoped3A_58 = tpu.sem_alloc : memref<!tpu.dma_semaphore, #tpu.memory_space<semaphore_mem>>
        %dma_start3A = arith.constant 4096 : i32
        %dma_start3A_59 = tpu.memref_slice %arg6[%dma_start3A] : memref<40832xi32, #tpu.memory_space<vmem>> -> memref<4096xi32, #tpu.memory_space<vmem>>
        %dma_start3A_60 = arith.constant 0 : i32
        %dma_start3A_61 = tpu.memref_slice %arg9[%run_scoped3A_38, %dma_start3A_60] : memref<2x4096xi32, #tpu.memory_space<vmem_shared>> -> memref<1x4096xi32, #tpu.memory_space<vmem_shared>>
        %dma_start3A_62 = tpu.memref_squeeze %dma_start3A_61 : memref<1x4096xi32, #tpu.memory_space<vmem_shared>> -> memref<4096xi32, #tpu.memory_space<vmem_shared>>
        %dma_start3A_63 = arith.constant 4096 : i32
        %dma_start3A_64 = tpu.memref_slice %arg6[%dma_start3A_63] : memref<40832xi32, #tpu.memory_space<vmem>> -> memref<4096xi32, #tpu.memory_space<vmem>>
        %dma_start3A_65 = arith.constant 0 : i32
        %dma_start3A_66 = tpu.memref_slice %arg9[%run_scoped3A_38, %dma_start3A_65] : memref<2x4096xi32, #tpu.memory_space<vmem_shared>> -> memref<1x4096xi32, #tpu.memory_space<vmem_shared>>
        %dma_start3A_67 = tpu.memref_squeeze %dma_start3A_66 : memref<1x4096xi32, #tpu.memory_space<vmem_shared>> -> memref<4096xi32, #tpu.memory_space<vmem_shared>>
        tpu.enqueue_dma source(%dma_start3A_67 : memref<4096xi32, #tpu.memory_space<vmem_shared>>) target(%dma_start3A_64 : memref<4096xi32, #tpu.memory_space<vmem>>) target_semaphore(%run_scoped3A_58 : memref<!tpu.dma_semaphore, #tpu.memory_space<semaphore_mem>>)
        %dma_wait3A = arith.constant 4096 : i32
        %dma_wait3A_68 = tpu.memref_slice %arg6[%dma_wait3A] : memref<40832xi32, #tpu.memory_space<vmem>> -> memref<4096xi32, #tpu.memory_space<vmem>>
        %dma_wait3A_69 = arith.constant 0 : i32
        %dma_wait3A_70 = tpu.memref_slice %arg9[%run_scoped3A_38, %dma_wait3A_69] : memref<2x4096xi32, #tpu.memory_space<vmem_shared>> -> memref<1x4096xi32, #tpu.memory_space<vmem_shared>>
        %dma_wait3A_71 = tpu.memref_squeeze %dma_wait3A_70 : memref<1x4096xi32, #tpu.memory_space<vmem_shared>> -> memref<4096xi32, #tpu.memory_space<vmem_shared>>
        %dma_wait3A_72 = arith.constant 4096 : i32
        %dma_wait3A_73 = tpu.memref_slice %arg6[%dma_wait3A_72] : memref<40832xi32, #tpu.memory_space<vmem>> -> memref<4096xi32, #tpu.memory_space<vmem>>
        %dma_wait3A_74 = arith.constant 0 : i32
        %dma_wait3A_75 = tpu.memref_slice %arg9[%run_scoped3A_38, %dma_wait3A_74] : memref<2x4096xi32, #tpu.memory_space<vmem_shared>> -> memref<1x4096xi32, #tpu.memory_space<vmem_shared>>
        %dma_wait3A_76 = tpu.memref_squeeze %dma_wait3A_75 : memref<1x4096xi32, #tpu.memory_space<vmem_shared>> -> memref<4096xi32, #tpu.memory_space<vmem_shared>>
        tpu.wait_dma2 semaphore(%run_scoped3A_58 : memref<!tpu.dma_semaphore, #tpu.memory_space<semaphore_mem>>) src(%dma_wait3A_76 : memref<4096xi32, #tpu.memory_space<vmem_shared>>) dst(%dma_wait3A_73 : memref<4096xi32, #tpu.memory_space<vmem>>)
        tpu.yield
      }) : () -> ()
      %run_scoped3A_39 = arith.constant 0 : i32
      "tpu.region"() ({
        %run_scoped3A_58 = tpu.sem_alloc : memref<!tpu.dma_semaphore, #tpu.memory_space<semaphore_mem>>
        %dma_start3A = arith.constant 65536 : i32
        %dma_start3A_59 = tpu.memref_slice %arg7[%dma_start3A] : memref<73728xf32, #tpu.memory_space<vmem>> -> memref<4096xf32, #tpu.memory_space<vmem>>
        %dma_start3A_60 = arith.constant 0 : i32
        %dma_start3A_61 = tpu.memref_slice %arg10[%run_scoped3A_39, %dma_start3A_60] : memref<2x4096xf32, #tpu.memory_space<vmem_shared>> -> memref<1x4096xf32, #tpu.memory_space<vmem_shared>>
        %dma_start3A_62 = tpu.memref_squeeze %dma_start3A_61 : memref<1x4096xf32, #tpu.memory_space<vmem_shared>> -> memref<4096xf32, #tpu.memory_space<vmem_shared>>
        %dma_start3A_63 = arith.constant 65536 : i32
        %dma_start3A_64 = tpu.memref_slice %arg7[%dma_start3A_63] : memref<73728xf32, #tpu.memory_space<vmem>> -> memref<4096xf32, #tpu.memory_space<vmem>>
        %dma_start3A_65 = arith.constant 0 : i32
        %dma_start3A_66 = tpu.memref_slice %arg10[%run_scoped3A_39, %dma_start3A_65] : memref<2x4096xf32, #tpu.memory_space<vmem_shared>> -> memref<1x4096xf32, #tpu.memory_space<vmem_shared>>
        %dma_start3A_67 = tpu.memref_squeeze %dma_start3A_66 : memref<1x4096xf32, #tpu.memory_space<vmem_shared>> -> memref<4096xf32, #tpu.memory_space<vmem_shared>>
        tpu.enqueue_dma source(%dma_start3A_67 : memref<4096xf32, #tpu.memory_space<vmem_shared>>) target(%dma_start3A_64 : memref<4096xf32, #tpu.memory_space<vmem>>) target_semaphore(%run_scoped3A_58 : memref<!tpu.dma_semaphore, #tpu.memory_space<semaphore_mem>>)
        %dma_wait3A = arith.constant 65536 : i32
        %dma_wait3A_68 = tpu.memref_slice %arg7[%dma_wait3A] : memref<73728xf32, #tpu.memory_space<vmem>> -> memref<4096xf32, #tpu.memory_space<vmem>>
        %dma_wait3A_69 = arith.constant 0 : i32
        %dma_wait3A_70 = tpu.memref_slice %arg10[%run_scoped3A_39, %dma_wait3A_69] : memref<2x4096xf32, #tpu.memory_space<vmem_shared>> -> memref<1x4096xf32, #tpu.memory_space<vmem_shared>>
        %dma_wait3A_71 = tpu.memref_squeeze %dma_wait3A_70 : memref<1x4096xf32, #tpu.memory_space<vmem_shared>> -> memref<4096xf32, #tpu.memory_space<vmem_shared>>
        %dma_wait3A_72 = arith.constant 65536 : i32
        %dma_wait3A_73 = tpu.memref_slice %arg7[%dma_wait3A_72] : memref<73728xf32, #tpu.memory_space<vmem>> -> memref<4096xf32, #tpu.memory_space<vmem>>
        %dma_wait3A_74 = arith.constant 0 : i32
        %dma_wait3A_75 = tpu.memref_slice %arg10[%run_scoped3A_39, %dma_wait3A_74] : memref<2x4096xf32, #tpu.memory_space<vmem_shared>> -> memref<1x4096xf32, #tpu.memory_space<vmem_shared>>
        %dma_wait3A_76 = tpu.memref_squeeze %dma_wait3A_75 : memref<1x4096xf32, #tpu.memory_space<vmem_shared>> -> memref<4096xf32, #tpu.memory_space<vmem_shared>>
        tpu.wait_dma2 semaphore(%run_scoped3A_58 : memref<!tpu.dma_semaphore, #tpu.memory_space<semaphore_mem>>) src(%dma_wait3A_76 : memref<4096xf32, #tpu.memory_space<vmem_shared>>) dst(%dma_wait3A_73 : memref<4096xf32, #tpu.memory_space<vmem>>)
        tpu.yield
      }) : () -> ()
      %scan3A = arith.constant 0 : i32
      %scan3A_40 = arith.constant 0 : i32
      %scan3A_41 = arith.constant 4096 : i32
      %scan3A_42 = arith.addi %scan3A_40, %scan3A_41 : i32
      %scan3A_43 = arith.constant 1 : i32
      %scan3A_44 = scf.for %scan3A_58 = %scan3A_40 to %scan3A_42 step %scan3A_43 iter_args(%scan3A_59 = %scan3A) -> (i32)  : i32 {
        %sub3A = arith.constant 8191 : i32
        %sub3A_60 = arith.subi %sub3A, %scan3A_58 : i32
        %broadcast_in_dim3A = vector.broadcast %sub3A_60 : i32 to vector<16xi32>
        %gather3A = tpu.vector_load_idx %arg6[%broadcast_in_dim3A] : memref<40832xi32, #tpu.memory_space<vmem>>[vector<16xi32>], vector<16xi32>,
        %broadcast_in_dim3A_61 = arith.constant 0 : i32
        %broadcast_in_dim3A_62 = vector.broadcast %broadcast_in_dim3A_61 : i32 to vector<16xi32>
        %add3A = arith.addi %broadcast_in_dim3A_62, %gather3A : vector<16xi32>
        %gather3A_63 = tpu.vector_load_idx %arg6[%add3A] : memref<40832xi32, #tpu.memory_space<vmem>>[vector<16xi32>], vector<16xi32>,
        %broadcast_in_dim3A_64 = arith.constant 65536 : i32
        %broadcast_in_dim3A_65 = vector.broadcast %broadcast_in_dim3A_64 : i32 to vector<16xi32>
        %add3A_66 = arith.addi %broadcast_in_dim3A_65, %gather3A : vector<16xi32>
        %gather3A_67 = tpu.vector_load_idx %arg7[%add3A_66] : memref<73728xf32, #tpu.memory_space<vmem>>[vector<16xi32>], vector<16xf32>,
        %broadcast_in_dim3A_68 = arith.constant 0 : i32
        %broadcast_in_dim3A_69 = vector.broadcast %broadcast_in_dim3A_68 : i32 to vector<16xi32>
        %mul3A = arith.constant 16 : i32
        %mul3A_70 = vector.broadcast %mul3A : i32 to vector<16xi32>
        %mul3A_71 = arith.muli %gather3A, %mul3A_70 : vector<16xi32>
        %add3A_72 = arith.addi %broadcast_in_dim3A_69, %mul3A_71 : vector<16xi32>
        %add3A_73 = arith.addi %add3A_72, %iota3A : vector<16xi32>
        %gather3A_74 = tpu.vector_load_idx %arg7[%add3A_73] : memref<73728xf32, #tpu.memory_space<vmem>>[vector<16xi32>], vector<16xf32>,
        %broadcast_in_dim3A_75 = arith.constant 0 : i32
        %broadcast_in_dim3A_76 = vector.broadcast %broadcast_in_dim3A_75 : i32 to vector<16xi32>
        %mul3A_77 = arith.constant 16 : i32
        %mul3A_78 = vector.broadcast %mul3A_77 : i32 to vector<16xi32>
        %mul3A_79 = arith.muli %gather3A_63, %mul3A_78 : vector<16xi32>
        %add3A_80 = arith.addi %broadcast_in_dim3A_76, %mul3A_79 : vector<16xi32>
        %add3A_81 = arith.addi %add3A_80, %iota3A : vector<16xi32>
        %mul3A_82 = arith.mulf %gather3A_67, %gather3A_74 : vector<16xf32>
        tpu.vector_store_idx %arg7[%add3A_81], %mul3A_82 {add = true} : memref<73728xf32, #tpu.memory_space<vmem>>[vector<16xi32>], vector<16xf32>,
        %scan3A_83 = arith.constant 0 : i32
        scf.yield %scan3A_83 : i32
      }
      %scan3A_45 = arith.constant 4096 : i32
      %scan3A_46 = arith.constant 0 : i32
      %scan3A_47 = arith.constant 0 : i32
      %scan3A_48 = arith.constant 4096 : i32
      %scan3A_49 = arith.addi %scan3A_47, %scan3A_48 : i32
      %scan3A_50 = arith.constant 1 : i32
      %scan3A_51 = scf.for %scan3A_58 = %scan3A_47 to %scan3A_49 step %scan3A_50 iter_args(%scan3A_59 = %scan3A_46) -> (i32)  : i32 {
        %add3A = arith.constant 4096 : i32
        %add3A_60 = arith.addi %add3A, %scan3A_58 : i32
        %broadcast_in_dim3A = vector.broadcast %add3A_60 : i32 to vector<16xi32>
        %gather3A = tpu.vector_load_idx %arg6[%broadcast_in_dim3A] : memref<40832xi32, #tpu.memory_space<vmem>>[vector<16xi32>], vector<16xi32>,
        %broadcast_in_dim3A_61 = arith.constant 0 : i32
        %broadcast_in_dim3A_62 = vector.broadcast %broadcast_in_dim3A_61 : i32 to vector<16xi32>
        %add3A_63 = arith.addi %broadcast_in_dim3A_62, %gather3A : vector<16xi32>
        %gather3A_64 = tpu.vector_load_idx %arg6[%add3A_63] : memref<40832xi32, #tpu.memory_space<vmem>>[vector<16xi32>], vector<16xi32>,
        %broadcast_in_dim3A_65 = arith.constant 65536 : i32
        %broadcast_in_dim3A_66 = vector.broadcast %broadcast_in_dim3A_65 : i32 to vector<16xi32>
        %add3A_67 = arith.addi %broadcast_in_dim3A_66, %gather3A : vector<16xi32>
        %gather3A_68 = tpu.vector_load_idx %arg7[%add3A_67] : memref<73728xf32, #tpu.memory_space<vmem>>[vector<16xi32>], vector<16xf32>,
        %broadcast_in_dim3A_69 = arith.constant 0 : i32
        %broadcast_in_dim3A_70 = vector.broadcast %broadcast_in_dim3A_69 : i32 to vector<16xi32>
        %mul3A = arith.constant 16 : i32
        %mul3A_71 = vector.broadcast %mul3A : i32 to vector<16xi32>
        %mul3A_72 = arith.muli %gather3A, %mul3A_71 : vector<16xi32>
        %add3A_73 = arith.addi %broadcast_in_dim3A_70, %mul3A_72 : vector<16xi32>
        %add3A_74 = arith.addi %add3A_73, %iota3A : vector<16xi32>
        %gather3A_75 = tpu.vector_load_idx %arg7[%add3A_74] : memref<73728xf32, #tpu.memory_space<vmem>>[vector<16xi32>], vector<16xf32>,
        %broadcast_in_dim3A_76 = arith.constant 0 : i32
        %broadcast_in_dim3A_77 = vector.broadcast %broadcast_in_dim3A_76 : i32 to vector<16xi32>
        %mul3A_78 = arith.constant 16 : i32
        %mul3A_79 = vector.broadcast %mul3A_78 : i32 to vector<16xi32>
        %mul3A_80 = arith.muli %gather3A_64, %mul3A_79 : vector<16xi32>
        %add3A_81 = arith.addi %broadcast_in_dim3A_77, %mul3A_80 : vector<16xi32>
        %add3A_82 = arith.addi %add3A_81, %iota3A : vector<16xi32>
        %gather3A_83 = tpu.vector_load_idx %arg7[%add3A_82] : memref<73728xf32, #tpu.memory_space<vmem>>[vector<16xi32>], vector<16xf32>,
        %broadcast_in_dim3A_84 = arith.constant 0 : i32
        %broadcast_in_dim3A_85 = vector.broadcast %broadcast_in_dim3A_84 : i32 to vector<16xi32>
        %mul3A_86 = arith.constant 16 : i32
        %mul3A_87 = vector.broadcast %mul3A_86 : i32 to vector<16xi32>
        %mul3A_88 = arith.muli %gather3A, %mul3A_87 : vector<16xi32>
        %add3A_89 = arith.addi %broadcast_in_dim3A_85, %mul3A_88 : vector<16xi32>
        %add3A_90 = arith.addi %add3A_89, %iota3A : vector<16xi32>
        %mul3A_91 = arith.mulf %gather3A_68, %gather3A_75 : vector<16xf32>
        %sub3A = arith.subf %gather3A_83, %mul3A_91 : vector<16xf32>
        %mul3A_92 = arith.mulf %gather3A_68, %sub3A : vector<16xf32>
        %add3A_93 = arith.addf %gather3A_75, %mul3A_92 : vector<16xf32>
        tpu.vector_store_idx %arg7[%add3A_90], %add3A_93 : memref<73728xf32, #tpu.memory_space<vmem>>[vector<16xi32>], vector<16xf32>,
        %scan3A_94 = arith.constant 0 : i32
        scf.yield %scan3A_94 : i32
      }
      %scan3A_52 = arith.constant 4096 : i32
      %eq3A_53 = arith.constant 1 : i32
      %eq3A_54 = arith.cmpi eq, %arg1, %eq3A_53 : i32
      %convert_element_type3A_55 = arith.extui %eq3A_54 : i1 to i32
      %cond3A_56 = arith.constant 0 : i32
      %cond3A_57 = arith.cmpi ne, %convert_element_type3A_55, %cond3A_56 : i32
      scf.if %cond3A_57 {
        %scan3A_58 = arith.constant 0 : i32
        %scan3A_59 = arith.constant 0 : i32
        %scan3A_60 = arith.constant 256 : i32
        %scan3A_61 = arith.addi %scan3A_59, %scan3A_60 : i32
        %scan3A_62 = arith.constant 1 : i32
        %scan3A_63 = scf.for %scan3A_65 = %scan3A_59 to %scan3A_61 step %scan3A_62 iter_args(%scan3A_66 = %scan3A_58) -> (i32)  : i32 {
          %mul3A = arith.constant 16 : i32
          %mul3A_67 = arith.muli %scan3A_65, %mul3A : i32
          %broadcast_in_dim3A = vector.broadcast %mul3A_67 : i32 to vector<16xi32>
          %add3A = arith.addi %broadcast_in_dim3A, %iota3A : vector<16xi32>
          %broadcast_in_dim3A_68 = arith.constant 69632 : i32
          %broadcast_in_dim3A_69 = vector.broadcast %broadcast_in_dim3A_68 : i32 to vector<16xi32>
          %add3A_70 = arith.addi %broadcast_in_dim3A_69, %add3A : vector<16xi32>
          %broadcast_in_dim3A_71 = arith.constant 0 : i32
          %broadcast_in_dim3A_72 = vector.broadcast %broadcast_in_dim3A_71 : i32 to vector<16xi32>
          %mul3A_73 = arith.constant 16 : i32
          %mul3A_74 = vector.broadcast %mul3A_73 : i32 to vector<16xi32>
          %mul3A_75 = arith.muli %add3A, %mul3A_74 : vector<16xi32>
          %add3A_76 = arith.addi %broadcast_in_dim3A_72, %mul3A_75 : vector<16xi32>
          %add3A_77 = arith.constant 5 : i32
          %add3A_78 = vector.broadcast %add3A_77 : i32 to vector<16xi32>
          %add3A_79 = arith.addi %add3A_76, %add3A_78 : vector<16xi32>
          %gather3A = tpu.vector_load_idx %arg7[%add3A_79] : memref<73728xf32, #tpu.memory_space<vmem>>[vector<16xi32>], vector<16xf32>,
          tpu.vector_store_idx %arg7[%add3A_70], %gather3A : memref<73728xf32, #tpu.memory_space<vmem>>[vector<16xi32>], vector<16xf32>,
          %scan3A_80 = arith.constant 0 : i32
          scf.yield %scan3A_80 : i32
        }
        %scan3A_64 = arith.constant 256 : i32
        "tpu.region"() ({
          %run_scoped3A_65 = tpu.sem_alloc : memref<!tpu.dma_semaphore, #tpu.memory_space<semaphore_mem>>
          %dma_start3A = arith.constant 69632 : i32
          %dma_start3A_66 = tpu.memref_slice %arg7[%dma_start3A] : memref<73728xf32, #tpu.memory_space<vmem>> -> memref<4096xf32, #tpu.memory_space<vmem>>
          %dma_start3A_67 = arith.constant 69632 : i32
          %dma_start3A_68 = tpu.memref_slice %arg7[%dma_start3A_67] : memref<73728xf32, #tpu.memory_space<vmem>> -> memref<4096xf32, #tpu.memory_space<vmem>>
          tpu.enqueue_dma source(%dma_start3A_68 : memref<4096xf32, #tpu.memory_space<vmem>>) target(%arg11 : memref<4096xf32, #tpu.memory_space<vmem_shared>>) target_semaphore(%run_scoped3A_65 : memref<!tpu.dma_semaphore, #tpu.memory_space<semaphore_mem>>)
          %dma_wait3A = arith.constant 69632 : i32
          %dma_wait3A_69 = tpu.memref_slice %arg7[%dma_wait3A] : memref<73728xf32, #tpu.memory_space<vmem>> -> memref<4096xf32, #tpu.memory_space<vmem>>
          %dma_wait3A_70 = arith.constant 69632 : i32
          %dma_wait3A_71 = tpu.memref_slice %arg7[%dma_wait3A_70] : memref<73728xf32, #tpu.memory_space<vmem>> -> memref<4096xf32, #tpu.memory_space<vmem>>
          tpu.wait_dma2 semaphore(%run_scoped3A_65 : memref<!tpu.dma_semaphore, #tpu.memory_space<semaphore_mem>>) src(%dma_wait3A_71 : memref<4096xf32, #tpu.memory_space<vmem>>) dst(%arg11 : memref<4096xf32, #tpu.memory_space<vmem_shared>>)
          tpu.yield
        }) : () -> ()
      } else {
      }
    } else {
    }
    %barrier3A_14 = arith.constant 0 : index
    tpu.barrier barrier_id(%barrier3A_14)
    %lt3A_15 = arith.constant 2 : i32
    %lt3A_16 = arith.cmpi slt, %arg1, %lt3A_15 : i32
    %convert_element_type3A_17 = arith.extui %lt3A_16 : i1 to i32
    %cond3A_18 = arith.constant 0 : i32
    %cond3A_19 = arith.cmpi ne, %convert_element_type3A_17, %cond3A_18 : i32
    scf.if %cond3A_19 {
      "tpu.region"() ({
        %run_scoped3A = tpu.sem_alloc : memref<!tpu.dma_semaphore, #tpu.memory_space<semaphore_mem>>
        %dma_start3A = arith.constant 69632 : i32
        %dma_start3A_44 = tpu.memref_slice %arg7[%dma_start3A] : memref<73728xf32, #tpu.memory_space<vmem>> -> memref<4096xf32, #tpu.memory_space<vmem>>
        %dma_start3A_45 = arith.constant 69632 : i32
        %dma_start3A_46 = tpu.memref_slice %arg7[%dma_start3A_45] : memref<73728xf32, #tpu.memory_space<vmem>> -> memref<4096xf32, #tpu.memory_space<vmem>>
        tpu.enqueue_dma source(%arg11 : memref<4096xf32, #tpu.memory_space<vmem_shared>>) target(%dma_start3A_46 : memref<4096xf32, #tpu.memory_space<vmem>>) target_semaphore(%run_scoped3A : memref<!tpu.dma_semaphore, #tpu.memory_space<semaphore_mem>>)
        %dma_wait3A = arith.constant 69632 : i32
        %dma_wait3A_47 = tpu.memref_slice %arg7[%dma_wait3A] : memref<73728xf32, #tpu.memory_space<vmem>> -> memref<4096xf32, #tpu.memory_space<vmem>>
        %dma_wait3A_48 = arith.constant 69632 : i32
        %dma_wait3A_49 = tpu.memref_slice %arg7[%dma_wait3A_48] : memref<73728xf32, #tpu.memory_space<vmem>> -> memref<4096xf32, #tpu.memory_space<vmem>>
        tpu.wait_dma2 semaphore(%run_scoped3A : memref<!tpu.dma_semaphore, #tpu.memory_space<semaphore_mem>>) src(%arg11 : memref<4096xf32, #tpu.memory_space<vmem_shared>>) dst(%dma_wait3A_49 : memref<4096xf32, #tpu.memory_space<vmem>>)
        tpu.yield
      }) : () -> ()
      %scan3A = arith.constant 0 : i32
      %scan3A_38 = arith.constant 0 : i32
      %scan3A_39 = arith.constant 4096 : i32
      %scan3A_40 = arith.addi %scan3A_38, %scan3A_39 : i32
      %scan3A_41 = arith.constant 1 : i32
      %scan3A_42 = scf.for %scan3A_44 = %scan3A_38 to %scan3A_40 step %scan3A_41 iter_args(%scan3A_45 = %scan3A) -> (i32)  : i32 {
        %add3A = arith.constant 69632 : i32
        %add3A_46 = arith.addi %add3A, %scan3A_44 : i32
        %broadcast_in_dim3A = vector.broadcast %add3A_46 : i32 to vector<16xi32>
        %gather3A = tpu.vector_load_idx %arg7[%broadcast_in_dim3A] : memref<73728xf32, #tpu.memory_space<vmem>>[vector<16xi32>], vector<16xf32>,
        %max3A = arith.constant 9.99999996E-13 : f32
        %max3A_47 = vector.broadcast %max3A : f32 to vector<16xf32>
        %max3A_48 = arith.maximumf %gather3A, %max3A_47 : vector<16xf32>
        %mul3A = arith.constant 16 : i32
        %mul3A_49 = arith.muli %scan3A_44, %mul3A : i32
        %add3A_50 = arith.constant 0 : i32
        %add3A_51 = arith.addi %add3A_50, %mul3A_49 : i32
        %broadcast_in_dim3A_52 = vector.broadcast %add3A_51 : i32 to vector<16xi32>
        %add3A_53 = arith.addi %broadcast_in_dim3A_52, %iota3A : vector<16xi32>
        %gather3A_54 = tpu.vector_load_idx %arg7[%add3A_53] : memref<73728xf32, #tpu.memory_space<vmem>>[vector<16xi32>], vector<16xf32>,
        %div3A = arith.divf %gather3A_54, %max3A_48 : vector<16xf32>
        %eq3A_55 = arith.constant 1 : i32
        %eq3A_56 = arith.cmpi eq, %arg1, %eq3A_55 : i32
        %eq3A_57 = arith.constant 5 : i32
        %eq3A_58 = vector.broadcast %eq3A_57 : i32 to vector<16xi32>
        %eq3A_59 = arith.cmpi eq, %iota3A, %eq3A_58 : vector<16xi32>
        %lt3A_60 = arith.constant 5 : i32
        %lt3A_61 = vector.broadcast %lt3A_60 : i32 to vector<16xi32>
        %lt3A_62 = arith.cmpi slt, %iota3A, %lt3A_61 : vector<16xi32>
        %jit3A = arith.constant 0.000000e+00 : f32
        %broadcast_in_dim3A_63 = vector.broadcast %jit3A : f32 to vector<16xf32>
        %select_n3A = arith.select %lt3A_62, %div3A, %broadcast_in_dim3A_63 : vector<16xi1>, vector<16xf32>
        %jit3A_64 = arith.constant 1.000000e+00 : f32
        %broadcast_in_dim3A_65 = vector.broadcast %jit3A_64 : f32 to vector<16xf32>
        %select_n3A_66 = arith.select %eq3A_59, %broadcast_in_dim3A_65, %select_n3A : vector<16xi1>, vector<16xf32>
        %select_n3A_67 = arith.select %eq3A_56, %select_n3A_66, %div3A : vector<16xf32>
        tpu.vector_store_idx %arg7[%add3A_53], %select_n3A_67 : memref<73728xf32, #tpu.memory_space<vmem>>[vector<16xi32>], vector<16xf32>,
        %scan3A_68 = arith.constant 0 : i32
        scf.yield %scan3A_68 : i32
      }
      %scan3A_43 = arith.constant 4096 : i32
    } else {
    }
    %barrier3A_20 = arith.constant 0 : index
    tpu.barrier barrier_id(%barrier3A_20)
    %lt3A_21 = arith.constant 2 : i32
    %lt3A_22 = arith.cmpi slt, %arg1, %lt3A_21 : i32
    %convert_element_type3A_23 = arith.extui %lt3A_22 : i1 to i32
    %cond3A_24 = arith.constant 0 : i32
    %cond3A_25 = arith.cmpi ne, %convert_element_type3A_23, %cond3A_24 : i32
    scf.if %cond3A_25 {
      %run_scoped3A = arith.constant 1 : i32
      "tpu.region"() ({
        %run_scoped3A_58 = tpu.sem_alloc : memref<!tpu.dma_semaphore, #tpu.memory_space<semaphore_mem>>
        %dma_start3A = arith.constant 0 : i32
        %dma_start3A_59 = tpu.memref_slice %arg6[%dma_start3A] : memref<40832xi32, #tpu.memory_space<vmem>> -> memref<4096xi32, #tpu.memory_space<vmem>>
        %dma_start3A_60 = arith.constant 0 : i32
        %dma_start3A_61 = tpu.memref_slice %arg8[%run_scoped3A, %dma_start3A_60] : memref<2x4096xi32, #tpu.memory_space<vmem_shared>> -> memref<1x4096xi32, #tpu.memory_space<vmem_shared>>
        %dma_start3A_62 = tpu.memref_squeeze %dma_start3A_61 : memref<1x4096xi32, #tpu.memory_space<vmem_shared>> -> memref<4096xi32, #tpu.memory_space<vmem_shared>>
        %dma_start3A_63 = arith.constant 0 : i32
        %dma_start3A_64 = tpu.memref_slice %arg6[%dma_start3A_63] : memref<40832xi32, #tpu.memory_space<vmem>> -> memref<4096xi32, #tpu.memory_space<vmem>>
        %dma_start3A_65 = arith.constant 0 : i32
        %dma_start3A_66 = tpu.memref_slice %arg8[%run_scoped3A, %dma_start3A_65] : memref<2x4096xi32, #tpu.memory_space<vmem_shared>> -> memref<1x4096xi32, #tpu.memory_space<vmem_shared>>
        %dma_start3A_67 = tpu.memref_squeeze %dma_start3A_66 : memref<1x4096xi32, #tpu.memory_space<vmem_shared>> -> memref<4096xi32, #tpu.memory_space<vmem_shared>>
        tpu.enqueue_dma source(%dma_start3A_67 : memref<4096xi32, #tpu.memory_space<vmem_shared>>) target(%dma_start3A_64 : memref<4096xi32, #tpu.memory_space<vmem>>) target_semaphore(%run_scoped3A_58 : memref<!tpu.dma_semaphore, #tpu.memory_space<semaphore_mem>>)
        %dma_wait3A = arith.constant 0 : i32
        %dma_wait3A_68 = tpu.memref_slice %arg6[%dma_wait3A] : memref<40832xi32, #tpu.memory_space<vmem>> -> memref<4096xi32, #tpu.memory_space<vmem>>
        %dma_wait3A_69 = arith.constant 0 : i32
        %dma_wait3A_70 = tpu.memref_slice %arg8[%run_scoped3A, %dma_wait3A_69] : memref<2x4096xi32, #tpu.memory_space<vmem_shared>> -> memref<1x4096xi32, #tpu.memory_space<vmem_shared>>
        %dma_wait3A_71 = tpu.memref_squeeze %dma_wait3A_70 : memref<1x4096xi32, #tpu.memory_space<vmem_shared>> -> memref<4096xi32, #tpu.memory_space<vmem_shared>>
        %dma_wait3A_72 = arith.constant 0 : i32
        %dma_wait3A_73 = tpu.memref_slice %arg6[%dma_wait3A_72] : memref<40832xi32, #tpu.memory_space<vmem>> -> memref<4096xi32, #tpu.memory_space<vmem>>
        %dma_wait3A_74 = arith.constant 0 : i32
        %dma_wait3A_75 = tpu.memref_slice %arg8[%run_scoped3A, %dma_wait3A_74] : memref<2x4096xi32, #tpu.memory_space<vmem_shared>> -> memref<1x4096xi32, #tpu.memory_space<vmem_shared>>
        %dma_wait3A_76 = tpu.memref_squeeze %dma_wait3A_75 : memref<1x4096xi32, #tpu.memory_space<vmem_shared>> -> memref<4096xi32, #tpu.memory_space<vmem_shared>>
        tpu.wait_dma2 semaphore(%run_scoped3A_58 : memref<!tpu.dma_semaphore, #tpu.memory_space<semaphore_mem>>) src(%dma_wait3A_76 : memref<4096xi32, #tpu.memory_space<vmem_shared>>) dst(%dma_wait3A_73 : memref<4096xi32, #tpu.memory_space<vmem>>)
        tpu.yield
      }) : () -> ()
      %run_scoped3A_38 = arith.constant 1 : i32
      "tpu.region"() ({
        %run_scoped3A_58 = tpu.sem_alloc : memref<!tpu.dma_semaphore, #tpu.memory_space<semaphore_mem>>
        %dma_start3A = arith.constant 4096 : i32
        %dma_start3A_59 = tpu.memref_slice %arg6[%dma_start3A] : memref<40832xi32, #tpu.memory_space<vmem>> -> memref<4096xi32, #tpu.memory_space<vmem>>
        %dma_start3A_60 = arith.constant 0 : i32
        %dma_start3A_61 = tpu.memref_slice %arg9[%run_scoped3A_38, %dma_start3A_60] : memref<2x4096xi32, #tpu.memory_space<vmem_shared>> -> memref<1x4096xi32, #tpu.memory_space<vmem_shared>>
        %dma_start3A_62 = tpu.memref_squeeze %dma_start3A_61 : memref<1x4096xi32, #tpu.memory_space<vmem_shared>> -> memref<4096xi32, #tpu.memory_space<vmem_shared>>
        %dma_start3A_63 = arith.constant 4096 : i32
        %dma_start3A_64 = tpu.memref_slice %arg6[%dma_start3A_63] : memref<40832xi32, #tpu.memory_space<vmem>> -> memref<4096xi32, #tpu.memory_space<vmem>>
        %dma_start3A_65 = arith.constant 0 : i32
        %dma_start3A_66 = tpu.memref_slice %arg9[%run_scoped3A_38, %dma_start3A_65] : memref<2x4096xi32, #tpu.memory_space<vmem_shared>> -> memref<1x4096xi32, #tpu.memory_space<vmem_shared>>
        %dma_start3A_67 = tpu.memref_squeeze %dma_start3A_66 : memref<1x4096xi32, #tpu.memory_space<vmem_shared>> -> memref<4096xi32, #tpu.memory_space<vmem_shared>>
        tpu.enqueue_dma source(%dma_start3A_67 : memref<4096xi32, #tpu.memory_space<vmem_shared>>) target(%dma_start3A_64 : memref<4096xi32, #tpu.memory_space<vmem>>) target_semaphore(%run_scoped3A_58 : memref<!tpu.dma_semaphore, #tpu.memory_space<semaphore_mem>>)
        %dma_wait3A = arith.constant 4096 : i32
        %dma_wait3A_68 = tpu.memref_slice %arg6[%dma_wait3A] : memref<40832xi32, #tpu.memory_space<vmem>> -> memref<4096xi32, #tpu.memory_space<vmem>>
        %dma_wait3A_69 = arith.constant 0 : i32
        %dma_wait3A_70 = tpu.memref_slice %arg9[%run_scoped3A_38, %dma_wait3A_69] : memref<2x4096xi32, #tpu.memory_space<vmem_shared>> -> memref<1x4096xi32, #tpu.memory_space<vmem_shared>>
        %dma_wait3A_71 = tpu.memref_squeeze %dma_wait3A_70 : memref<1x4096xi32, #tpu.memory_space<vmem_shared>> -> memref<4096xi32, #tpu.memory_space<vmem_shared>>
        %dma_wait3A_72 = arith.constant 4096 : i32
        %dma_wait3A_73 = tpu.memref_slice %arg6[%dma_wait3A_72] : memref<40832xi32, #tpu.memory_space<vmem>> -> memref<4096xi32, #tpu.memory_space<vmem>>
        %dma_wait3A_74 = arith.constant 0 : i32
        %dma_wait3A_75 = tpu.memref_slice %arg9[%run_scoped3A_38, %dma_wait3A_74] : memref<2x4096xi32, #tpu.memory_space<vmem_shared>> -> memref<1x4096xi32, #tpu.memory_space<vmem_shared>>
        %dma_wait3A_76 = tpu.memref_squeeze %dma_wait3A_75 : memref<1x4096xi32, #tpu.memory_space<vmem_shared>> -> memref<4096xi32, #tpu.memory_space<vmem_shared>>
        tpu.wait_dma2 semaphore(%run_scoped3A_58 : memref<!tpu.dma_semaphore, #tpu.memory_space<semaphore_mem>>) src(%dma_wait3A_76 : memref<4096xi32, #tpu.memory_space<vmem_shared>>) dst(%dma_wait3A_73 : memref<4096xi32, #tpu.memory_space<vmem>>)
        tpu.yield
      }) : () -> ()
      %run_scoped3A_39 = arith.constant 1 : i32
      "tpu.region"() ({
        %run_scoped3A_58 = tpu.sem_alloc : memref<!tpu.dma_semaphore, #tpu.memory_space<semaphore_mem>>
        %dma_start3A = arith.constant 65536 : i32
        %dma_start3A_59 = tpu.memref_slice %arg7[%dma_start3A] : memref<73728xf32, #tpu.memory_space<vmem>> -> memref<4096xf32, #tpu.memory_space<vmem>>
        %dma_start3A_60 = arith.constant 0 : i32
        %dma_start3A_61 = tpu.memref_slice %arg10[%run_scoped3A_39, %dma_start3A_60] : memref<2x4096xf32, #tpu.memory_space<vmem_shared>> -> memref<1x4096xf32, #tpu.memory_space<vmem_shared>>
        %dma_start3A_62 = tpu.memref_squeeze %dma_start3A_61 : memref<1x4096xf32, #tpu.memory_space<vmem_shared>> -> memref<4096xf32, #tpu.memory_space<vmem_shared>>
        %dma_start3A_63 = arith.constant 65536 : i32
        %dma_start3A_64 = tpu.memref_slice %arg7[%dma_start3A_63] : memref<73728xf32, #tpu.memory_space<vmem>> -> memref<4096xf32, #tpu.memory_space<vmem>>
        %dma_start3A_65 = arith.constant 0 : i32
        %dma_start3A_66 = tpu.memref_slice %arg10[%run_scoped3A_39, %dma_start3A_65] : memref<2x4096xf32, #tpu.memory_space<vmem_shared>> -> memref<1x4096xf32, #tpu.memory_space<vmem_shared>>
        %dma_start3A_67 = tpu.memref_squeeze %dma_start3A_66 : memref<1x4096xf32, #tpu.memory_space<vmem_shared>> -> memref<4096xf32, #tpu.memory_space<vmem_shared>>
        tpu.enqueue_dma source(%dma_start3A_67 : memref<4096xf32, #tpu.memory_space<vmem_shared>>) target(%dma_start3A_64 : memref<4096xf32, #tpu.memory_space<vmem>>) target_semaphore(%run_scoped3A_58 : memref<!tpu.dma_semaphore, #tpu.memory_space<semaphore_mem>>)
        %dma_wait3A = arith.constant 65536 : i32
        %dma_wait3A_68 = tpu.memref_slice %arg7[%dma_wait3A] : memref<73728xf32, #tpu.memory_space<vmem>> -> memref<4096xf32, #tpu.memory_space<vmem>>
        %dma_wait3A_69 = arith.constant 0 : i32
        %dma_wait3A_70 = tpu.memref_slice %arg10[%run_scoped3A_39, %dma_wait3A_69] : memref<2x4096xf32, #tpu.memory_space<vmem_shared>> -> memref<1x4096xf32, #tpu.memory_space<vmem_shared>>
        %dma_wait3A_71 = tpu.memref_squeeze %dma_wait3A_70 : memref<1x4096xf32, #tpu.memory_space<vmem_shared>> -> memref<4096xf32, #tpu.memory_space<vmem_shared>>
        %dma_wait3A_72 = arith.constant 65536 : i32
        %dma_wait3A_73 = tpu.memref_slice %arg7[%dma_wait3A_72] : memref<73728xf32, #tpu.memory_space<vmem>> -> memref<4096xf32, #tpu.memory_space<vmem>>
        %dma_wait3A_74 = arith.constant 0 : i32
        %dma_wait3A_75 = tpu.memref_slice %arg10[%run_scoped3A_39, %dma_wait3A_74] : memref<2x4096xf32, #tpu.memory_space<vmem_shared>> -> memref<1x4096xf32, #tpu.memory_space<vmem_shared>>
        %dma_wait3A_76 = tpu.memref_squeeze %dma_wait3A_75 : memref<1x4096xf32, #tpu.memory_space<vmem_shared>> -> memref<4096xf32, #tpu.memory_space<vmem_shared>>
        tpu.wait_dma2 semaphore(%run_scoped3A_58 : memref<!tpu.dma_semaphore, #tpu.memory_space<semaphore_mem>>) src(%dma_wait3A_76 : memref<4096xf32, #tpu.memory_space<vmem_shared>>) dst(%dma_wait3A_73 : memref<4096xf32, #tpu.memory_space<vmem>>)
        tpu.yield
      }) : () -> ()
      %scan3A = arith.constant 0 : i32
      %scan3A_40 = arith.constant 0 : i32
      %scan3A_41 = arith.constant 4096 : i32
      %scan3A_42 = arith.addi %scan3A_40, %scan3A_41 : i32
      %scan3A_43 = arith.constant 1 : i32
      %scan3A_44 = scf.for %scan3A_58 = %scan3A_40 to %scan3A_42 step %scan3A_43 iter_args(%scan3A_59 = %scan3A) -> (i32)  : i32 {
        %sub3A = arith.constant 8191 : i32
        %sub3A_60 = arith.subi %sub3A, %scan3A_58 : i32
        %broadcast_in_dim3A = vector.broadcast %sub3A_60 : i32 to vector<16xi32>
        %gather3A = tpu.vector_load_idx %arg6[%broadcast_in_dim3A] : memref<40832xi32, #tpu.memory_space<vmem>>[vector<16xi32>], vector<16xi32>,
        %broadcast_in_dim3A_61 = arith.constant 0 : i32
        %broadcast_in_dim3A_62 = vector.broadcast %broadcast_in_dim3A_61 : i32 to vector<16xi32>
        %add3A = arith.addi %broadcast_in_dim3A_62, %gather3A : vector<16xi32>
        %gather3A_63 = tpu.vector_load_idx %arg6[%add3A] : memref<40832xi32, #tpu.memory_space<vmem>>[vector<16xi32>], vector<16xi32>,
        %broadcast_in_dim3A_64 = arith.constant 65536 : i32
        %broadcast_in_dim3A_65 = vector.broadcast %broadcast_in_dim3A_64 : i32 to vector<16xi32>
        %add3A_66 = arith.addi %broadcast_in_dim3A_65, %gather3A : vector<16xi32>
        %gather3A_67 = tpu.vector_load_idx %arg7[%add3A_66] : memref<73728xf32, #tpu.memory_space<vmem>>[vector<16xi32>], vector<16xf32>,
        %broadcast_in_dim3A_68 = arith.constant 0 : i32
        %broadcast_in_dim3A_69 = vector.broadcast %broadcast_in_dim3A_68 : i32 to vector<16xi32>
        %mul3A = arith.constant 16 : i32
        %mul3A_70 = vector.broadcast %mul3A : i32 to vector<16xi32>
        %mul3A_71 = arith.muli %gather3A, %mul3A_70 : vector<16xi32>
        %add3A_72 = arith.addi %broadcast_in_dim3A_69, %mul3A_71 : vector<16xi32>
        %add3A_73 = arith.addi %add3A_72, %iota3A : vector<16xi32>
        %gather3A_74 = tpu.vector_load_idx %arg7[%add3A_73] : memref<73728xf32, #tpu.memory_space<vmem>>[vector<16xi32>], vector<16xf32>,
        %broadcast_in_dim3A_75 = arith.constant 0 : i32
        %broadcast_in_dim3A_76 = vector.broadcast %broadcast_in_dim3A_75 : i32 to vector<16xi32>
        %mul3A_77 = arith.constant 16 : i32
        %mul3A_78 = vector.broadcast %mul3A_77 : i32 to vector<16xi32>
        %mul3A_79 = arith.muli %gather3A_63, %mul3A_78 : vector<16xi32>
        %add3A_80 = arith.addi %broadcast_in_dim3A_76, %mul3A_79 : vector<16xi32>
        %add3A_81 = arith.addi %add3A_80, %iota3A : vector<16xi32>
        %mul3A_82 = arith.mulf %gather3A_67, %gather3A_74 : vector<16xf32>
        tpu.vector_store_idx %arg7[%add3A_81], %mul3A_82 {add = true} : memref<73728xf32, #tpu.memory_space<vmem>>[vector<16xi32>], vector<16xf32>,
        %scan3A_83 = arith.constant 0 : i32
        scf.yield %scan3A_83 : i32
      }
      %scan3A_45 = arith.constant 4096 : i32
      %scan3A_46 = arith.constant 0 : i32
      %scan3A_47 = arith.constant 0 : i32
      %scan3A_48 = arith.constant 4096 : i32
      %scan3A_49 = arith.addi %scan3A_47, %scan3A_48 : i32
      %scan3A_50 = arith.constant 1 : i32
      %scan3A_51 = scf.for %scan3A_58 = %scan3A_47 to %scan3A_49 step %scan3A_50 iter_args(%scan3A_59 = %scan3A_46) -> (i32)  : i32 {
        %add3A = arith.constant 4096 : i32
        %add3A_60 = arith.addi %add3A, %scan3A_58 : i32
        %broadcast_in_dim3A = vector.broadcast %add3A_60 : i32 to vector<16xi32>
        %gather3A = tpu.vector_load_idx %arg6[%broadcast_in_dim3A] : memref<40832xi32, #tpu.memory_space<vmem>>[vector<16xi32>], vector<16xi32>,
        %broadcast_in_dim3A_61 = arith.constant 0 : i32
        %broadcast_in_dim3A_62 = vector.broadcast %broadcast_in_dim3A_61 : i32 to vector<16xi32>
        %add3A_63 = arith.addi %broadcast_in_dim3A_62, %gather3A : vector<16xi32>
        %gather3A_64 = tpu.vector_load_idx %arg6[%add3A_63] : memref<40832xi32, #tpu.memory_space<vmem>>[vector<16xi32>], vector<16xi32>,
        %broadcast_in_dim3A_65 = arith.constant 65536 : i32
        %broadcast_in_dim3A_66 = vector.broadcast %broadcast_in_dim3A_65 : i32 to vector<16xi32>
        %add3A_67 = arith.addi %broadcast_in_dim3A_66, %gather3A : vector<16xi32>
        %gather3A_68 = tpu.vector_load_idx %arg7[%add3A_67] : memref<73728xf32, #tpu.memory_space<vmem>>[vector<16xi32>], vector<16xf32>,
        %broadcast_in_dim3A_69 = arith.constant 0 : i32
        %broadcast_in_dim3A_70 = vector.broadcast %broadcast_in_dim3A_69 : i32 to vector<16xi32>
        %mul3A = arith.constant 16 : i32
        %mul3A_71 = vector.broadcast %mul3A : i32 to vector<16xi32>
        %mul3A_72 = arith.muli %gather3A, %mul3A_71 : vector<16xi32>
        %add3A_73 = arith.addi %broadcast_in_dim3A_70, %mul3A_72 : vector<16xi32>
        %add3A_74 = arith.addi %add3A_73, %iota3A : vector<16xi32>
        %gather3A_75 = tpu.vector_load_idx %arg7[%add3A_74] : memref<73728xf32, #tpu.memory_space<vmem>>[vector<16xi32>], vector<16xf32>,
        %broadcast_in_dim3A_76 = arith.constant 0 : i32
        %broadcast_in_dim3A_77 = vector.broadcast %broadcast_in_dim3A_76 : i32 to vector<16xi32>
        %mul3A_78 = arith.constant 16 : i32
        %mul3A_79 = vector.broadcast %mul3A_78 : i32 to vector<16xi32>
        %mul3A_80 = arith.muli %gather3A_64, %mul3A_79 : vector<16xi32>
        %add3A_81 = arith.addi %broadcast_in_dim3A_77, %mul3A_80 : vector<16xi32>
        %add3A_82 = arith.addi %add3A_81, %iota3A : vector<16xi32>
        %gather3A_83 = tpu.vector_load_idx %arg7[%add3A_82] : memref<73728xf32, #tpu.memory_space<vmem>>[vector<16xi32>], vector<16xf32>,
        %broadcast_in_dim3A_84 = arith.constant 0 : i32
        %broadcast_in_dim3A_85 = vector.broadcast %broadcast_in_dim3A_84 : i32 to vector<16xi32>
        %mul3A_86 = arith.constant 16 : i32
        %mul3A_87 = vector.broadcast %mul3A_86 : i32 to vector<16xi32>
        %mul3A_88 = arith.muli %gather3A, %mul3A_87 : vector<16xi32>
        %add3A_89 = arith.addi %broadcast_in_dim3A_85, %mul3A_88 : vector<16xi32>
        %add3A_90 = arith.addi %add3A_89, %iota3A : vector<16xi32>
        %mul3A_91 = arith.mulf %gather3A_68, %gather3A_75 : vector<16xf32>
        %sub3A = arith.subf %gather3A_83, %mul3A_91 : vector<16xf32>
        %mul3A_92 = arith.mulf %gather3A_68, %sub3A : vector<16xf32>
        %add3A_93 = arith.addf %gather3A_75, %mul3A_92 : vector<16xf32>
        tpu.vector_store_idx %arg7[%add3A_90], %add3A_93 : memref<73728xf32, #tpu.memory_space<vmem>>[vector<16xi32>], vector<16xf32>,
        %scan3A_94 = arith.constant 0 : i32
        scf.yield %scan3A_94 : i32
      }
      %scan3A_52 = arith.constant 4096 : i32
      %eq3A_53 = arith.constant 1 : i32
      %eq3A_54 = arith.cmpi eq, %arg1, %eq3A_53 : i32
      %convert_element_type3A_55 = arith.extui %eq3A_54 : i1 to i32
      %cond3A_56 = arith.constant 0 : i32
      %cond3A_57 = arith.cmpi ne, %convert_element_type3A_55, %cond3A_56 : i32
      scf.if %cond3A_57 {
        %scan3A_58 = arith.constant 0 : i32
        %scan3A_59 = arith.constant 0 : i32
        %scan3A_60 = arith.constant 256 : i32
        %scan3A_61 = arith.addi %scan3A_59, %scan3A_60 : i32
        %scan3A_62 = arith.constant 1 : i32
        %scan3A_63 = scf.for %scan3A_65 = %scan3A_59 to %scan3A_61 step %scan3A_62 iter_args(%scan3A_66 = %scan3A_58) -> (i32)  : i32 {
          %mul3A = arith.constant 16 : i32
          %mul3A_67 = arith.muli %scan3A_65, %mul3A : i32
          %broadcast_in_dim3A = vector.broadcast %mul3A_67 : i32 to vector<16xi32>
          %add3A = arith.addi %broadcast_in_dim3A, %iota3A : vector<16xi32>
          %broadcast_in_dim3A_68 = arith.constant 69632 : i32
          %broadcast_in_dim3A_69 = vector.broadcast %broadcast_in_dim3A_68 : i32 to vector<16xi32>
          %add3A_70 = arith.addi %broadcast_in_dim3A_69, %add3A : vector<16xi32>
          %broadcast_in_dim3A_71 = arith.constant 0 : i32
          %broadcast_in_dim3A_72 = vector.broadcast %broadcast_in_dim3A_71 : i32 to vector<16xi32>
          %mul3A_73 = arith.constant 16 : i32
          %mul3A_74 = vector.broadcast %mul3A_73 : i32 to vector<16xi32>
          %mul3A_75 = arith.muli %add3A, %mul3A_74 : vector<16xi32>
          %add3A_76 = arith.addi %broadcast_in_dim3A_72, %mul3A_75 : vector<16xi32>
          %add3A_77 = arith.constant 5 : i32
          %add3A_78 = vector.broadcast %add3A_77 : i32 to vector<16xi32>
          %add3A_79 = arith.addi %add3A_76, %add3A_78 : vector<16xi32>
          %gather3A = tpu.vector_load_idx %arg7[%add3A_79] : memref<73728xf32, #tpu.memory_space<vmem>>[vector<16xi32>], vector<16xf32>,
          tpu.vector_store_idx %arg7[%add3A_70], %gather3A : memref<73728xf32, #tpu.memory_space<vmem>>[vector<16xi32>], vector<16xf32>,
          %scan3A_80 = arith.constant 0 : i32
          scf.yield %scan3A_80 : i32
        }
        %scan3A_64 = arith.constant 256 : i32
        "tpu.region"() ({
          %run_scoped3A_65 = tpu.sem_alloc : memref<!tpu.dma_semaphore, #tpu.memory_space<semaphore_mem>>
          %dma_start3A = arith.constant 69632 : i32
          %dma_start3A_66 = tpu.memref_slice %arg7[%dma_start3A] : memref<73728xf32, #tpu.memory_space<vmem>> -> memref<4096xf32, #tpu.memory_space<vmem>>
          %dma_start3A_67 = arith.constant 69632 : i32
          %dma_start3A_68 = tpu.memref_slice %arg7[%dma_start3A_67] : memref<73728xf32, #tpu.memory_space<vmem>> -> memref<4096xf32, #tpu.memory_space<vmem>>
          tpu.enqueue_dma source(%dma_start3A_68 : memref<4096xf32, #tpu.memory_space<vmem>>) target(%arg11 : memref<4096xf32, #tpu.memory_space<vmem_shared>>) target_semaphore(%run_scoped3A_65 : memref<!tpu.dma_semaphore, #tpu.memory_space<semaphore_mem>>)
          %dma_wait3A = arith.constant 69632 : i32
          %dma_wait3A_69 = tpu.memref_slice %arg7[%dma_wait3A] : memref<73728xf32, #tpu.memory_space<vmem>> -> memref<4096xf32, #tpu.memory_space<vmem>>
          %dma_wait3A_70 = arith.constant 69632 : i32
          %dma_wait3A_71 = tpu.memref_slice %arg7[%dma_wait3A_70] : memref<73728xf32, #tpu.memory_space<vmem>> -> memref<4096xf32, #tpu.memory_space<vmem>>
          tpu.wait_dma2 semaphore(%run_scoped3A_65 : memref<!tpu.dma_semaphore, #tpu.memory_space<semaphore_mem>>) src(%dma_wait3A_71 : memref<4096xf32, #tpu.memory_space<vmem>>) dst(%arg11 : memref<4096xf32, #tpu.memory_space<vmem_shared>>)
          tpu.yield
        }) : () -> ()
      } else {
      }
    } else {
    }
    %barrier3A_26 = arith.constant 0 : index
    tpu.barrier barrier_id(%barrier3A_26)
    %lt3A_27 = arith.constant 2 : i32
    %lt3A_28 = arith.cmpi slt, %arg1, %lt3A_27 : i32
    %convert_element_type3A_29 = arith.extui %lt3A_28 : i1 to i32
    %cond3A_30 = arith.constant 0 : i32
    %cond3A_31 = arith.cmpi ne, %convert_element_type3A_29, %cond3A_30 : i32
    scf.if %cond3A_31 {
      "tpu.region"() ({
        %run_scoped3A = tpu.sem_alloc : memref<!tpu.dma_semaphore, #tpu.memory_space<semaphore_mem>>
        %dma_start3A = arith.constant 69632 : i32
        %dma_start3A_44 = tpu.memref_slice %arg7[%dma_start3A] : memref<73728xf32, #tpu.memory_space<vmem>> -> memref<4096xf32, #tpu.memory_space<vmem>>
        %dma_start3A_45 = arith.constant 69632 : i32
        %dma_start3A_46 = tpu.memref_slice %arg7[%dma_start3A_45] : memref<73728xf32, #tpu.memory_space<vmem>> -> memref<4096xf32, #tpu.memory_space<vmem>>
        tpu.enqueue_dma source(%arg11 : memref<4096xf32, #tpu.memory_space<vmem_shared>>) target(%dma_start3A_46 : memref<4096xf32, #tpu.memory_space<vmem>>) target_semaphore(%run_scoped3A : memref<!tpu.dma_semaphore, #tpu.memory_space<semaphore_mem>>)
        %dma_wait3A = arith.constant 69632 : i32
        %dma_wait3A_47 = tpu.memref_slice %arg7[%dma_wait3A] : memref<73728xf32, #tpu.memory_space<vmem>> -> memref<4096xf32, #tpu.memory_space<vmem>>
        %dma_wait3A_48 = arith.constant 69632 : i32
        %dma_wait3A_49 = tpu.memref_slice %arg7[%dma_wait3A_48] : memref<73728xf32, #tpu.memory_space<vmem>> -> memref<4096xf32, #tpu.memory_space<vmem>>
        tpu.wait_dma2 semaphore(%run_scoped3A : memref<!tpu.dma_semaphore, #tpu.memory_space<semaphore_mem>>) src(%arg11 : memref<4096xf32, #tpu.memory_space<vmem_shared>>) dst(%dma_wait3A_49 : memref<4096xf32, #tpu.memory_space<vmem>>)
        tpu.yield
      }) : () -> ()
      %scan3A = arith.constant 0 : i32
      %scan3A_38 = arith.constant 0 : i32
      %scan3A_39 = arith.constant 4096 : i32
      %scan3A_40 = arith.addi %scan3A_38, %scan3A_39 : i32
      %scan3A_41 = arith.constant 1 : i32
      %scan3A_42 = scf.for %scan3A_44 = %scan3A_38 to %scan3A_40 step %scan3A_41 iter_args(%scan3A_45 = %scan3A) -> (i32)  : i32 {
        %add3A = arith.constant 69632 : i32
        %add3A_46 = arith.addi %add3A, %scan3A_44 : i32
        %broadcast_in_dim3A = vector.broadcast %add3A_46 : i32 to vector<16xi32>
        %gather3A = tpu.vector_load_idx %arg7[%broadcast_in_dim3A] : memref<73728xf32, #tpu.memory_space<vmem>>[vector<16xi32>], vector<16xf32>,
        %max3A = arith.constant 9.99999996E-13 : f32
        %max3A_47 = vector.broadcast %max3A : f32 to vector<16xf32>
        %max3A_48 = arith.maximumf %gather3A, %max3A_47 : vector<16xf32>
        %mul3A = arith.constant 16 : i32
        %mul3A_49 = arith.muli %scan3A_44, %mul3A : i32
        %add3A_50 = arith.constant 0 : i32
        %add3A_51 = arith.addi %add3A_50, %mul3A_49 : i32
        %broadcast_in_dim3A_52 = vector.broadcast %add3A_51 : i32 to vector<16xi32>
        %add3A_53 = arith.addi %broadcast_in_dim3A_52, %iota3A : vector<16xi32>
        %gather3A_54 = tpu.vector_load_idx %arg7[%add3A_53] : memref<73728xf32, #tpu.memory_space<vmem>>[vector<16xi32>], vector<16xf32>,
        %div3A = arith.divf %gather3A_54, %max3A_48 : vector<16xf32>
        %eq3A_55 = arith.constant 1 : i32
        %eq3A_56 = arith.cmpi eq, %arg1, %eq3A_55 : i32
        %eq3A_57 = arith.constant 5 : i32
        %eq3A_58 = vector.broadcast %eq3A_57 : i32 to vector<16xi32>
        %eq3A_59 = arith.cmpi eq, %iota3A, %eq3A_58 : vector<16xi32>
        %lt3A_60 = arith.constant 5 : i32
        %lt3A_61 = vector.broadcast %lt3A_60 : i32 to vector<16xi32>
        %lt3A_62 = arith.cmpi slt, %iota3A, %lt3A_61 : vector<16xi32>
        %jit3A = arith.constant 0.000000e+00 : f32
        %broadcast_in_dim3A_63 = vector.broadcast %jit3A : f32 to vector<16xf32>
        %select_n3A = arith.select %lt3A_62, %div3A, %broadcast_in_dim3A_63 : vector<16xi1>, vector<16xf32>
        %jit3A_64 = arith.constant 1.000000e+00 : f32
        %broadcast_in_dim3A_65 = vector.broadcast %jit3A_64 : f32 to vector<16xf32>
        %select_n3A_66 = arith.select %eq3A_59, %broadcast_in_dim3A_65, %select_n3A : vector<16xi1>, vector<16xf32>
        %select_n3A_67 = arith.select %eq3A_56, %select_n3A_66, %div3A : vector<16xf32>
        tpu.vector_store_idx %arg7[%add3A_53], %select_n3A_67 : memref<73728xf32, #tpu.memory_space<vmem>>[vector<16xi32>], vector<16xf32>,
        %scan3A_68 = arith.constant 0 : i32
        scf.yield %scan3A_68 : i32
      }
      %scan3A_43 = arith.constant 4096 : i32
    } else {
    }
    %barrier3A_32 = arith.constant 0 : index
    tpu.barrier barrier_id(%barrier3A_32)
    %lt3A_33 = arith.constant 2 : i32
    %lt3A_34 = arith.cmpi slt, %arg1, %lt3A_33 : i32
    %convert_element_type3A_35 = arith.extui %lt3A_34 : i1 to i32
    %cond3A_36 = arith.constant 0 : i32
    %cond3A_37 = arith.cmpi ne, %convert_element_type3A_35, %cond3A_36 : i32
    scf.if %cond3A_37 {
      "tpu.region"() ({
        %run_scoped3A = tpu.sem_alloc : memref<!tpu.dma_semaphore, #tpu.memory_space<semaphore_mem>>
        %dma_start3A = arith.constant 0 : i32
        %dma_start3A_38 = tpu.memref_slice %arg7[%dma_start3A] : memref<73728xf32, #tpu.memory_space<vmem>> -> memref<65536xf32, #tpu.memory_space<vmem>>
        %dma_start3A_39 = arith.constant 0 : i32
        %dma_start3A_40 = tpu.memref_slice %arg5[%arg0, %arg1, %dma_start3A_39] : memref<2x2x65536xf32, #tpu.memory_space<hbm>> -> memref<1x1x65536xf32, #tpu.memory_space<hbm>>
        %dma_start3A_41 = tpu.memref_squeeze %dma_start3A_40 : memref<1x1x65536xf32, #tpu.memory_space<hbm>> -> memref<65536xf32, #tpu.memory_space<hbm>>
        %dma_start3A_42 = arith.constant 0 : i32
        %dma_start3A_43 = tpu.memref_slice %arg5[%arg0, %arg1, %dma_start3A_42] : memref<2x2x65536xf32, #tpu.memory_space<hbm>> -> memref<1x1x65536xf32, #tpu.memory_space<hbm>>
        %dma_start3A_44 = tpu.memref_squeeze %dma_start3A_43 : memref<1x1x65536xf32, #tpu.memory_space<hbm>> -> memref<65536xf32, #tpu.memory_space<hbm>>
        %dma_start3A_45 = arith.constant 0 : i32
        %dma_start3A_46 = tpu.memref_slice %arg7[%dma_start3A_45] : memref<73728xf32, #tpu.memory_space<vmem>> -> memref<65536xf32, #tpu.memory_space<vmem>>
        tpu.enqueue_dma source(%dma_start3A_46 : memref<65536xf32, #tpu.memory_space<vmem>>) target(%dma_start3A_44 : memref<65536xf32, #tpu.memory_space<hbm>>) target_semaphore(%run_scoped3A : memref<!tpu.dma_semaphore, #tpu.memory_space<semaphore_mem>>)
        %dma_wait3A = arith.constant 0 : i32
        %dma_wait3A_47 = tpu.memref_slice %arg7[%dma_wait3A] : memref<73728xf32, #tpu.memory_space<vmem>> -> memref<65536xf32, #tpu.memory_space<vmem>>
        %dma_wait3A_48 = arith.constant 0 : i32
        %dma_wait3A_49 = tpu.memref_slice %arg5[%arg0, %arg1, %dma_wait3A_48] : memref<2x2x65536xf32, #tpu.memory_space<hbm>> -> memref<1x1x65536xf32, #tpu.memory_space<hbm>>
        %dma_wait3A_50 = tpu.memref_squeeze %dma_wait3A_49 : memref<1x1x65536xf32, #tpu.memory_space<hbm>> -> memref<65536xf32, #tpu.memory_space<hbm>>
        %dma_wait3A_51 = arith.constant 0 : i32
        %dma_wait3A_52 = tpu.memref_slice %arg5[%arg0, %arg1, %dma_wait3A_51] : memref<2x2x65536xf32, #tpu.memory_space<hbm>> -> memref<1x1x65536xf32, #tpu.memory_space<hbm>>
        %dma_wait3A_53 = tpu.memref_squeeze %dma_wait3A_52 : memref<1x1x65536xf32, #tpu.memory_space<hbm>> -> memref<65536xf32, #tpu.memory_space<hbm>>
        %dma_wait3A_54 = arith.constant 0 : i32
        %dma_wait3A_55 = tpu.memref_slice %arg7[%dma_wait3A_54] : memref<73728xf32, #tpu.memory_space<vmem>> -> memref<65536xf32, #tpu.memory_space<vmem>>
        tpu.wait_dma2 semaphore(%run_scoped3A : memref<!tpu.dma_semaphore, #tpu.memory_space<semaphore_mem>>) src(%dma_wait3A_55 : memref<65536xf32, #tpu.memory_space<vmem>>) dst(%dma_wait3A_53 : memref<65536xf32, #tpu.memory_space<hbm>>)
        tpu.yield
      }) : () -> ()
    } else {
    }
    return
  }
}

module attributes {stable_mosaic.version = 14 : i64} {
  func.func @_edge_weight_kernel(%arg0: memref<256x64x64xf32, #tpu.memory_space<vmem>>, %arg1: memref<64x63xf32, #tpu.memory_space<vmem>>, %arg2: memref<63x64xf32, #tpu.memory_space<vmem>>) attributes {dimension_semantics = [], scalar_prefetch = 0 : i64, scratch_operands = 0 : i64, tpu.core_type = #tpu.core_type<tc>} {
    %get3A = arith.constant 0 : index
    %get3A_0 = arith.constant 0 : index
    %get3A_1 = arith.constant 0 : index
    %get3A_2 = vector.load %arg0[%get3A, %get3A_0, %get3A_1] : memref<256x64x64xf32, #tpu.memory_space<vmem>>, vector<256x64x64xf32>
    %slice3A = vector.extract_strided_slice %get3A_2 {offsets = [0, 0, 0], sizes = [256, 64, 63], strides = [1, 1, 1]} : vector<256x64x64xf32> to vector<256x64x63xf32>
    %slice3A_3 = vector.extract_strided_slice %get3A_2 {offsets = [0, 0, 1], sizes = [256, 64, 63], strides = [1, 1, 1]} : vector<256x64x64xf32> to vector<256x64x63xf32>
    %sub3A = arith.subf %slice3A, %slice3A_3 : vector<256x64x63xf32>
    %slice3A_4 = vector.extract_strided_slice %get3A_2 {offsets = [0, 0, 0], sizes = [256, 63, 64], strides = [1, 1, 1]} : vector<256x64x64xf32> to vector<256x63x64xf32>
    %slice3A_5 = vector.extract_strided_slice %get3A_2 {offsets = [0, 1, 0], sizes = [256, 63, 64], strides = [1, 1, 1]} : vector<256x64x64xf32> to vector<256x63x64xf32>
    %sub3A_6 = arith.subf %slice3A_4, %slice3A_5 : vector<256x63x64xf32>
    %mul3A = arith.mulf %sub3A, %sub3A : vector<256x64x63xf32>
    %mul3A_7 = arith.mulf %sub3A_6, %sub3A_6 : vector<256x63x64xf32>
    %slice3A_8 = vector.extract_strided_slice %mul3A {offsets = [0, 0, 0], sizes = [1, 64, 63], strides = [1, 1, 1]} : vector<256x64x63xf32> to vector<1x64x63xf32>
    %squeeze3A = vector.shape_cast %slice3A_8 : vector<1x64x63xf32> to vector<64x63xf32>
    %slice3A_9 = vector.extract_strided_slice %mul3A {offsets = [1, 0, 0], sizes = [1, 64, 63], strides = [1, 1, 1]} : vector<256x64x63xf32> to vector<1x64x63xf32>
    %squeeze3A_10 = vector.shape_cast %slice3A_9 : vector<1x64x63xf32> to vector<64x63xf32>
    %slice3A_11 = vector.extract_strided_slice %mul3A {offsets = [2, 0, 0], sizes = [1, 64, 63], strides = [1, 1, 1]} : vector<256x64x63xf32> to vector<1x64x63xf32>
    %squeeze3A_12 = vector.shape_cast %slice3A_11 : vector<1x64x63xf32> to vector<64x63xf32>
    %slice3A_13 = vector.extract_strided_slice %mul3A {offsets = [3, 0, 0], sizes = [1, 64, 63], strides = [1, 1, 1]} : vector<256x64x63xf32> to vector<1x64x63xf32>
    %squeeze3A_14 = vector.shape_cast %slice3A_13 : vector<1x64x63xf32> to vector<64x63xf32>
    %slice3A_15 = vector.extract_strided_slice %mul3A {offsets = [4, 0, 0], sizes = [1, 64, 63], strides = [1, 1, 1]} : vector<256x64x63xf32> to vector<1x64x63xf32>
    %squeeze3A_16 = vector.shape_cast %slice3A_15 : vector<1x64x63xf32> to vector<64x63xf32>
    %slice3A_17 = vector.extract_strided_slice %mul3A {offsets = [5, 0, 0], sizes = [1, 64, 63], strides = [1, 1, 1]} : vector<256x64x63xf32> to vector<1x64x63xf32>
    %squeeze3A_18 = vector.shape_cast %slice3A_17 : vector<1x64x63xf32> to vector<64x63xf32>
    %slice3A_19 = vector.extract_strided_slice %mul3A {offsets = [6, 0, 0], sizes = [1, 64, 63], strides = [1, 1, 1]} : vector<256x64x63xf32> to vector<1x64x63xf32>
    %squeeze3A_20 = vector.shape_cast %slice3A_19 : vector<1x64x63xf32> to vector<64x63xf32>
    %slice3A_21 = vector.extract_strided_slice %mul3A {offsets = [7, 0, 0], sizes = [1, 64, 63], strides = [1, 1, 1]} : vector<256x64x63xf32> to vector<1x64x63xf32>
    %squeeze3A_22 = vector.shape_cast %slice3A_21 : vector<1x64x63xf32> to vector<64x63xf32>
    %slice3A_23 = vector.extract_strided_slice %mul3A {offsets = [8, 0, 0], sizes = [1, 64, 63], strides = [1, 1, 1]} : vector<256x64x63xf32> to vector<1x64x63xf32>
    %squeeze3A_24 = vector.shape_cast %slice3A_23 : vector<1x64x63xf32> to vector<64x63xf32>
    %add3A = arith.addf %squeeze3A, %squeeze3A_24 : vector<64x63xf32>
    %slice3A_25 = vector.extract_strided_slice %mul3A {offsets = [9, 0, 0], sizes = [1, 64, 63], strides = [1, 1, 1]} : vector<256x64x63xf32> to vector<1x64x63xf32>
    %squeeze3A_26 = vector.shape_cast %slice3A_25 : vector<1x64x63xf32> to vector<64x63xf32>
    %add3A_27 = arith.addf %squeeze3A_10, %squeeze3A_26 : vector<64x63xf32>
    %slice3A_28 = vector.extract_strided_slice %mul3A {offsets = [10, 0, 0], sizes = [1, 64, 63], strides = [1, 1, 1]} : vector<256x64x63xf32> to vector<1x64x63xf32>
    %squeeze3A_29 = vector.shape_cast %slice3A_28 : vector<1x64x63xf32> to vector<64x63xf32>
    %add3A_30 = arith.addf %squeeze3A_12, %squeeze3A_29 : vector<64x63xf32>
    %slice3A_31 = vector.extract_strided_slice %mul3A {offsets = [11, 0, 0], sizes = [1, 64, 63], strides = [1, 1, 1]} : vector<256x64x63xf32> to vector<1x64x63xf32>
    %squeeze3A_32 = vector.shape_cast %slice3A_31 : vector<1x64x63xf32> to vector<64x63xf32>
    %add3A_33 = arith.addf %squeeze3A_14, %squeeze3A_32 : vector<64x63xf32>
    %slice3A_34 = vector.extract_strided_slice %mul3A {offsets = [12, 0, 0], sizes = [1, 64, 63], strides = [1, 1, 1]} : vector<256x64x63xf32> to vector<1x64x63xf32>
    %squeeze3A_35 = vector.shape_cast %slice3A_34 : vector<1x64x63xf32> to vector<64x63xf32>
    %add3A_36 = arith.addf %squeeze3A_16, %squeeze3A_35 : vector<64x63xf32>
    %slice3A_37 = vector.extract_strided_slice %mul3A {offsets = [13, 0, 0], sizes = [1, 64, 63], strides = [1, 1, 1]} : vector<256x64x63xf32> to vector<1x64x63xf32>
    %squeeze3A_38 = vector.shape_cast %slice3A_37 : vector<1x64x63xf32> to vector<64x63xf32>
    %add3A_39 = arith.addf %squeeze3A_18, %squeeze3A_38 : vector<64x63xf32>
    %slice3A_40 = vector.extract_strided_slice %mul3A {offsets = [14, 0, 0], sizes = [1, 64, 63], strides = [1, 1, 1]} : vector<256x64x63xf32> to vector<1x64x63xf32>
    %squeeze3A_41 = vector.shape_cast %slice3A_40 : vector<1x64x63xf32> to vector<64x63xf32>
    %add3A_42 = arith.addf %squeeze3A_20, %squeeze3A_41 : vector<64x63xf32>
    %slice3A_43 = vector.extract_strided_slice %mul3A {offsets = [15, 0, 0], sizes = [1, 64, 63], strides = [1, 1, 1]} : vector<256x64x63xf32> to vector<1x64x63xf32>
    %squeeze3A_44 = vector.shape_cast %slice3A_43 : vector<1x64x63xf32> to vector<64x63xf32>
    %add3A_45 = arith.addf %squeeze3A_22, %squeeze3A_44 : vector<64x63xf32>
    %slice3A_46 = vector.extract_strided_slice %mul3A {offsets = [16, 0, 0], sizes = [1, 64, 63], strides = [1, 1, 1]} : vector<256x64x63xf32> to vector<1x64x63xf32>
    %squeeze3A_47 = vector.shape_cast %slice3A_46 : vector<1x64x63xf32> to vector<64x63xf32>
    %add3A_48 = arith.addf %add3A, %squeeze3A_47 : vector<64x63xf32>
    %slice3A_49 = vector.extract_strided_slice %mul3A {offsets = [17, 0, 0], sizes = [1, 64, 63], strides = [1, 1, 1]} : vector<256x64x63xf32> to vector<1x64x63xf32>
    %squeeze3A_50 = vector.shape_cast %slice3A_49 : vector<1x64x63xf32> to vector<64x63xf32>
    %add3A_51 = arith.addf %add3A_27, %squeeze3A_50 : vector<64x63xf32>
    %slice3A_52 = vector.extract_strided_slice %mul3A {offsets = [18, 0, 0], sizes = [1, 64, 63], strides = [1, 1, 1]} : vector<256x64x63xf32> to vector<1x64x63xf32>
    %squeeze3A_53 = vector.shape_cast %slice3A_52 : vector<1x64x63xf32> to vector<64x63xf32>
    %add3A_54 = arith.addf %add3A_30, %squeeze3A_53 : vector<64x63xf32>
    %slice3A_55 = vector.extract_strided_slice %mul3A {offsets = [19, 0, 0], sizes = [1, 64, 63], strides = [1, 1, 1]} : vector<256x64x63xf32> to vector<1x64x63xf32>
    %squeeze3A_56 = vector.shape_cast %slice3A_55 : vector<1x64x63xf32> to vector<64x63xf32>
    %add3A_57 = arith.addf %add3A_33, %squeeze3A_56 : vector<64x63xf32>
    %slice3A_58 = vector.extract_strided_slice %mul3A {offsets = [20, 0, 0], sizes = [1, 64, 63], strides = [1, 1, 1]} : vector<256x64x63xf32> to vector<1x64x63xf32>
    %squeeze3A_59 = vector.shape_cast %slice3A_58 : vector<1x64x63xf32> to vector<64x63xf32>
    %add3A_60 = arith.addf %add3A_36, %squeeze3A_59 : vector<64x63xf32>
    %slice3A_61 = vector.extract_strided_slice %mul3A {offsets = [21, 0, 0], sizes = [1, 64, 63], strides = [1, 1, 1]} : vector<256x64x63xf32> to vector<1x64x63xf32>
    %squeeze3A_62 = vector.shape_cast %slice3A_61 : vector<1x64x63xf32> to vector<64x63xf32>
    %add3A_63 = arith.addf %add3A_39, %squeeze3A_62 : vector<64x63xf32>
    %slice3A_64 = vector.extract_strided_slice %mul3A {offsets = [22, 0, 0], sizes = [1, 64, 63], strides = [1, 1, 1]} : vector<256x64x63xf32> to vector<1x64x63xf32>
    %squeeze3A_65 = vector.shape_cast %slice3A_64 : vector<1x64x63xf32> to vector<64x63xf32>
    %add3A_66 = arith.addf %add3A_42, %squeeze3A_65 : vector<64x63xf32>
    %slice3A_67 = vector.extract_strided_slice %mul3A {offsets = [23, 0, 0], sizes = [1, 64, 63], strides = [1, 1, 1]} : vector<256x64x63xf32> to vector<1x64x63xf32>
    %squeeze3A_68 = vector.shape_cast %slice3A_67 : vector<1x64x63xf32> to vector<64x63xf32>
    %add3A_69 = arith.addf %add3A_45, %squeeze3A_68 : vector<64x63xf32>
    %slice3A_70 = vector.extract_strided_slice %mul3A {offsets = [24, 0, 0], sizes = [1, 64, 63], strides = [1, 1, 1]} : vector<256x64x63xf32> to vector<1x64x63xf32>
    %squeeze3A_71 = vector.shape_cast %slice3A_70 : vector<1x64x63xf32> to vector<64x63xf32>
    %add3A_72 = arith.addf %add3A_48, %squeeze3A_71 : vector<64x63xf32>
    %slice3A_73 = vector.extract_strided_slice %mul3A {offsets = [25, 0, 0], sizes = [1, 64, 63], strides = [1, 1, 1]} : vector<256x64x63xf32> to vector<1x64x63xf32>
    %squeeze3A_74 = vector.shape_cast %slice3A_73 : vector<1x64x63xf32> to vector<64x63xf32>
    %add3A_75 = arith.addf %add3A_51, %squeeze3A_74 : vector<64x63xf32>
    %slice3A_76 = vector.extract_strided_slice %mul3A {offsets = [26, 0, 0], sizes = [1, 64, 63], strides = [1, 1, 1]} : vector<256x64x63xf32> to vector<1x64x63xf32>
    %squeeze3A_77 = vector.shape_cast %slice3A_76 : vector<1x64x63xf32> to vector<64x63xf32>
    %add3A_78 = arith.addf %add3A_54, %squeeze3A_77 : vector<64x63xf32>
    %slice3A_79 = vector.extract_strided_slice %mul3A {offsets = [27, 0, 0], sizes = [1, 64, 63], strides = [1, 1, 1]} : vector<256x64x63xf32> to vector<1x64x63xf32>
    %squeeze3A_80 = vector.shape_cast %slice3A_79 : vector<1x64x63xf32> to vector<64x63xf32>
    %add3A_81 = arith.addf %add3A_57, %squeeze3A_80 : vector<64x63xf32>
    %slice3A_82 = vector.extract_strided_slice %mul3A {offsets = [28, 0, 0], sizes = [1, 64, 63], strides = [1, 1, 1]} : vector<256x64x63xf32> to vector<1x64x63xf32>
    %squeeze3A_83 = vector.shape_cast %slice3A_82 : vector<1x64x63xf32> to vector<64x63xf32>
    %add3A_84 = arith.addf %add3A_60, %squeeze3A_83 : vector<64x63xf32>
    %slice3A_85 = vector.extract_strided_slice %mul3A {offsets = [29, 0, 0], sizes = [1, 64, 63], strides = [1, 1, 1]} : vector<256x64x63xf32> to vector<1x64x63xf32>
    %squeeze3A_86 = vector.shape_cast %slice3A_85 : vector<1x64x63xf32> to vector<64x63xf32>
    %add3A_87 = arith.addf %add3A_63, %squeeze3A_86 : vector<64x63xf32>
    %slice3A_88 = vector.extract_strided_slice %mul3A {offsets = [30, 0, 0], sizes = [1, 64, 63], strides = [1, 1, 1]} : vector<256x64x63xf32> to vector<1x64x63xf32>
    %squeeze3A_89 = vector.shape_cast %slice3A_88 : vector<1x64x63xf32> to vector<64x63xf32>
    %add3A_90 = arith.addf %add3A_66, %squeeze3A_89 : vector<64x63xf32>
    %slice3A_91 = vector.extract_strided_slice %mul3A {offsets = [31, 0, 0], sizes = [1, 64, 63], strides = [1, 1, 1]} : vector<256x64x63xf32> to vector<1x64x63xf32>
    %squeeze3A_92 = vector.shape_cast %slice3A_91 : vector<1x64x63xf32> to vector<64x63xf32>
    %add3A_93 = arith.addf %add3A_69, %squeeze3A_92 : vector<64x63xf32>
    %slice3A_94 = vector.extract_strided_slice %mul3A {offsets = [32, 0, 0], sizes = [1, 64, 63], strides = [1, 1, 1]} : vector<256x64x63xf32> to vector<1x64x63xf32>
    %squeeze3A_95 = vector.shape_cast %slice3A_94 : vector<1x64x63xf32> to vector<64x63xf32>
    %add3A_96 = arith.addf %add3A_72, %squeeze3A_95 : vector<64x63xf32>
    %slice3A_97 = vector.extract_strided_slice %mul3A {offsets = [33, 0, 0], sizes = [1, 64, 63], strides = [1, 1, 1]} : vector<256x64x63xf32> to vector<1x64x63xf32>
    %squeeze3A_98 = vector.shape_cast %slice3A_97 : vector<1x64x63xf32> to vector<64x63xf32>
    %add3A_99 = arith.addf %add3A_75, %squeeze3A_98 : vector<64x63xf32>
    %slice3A_100 = vector.extract_strided_slice %mul3A {offsets = [34, 0, 0], sizes = [1, 64, 63], strides = [1, 1, 1]} : vector<256x64x63xf32> to vector<1x64x63xf32>
    %squeeze3A_101 = vector.shape_cast %slice3A_100 : vector<1x64x63xf32> to vector<64x63xf32>
    %add3A_102 = arith.addf %add3A_78, %squeeze3A_101 : vector<64x63xf32>
    %slice3A_103 = vector.extract_strided_slice %mul3A {offsets = [35, 0, 0], sizes = [1, 64, 63], strides = [1, 1, 1]} : vector<256x64x63xf32> to vector<1x64x63xf32>
    %squeeze3A_104 = vector.shape_cast %slice3A_103 : vector<1x64x63xf32> to vector<64x63xf32>
    %add3A_105 = arith.addf %add3A_81, %squeeze3A_104 : vector<64x63xf32>
    %slice3A_106 = vector.extract_strided_slice %mul3A {offsets = [36, 0, 0], sizes = [1, 64, 63], strides = [1, 1, 1]} : vector<256x64x63xf32> to vector<1x64x63xf32>
    %squeeze3A_107 = vector.shape_cast %slice3A_106 : vector<1x64x63xf32> to vector<64x63xf32>
    %add3A_108 = arith.addf %add3A_84, %squeeze3A_107 : vector<64x63xf32>
    %slice3A_109 = vector.extract_strided_slice %mul3A {offsets = [37, 0, 0], sizes = [1, 64, 63], strides = [1, 1, 1]} : vector<256x64x63xf32> to vector<1x64x63xf32>
    %squeeze3A_110 = vector.shape_cast %slice3A_109 : vector<1x64x63xf32> to vector<64x63xf32>
    %add3A_111 = arith.addf %add3A_87, %squeeze3A_110 : vector<64x63xf32>
    %slice3A_112 = vector.extract_strided_slice %mul3A {offsets = [38, 0, 0], sizes = [1, 64, 63], strides = [1, 1, 1]} : vector<256x64x63xf32> to vector<1x64x63xf32>
    %squeeze3A_113 = vector.shape_cast %slice3A_112 : vector<1x64x63xf32> to vector<64x63xf32>
    %add3A_114 = arith.addf %add3A_90, %squeeze3A_113 : vector<64x63xf32>
    %slice3A_115 = vector.extract_strided_slice %mul3A {offsets = [39, 0, 0], sizes = [1, 64, 63], strides = [1, 1, 1]} : vector<256x64x63xf32> to vector<1x64x63xf32>
    %squeeze3A_116 = vector.shape_cast %slice3A_115 : vector<1x64x63xf32> to vector<64x63xf32>
    %add3A_117 = arith.addf %add3A_93, %squeeze3A_116 : vector<64x63xf32>
    %slice3A_118 = vector.extract_strided_slice %mul3A {offsets = [40, 0, 0], sizes = [1, 64, 63], strides = [1, 1, 1]} : vector<256x64x63xf32> to vector<1x64x63xf32>
    %squeeze3A_119 = vector.shape_cast %slice3A_118 : vector<1x64x63xf32> to vector<64x63xf32>
    %add3A_120 = arith.addf %add3A_96, %squeeze3A_119 : vector<64x63xf32>
    %slice3A_121 = vector.extract_strided_slice %mul3A {offsets = [41, 0, 0], sizes = [1, 64, 63], strides = [1, 1, 1]} : vector<256x64x63xf32> to vector<1x64x63xf32>
    %squeeze3A_122 = vector.shape_cast %slice3A_121 : vector<1x64x63xf32> to vector<64x63xf32>
    %add3A_123 = arith.addf %add3A_99, %squeeze3A_122 : vector<64x63xf32>
    %slice3A_124 = vector.extract_strided_slice %mul3A {offsets = [42, 0, 0], sizes = [1, 64, 63], strides = [1, 1, 1]} : vector<256x64x63xf32> to vector<1x64x63xf32>
    %squeeze3A_125 = vector.shape_cast %slice3A_124 : vector<1x64x63xf32> to vector<64x63xf32>
    %add3A_126 = arith.addf %add3A_102, %squeeze3A_125 : vector<64x63xf32>
    %slice3A_127 = vector.extract_strided_slice %mul3A {offsets = [43, 0, 0], sizes = [1, 64, 63], strides = [1, 1, 1]} : vector<256x64x63xf32> to vector<1x64x63xf32>
    %squeeze3A_128 = vector.shape_cast %slice3A_127 : vector<1x64x63xf32> to vector<64x63xf32>
    %add3A_129 = arith.addf %add3A_105, %squeeze3A_128 : vector<64x63xf32>
    %slice3A_130 = vector.extract_strided_slice %mul3A {offsets = [44, 0, 0], sizes = [1, 64, 63], strides = [1, 1, 1]} : vector<256x64x63xf32> to vector<1x64x63xf32>
    %squeeze3A_131 = vector.shape_cast %slice3A_130 : vector<1x64x63xf32> to vector<64x63xf32>
    %add3A_132 = arith.addf %add3A_108, %squeeze3A_131 : vector<64x63xf32>
    %slice3A_133 = vector.extract_strided_slice %mul3A {offsets = [45, 0, 0], sizes = [1, 64, 63], strides = [1, 1, 1]} : vector<256x64x63xf32> to vector<1x64x63xf32>
    %squeeze3A_134 = vector.shape_cast %slice3A_133 : vector<1x64x63xf32> to vector<64x63xf32>
    %add3A_135 = arith.addf %add3A_111, %squeeze3A_134 : vector<64x63xf32>
    %slice3A_136 = vector.extract_strided_slice %mul3A {offsets = [46, 0, 0], sizes = [1, 64, 63], strides = [1, 1, 1]} : vector<256x64x63xf32> to vector<1x64x63xf32>
    %squeeze3A_137 = vector.shape_cast %slice3A_136 : vector<1x64x63xf32> to vector<64x63xf32>
    %add3A_138 = arith.addf %add3A_114, %squeeze3A_137 : vector<64x63xf32>
    %slice3A_139 = vector.extract_strided_slice %mul3A {offsets = [47, 0, 0], sizes = [1, 64, 63], strides = [1, 1, 1]} : vector<256x64x63xf32> to vector<1x64x63xf32>
    %squeeze3A_140 = vector.shape_cast %slice3A_139 : vector<1x64x63xf32> to vector<64x63xf32>
    %add3A_141 = arith.addf %add3A_117, %squeeze3A_140 : vector<64x63xf32>
    %slice3A_142 = vector.extract_strided_slice %mul3A {offsets = [48, 0, 0], sizes = [1, 64, 63], strides = [1, 1, 1]} : vector<256x64x63xf32> to vector<1x64x63xf32>
    %squeeze3A_143 = vector.shape_cast %slice3A_142 : vector<1x64x63xf32> to vector<64x63xf32>
    %add3A_144 = arith.addf %add3A_120, %squeeze3A_143 : vector<64x63xf32>
    %slice3A_145 = vector.extract_strided_slice %mul3A {offsets = [49, 0, 0], sizes = [1, 64, 63], strides = [1, 1, 1]} : vector<256x64x63xf32> to vector<1x64x63xf32>
    %squeeze3A_146 = vector.shape_cast %slice3A_145 : vector<1x64x63xf32> to vector<64x63xf32>
    %add3A_147 = arith.addf %add3A_123, %squeeze3A_146 : vector<64x63xf32>
    %slice3A_148 = vector.extract_strided_slice %mul3A {offsets = [50, 0, 0], sizes = [1, 64, 63], strides = [1, 1, 1]} : vector<256x64x63xf32> to vector<1x64x63xf32>
    %squeeze3A_149 = vector.shape_cast %slice3A_148 : vector<1x64x63xf32> to vector<64x63xf32>
    %add3A_150 = arith.addf %add3A_126, %squeeze3A_149 : vector<64x63xf32>
    %slice3A_151 = vector.extract_strided_slice %mul3A {offsets = [51, 0, 0], sizes = [1, 64, 63], strides = [1, 1, 1]} : vector<256x64x63xf32> to vector<1x64x63xf32>
    %squeeze3A_152 = vector.shape_cast %slice3A_151 : vector<1x64x63xf32> to vector<64x63xf32>
    %add3A_153 = arith.addf %add3A_129, %squeeze3A_152 : vector<64x63xf32>
    %slice3A_154 = vector.extract_strided_slice %mul3A {offsets = [52, 0, 0], sizes = [1, 64, 63], strides = [1, 1, 1]} : vector<256x64x63xf32> to vector<1x64x63xf32>
    %squeeze3A_155 = vector.shape_cast %slice3A_154 : vector<1x64x63xf32> to vector<64x63xf32>
    %add3A_156 = arith.addf %add3A_132, %squeeze3A_155 : vector<64x63xf32>
    %slice3A_157 = vector.extract_strided_slice %mul3A {offsets = [53, 0, 0], sizes = [1, 64, 63], strides = [1, 1, 1]} : vector<256x64x63xf32> to vector<1x64x63xf32>
    %squeeze3A_158 = vector.shape_cast %slice3A_157 : vector<1x64x63xf32> to vector<64x63xf32>
    %add3A_159 = arith.addf %add3A_135, %squeeze3A_158 : vector<64x63xf32>
    %slice3A_160 = vector.extract_strided_slice %mul3A {offsets = [54, 0, 0], sizes = [1, 64, 63], strides = [1, 1, 1]} : vector<256x64x63xf32> to vector<1x64x63xf32>
    %squeeze3A_161 = vector.shape_cast %slice3A_160 : vector<1x64x63xf32> to vector<64x63xf32>
    %add3A_162 = arith.addf %add3A_138, %squeeze3A_161 : vector<64x63xf32>
    %slice3A_163 = vector.extract_strided_slice %mul3A {offsets = [55, 0, 0], sizes = [1, 64, 63], strides = [1, 1, 1]} : vector<256x64x63xf32> to vector<1x64x63xf32>
    %squeeze3A_164 = vector.shape_cast %slice3A_163 : vector<1x64x63xf32> to vector<64x63xf32>
    %add3A_165 = arith.addf %add3A_141, %squeeze3A_164 : vector<64x63xf32>
    %slice3A_166 = vector.extract_strided_slice %mul3A {offsets = [56, 0, 0], sizes = [1, 64, 63], strides = [1, 1, 1]} : vector<256x64x63xf32> to vector<1x64x63xf32>
    %squeeze3A_167 = vector.shape_cast %slice3A_166 : vector<1x64x63xf32> to vector<64x63xf32>
    %add3A_168 = arith.addf %add3A_144, %squeeze3A_167 : vector<64x63xf32>
    %slice3A_169 = vector.extract_strided_slice %mul3A {offsets = [57, 0, 0], sizes = [1, 64, 63], strides = [1, 1, 1]} : vector<256x64x63xf32> to vector<1x64x63xf32>
    %squeeze3A_170 = vector.shape_cast %slice3A_169 : vector<1x64x63xf32> to vector<64x63xf32>
    %add3A_171 = arith.addf %add3A_147, %squeeze3A_170 : vector<64x63xf32>
    %slice3A_172 = vector.extract_strided_slice %mul3A {offsets = [58, 0, 0], sizes = [1, 64, 63], strides = [1, 1, 1]} : vector<256x64x63xf32> to vector<1x64x63xf32>
    %squeeze3A_173 = vector.shape_cast %slice3A_172 : vector<1x64x63xf32> to vector<64x63xf32>
    %add3A_174 = arith.addf %add3A_150, %squeeze3A_173 : vector<64x63xf32>
    %slice3A_175 = vector.extract_strided_slice %mul3A {offsets = [59, 0, 0], sizes = [1, 64, 63], strides = [1, 1, 1]} : vector<256x64x63xf32> to vector<1x64x63xf32>
    %squeeze3A_176 = vector.shape_cast %slice3A_175 : vector<1x64x63xf32> to vector<64x63xf32>
    %add3A_177 = arith.addf %add3A_153, %squeeze3A_176 : vector<64x63xf32>
    %slice3A_178 = vector.extract_strided_slice %mul3A {offsets = [60, 0, 0], sizes = [1, 64, 63], strides = [1, 1, 1]} : vector<256x64x63xf32> to vector<1x64x63xf32>
    %squeeze3A_179 = vector.shape_cast %slice3A_178 : vector<1x64x63xf32> to vector<64x63xf32>
    %add3A_180 = arith.addf %add3A_156, %squeeze3A_179 : vector<64x63xf32>
    %slice3A_181 = vector.extract_strided_slice %mul3A {offsets = [61, 0, 0], sizes = [1, 64, 63], strides = [1, 1, 1]} : vector<256x64x63xf32> to vector<1x64x63xf32>
    %squeeze3A_182 = vector.shape_cast %slice3A_181 : vector<1x64x63xf32> to vector<64x63xf32>
    %add3A_183 = arith.addf %add3A_159, %squeeze3A_182 : vector<64x63xf32>
    %slice3A_184 = vector.extract_strided_slice %mul3A {offsets = [62, 0, 0], sizes = [1, 64, 63], strides = [1, 1, 1]} : vector<256x64x63xf32> to vector<1x64x63xf32>
    %squeeze3A_185 = vector.shape_cast %slice3A_184 : vector<1x64x63xf32> to vector<64x63xf32>
    %add3A_186 = arith.addf %add3A_162, %squeeze3A_185 : vector<64x63xf32>
    %slice3A_187 = vector.extract_strided_slice %mul3A {offsets = [63, 0, 0], sizes = [1, 64, 63], strides = [1, 1, 1]} : vector<256x64x63xf32> to vector<1x64x63xf32>
    %squeeze3A_188 = vector.shape_cast %slice3A_187 : vector<1x64x63xf32> to vector<64x63xf32>
    %add3A_189 = arith.addf %add3A_165, %squeeze3A_188 : vector<64x63xf32>
    %slice3A_190 = vector.extract_strided_slice %mul3A {offsets = [64, 0, 0], sizes = [1, 64, 63], strides = [1, 1, 1]} : vector<256x64x63xf32> to vector<1x64x63xf32>
    %squeeze3A_191 = vector.shape_cast %slice3A_190 : vector<1x64x63xf32> to vector<64x63xf32>
    %add3A_192 = arith.addf %add3A_168, %squeeze3A_191 : vector<64x63xf32>
    %slice3A_193 = vector.extract_strided_slice %mul3A {offsets = [65, 0, 0], sizes = [1, 64, 63], strides = [1, 1, 1]} : vector<256x64x63xf32> to vector<1x64x63xf32>
    %squeeze3A_194 = vector.shape_cast %slice3A_193 : vector<1x64x63xf32> to vector<64x63xf32>
    %add3A_195 = arith.addf %add3A_171, %squeeze3A_194 : vector<64x63xf32>
    %slice3A_196 = vector.extract_strided_slice %mul3A {offsets = [66, 0, 0], sizes = [1, 64, 63], strides = [1, 1, 1]} : vector<256x64x63xf32> to vector<1x64x63xf32>
    %squeeze3A_197 = vector.shape_cast %slice3A_196 : vector<1x64x63xf32> to vector<64x63xf32>
    %add3A_198 = arith.addf %add3A_174, %squeeze3A_197 : vector<64x63xf32>
    %slice3A_199 = vector.extract_strided_slice %mul3A {offsets = [67, 0, 0], sizes = [1, 64, 63], strides = [1, 1, 1]} : vector<256x64x63xf32> to vector<1x64x63xf32>
    %squeeze3A_200 = vector.shape_cast %slice3A_199 : vector<1x64x63xf32> to vector<64x63xf32>
    %add3A_201 = arith.addf %add3A_177, %squeeze3A_200 : vector<64x63xf32>
    %slice3A_202 = vector.extract_strided_slice %mul3A {offsets = [68, 0, 0], sizes = [1, 64, 63], strides = [1, 1, 1]} : vector<256x64x63xf32> to vector<1x64x63xf32>
    %squeeze3A_203 = vector.shape_cast %slice3A_202 : vector<1x64x63xf32> to vector<64x63xf32>
    %add3A_204 = arith.addf %add3A_180, %squeeze3A_203 : vector<64x63xf32>
    %slice3A_205 = vector.extract_strided_slice %mul3A {offsets = [69, 0, 0], sizes = [1, 64, 63], strides = [1, 1, 1]} : vector<256x64x63xf32> to vector<1x64x63xf32>
    %squeeze3A_206 = vector.shape_cast %slice3A_205 : vector<1x64x63xf32> to vector<64x63xf32>
    %add3A_207 = arith.addf %add3A_183, %squeeze3A_206 : vector<64x63xf32>
    %slice3A_208 = vector.extract_strided_slice %mul3A {offsets = [70, 0, 0], sizes = [1, 64, 63], strides = [1, 1, 1]} : vector<256x64x63xf32> to vector<1x64x63xf32>
    %squeeze3A_209 = vector.shape_cast %slice3A_208 : vector<1x64x63xf32> to vector<64x63xf32>
    %add3A_210 = arith.addf %add3A_186, %squeeze3A_209 : vector<64x63xf32>
    %slice3A_211 = vector.extract_strided_slice %mul3A {offsets = [71, 0, 0], sizes = [1, 64, 63], strides = [1, 1, 1]} : vector<256x64x63xf32> to vector<1x64x63xf32>
    %squeeze3A_212 = vector.shape_cast %slice3A_211 : vector<1x64x63xf32> to vector<64x63xf32>
    %add3A_213 = arith.addf %add3A_189, %squeeze3A_212 : vector<64x63xf32>
    %slice3A_214 = vector.extract_strided_slice %mul3A {offsets = [72, 0, 0], sizes = [1, 64, 63], strides = [1, 1, 1]} : vector<256x64x63xf32> to vector<1x64x63xf32>
    %squeeze3A_215 = vector.shape_cast %slice3A_214 : vector<1x64x63xf32> to vector<64x63xf32>
    %add3A_216 = arith.addf %add3A_192, %squeeze3A_215 : vector<64x63xf32>
    %slice3A_217 = vector.extract_strided_slice %mul3A {offsets = [73, 0, 0], sizes = [1, 64, 63], strides = [1, 1, 1]} : vector<256x64x63xf32> to vector<1x64x63xf32>
    %squeeze3A_218 = vector.shape_cast %slice3A_217 : vector<1x64x63xf32> to vector<64x63xf32>
    %add3A_219 = arith.addf %add3A_195, %squeeze3A_218 : vector<64x63xf32>
    %slice3A_220 = vector.extract_strided_slice %mul3A {offsets = [74, 0, 0], sizes = [1, 64, 63], strides = [1, 1, 1]} : vector<256x64x63xf32> to vector<1x64x63xf32>
    %squeeze3A_221 = vector.shape_cast %slice3A_220 : vector<1x64x63xf32> to vector<64x63xf32>
    %add3A_222 = arith.addf %add3A_198, %squeeze3A_221 : vector<64x63xf32>
    %slice3A_223 = vector.extract_strided_slice %mul3A {offsets = [75, 0, 0], sizes = [1, 64, 63], strides = [1, 1, 1]} : vector<256x64x63xf32> to vector<1x64x63xf32>
    %squeeze3A_224 = vector.shape_cast %slice3A_223 : vector<1x64x63xf32> to vector<64x63xf32>
    %add3A_225 = arith.addf %add3A_201, %squeeze3A_224 : vector<64x63xf32>
    %slice3A_226 = vector.extract_strided_slice %mul3A {offsets = [76, 0, 0], sizes = [1, 64, 63], strides = [1, 1, 1]} : vector<256x64x63xf32> to vector<1x64x63xf32>
    %squeeze3A_227 = vector.shape_cast %slice3A_226 : vector<1x64x63xf32> to vector<64x63xf32>
    %add3A_228 = arith.addf %add3A_204, %squeeze3A_227 : vector<64x63xf32>
    %slice3A_229 = vector.extract_strided_slice %mul3A {offsets = [77, 0, 0], sizes = [1, 64, 63], strides = [1, 1, 1]} : vector<256x64x63xf32> to vector<1x64x63xf32>
    %squeeze3A_230 = vector.shape_cast %slice3A_229 : vector<1x64x63xf32> to vector<64x63xf32>
    %add3A_231 = arith.addf %add3A_207, %squeeze3A_230 : vector<64x63xf32>
    %slice3A_232 = vector.extract_strided_slice %mul3A {offsets = [78, 0, 0], sizes = [1, 64, 63], strides = [1, 1, 1]} : vector<256x64x63xf32> to vector<1x64x63xf32>
    %squeeze3A_233 = vector.shape_cast %slice3A_232 : vector<1x64x63xf32> to vector<64x63xf32>
    %add3A_234 = arith.addf %add3A_210, %squeeze3A_233 : vector<64x63xf32>
    %slice3A_235 = vector.extract_strided_slice %mul3A {offsets = [79, 0, 0], sizes = [1, 64, 63], strides = [1, 1, 1]} : vector<256x64x63xf32> to vector<1x64x63xf32>
    %squeeze3A_236 = vector.shape_cast %slice3A_235 : vector<1x64x63xf32> to vector<64x63xf32>
    %add3A_237 = arith.addf %add3A_213, %squeeze3A_236 : vector<64x63xf32>
    %slice3A_238 = vector.extract_strided_slice %mul3A {offsets = [80, 0, 0], sizes = [1, 64, 63], strides = [1, 1, 1]} : vector<256x64x63xf32> to vector<1x64x63xf32>
    %squeeze3A_239 = vector.shape_cast %slice3A_238 : vector<1x64x63xf32> to vector<64x63xf32>
    %add3A_240 = arith.addf %add3A_216, %squeeze3A_239 : vector<64x63xf32>
    %slice3A_241 = vector.extract_strided_slice %mul3A {offsets = [81, 0, 0], sizes = [1, 64, 63], strides = [1, 1, 1]} : vector<256x64x63xf32> to vector<1x64x63xf32>
    %squeeze3A_242 = vector.shape_cast %slice3A_241 : vector<1x64x63xf32> to vector<64x63xf32>
    %add3A_243 = arith.addf %add3A_219, %squeeze3A_242 : vector<64x63xf32>
    %slice3A_244 = vector.extract_strided_slice %mul3A {offsets = [82, 0, 0], sizes = [1, 64, 63], strides = [1, 1, 1]} : vector<256x64x63xf32> to vector<1x64x63xf32>
    %squeeze3A_245 = vector.shape_cast %slice3A_244 : vector<1x64x63xf32> to vector<64x63xf32>
    %add3A_246 = arith.addf %add3A_222, %squeeze3A_245 : vector<64x63xf32>
    %slice3A_247 = vector.extract_strided_slice %mul3A {offsets = [83, 0, 0], sizes = [1, 64, 63], strides = [1, 1, 1]} : vector<256x64x63xf32> to vector<1x64x63xf32>
    %squeeze3A_248 = vector.shape_cast %slice3A_247 : vector<1x64x63xf32> to vector<64x63xf32>
    %add3A_249 = arith.addf %add3A_225, %squeeze3A_248 : vector<64x63xf32>
    %slice3A_250 = vector.extract_strided_slice %mul3A {offsets = [84, 0, 0], sizes = [1, 64, 63], strides = [1, 1, 1]} : vector<256x64x63xf32> to vector<1x64x63xf32>
    %squeeze3A_251 = vector.shape_cast %slice3A_250 : vector<1x64x63xf32> to vector<64x63xf32>
    %add3A_252 = arith.addf %add3A_228, %squeeze3A_251 : vector<64x63xf32>
    %slice3A_253 = vector.extract_strided_slice %mul3A {offsets = [85, 0, 0], sizes = [1, 64, 63], strides = [1, 1, 1]} : vector<256x64x63xf32> to vector<1x64x63xf32>
    %squeeze3A_254 = vector.shape_cast %slice3A_253 : vector<1x64x63xf32> to vector<64x63xf32>
    %add3A_255 = arith.addf %add3A_231, %squeeze3A_254 : vector<64x63xf32>
    %slice3A_256 = vector.extract_strided_slice %mul3A {offsets = [86, 0, 0], sizes = [1, 64, 63], strides = [1, 1, 1]} : vector<256x64x63xf32> to vector<1x64x63xf32>
    %squeeze3A_257 = vector.shape_cast %slice3A_256 : vector<1x64x63xf32> to vector<64x63xf32>
    %add3A_258 = arith.addf %add3A_234, %squeeze3A_257 : vector<64x63xf32>
    %slice3A_259 = vector.extract_strided_slice %mul3A {offsets = [87, 0, 0], sizes = [1, 64, 63], strides = [1, 1, 1]} : vector<256x64x63xf32> to vector<1x64x63xf32>
    %squeeze3A_260 = vector.shape_cast %slice3A_259 : vector<1x64x63xf32> to vector<64x63xf32>
    %add3A_261 = arith.addf %add3A_237, %squeeze3A_260 : vector<64x63xf32>
    %slice3A_262 = vector.extract_strided_slice %mul3A {offsets = [88, 0, 0], sizes = [1, 64, 63], strides = [1, 1, 1]} : vector<256x64x63xf32> to vector<1x64x63xf32>
    %squeeze3A_263 = vector.shape_cast %slice3A_262 : vector<1x64x63xf32> to vector<64x63xf32>
    %add3A_264 = arith.addf %add3A_240, %squeeze3A_263 : vector<64x63xf32>
    %slice3A_265 = vector.extract_strided_slice %mul3A {offsets = [89, 0, 0], sizes = [1, 64, 63], strides = [1, 1, 1]} : vector<256x64x63xf32> to vector<1x64x63xf32>
    %squeeze3A_266 = vector.shape_cast %slice3A_265 : vector<1x64x63xf32> to vector<64x63xf32>
    %add3A_267 = arith.addf %add3A_243, %squeeze3A_266 : vector<64x63xf32>
    %slice3A_268 = vector.extract_strided_slice %mul3A {offsets = [90, 0, 0], sizes = [1, 64, 63], strides = [1, 1, 1]} : vector<256x64x63xf32> to vector<1x64x63xf32>
    %squeeze3A_269 = vector.shape_cast %slice3A_268 : vector<1x64x63xf32> to vector<64x63xf32>
    %add3A_270 = arith.addf %add3A_246, %squeeze3A_269 : vector<64x63xf32>
    %slice3A_271 = vector.extract_strided_slice %mul3A {offsets = [91, 0, 0], sizes = [1, 64, 63], strides = [1, 1, 1]} : vector<256x64x63xf32> to vector<1x64x63xf32>
    %squeeze3A_272 = vector.shape_cast %slice3A_271 : vector<1x64x63xf32> to vector<64x63xf32>
    %add3A_273 = arith.addf %add3A_249, %squeeze3A_272 : vector<64x63xf32>
    %slice3A_274 = vector.extract_strided_slice %mul3A {offsets = [92, 0, 0], sizes = [1, 64, 63], strides = [1, 1, 1]} : vector<256x64x63xf32> to vector<1x64x63xf32>
    %squeeze3A_275 = vector.shape_cast %slice3A_274 : vector<1x64x63xf32> to vector<64x63xf32>
    %add3A_276 = arith.addf %add3A_252, %squeeze3A_275 : vector<64x63xf32>
    %slice3A_277 = vector.extract_strided_slice %mul3A {offsets = [93, 0, 0], sizes = [1, 64, 63], strides = [1, 1, 1]} : vector<256x64x63xf32> to vector<1x64x63xf32>
    %squeeze3A_278 = vector.shape_cast %slice3A_277 : vector<1x64x63xf32> to vector<64x63xf32>
    %add3A_279 = arith.addf %add3A_255, %squeeze3A_278 : vector<64x63xf32>
    %slice3A_280 = vector.extract_strided_slice %mul3A {offsets = [94, 0, 0], sizes = [1, 64, 63], strides = [1, 1, 1]} : vector<256x64x63xf32> to vector<1x64x63xf32>
    %squeeze3A_281 = vector.shape_cast %slice3A_280 : vector<1x64x63xf32> to vector<64x63xf32>
    %add3A_282 = arith.addf %add3A_258, %squeeze3A_281 : vector<64x63xf32>
    %slice3A_283 = vector.extract_strided_slice %mul3A {offsets = [95, 0, 0], sizes = [1, 64, 63], strides = [1, 1, 1]} : vector<256x64x63xf32> to vector<1x64x63xf32>
    %squeeze3A_284 = vector.shape_cast %slice3A_283 : vector<1x64x63xf32> to vector<64x63xf32>
    %add3A_285 = arith.addf %add3A_261, %squeeze3A_284 : vector<64x63xf32>
    %slice3A_286 = vector.extract_strided_slice %mul3A {offsets = [96, 0, 0], sizes = [1, 64, 63], strides = [1, 1, 1]} : vector<256x64x63xf32> to vector<1x64x63xf32>
    %squeeze3A_287 = vector.shape_cast %slice3A_286 : vector<1x64x63xf32> to vector<64x63xf32>
    %add3A_288 = arith.addf %add3A_264, %squeeze3A_287 : vector<64x63xf32>
    %slice3A_289 = vector.extract_strided_slice %mul3A {offsets = [97, 0, 0], sizes = [1, 64, 63], strides = [1, 1, 1]} : vector<256x64x63xf32> to vector<1x64x63xf32>
    %squeeze3A_290 = vector.shape_cast %slice3A_289 : vector<1x64x63xf32> to vector<64x63xf32>
    %add3A_291 = arith.addf %add3A_267, %squeeze3A_290 : vector<64x63xf32>
    %slice3A_292 = vector.extract_strided_slice %mul3A {offsets = [98, 0, 0], sizes = [1, 64, 63], strides = [1, 1, 1]} : vector<256x64x63xf32> to vector<1x64x63xf32>
    %squeeze3A_293 = vector.shape_cast %slice3A_292 : vector<1x64x63xf32> to vector<64x63xf32>
    %add3A_294 = arith.addf %add3A_270, %squeeze3A_293 : vector<64x63xf32>
    %slice3A_295 = vector.extract_strided_slice %mul3A {offsets = [99, 0, 0], sizes = [1, 64, 63], strides = [1, 1, 1]} : vector<256x64x63xf32> to vector<1x64x63xf32>
    %squeeze3A_296 = vector.shape_cast %slice3A_295 : vector<1x64x63xf32> to vector<64x63xf32>
    %add3A_297 = arith.addf %add3A_273, %squeeze3A_296 : vector<64x63xf32>
    %slice3A_298 = vector.extract_strided_slice %mul3A {offsets = [100, 0, 0], sizes = [1, 64, 63], strides = [1, 1, 1]} : vector<256x64x63xf32> to vector<1x64x63xf32>
    %squeeze3A_299 = vector.shape_cast %slice3A_298 : vector<1x64x63xf32> to vector<64x63xf32>
    %add3A_300 = arith.addf %add3A_276, %squeeze3A_299 : vector<64x63xf32>
    %slice3A_301 = vector.extract_strided_slice %mul3A {offsets = [101, 0, 0], sizes = [1, 64, 63], strides = [1, 1, 1]} : vector<256x64x63xf32> to vector<1x64x63xf32>
    %squeeze3A_302 = vector.shape_cast %slice3A_301 : vector<1x64x63xf32> to vector<64x63xf32>
    %add3A_303 = arith.addf %add3A_279, %squeeze3A_302 : vector<64x63xf32>
    %slice3A_304 = vector.extract_strided_slice %mul3A {offsets = [102, 0, 0], sizes = [1, 64, 63], strides = [1, 1, 1]} : vector<256x64x63xf32> to vector<1x64x63xf32>
    %squeeze3A_305 = vector.shape_cast %slice3A_304 : vector<1x64x63xf32> to vector<64x63xf32>
    %add3A_306 = arith.addf %add3A_282, %squeeze3A_305 : vector<64x63xf32>
    %slice3A_307 = vector.extract_strided_slice %mul3A {offsets = [103, 0, 0], sizes = [1, 64, 63], strides = [1, 1, 1]} : vector<256x64x63xf32> to vector<1x64x63xf32>
    %squeeze3A_308 = vector.shape_cast %slice3A_307 : vector<1x64x63xf32> to vector<64x63xf32>
    %add3A_309 = arith.addf %add3A_285, %squeeze3A_308 : vector<64x63xf32>
    %slice3A_310 = vector.extract_strided_slice %mul3A {offsets = [104, 0, 0], sizes = [1, 64, 63], strides = [1, 1, 1]} : vector<256x64x63xf32> to vector<1x64x63xf32>
    %squeeze3A_311 = vector.shape_cast %slice3A_310 : vector<1x64x63xf32> to vector<64x63xf32>
    %add3A_312 = arith.addf %add3A_288, %squeeze3A_311 : vector<64x63xf32>
    %slice3A_313 = vector.extract_strided_slice %mul3A {offsets = [105, 0, 0], sizes = [1, 64, 63], strides = [1, 1, 1]} : vector<256x64x63xf32> to vector<1x64x63xf32>
    %squeeze3A_314 = vector.shape_cast %slice3A_313 : vector<1x64x63xf32> to vector<64x63xf32>
    %add3A_315 = arith.addf %add3A_291, %squeeze3A_314 : vector<64x63xf32>
    %slice3A_316 = vector.extract_strided_slice %mul3A {offsets = [106, 0, 0], sizes = [1, 64, 63], strides = [1, 1, 1]} : vector<256x64x63xf32> to vector<1x64x63xf32>
    %squeeze3A_317 = vector.shape_cast %slice3A_316 : vector<1x64x63xf32> to vector<64x63xf32>
    %add3A_318 = arith.addf %add3A_294, %squeeze3A_317 : vector<64x63xf32>
    %slice3A_319 = vector.extract_strided_slice %mul3A {offsets = [107, 0, 0], sizes = [1, 64, 63], strides = [1, 1, 1]} : vector<256x64x63xf32> to vector<1x64x63xf32>
    %squeeze3A_320 = vector.shape_cast %slice3A_319 : vector<1x64x63xf32> to vector<64x63xf32>
    %add3A_321 = arith.addf %add3A_297, %squeeze3A_320 : vector<64x63xf32>
    %slice3A_322 = vector.extract_strided_slice %mul3A {offsets = [108, 0, 0], sizes = [1, 64, 63], strides = [1, 1, 1]} : vector<256x64x63xf32> to vector<1x64x63xf32>
    %squeeze3A_323 = vector.shape_cast %slice3A_322 : vector<1x64x63xf32> to vector<64x63xf32>
    %add3A_324 = arith.addf %add3A_300, %squeeze3A_323 : vector<64x63xf32>
    %slice3A_325 = vector.extract_strided_slice %mul3A {offsets = [109, 0, 0], sizes = [1, 64, 63], strides = [1, 1, 1]} : vector<256x64x63xf32> to vector<1x64x63xf32>
    %squeeze3A_326 = vector.shape_cast %slice3A_325 : vector<1x64x63xf32> to vector<64x63xf32>
    %add3A_327 = arith.addf %add3A_303, %squeeze3A_326 : vector<64x63xf32>
    %slice3A_328 = vector.extract_strided_slice %mul3A {offsets = [110, 0, 0], sizes = [1, 64, 63], strides = [1, 1, 1]} : vector<256x64x63xf32> to vector<1x64x63xf32>
    %squeeze3A_329 = vector.shape_cast %slice3A_328 : vector<1x64x63xf32> to vector<64x63xf32>
    %add3A_330 = arith.addf %add3A_306, %squeeze3A_329 : vector<64x63xf32>
    %slice3A_331 = vector.extract_strided_slice %mul3A {offsets = [111, 0, 0], sizes = [1, 64, 63], strides = [1, 1, 1]} : vector<256x64x63xf32> to vector<1x64x63xf32>
    %squeeze3A_332 = vector.shape_cast %slice3A_331 : vector<1x64x63xf32> to vector<64x63xf32>
    %add3A_333 = arith.addf %add3A_309, %squeeze3A_332 : vector<64x63xf32>
    %slice3A_334 = vector.extract_strided_slice %mul3A {offsets = [112, 0, 0], sizes = [1, 64, 63], strides = [1, 1, 1]} : vector<256x64x63xf32> to vector<1x64x63xf32>
    %squeeze3A_335 = vector.shape_cast %slice3A_334 : vector<1x64x63xf32> to vector<64x63xf32>
    %add3A_336 = arith.addf %add3A_312, %squeeze3A_335 : vector<64x63xf32>
    %slice3A_337 = vector.extract_strided_slice %mul3A {offsets = [113, 0, 0], sizes = [1, 64, 63], strides = [1, 1, 1]} : vector<256x64x63xf32> to vector<1x64x63xf32>
    %squeeze3A_338 = vector.shape_cast %slice3A_337 : vector<1x64x63xf32> to vector<64x63xf32>
    %add3A_339 = arith.addf %add3A_315, %squeeze3A_338 : vector<64x63xf32>
    %slice3A_340 = vector.extract_strided_slice %mul3A {offsets = [114, 0, 0], sizes = [1, 64, 63], strides = [1, 1, 1]} : vector<256x64x63xf32> to vector<1x64x63xf32>
    %squeeze3A_341 = vector.shape_cast %slice3A_340 : vector<1x64x63xf32> to vector<64x63xf32>
    %add3A_342 = arith.addf %add3A_318, %squeeze3A_341 : vector<64x63xf32>
    %slice3A_343 = vector.extract_strided_slice %mul3A {offsets = [115, 0, 0], sizes = [1, 64, 63], strides = [1, 1, 1]} : vector<256x64x63xf32> to vector<1x64x63xf32>
    %squeeze3A_344 = vector.shape_cast %slice3A_343 : vector<1x64x63xf32> to vector<64x63xf32>
    %add3A_345 = arith.addf %add3A_321, %squeeze3A_344 : vector<64x63xf32>
    %slice3A_346 = vector.extract_strided_slice %mul3A {offsets = [116, 0, 0], sizes = [1, 64, 63], strides = [1, 1, 1]} : vector<256x64x63xf32> to vector<1x64x63xf32>
    %squeeze3A_347 = vector.shape_cast %slice3A_346 : vector<1x64x63xf32> to vector<64x63xf32>
    %add3A_348 = arith.addf %add3A_324, %squeeze3A_347 : vector<64x63xf32>
    %slice3A_349 = vector.extract_strided_slice %mul3A {offsets = [117, 0, 0], sizes = [1, 64, 63], strides = [1, 1, 1]} : vector<256x64x63xf32> to vector<1x64x63xf32>
    %squeeze3A_350 = vector.shape_cast %slice3A_349 : vector<1x64x63xf32> to vector<64x63xf32>
    %add3A_351 = arith.addf %add3A_327, %squeeze3A_350 : vector<64x63xf32>
    %slice3A_352 = vector.extract_strided_slice %mul3A {offsets = [118, 0, 0], sizes = [1, 64, 63], strides = [1, 1, 1]} : vector<256x64x63xf32> to vector<1x64x63xf32>
    %squeeze3A_353 = vector.shape_cast %slice3A_352 : vector<1x64x63xf32> to vector<64x63xf32>
    %add3A_354 = arith.addf %add3A_330, %squeeze3A_353 : vector<64x63xf32>
    %slice3A_355 = vector.extract_strided_slice %mul3A {offsets = [119, 0, 0], sizes = [1, 64, 63], strides = [1, 1, 1]} : vector<256x64x63xf32> to vector<1x64x63xf32>
    %squeeze3A_356 = vector.shape_cast %slice3A_355 : vector<1x64x63xf32> to vector<64x63xf32>
    %add3A_357 = arith.addf %add3A_333, %squeeze3A_356 : vector<64x63xf32>
    %slice3A_358 = vector.extract_strided_slice %mul3A {offsets = [120, 0, 0], sizes = [1, 64, 63], strides = [1, 1, 1]} : vector<256x64x63xf32> to vector<1x64x63xf32>
    %squeeze3A_359 = vector.shape_cast %slice3A_358 : vector<1x64x63xf32> to vector<64x63xf32>
    %add3A_360 = arith.addf %add3A_336, %squeeze3A_359 : vector<64x63xf32>
    %slice3A_361 = vector.extract_strided_slice %mul3A {offsets = [121, 0, 0], sizes = [1, 64, 63], strides = [1, 1, 1]} : vector<256x64x63xf32> to vector<1x64x63xf32>
    %squeeze3A_362 = vector.shape_cast %slice3A_361 : vector<1x64x63xf32> to vector<64x63xf32>
    %add3A_363 = arith.addf %add3A_339, %squeeze3A_362 : vector<64x63xf32>
    %slice3A_364 = vector.extract_strided_slice %mul3A {offsets = [122, 0, 0], sizes = [1, 64, 63], strides = [1, 1, 1]} : vector<256x64x63xf32> to vector<1x64x63xf32>
    %squeeze3A_365 = vector.shape_cast %slice3A_364 : vector<1x64x63xf32> to vector<64x63xf32>
    %add3A_366 = arith.addf %add3A_342, %squeeze3A_365 : vector<64x63xf32>
    %slice3A_367 = vector.extract_strided_slice %mul3A {offsets = [123, 0, 0], sizes = [1, 64, 63], strides = [1, 1, 1]} : vector<256x64x63xf32> to vector<1x64x63xf32>
    %squeeze3A_368 = vector.shape_cast %slice3A_367 : vector<1x64x63xf32> to vector<64x63xf32>
    %add3A_369 = arith.addf %add3A_345, %squeeze3A_368 : vector<64x63xf32>
    %slice3A_370 = vector.extract_strided_slice %mul3A {offsets = [124, 0, 0], sizes = [1, 64, 63], strides = [1, 1, 1]} : vector<256x64x63xf32> to vector<1x64x63xf32>
    %squeeze3A_371 = vector.shape_cast %slice3A_370 : vector<1x64x63xf32> to vector<64x63xf32>
    %add3A_372 = arith.addf %add3A_348, %squeeze3A_371 : vector<64x63xf32>
    %slice3A_373 = vector.extract_strided_slice %mul3A {offsets = [125, 0, 0], sizes = [1, 64, 63], strides = [1, 1, 1]} : vector<256x64x63xf32> to vector<1x64x63xf32>
    %squeeze3A_374 = vector.shape_cast %slice3A_373 : vector<1x64x63xf32> to vector<64x63xf32>
    %add3A_375 = arith.addf %add3A_351, %squeeze3A_374 : vector<64x63xf32>
    %slice3A_376 = vector.extract_strided_slice %mul3A {offsets = [126, 0, 0], sizes = [1, 64, 63], strides = [1, 1, 1]} : vector<256x64x63xf32> to vector<1x64x63xf32>
    %squeeze3A_377 = vector.shape_cast %slice3A_376 : vector<1x64x63xf32> to vector<64x63xf32>
    %add3A_378 = arith.addf %add3A_354, %squeeze3A_377 : vector<64x63xf32>
    %slice3A_379 = vector.extract_strided_slice %mul3A {offsets = [127, 0, 0], sizes = [1, 64, 63], strides = [1, 1, 1]} : vector<256x64x63xf32> to vector<1x64x63xf32>
    %squeeze3A_380 = vector.shape_cast %slice3A_379 : vector<1x64x63xf32> to vector<64x63xf32>
    %add3A_381 = arith.addf %add3A_357, %squeeze3A_380 : vector<64x63xf32>
    %add3A_382 = arith.addf %add3A_360, %add3A_363 : vector<64x63xf32>
    %add3A_383 = arith.addf %add3A_366, %add3A_369 : vector<64x63xf32>
    %add3A_384 = arith.addf %add3A_382, %add3A_383 : vector<64x63xf32>
    %add3A_385 = arith.addf %add3A_372, %add3A_375 : vector<64x63xf32>
    %add3A_386 = arith.addf %add3A_378, %add3A_381 : vector<64x63xf32>
    %add3A_387 = arith.addf %add3A_385, %add3A_386 : vector<64x63xf32>
    %add3A_388 = arith.addf %add3A_384, %add3A_387 : vector<64x63xf32>
    %slice3A_389 = vector.extract_strided_slice %mul3A {offsets = [128, 0, 0], sizes = [1, 64, 63], strides = [1, 1, 1]} : vector<256x64x63xf32> to vector<1x64x63xf32>
    %squeeze3A_390 = vector.shape_cast %slice3A_389 : vector<1x64x63xf32> to vector<64x63xf32>
    %slice3A_391 = vector.extract_strided_slice %mul3A {offsets = [129, 0, 0], sizes = [1, 64, 63], strides = [1, 1, 1]} : vector<256x64x63xf32> to vector<1x64x63xf32>
    %squeeze3A_392 = vector.shape_cast %slice3A_391 : vector<1x64x63xf32> to vector<64x63xf32>
    %slice3A_393 = vector.extract_strided_slice %mul3A {offsets = [130, 0, 0], sizes = [1, 64, 63], strides = [1, 1, 1]} : vector<256x64x63xf32> to vector<1x64x63xf32>
    %squeeze3A_394 = vector.shape_cast %slice3A_393 : vector<1x64x63xf32> to vector<64x63xf32>
    %slice3A_395 = vector.extract_strided_slice %mul3A {offsets = [131, 0, 0], sizes = [1, 64, 63], strides = [1, 1, 1]} : vector<256x64x63xf32> to vector<1x64x63xf32>
    %squeeze3A_396 = vector.shape_cast %slice3A_395 : vector<1x64x63xf32> to vector<64x63xf32>
    %slice3A_397 = vector.extract_strided_slice %mul3A {offsets = [132, 0, 0], sizes = [1, 64, 63], strides = [1, 1, 1]} : vector<256x64x63xf32> to vector<1x64x63xf32>
    %squeeze3A_398 = vector.shape_cast %slice3A_397 : vector<1x64x63xf32> to vector<64x63xf32>
    %slice3A_399 = vector.extract_strided_slice %mul3A {offsets = [133, 0, 0], sizes = [1, 64, 63], strides = [1, 1, 1]} : vector<256x64x63xf32> to vector<1x64x63xf32>
    %squeeze3A_400 = vector.shape_cast %slice3A_399 : vector<1x64x63xf32> to vector<64x63xf32>
    %slice3A_401 = vector.extract_strided_slice %mul3A {offsets = [134, 0, 0], sizes = [1, 64, 63], strides = [1, 1, 1]} : vector<256x64x63xf32> to vector<1x64x63xf32>
    %squeeze3A_402 = vector.shape_cast %slice3A_401 : vector<1x64x63xf32> to vector<64x63xf32>
    %slice3A_403 = vector.extract_strided_slice %mul3A {offsets = [135, 0, 0], sizes = [1, 64, 63], strides = [1, 1, 1]} : vector<256x64x63xf32> to vector<1x64x63xf32>
    %squeeze3A_404 = vector.shape_cast %slice3A_403 : vector<1x64x63xf32> to vector<64x63xf32>
    %slice3A_405 = vector.extract_strided_slice %mul3A {offsets = [136, 0, 0], sizes = [1, 64, 63], strides = [1, 1, 1]} : vector<256x64x63xf32> to vector<1x64x63xf32>
    %squeeze3A_406 = vector.shape_cast %slice3A_405 : vector<1x64x63xf32> to vector<64x63xf32>
    %add3A_407 = arith.addf %squeeze3A_390, %squeeze3A_406 : vector<64x63xf32>
    %slice3A_408 = vector.extract_strided_slice %mul3A {offsets = [137, 0, 0], sizes = [1, 64, 63], strides = [1, 1, 1]} : vector<256x64x63xf32> to vector<1x64x63xf32>
    %squeeze3A_409 = vector.shape_cast %slice3A_408 : vector<1x64x63xf32> to vector<64x63xf32>
    %add3A_410 = arith.addf %squeeze3A_392, %squeeze3A_409 : vector<64x63xf32>
    %slice3A_411 = vector.extract_strided_slice %mul3A {offsets = [138, 0, 0], sizes = [1, 64, 63], strides = [1, 1, 1]} : vector<256x64x63xf32> to vector<1x64x63xf32>
    %squeeze3A_412 = vector.shape_cast %slice3A_411 : vector<1x64x63xf32> to vector<64x63xf32>
    %add3A_413 = arith.addf %squeeze3A_394, %squeeze3A_412 : vector<64x63xf32>
    %slice3A_414 = vector.extract_strided_slice %mul3A {offsets = [139, 0, 0], sizes = [1, 64, 63], strides = [1, 1, 1]} : vector<256x64x63xf32> to vector<1x64x63xf32>
    %squeeze3A_415 = vector.shape_cast %slice3A_414 : vector<1x64x63xf32> to vector<64x63xf32>
    %add3A_416 = arith.addf %squeeze3A_396, %squeeze3A_415 : vector<64x63xf32>
    %slice3A_417 = vector.extract_strided_slice %mul3A {offsets = [140, 0, 0], sizes = [1, 64, 63], strides = [1, 1, 1]} : vector<256x64x63xf32> to vector<1x64x63xf32>
    %squeeze3A_418 = vector.shape_cast %slice3A_417 : vector<1x64x63xf32> to vector<64x63xf32>
    %add3A_419 = arith.addf %squeeze3A_398, %squeeze3A_418 : vector<64x63xf32>
    %slice3A_420 = vector.extract_strided_slice %mul3A {offsets = [141, 0, 0], sizes = [1, 64, 63], strides = [1, 1, 1]} : vector<256x64x63xf32> to vector<1x64x63xf32>
    %squeeze3A_421 = vector.shape_cast %slice3A_420 : vector<1x64x63xf32> to vector<64x63xf32>
    %add3A_422 = arith.addf %squeeze3A_400, %squeeze3A_421 : vector<64x63xf32>
    %slice3A_423 = vector.extract_strided_slice %mul3A {offsets = [142, 0, 0], sizes = [1, 64, 63], strides = [1, 1, 1]} : vector<256x64x63xf32> to vector<1x64x63xf32>
    %squeeze3A_424 = vector.shape_cast %slice3A_423 : vector<1x64x63xf32> to vector<64x63xf32>
    %add3A_425 = arith.addf %squeeze3A_402, %squeeze3A_424 : vector<64x63xf32>
    %slice3A_426 = vector.extract_strided_slice %mul3A {offsets = [143, 0, 0], sizes = [1, 64, 63], strides = [1, 1, 1]} : vector<256x64x63xf32> to vector<1x64x63xf32>
    %squeeze3A_427 = vector.shape_cast %slice3A_426 : vector<1x64x63xf32> to vector<64x63xf32>
    %add3A_428 = arith.addf %squeeze3A_404, %squeeze3A_427 : vector<64x63xf32>
    %slice3A_429 = vector.extract_strided_slice %mul3A {offsets = [144, 0, 0], sizes = [1, 64, 63], strides = [1, 1, 1]} : vector<256x64x63xf32> to vector<1x64x63xf32>
    %squeeze3A_430 = vector.shape_cast %slice3A_429 : vector<1x64x63xf32> to vector<64x63xf32>
    %add3A_431 = arith.addf %add3A_407, %squeeze3A_430 : vector<64x63xf32>
    %slice3A_432 = vector.extract_strided_slice %mul3A {offsets = [145, 0, 0], sizes = [1, 64, 63], strides = [1, 1, 1]} : vector<256x64x63xf32> to vector<1x64x63xf32>
    %squeeze3A_433 = vector.shape_cast %slice3A_432 : vector<1x64x63xf32> to vector<64x63xf32>
    %add3A_434 = arith.addf %add3A_410, %squeeze3A_433 : vector<64x63xf32>
    %slice3A_435 = vector.extract_strided_slice %mul3A {offsets = [146, 0, 0], sizes = [1, 64, 63], strides = [1, 1, 1]} : vector<256x64x63xf32> to vector<1x64x63xf32>
    %squeeze3A_436 = vector.shape_cast %slice3A_435 : vector<1x64x63xf32> to vector<64x63xf32>
    %add3A_437 = arith.addf %add3A_413, %squeeze3A_436 : vector<64x63xf32>
    %slice3A_438 = vector.extract_strided_slice %mul3A {offsets = [147, 0, 0], sizes = [1, 64, 63], strides = [1, 1, 1]} : vector<256x64x63xf32> to vector<1x64x63xf32>
    %squeeze3A_439 = vector.shape_cast %slice3A_438 : vector<1x64x63xf32> to vector<64x63xf32>
    %add3A_440 = arith.addf %add3A_416, %squeeze3A_439 : vector<64x63xf32>
    %slice3A_441 = vector.extract_strided_slice %mul3A {offsets = [148, 0, 0], sizes = [1, 64, 63], strides = [1, 1, 1]} : vector<256x64x63xf32> to vector<1x64x63xf32>
    %squeeze3A_442 = vector.shape_cast %slice3A_441 : vector<1x64x63xf32> to vector<64x63xf32>
    %add3A_443 = arith.addf %add3A_419, %squeeze3A_442 : vector<64x63xf32>
    %slice3A_444 = vector.extract_strided_slice %mul3A {offsets = [149, 0, 0], sizes = [1, 64, 63], strides = [1, 1, 1]} : vector<256x64x63xf32> to vector<1x64x63xf32>
    %squeeze3A_445 = vector.shape_cast %slice3A_444 : vector<1x64x63xf32> to vector<64x63xf32>
    %add3A_446 = arith.addf %add3A_422, %squeeze3A_445 : vector<64x63xf32>
    %slice3A_447 = vector.extract_strided_slice %mul3A {offsets = [150, 0, 0], sizes = [1, 64, 63], strides = [1, 1, 1]} : vector<256x64x63xf32> to vector<1x64x63xf32>
    %squeeze3A_448 = vector.shape_cast %slice3A_447 : vector<1x64x63xf32> to vector<64x63xf32>
    %add3A_449 = arith.addf %add3A_425, %squeeze3A_448 : vector<64x63xf32>
    %slice3A_450 = vector.extract_strided_slice %mul3A {offsets = [151, 0, 0], sizes = [1, 64, 63], strides = [1, 1, 1]} : vector<256x64x63xf32> to vector<1x64x63xf32>
    %squeeze3A_451 = vector.shape_cast %slice3A_450 : vector<1x64x63xf32> to vector<64x63xf32>
    %add3A_452 = arith.addf %add3A_428, %squeeze3A_451 : vector<64x63xf32>
    %slice3A_453 = vector.extract_strided_slice %mul3A {offsets = [152, 0, 0], sizes = [1, 64, 63], strides = [1, 1, 1]} : vector<256x64x63xf32> to vector<1x64x63xf32>
    %squeeze3A_454 = vector.shape_cast %slice3A_453 : vector<1x64x63xf32> to vector<64x63xf32>
    %add3A_455 = arith.addf %add3A_431, %squeeze3A_454 : vector<64x63xf32>
    %slice3A_456 = vector.extract_strided_slice %mul3A {offsets = [153, 0, 0], sizes = [1, 64, 63], strides = [1, 1, 1]} : vector<256x64x63xf32> to vector<1x64x63xf32>
    %squeeze3A_457 = vector.shape_cast %slice3A_456 : vector<1x64x63xf32> to vector<64x63xf32>
    %add3A_458 = arith.addf %add3A_434, %squeeze3A_457 : vector<64x63xf32>
    %slice3A_459 = vector.extract_strided_slice %mul3A {offsets = [154, 0, 0], sizes = [1, 64, 63], strides = [1, 1, 1]} : vector<256x64x63xf32> to vector<1x64x63xf32>
    %squeeze3A_460 = vector.shape_cast %slice3A_459 : vector<1x64x63xf32> to vector<64x63xf32>
    %add3A_461 = arith.addf %add3A_437, %squeeze3A_460 : vector<64x63xf32>
    %slice3A_462 = vector.extract_strided_slice %mul3A {offsets = [155, 0, 0], sizes = [1, 64, 63], strides = [1, 1, 1]} : vector<256x64x63xf32> to vector<1x64x63xf32>
    %squeeze3A_463 = vector.shape_cast %slice3A_462 : vector<1x64x63xf32> to vector<64x63xf32>
    %add3A_464 = arith.addf %add3A_440, %squeeze3A_463 : vector<64x63xf32>
    %slice3A_465 = vector.extract_strided_slice %mul3A {offsets = [156, 0, 0], sizes = [1, 64, 63], strides = [1, 1, 1]} : vector<256x64x63xf32> to vector<1x64x63xf32>
    %squeeze3A_466 = vector.shape_cast %slice3A_465 : vector<1x64x63xf32> to vector<64x63xf32>
    %add3A_467 = arith.addf %add3A_443, %squeeze3A_466 : vector<64x63xf32>
    %slice3A_468 = vector.extract_strided_slice %mul3A {offsets = [157, 0, 0], sizes = [1, 64, 63], strides = [1, 1, 1]} : vector<256x64x63xf32> to vector<1x64x63xf32>
    %squeeze3A_469 = vector.shape_cast %slice3A_468 : vector<1x64x63xf32> to vector<64x63xf32>
    %add3A_470 = arith.addf %add3A_446, %squeeze3A_469 : vector<64x63xf32>
    %slice3A_471 = vector.extract_strided_slice %mul3A {offsets = [158, 0, 0], sizes = [1, 64, 63], strides = [1, 1, 1]} : vector<256x64x63xf32> to vector<1x64x63xf32>
    %squeeze3A_472 = vector.shape_cast %slice3A_471 : vector<1x64x63xf32> to vector<64x63xf32>
    %add3A_473 = arith.addf %add3A_449, %squeeze3A_472 : vector<64x63xf32>
    %slice3A_474 = vector.extract_strided_slice %mul3A {offsets = [159, 0, 0], sizes = [1, 64, 63], strides = [1, 1, 1]} : vector<256x64x63xf32> to vector<1x64x63xf32>
    %squeeze3A_475 = vector.shape_cast %slice3A_474 : vector<1x64x63xf32> to vector<64x63xf32>
    %add3A_476 = arith.addf %add3A_452, %squeeze3A_475 : vector<64x63xf32>
    %slice3A_477 = vector.extract_strided_slice %mul3A {offsets = [160, 0, 0], sizes = [1, 64, 63], strides = [1, 1, 1]} : vector<256x64x63xf32> to vector<1x64x63xf32>
    %squeeze3A_478 = vector.shape_cast %slice3A_477 : vector<1x64x63xf32> to vector<64x63xf32>
    %add3A_479 = arith.addf %add3A_455, %squeeze3A_478 : vector<64x63xf32>
    %slice3A_480 = vector.extract_strided_slice %mul3A {offsets = [161, 0, 0], sizes = [1, 64, 63], strides = [1, 1, 1]} : vector<256x64x63xf32> to vector<1x64x63xf32>
    %squeeze3A_481 = vector.shape_cast %slice3A_480 : vector<1x64x63xf32> to vector<64x63xf32>
    %add3A_482 = arith.addf %add3A_458, %squeeze3A_481 : vector<64x63xf32>
    %slice3A_483 = vector.extract_strided_slice %mul3A {offsets = [162, 0, 0], sizes = [1, 64, 63], strides = [1, 1, 1]} : vector<256x64x63xf32> to vector<1x64x63xf32>
    %squeeze3A_484 = vector.shape_cast %slice3A_483 : vector<1x64x63xf32> to vector<64x63xf32>
    %add3A_485 = arith.addf %add3A_461, %squeeze3A_484 : vector<64x63xf32>
    %slice3A_486 = vector.extract_strided_slice %mul3A {offsets = [163, 0, 0], sizes = [1, 64, 63], strides = [1, 1, 1]} : vector<256x64x63xf32> to vector<1x64x63xf32>
    %squeeze3A_487 = vector.shape_cast %slice3A_486 : vector<1x64x63xf32> to vector<64x63xf32>
    %add3A_488 = arith.addf %add3A_464, %squeeze3A_487 : vector<64x63xf32>
    %slice3A_489 = vector.extract_strided_slice %mul3A {offsets = [164, 0, 0], sizes = [1, 64, 63], strides = [1, 1, 1]} : vector<256x64x63xf32> to vector<1x64x63xf32>
    %squeeze3A_490 = vector.shape_cast %slice3A_489 : vector<1x64x63xf32> to vector<64x63xf32>
    %add3A_491 = arith.addf %add3A_467, %squeeze3A_490 : vector<64x63xf32>
    %slice3A_492 = vector.extract_strided_slice %mul3A {offsets = [165, 0, 0], sizes = [1, 64, 63], strides = [1, 1, 1]} : vector<256x64x63xf32> to vector<1x64x63xf32>
    %squeeze3A_493 = vector.shape_cast %slice3A_492 : vector<1x64x63xf32> to vector<64x63xf32>
    %add3A_494 = arith.addf %add3A_470, %squeeze3A_493 : vector<64x63xf32>
    %slice3A_495 = vector.extract_strided_slice %mul3A {offsets = [166, 0, 0], sizes = [1, 64, 63], strides = [1, 1, 1]} : vector<256x64x63xf32> to vector<1x64x63xf32>
    %squeeze3A_496 = vector.shape_cast %slice3A_495 : vector<1x64x63xf32> to vector<64x63xf32>
    %add3A_497 = arith.addf %add3A_473, %squeeze3A_496 : vector<64x63xf32>
    %slice3A_498 = vector.extract_strided_slice %mul3A {offsets = [167, 0, 0], sizes = [1, 64, 63], strides = [1, 1, 1]} : vector<256x64x63xf32> to vector<1x64x63xf32>
    %squeeze3A_499 = vector.shape_cast %slice3A_498 : vector<1x64x63xf32> to vector<64x63xf32>
    %add3A_500 = arith.addf %add3A_476, %squeeze3A_499 : vector<64x63xf32>
    %slice3A_501 = vector.extract_strided_slice %mul3A {offsets = [168, 0, 0], sizes = [1, 64, 63], strides = [1, 1, 1]} : vector<256x64x63xf32> to vector<1x64x63xf32>
    %squeeze3A_502 = vector.shape_cast %slice3A_501 : vector<1x64x63xf32> to vector<64x63xf32>
    %add3A_503 = arith.addf %add3A_479, %squeeze3A_502 : vector<64x63xf32>
    %slice3A_504 = vector.extract_strided_slice %mul3A {offsets = [169, 0, 0], sizes = [1, 64, 63], strides = [1, 1, 1]} : vector<256x64x63xf32> to vector<1x64x63xf32>
    %squeeze3A_505 = vector.shape_cast %slice3A_504 : vector<1x64x63xf32> to vector<64x63xf32>
    %add3A_506 = arith.addf %add3A_482, %squeeze3A_505 : vector<64x63xf32>
    %slice3A_507 = vector.extract_strided_slice %mul3A {offsets = [170, 0, 0], sizes = [1, 64, 63], strides = [1, 1, 1]} : vector<256x64x63xf32> to vector<1x64x63xf32>
    %squeeze3A_508 = vector.shape_cast %slice3A_507 : vector<1x64x63xf32> to vector<64x63xf32>
    %add3A_509 = arith.addf %add3A_485, %squeeze3A_508 : vector<64x63xf32>
    %slice3A_510 = vector.extract_strided_slice %mul3A {offsets = [171, 0, 0], sizes = [1, 64, 63], strides = [1, 1, 1]} : vector<256x64x63xf32> to vector<1x64x63xf32>
    %squeeze3A_511 = vector.shape_cast %slice3A_510 : vector<1x64x63xf32> to vector<64x63xf32>
    %add3A_512 = arith.addf %add3A_488, %squeeze3A_511 : vector<64x63xf32>
    %slice3A_513 = vector.extract_strided_slice %mul3A {offsets = [172, 0, 0], sizes = [1, 64, 63], strides = [1, 1, 1]} : vector<256x64x63xf32> to vector<1x64x63xf32>
    %squeeze3A_514 = vector.shape_cast %slice3A_513 : vector<1x64x63xf32> to vector<64x63xf32>
    %add3A_515 = arith.addf %add3A_491, %squeeze3A_514 : vector<64x63xf32>
    %slice3A_516 = vector.extract_strided_slice %mul3A {offsets = [173, 0, 0], sizes = [1, 64, 63], strides = [1, 1, 1]} : vector<256x64x63xf32> to vector<1x64x63xf32>
    %squeeze3A_517 = vector.shape_cast %slice3A_516 : vector<1x64x63xf32> to vector<64x63xf32>
    %add3A_518 = arith.addf %add3A_494, %squeeze3A_517 : vector<64x63xf32>
    %slice3A_519 = vector.extract_strided_slice %mul3A {offsets = [174, 0, 0], sizes = [1, 64, 63], strides = [1, 1, 1]} : vector<256x64x63xf32> to vector<1x64x63xf32>
    %squeeze3A_520 = vector.shape_cast %slice3A_519 : vector<1x64x63xf32> to vector<64x63xf32>
    %add3A_521 = arith.addf %add3A_497, %squeeze3A_520 : vector<64x63xf32>
    %slice3A_522 = vector.extract_strided_slice %mul3A {offsets = [175, 0, 0], sizes = [1, 64, 63], strides = [1, 1, 1]} : vector<256x64x63xf32> to vector<1x64x63xf32>
    %squeeze3A_523 = vector.shape_cast %slice3A_522 : vector<1x64x63xf32> to vector<64x63xf32>
    %add3A_524 = arith.addf %add3A_500, %squeeze3A_523 : vector<64x63xf32>
    %slice3A_525 = vector.extract_strided_slice %mul3A {offsets = [176, 0, 0], sizes = [1, 64, 63], strides = [1, 1, 1]} : vector<256x64x63xf32> to vector<1x64x63xf32>
    %squeeze3A_526 = vector.shape_cast %slice3A_525 : vector<1x64x63xf32> to vector<64x63xf32>
    %add3A_527 = arith.addf %add3A_503, %squeeze3A_526 : vector<64x63xf32>
    %slice3A_528 = vector.extract_strided_slice %mul3A {offsets = [177, 0, 0], sizes = [1, 64, 63], strides = [1, 1, 1]} : vector<256x64x63xf32> to vector<1x64x63xf32>
    %squeeze3A_529 = vector.shape_cast %slice3A_528 : vector<1x64x63xf32> to vector<64x63xf32>
    %add3A_530 = arith.addf %add3A_506, %squeeze3A_529 : vector<64x63xf32>
    %slice3A_531 = vector.extract_strided_slice %mul3A {offsets = [178, 0, 0], sizes = [1, 64, 63], strides = [1, 1, 1]} : vector<256x64x63xf32> to vector<1x64x63xf32>
    %squeeze3A_532 = vector.shape_cast %slice3A_531 : vector<1x64x63xf32> to vector<64x63xf32>
    %add3A_533 = arith.addf %add3A_509, %squeeze3A_532 : vector<64x63xf32>
    %slice3A_534 = vector.extract_strided_slice %mul3A {offsets = [179, 0, 0], sizes = [1, 64, 63], strides = [1, 1, 1]} : vector<256x64x63xf32> to vector<1x64x63xf32>
    %squeeze3A_535 = vector.shape_cast %slice3A_534 : vector<1x64x63xf32> to vector<64x63xf32>
    %add3A_536 = arith.addf %add3A_512, %squeeze3A_535 : vector<64x63xf32>
    %slice3A_537 = vector.extract_strided_slice %mul3A {offsets = [180, 0, 0], sizes = [1, 64, 63], strides = [1, 1, 1]} : vector<256x64x63xf32> to vector<1x64x63xf32>
    %squeeze3A_538 = vector.shape_cast %slice3A_537 : vector<1x64x63xf32> to vector<64x63xf32>
    %add3A_539 = arith.addf %add3A_515, %squeeze3A_538 : vector<64x63xf32>
    %slice3A_540 = vector.extract_strided_slice %mul3A {offsets = [181, 0, 0], sizes = [1, 64, 63], strides = [1, 1, 1]} : vector<256x64x63xf32> to vector<1x64x63xf32>
    %squeeze3A_541 = vector.shape_cast %slice3A_540 : vector<1x64x63xf32> to vector<64x63xf32>
    %add3A_542 = arith.addf %add3A_518, %squeeze3A_541 : vector<64x63xf32>
    %slice3A_543 = vector.extract_strided_slice %mul3A {offsets = [182, 0, 0], sizes = [1, 64, 63], strides = [1, 1, 1]} : vector<256x64x63xf32> to vector<1x64x63xf32>
    %squeeze3A_544 = vector.shape_cast %slice3A_543 : vector<1x64x63xf32> to vector<64x63xf32>
    %add3A_545 = arith.addf %add3A_521, %squeeze3A_544 : vector<64x63xf32>
    %slice3A_546 = vector.extract_strided_slice %mul3A {offsets = [183, 0, 0], sizes = [1, 64, 63], strides = [1, 1, 1]} : vector<256x64x63xf32> to vector<1x64x63xf32>
    %squeeze3A_547 = vector.shape_cast %slice3A_546 : vector<1x64x63xf32> to vector<64x63xf32>
    %add3A_548 = arith.addf %add3A_524, %squeeze3A_547 : vector<64x63xf32>
    %slice3A_549 = vector.extract_strided_slice %mul3A {offsets = [184, 0, 0], sizes = [1, 64, 63], strides = [1, 1, 1]} : vector<256x64x63xf32> to vector<1x64x63xf32>
    %squeeze3A_550 = vector.shape_cast %slice3A_549 : vector<1x64x63xf32> to vector<64x63xf32>
    %add3A_551 = arith.addf %add3A_527, %squeeze3A_550 : vector<64x63xf32>
    %slice3A_552 = vector.extract_strided_slice %mul3A {offsets = [185, 0, 0], sizes = [1, 64, 63], strides = [1, 1, 1]} : vector<256x64x63xf32> to vector<1x64x63xf32>
    %squeeze3A_553 = vector.shape_cast %slice3A_552 : vector<1x64x63xf32> to vector<64x63xf32>
    %add3A_554 = arith.addf %add3A_530, %squeeze3A_553 : vector<64x63xf32>
    %slice3A_555 = vector.extract_strided_slice %mul3A {offsets = [186, 0, 0], sizes = [1, 64, 63], strides = [1, 1, 1]} : vector<256x64x63xf32> to vector<1x64x63xf32>
    %squeeze3A_556 = vector.shape_cast %slice3A_555 : vector<1x64x63xf32> to vector<64x63xf32>
    %add3A_557 = arith.addf %add3A_533, %squeeze3A_556 : vector<64x63xf32>
    %slice3A_558 = vector.extract_strided_slice %mul3A {offsets = [187, 0, 0], sizes = [1, 64, 63], strides = [1, 1, 1]} : vector<256x64x63xf32> to vector<1x64x63xf32>
    %squeeze3A_559 = vector.shape_cast %slice3A_558 : vector<1x64x63xf32> to vector<64x63xf32>
    %add3A_560 = arith.addf %add3A_536, %squeeze3A_559 : vector<64x63xf32>
    %slice3A_561 = vector.extract_strided_slice %mul3A {offsets = [188, 0, 0], sizes = [1, 64, 63], strides = [1, 1, 1]} : vector<256x64x63xf32> to vector<1x64x63xf32>
    %squeeze3A_562 = vector.shape_cast %slice3A_561 : vector<1x64x63xf32> to vector<64x63xf32>
    %add3A_563 = arith.addf %add3A_539, %squeeze3A_562 : vector<64x63xf32>
    %slice3A_564 = vector.extract_strided_slice %mul3A {offsets = [189, 0, 0], sizes = [1, 64, 63], strides = [1, 1, 1]} : vector<256x64x63xf32> to vector<1x64x63xf32>
    %squeeze3A_565 = vector.shape_cast %slice3A_564 : vector<1x64x63xf32> to vector<64x63xf32>
    %add3A_566 = arith.addf %add3A_542, %squeeze3A_565 : vector<64x63xf32>
    %slice3A_567 = vector.extract_strided_slice %mul3A {offsets = [190, 0, 0], sizes = [1, 64, 63], strides = [1, 1, 1]} : vector<256x64x63xf32> to vector<1x64x63xf32>
    %squeeze3A_568 = vector.shape_cast %slice3A_567 : vector<1x64x63xf32> to vector<64x63xf32>
    %add3A_569 = arith.addf %add3A_545, %squeeze3A_568 : vector<64x63xf32>
    %slice3A_570 = vector.extract_strided_slice %mul3A {offsets = [191, 0, 0], sizes = [1, 64, 63], strides = [1, 1, 1]} : vector<256x64x63xf32> to vector<1x64x63xf32>
    %squeeze3A_571 = vector.shape_cast %slice3A_570 : vector<1x64x63xf32> to vector<64x63xf32>
    %add3A_572 = arith.addf %add3A_548, %squeeze3A_571 : vector<64x63xf32>
    %slice3A_573 = vector.extract_strided_slice %mul3A {offsets = [192, 0, 0], sizes = [1, 64, 63], strides = [1, 1, 1]} : vector<256x64x63xf32> to vector<1x64x63xf32>
    %squeeze3A_574 = vector.shape_cast %slice3A_573 : vector<1x64x63xf32> to vector<64x63xf32>
    %add3A_575 = arith.addf %add3A_551, %squeeze3A_574 : vector<64x63xf32>
    %slice3A_576 = vector.extract_strided_slice %mul3A {offsets = [193, 0, 0], sizes = [1, 64, 63], strides = [1, 1, 1]} : vector<256x64x63xf32> to vector<1x64x63xf32>
    %squeeze3A_577 = vector.shape_cast %slice3A_576 : vector<1x64x63xf32> to vector<64x63xf32>
    %add3A_578 = arith.addf %add3A_554, %squeeze3A_577 : vector<64x63xf32>
    %slice3A_579 = vector.extract_strided_slice %mul3A {offsets = [194, 0, 0], sizes = [1, 64, 63], strides = [1, 1, 1]} : vector<256x64x63xf32> to vector<1x64x63xf32>
    %squeeze3A_580 = vector.shape_cast %slice3A_579 : vector<1x64x63xf32> to vector<64x63xf32>
    %add3A_581 = arith.addf %add3A_557, %squeeze3A_580 : vector<64x63xf32>
    %slice3A_582 = vector.extract_strided_slice %mul3A {offsets = [195, 0, 0], sizes = [1, 64, 63], strides = [1, 1, 1]} : vector<256x64x63xf32> to vector<1x64x63xf32>
    %squeeze3A_583 = vector.shape_cast %slice3A_582 : vector<1x64x63xf32> to vector<64x63xf32>
    %add3A_584 = arith.addf %add3A_560, %squeeze3A_583 : vector<64x63xf32>
    %slice3A_585 = vector.extract_strided_slice %mul3A {offsets = [196, 0, 0], sizes = [1, 64, 63], strides = [1, 1, 1]} : vector<256x64x63xf32> to vector<1x64x63xf32>
    %squeeze3A_586 = vector.shape_cast %slice3A_585 : vector<1x64x63xf32> to vector<64x63xf32>
    %add3A_587 = arith.addf %add3A_563, %squeeze3A_586 : vector<64x63xf32>
    %slice3A_588 = vector.extract_strided_slice %mul3A {offsets = [197, 0, 0], sizes = [1, 64, 63], strides = [1, 1, 1]} : vector<256x64x63xf32> to vector<1x64x63xf32>
    %squeeze3A_589 = vector.shape_cast %slice3A_588 : vector<1x64x63xf32> to vector<64x63xf32>
    %add3A_590 = arith.addf %add3A_566, %squeeze3A_589 : vector<64x63xf32>
    %slice3A_591 = vector.extract_strided_slice %mul3A {offsets = [198, 0, 0], sizes = [1, 64, 63], strides = [1, 1, 1]} : vector<256x64x63xf32> to vector<1x64x63xf32>
    %squeeze3A_592 = vector.shape_cast %slice3A_591 : vector<1x64x63xf32> to vector<64x63xf32>
    %add3A_593 = arith.addf %add3A_569, %squeeze3A_592 : vector<64x63xf32>
    %slice3A_594 = vector.extract_strided_slice %mul3A {offsets = [199, 0, 0], sizes = [1, 64, 63], strides = [1, 1, 1]} : vector<256x64x63xf32> to vector<1x64x63xf32>
    %squeeze3A_595 = vector.shape_cast %slice3A_594 : vector<1x64x63xf32> to vector<64x63xf32>
    %add3A_596 = arith.addf %add3A_572, %squeeze3A_595 : vector<64x63xf32>
    %slice3A_597 = vector.extract_strided_slice %mul3A {offsets = [200, 0, 0], sizes = [1, 64, 63], strides = [1, 1, 1]} : vector<256x64x63xf32> to vector<1x64x63xf32>
    %squeeze3A_598 = vector.shape_cast %slice3A_597 : vector<1x64x63xf32> to vector<64x63xf32>
    %add3A_599 = arith.addf %add3A_575, %squeeze3A_598 : vector<64x63xf32>
    %slice3A_600 = vector.extract_strided_slice %mul3A {offsets = [201, 0, 0], sizes = [1, 64, 63], strides = [1, 1, 1]} : vector<256x64x63xf32> to vector<1x64x63xf32>
    %squeeze3A_601 = vector.shape_cast %slice3A_600 : vector<1x64x63xf32> to vector<64x63xf32>
    %add3A_602 = arith.addf %add3A_578, %squeeze3A_601 : vector<64x63xf32>
    %slice3A_603 = vector.extract_strided_slice %mul3A {offsets = [202, 0, 0], sizes = [1, 64, 63], strides = [1, 1, 1]} : vector<256x64x63xf32> to vector<1x64x63xf32>
    %squeeze3A_604 = vector.shape_cast %slice3A_603 : vector<1x64x63xf32> to vector<64x63xf32>
    %add3A_605 = arith.addf %add3A_581, %squeeze3A_604 : vector<64x63xf32>
    %slice3A_606 = vector.extract_strided_slice %mul3A {offsets = [203, 0, 0], sizes = [1, 64, 63], strides = [1, 1, 1]} : vector<256x64x63xf32> to vector<1x64x63xf32>
    %squeeze3A_607 = vector.shape_cast %slice3A_606 : vector<1x64x63xf32> to vector<64x63xf32>
    %add3A_608 = arith.addf %add3A_584, %squeeze3A_607 : vector<64x63xf32>
    %slice3A_609 = vector.extract_strided_slice %mul3A {offsets = [204, 0, 0], sizes = [1, 64, 63], strides = [1, 1, 1]} : vector<256x64x63xf32> to vector<1x64x63xf32>
    %squeeze3A_610 = vector.shape_cast %slice3A_609 : vector<1x64x63xf32> to vector<64x63xf32>
    %add3A_611 = arith.addf %add3A_587, %squeeze3A_610 : vector<64x63xf32>
    %slice3A_612 = vector.extract_strided_slice %mul3A {offsets = [205, 0, 0], sizes = [1, 64, 63], strides = [1, 1, 1]} : vector<256x64x63xf32> to vector<1x64x63xf32>
    %squeeze3A_613 = vector.shape_cast %slice3A_612 : vector<1x64x63xf32> to vector<64x63xf32>
    %add3A_614 = arith.addf %add3A_590, %squeeze3A_613 : vector<64x63xf32>
    %slice3A_615 = vector.extract_strided_slice %mul3A {offsets = [206, 0, 0], sizes = [1, 64, 63], strides = [1, 1, 1]} : vector<256x64x63xf32> to vector<1x64x63xf32>
    %squeeze3A_616 = vector.shape_cast %slice3A_615 : vector<1x64x63xf32> to vector<64x63xf32>
    %add3A_617 = arith.addf %add3A_593, %squeeze3A_616 : vector<64x63xf32>
    %slice3A_618 = vector.extract_strided_slice %mul3A {offsets = [207, 0, 0], sizes = [1, 64, 63], strides = [1, 1, 1]} : vector<256x64x63xf32> to vector<1x64x63xf32>
    %squeeze3A_619 = vector.shape_cast %slice3A_618 : vector<1x64x63xf32> to vector<64x63xf32>
    %add3A_620 = arith.addf %add3A_596, %squeeze3A_619 : vector<64x63xf32>
    %slice3A_621 = vector.extract_strided_slice %mul3A {offsets = [208, 0, 0], sizes = [1, 64, 63], strides = [1, 1, 1]} : vector<256x64x63xf32> to vector<1x64x63xf32>
    %squeeze3A_622 = vector.shape_cast %slice3A_621 : vector<1x64x63xf32> to vector<64x63xf32>
    %add3A_623 = arith.addf %add3A_599, %squeeze3A_622 : vector<64x63xf32>
    %slice3A_624 = vector.extract_strided_slice %mul3A {offsets = [209, 0, 0], sizes = [1, 64, 63], strides = [1, 1, 1]} : vector<256x64x63xf32> to vector<1x64x63xf32>
    %squeeze3A_625 = vector.shape_cast %slice3A_624 : vector<1x64x63xf32> to vector<64x63xf32>
    %add3A_626 = arith.addf %add3A_602, %squeeze3A_625 : vector<64x63xf32>
    %slice3A_627 = vector.extract_strided_slice %mul3A {offsets = [210, 0, 0], sizes = [1, 64, 63], strides = [1, 1, 1]} : vector<256x64x63xf32> to vector<1x64x63xf32>
    %squeeze3A_628 = vector.shape_cast %slice3A_627 : vector<1x64x63xf32> to vector<64x63xf32>
    %add3A_629 = arith.addf %add3A_605, %squeeze3A_628 : vector<64x63xf32>
    %slice3A_630 = vector.extract_strided_slice %mul3A {offsets = [211, 0, 0], sizes = [1, 64, 63], strides = [1, 1, 1]} : vector<256x64x63xf32> to vector<1x64x63xf32>
    %squeeze3A_631 = vector.shape_cast %slice3A_630 : vector<1x64x63xf32> to vector<64x63xf32>
    %add3A_632 = arith.addf %add3A_608, %squeeze3A_631 : vector<64x63xf32>
    %slice3A_633 = vector.extract_strided_slice %mul3A {offsets = [212, 0, 0], sizes = [1, 64, 63], strides = [1, 1, 1]} : vector<256x64x63xf32> to vector<1x64x63xf32>
    %squeeze3A_634 = vector.shape_cast %slice3A_633 : vector<1x64x63xf32> to vector<64x63xf32>
    %add3A_635 = arith.addf %add3A_611, %squeeze3A_634 : vector<64x63xf32>
    %slice3A_636 = vector.extract_strided_slice %mul3A {offsets = [213, 0, 0], sizes = [1, 64, 63], strides = [1, 1, 1]} : vector<256x64x63xf32> to vector<1x64x63xf32>
    %squeeze3A_637 = vector.shape_cast %slice3A_636 : vector<1x64x63xf32> to vector<64x63xf32>
    %add3A_638 = arith.addf %add3A_614, %squeeze3A_637 : vector<64x63xf32>
    %slice3A_639 = vector.extract_strided_slice %mul3A {offsets = [214, 0, 0], sizes = [1, 64, 63], strides = [1, 1, 1]} : vector<256x64x63xf32> to vector<1x64x63xf32>
    %squeeze3A_640 = vector.shape_cast %slice3A_639 : vector<1x64x63xf32> to vector<64x63xf32>
    %add3A_641 = arith.addf %add3A_617, %squeeze3A_640 : vector<64x63xf32>
    %slice3A_642 = vector.extract_strided_slice %mul3A {offsets = [215, 0, 0], sizes = [1, 64, 63], strides = [1, 1, 1]} : vector<256x64x63xf32> to vector<1x64x63xf32>
    %squeeze3A_643 = vector.shape_cast %slice3A_642 : vector<1x64x63xf32> to vector<64x63xf32>
    %add3A_644 = arith.addf %add3A_620, %squeeze3A_643 : vector<64x63xf32>
    %slice3A_645 = vector.extract_strided_slice %mul3A {offsets = [216, 0, 0], sizes = [1, 64, 63], strides = [1, 1, 1]} : vector<256x64x63xf32> to vector<1x64x63xf32>
    %squeeze3A_646 = vector.shape_cast %slice3A_645 : vector<1x64x63xf32> to vector<64x63xf32>
    %add3A_647 = arith.addf %add3A_623, %squeeze3A_646 : vector<64x63xf32>
    %slice3A_648 = vector.extract_strided_slice %mul3A {offsets = [217, 0, 0], sizes = [1, 64, 63], strides = [1, 1, 1]} : vector<256x64x63xf32> to vector<1x64x63xf32>
    %squeeze3A_649 = vector.shape_cast %slice3A_648 : vector<1x64x63xf32> to vector<64x63xf32>
    %add3A_650 = arith.addf %add3A_626, %squeeze3A_649 : vector<64x63xf32>
    %slice3A_651 = vector.extract_strided_slice %mul3A {offsets = [218, 0, 0], sizes = [1, 64, 63], strides = [1, 1, 1]} : vector<256x64x63xf32> to vector<1x64x63xf32>
    %squeeze3A_652 = vector.shape_cast %slice3A_651 : vector<1x64x63xf32> to vector<64x63xf32>
    %add3A_653 = arith.addf %add3A_629, %squeeze3A_652 : vector<64x63xf32>
    %slice3A_654 = vector.extract_strided_slice %mul3A {offsets = [219, 0, 0], sizes = [1, 64, 63], strides = [1, 1, 1]} : vector<256x64x63xf32> to vector<1x64x63xf32>
    %squeeze3A_655 = vector.shape_cast %slice3A_654 : vector<1x64x63xf32> to vector<64x63xf32>
    %add3A_656 = arith.addf %add3A_632, %squeeze3A_655 : vector<64x63xf32>
    %slice3A_657 = vector.extract_strided_slice %mul3A {offsets = [220, 0, 0], sizes = [1, 64, 63], strides = [1, 1, 1]} : vector<256x64x63xf32> to vector<1x64x63xf32>
    %squeeze3A_658 = vector.shape_cast %slice3A_657 : vector<1x64x63xf32> to vector<64x63xf32>
    %add3A_659 = arith.addf %add3A_635, %squeeze3A_658 : vector<64x63xf32>
    %slice3A_660 = vector.extract_strided_slice %mul3A {offsets = [221, 0, 0], sizes = [1, 64, 63], strides = [1, 1, 1]} : vector<256x64x63xf32> to vector<1x64x63xf32>
    %squeeze3A_661 = vector.shape_cast %slice3A_660 : vector<1x64x63xf32> to vector<64x63xf32>
    %add3A_662 = arith.addf %add3A_638, %squeeze3A_661 : vector<64x63xf32>
    %slice3A_663 = vector.extract_strided_slice %mul3A {offsets = [222, 0, 0], sizes = [1, 64, 63], strides = [1, 1, 1]} : vector<256x64x63xf32> to vector<1x64x63xf32>
    %squeeze3A_664 = vector.shape_cast %slice3A_663 : vector<1x64x63xf32> to vector<64x63xf32>
    %add3A_665 = arith.addf %add3A_641, %squeeze3A_664 : vector<64x63xf32>
    %slice3A_666 = vector.extract_strided_slice %mul3A {offsets = [223, 0, 0], sizes = [1, 64, 63], strides = [1, 1, 1]} : vector<256x64x63xf32> to vector<1x64x63xf32>
    %squeeze3A_667 = vector.shape_cast %slice3A_666 : vector<1x64x63xf32> to vector<64x63xf32>
    %add3A_668 = arith.addf %add3A_644, %squeeze3A_667 : vector<64x63xf32>
    %slice3A_669 = vector.extract_strided_slice %mul3A {offsets = [224, 0, 0], sizes = [1, 64, 63], strides = [1, 1, 1]} : vector<256x64x63xf32> to vector<1x64x63xf32>
    %squeeze3A_670 = vector.shape_cast %slice3A_669 : vector<1x64x63xf32> to vector<64x63xf32>
    %add3A_671 = arith.addf %add3A_647, %squeeze3A_670 : vector<64x63xf32>
    %slice3A_672 = vector.extract_strided_slice %mul3A {offsets = [225, 0, 0], sizes = [1, 64, 63], strides = [1, 1, 1]} : vector<256x64x63xf32> to vector<1x64x63xf32>
    %squeeze3A_673 = vector.shape_cast %slice3A_672 : vector<1x64x63xf32> to vector<64x63xf32>
    %add3A_674 = arith.addf %add3A_650, %squeeze3A_673 : vector<64x63xf32>
    %slice3A_675 = vector.extract_strided_slice %mul3A {offsets = [226, 0, 0], sizes = [1, 64, 63], strides = [1, 1, 1]} : vector<256x64x63xf32> to vector<1x64x63xf32>
    %squeeze3A_676 = vector.shape_cast %slice3A_675 : vector<1x64x63xf32> to vector<64x63xf32>
    %add3A_677 = arith.addf %add3A_653, %squeeze3A_676 : vector<64x63xf32>
    %slice3A_678 = vector.extract_strided_slice %mul3A {offsets = [227, 0, 0], sizes = [1, 64, 63], strides = [1, 1, 1]} : vector<256x64x63xf32> to vector<1x64x63xf32>
    %squeeze3A_679 = vector.shape_cast %slice3A_678 : vector<1x64x63xf32> to vector<64x63xf32>
    %add3A_680 = arith.addf %add3A_656, %squeeze3A_679 : vector<64x63xf32>
    %slice3A_681 = vector.extract_strided_slice %mul3A {offsets = [228, 0, 0], sizes = [1, 64, 63], strides = [1, 1, 1]} : vector<256x64x63xf32> to vector<1x64x63xf32>
    %squeeze3A_682 = vector.shape_cast %slice3A_681 : vector<1x64x63xf32> to vector<64x63xf32>
    %add3A_683 = arith.addf %add3A_659, %squeeze3A_682 : vector<64x63xf32>
    %slice3A_684 = vector.extract_strided_slice %mul3A {offsets = [229, 0, 0], sizes = [1, 64, 63], strides = [1, 1, 1]} : vector<256x64x63xf32> to vector<1x64x63xf32>
    %squeeze3A_685 = vector.shape_cast %slice3A_684 : vector<1x64x63xf32> to vector<64x63xf32>
    %add3A_686 = arith.addf %add3A_662, %squeeze3A_685 : vector<64x63xf32>
    %slice3A_687 = vector.extract_strided_slice %mul3A {offsets = [230, 0, 0], sizes = [1, 64, 63], strides = [1, 1, 1]} : vector<256x64x63xf32> to vector<1x64x63xf32>
    %squeeze3A_688 = vector.shape_cast %slice3A_687 : vector<1x64x63xf32> to vector<64x63xf32>
    %add3A_689 = arith.addf %add3A_665, %squeeze3A_688 : vector<64x63xf32>
    %slice3A_690 = vector.extract_strided_slice %mul3A {offsets = [231, 0, 0], sizes = [1, 64, 63], strides = [1, 1, 1]} : vector<256x64x63xf32> to vector<1x64x63xf32>
    %squeeze3A_691 = vector.shape_cast %slice3A_690 : vector<1x64x63xf32> to vector<64x63xf32>
    %add3A_692 = arith.addf %add3A_668, %squeeze3A_691 : vector<64x63xf32>
    %slice3A_693 = vector.extract_strided_slice %mul3A {offsets = [232, 0, 0], sizes = [1, 64, 63], strides = [1, 1, 1]} : vector<256x64x63xf32> to vector<1x64x63xf32>
    %squeeze3A_694 = vector.shape_cast %slice3A_693 : vector<1x64x63xf32> to vector<64x63xf32>
    %add3A_695 = arith.addf %add3A_671, %squeeze3A_694 : vector<64x63xf32>
    %slice3A_696 = vector.extract_strided_slice %mul3A {offsets = [233, 0, 0], sizes = [1, 64, 63], strides = [1, 1, 1]} : vector<256x64x63xf32> to vector<1x64x63xf32>
    %squeeze3A_697 = vector.shape_cast %slice3A_696 : vector<1x64x63xf32> to vector<64x63xf32>
    %add3A_698 = arith.addf %add3A_674, %squeeze3A_697 : vector<64x63xf32>
    %slice3A_699 = vector.extract_strided_slice %mul3A {offsets = [234, 0, 0], sizes = [1, 64, 63], strides = [1, 1, 1]} : vector<256x64x63xf32> to vector<1x64x63xf32>
    %squeeze3A_700 = vector.shape_cast %slice3A_699 : vector<1x64x63xf32> to vector<64x63xf32>
    %add3A_701 = arith.addf %add3A_677, %squeeze3A_700 : vector<64x63xf32>
    %slice3A_702 = vector.extract_strided_slice %mul3A {offsets = [235, 0, 0], sizes = [1, 64, 63], strides = [1, 1, 1]} : vector<256x64x63xf32> to vector<1x64x63xf32>
    %squeeze3A_703 = vector.shape_cast %slice3A_702 : vector<1x64x63xf32> to vector<64x63xf32>
    %add3A_704 = arith.addf %add3A_680, %squeeze3A_703 : vector<64x63xf32>
    %slice3A_705 = vector.extract_strided_slice %mul3A {offsets = [236, 0, 0], sizes = [1, 64, 63], strides = [1, 1, 1]} : vector<256x64x63xf32> to vector<1x64x63xf32>
    %squeeze3A_706 = vector.shape_cast %slice3A_705 : vector<1x64x63xf32> to vector<64x63xf32>
    %add3A_707 = arith.addf %add3A_683, %squeeze3A_706 : vector<64x63xf32>
    %slice3A_708 = vector.extract_strided_slice %mul3A {offsets = [237, 0, 0], sizes = [1, 64, 63], strides = [1, 1, 1]} : vector<256x64x63xf32> to vector<1x64x63xf32>
    %squeeze3A_709 = vector.shape_cast %slice3A_708 : vector<1x64x63xf32> to vector<64x63xf32>
    %add3A_710 = arith.addf %add3A_686, %squeeze3A_709 : vector<64x63xf32>
    %slice3A_711 = vector.extract_strided_slice %mul3A {offsets = [238, 0, 0], sizes = [1, 64, 63], strides = [1, 1, 1]} : vector<256x64x63xf32> to vector<1x64x63xf32>
    %squeeze3A_712 = vector.shape_cast %slice3A_711 : vector<1x64x63xf32> to vector<64x63xf32>
    %add3A_713 = arith.addf %add3A_689, %squeeze3A_712 : vector<64x63xf32>
    %slice3A_714 = vector.extract_strided_slice %mul3A {offsets = [239, 0, 0], sizes = [1, 64, 63], strides = [1, 1, 1]} : vector<256x64x63xf32> to vector<1x64x63xf32>
    %squeeze3A_715 = vector.shape_cast %slice3A_714 : vector<1x64x63xf32> to vector<64x63xf32>
    %add3A_716 = arith.addf %add3A_692, %squeeze3A_715 : vector<64x63xf32>
    %slice3A_717 = vector.extract_strided_slice %mul3A {offsets = [240, 0, 0], sizes = [1, 64, 63], strides = [1, 1, 1]} : vector<256x64x63xf32> to vector<1x64x63xf32>
    %squeeze3A_718 = vector.shape_cast %slice3A_717 : vector<1x64x63xf32> to vector<64x63xf32>
    %add3A_719 = arith.addf %add3A_695, %squeeze3A_718 : vector<64x63xf32>
    %slice3A_720 = vector.extract_strided_slice %mul3A {offsets = [241, 0, 0], sizes = [1, 64, 63], strides = [1, 1, 1]} : vector<256x64x63xf32> to vector<1x64x63xf32>
    %squeeze3A_721 = vector.shape_cast %slice3A_720 : vector<1x64x63xf32> to vector<64x63xf32>
    %add3A_722 = arith.addf %add3A_698, %squeeze3A_721 : vector<64x63xf32>
    %slice3A_723 = vector.extract_strided_slice %mul3A {offsets = [242, 0, 0], sizes = [1, 64, 63], strides = [1, 1, 1]} : vector<256x64x63xf32> to vector<1x64x63xf32>
    %squeeze3A_724 = vector.shape_cast %slice3A_723 : vector<1x64x63xf32> to vector<64x63xf32>
    %add3A_725 = arith.addf %add3A_701, %squeeze3A_724 : vector<64x63xf32>
    %slice3A_726 = vector.extract_strided_slice %mul3A {offsets = [243, 0, 0], sizes = [1, 64, 63], strides = [1, 1, 1]} : vector<256x64x63xf32> to vector<1x64x63xf32>
    %squeeze3A_727 = vector.shape_cast %slice3A_726 : vector<1x64x63xf32> to vector<64x63xf32>
    %add3A_728 = arith.addf %add3A_704, %squeeze3A_727 : vector<64x63xf32>
    %slice3A_729 = vector.extract_strided_slice %mul3A {offsets = [244, 0, 0], sizes = [1, 64, 63], strides = [1, 1, 1]} : vector<256x64x63xf32> to vector<1x64x63xf32>
    %squeeze3A_730 = vector.shape_cast %slice3A_729 : vector<1x64x63xf32> to vector<64x63xf32>
    %add3A_731 = arith.addf %add3A_707, %squeeze3A_730 : vector<64x63xf32>
    %slice3A_732 = vector.extract_strided_slice %mul3A {offsets = [245, 0, 0], sizes = [1, 64, 63], strides = [1, 1, 1]} : vector<256x64x63xf32> to vector<1x64x63xf32>
    %squeeze3A_733 = vector.shape_cast %slice3A_732 : vector<1x64x63xf32> to vector<64x63xf32>
    %add3A_734 = arith.addf %add3A_710, %squeeze3A_733 : vector<64x63xf32>
    %slice3A_735 = vector.extract_strided_slice %mul3A {offsets = [246, 0, 0], sizes = [1, 64, 63], strides = [1, 1, 1]} : vector<256x64x63xf32> to vector<1x64x63xf32>
    %squeeze3A_736 = vector.shape_cast %slice3A_735 : vector<1x64x63xf32> to vector<64x63xf32>
    %add3A_737 = arith.addf %add3A_713, %squeeze3A_736 : vector<64x63xf32>
    %slice3A_738 = vector.extract_strided_slice %mul3A {offsets = [247, 0, 0], sizes = [1, 64, 63], strides = [1, 1, 1]} : vector<256x64x63xf32> to vector<1x64x63xf32>
    %squeeze3A_739 = vector.shape_cast %slice3A_738 : vector<1x64x63xf32> to vector<64x63xf32>
    %add3A_740 = arith.addf %add3A_716, %squeeze3A_739 : vector<64x63xf32>
    %slice3A_741 = vector.extract_strided_slice %mul3A {offsets = [248, 0, 0], sizes = [1, 64, 63], strides = [1, 1, 1]} : vector<256x64x63xf32> to vector<1x64x63xf32>
    %squeeze3A_742 = vector.shape_cast %slice3A_741 : vector<1x64x63xf32> to vector<64x63xf32>
    %add3A_743 = arith.addf %add3A_719, %squeeze3A_742 : vector<64x63xf32>
    %slice3A_744 = vector.extract_strided_slice %mul3A {offsets = [249, 0, 0], sizes = [1, 64, 63], strides = [1, 1, 1]} : vector<256x64x63xf32> to vector<1x64x63xf32>
    %squeeze3A_745 = vector.shape_cast %slice3A_744 : vector<1x64x63xf32> to vector<64x63xf32>
    %add3A_746 = arith.addf %add3A_722, %squeeze3A_745 : vector<64x63xf32>
    %slice3A_747 = vector.extract_strided_slice %mul3A {offsets = [250, 0, 0], sizes = [1, 64, 63], strides = [1, 1, 1]} : vector<256x64x63xf32> to vector<1x64x63xf32>
    %squeeze3A_748 = vector.shape_cast %slice3A_747 : vector<1x64x63xf32> to vector<64x63xf32>
    %add3A_749 = arith.addf %add3A_725, %squeeze3A_748 : vector<64x63xf32>
    %slice3A_750 = vector.extract_strided_slice %mul3A {offsets = [251, 0, 0], sizes = [1, 64, 63], strides = [1, 1, 1]} : vector<256x64x63xf32> to vector<1x64x63xf32>
    %squeeze3A_751 = vector.shape_cast %slice3A_750 : vector<1x64x63xf32> to vector<64x63xf32>
    %add3A_752 = arith.addf %add3A_728, %squeeze3A_751 : vector<64x63xf32>
    %slice3A_753 = vector.extract_strided_slice %mul3A {offsets = [252, 0, 0], sizes = [1, 64, 63], strides = [1, 1, 1]} : vector<256x64x63xf32> to vector<1x64x63xf32>
    %squeeze3A_754 = vector.shape_cast %slice3A_753 : vector<1x64x63xf32> to vector<64x63xf32>
    %add3A_755 = arith.addf %add3A_731, %squeeze3A_754 : vector<64x63xf32>
    %slice3A_756 = vector.extract_strided_slice %mul3A {offsets = [253, 0, 0], sizes = [1, 64, 63], strides = [1, 1, 1]} : vector<256x64x63xf32> to vector<1x64x63xf32>
    %squeeze3A_757 = vector.shape_cast %slice3A_756 : vector<1x64x63xf32> to vector<64x63xf32>
    %add3A_758 = arith.addf %add3A_734, %squeeze3A_757 : vector<64x63xf32>
    %slice3A_759 = vector.extract_strided_slice %mul3A {offsets = [254, 0, 0], sizes = [1, 64, 63], strides = [1, 1, 1]} : vector<256x64x63xf32> to vector<1x64x63xf32>
    %squeeze3A_760 = vector.shape_cast %slice3A_759 : vector<1x64x63xf32> to vector<64x63xf32>
    %add3A_761 = arith.addf %add3A_737, %squeeze3A_760 : vector<64x63xf32>
    %slice3A_762 = vector.extract_strided_slice %mul3A {offsets = [255, 0, 0], sizes = [1, 64, 63], strides = [1, 1, 1]} : vector<256x64x63xf32> to vector<1x64x63xf32>
    %squeeze3A_763 = vector.shape_cast %slice3A_762 : vector<1x64x63xf32> to vector<64x63xf32>
    %add3A_764 = arith.addf %add3A_740, %squeeze3A_763 : vector<64x63xf32>
    %add3A_765 = arith.addf %add3A_743, %add3A_746 : vector<64x63xf32>
    %add3A_766 = arith.addf %add3A_749, %add3A_752 : vector<64x63xf32>
    %add3A_767 = arith.addf %add3A_765, %add3A_766 : vector<64x63xf32>
    %add3A_768 = arith.addf %add3A_755, %add3A_758 : vector<64x63xf32>
    %add3A_769 = arith.addf %add3A_761, %add3A_764 : vector<64x63xf32>
    %add3A_770 = arith.addf %add3A_768, %add3A_769 : vector<64x63xf32>
    %add3A_771 = arith.addf %add3A_767, %add3A_770 : vector<64x63xf32>
    %add3A_772 = arith.addf %add3A_388, %add3A_771 : vector<64x63xf32>
    %swap3A = arith.constant 0 : index
    %swap3A_773 = arith.constant 0 : index
    %swap3A_774 = vector.load %arg1[%swap3A, %swap3A_773] : memref<64x63xf32, #tpu.memory_space<vmem>>, vector<64x63xf32>
    tpu.vector_store %arg1[%swap3A, %swap3A_773], %add3A_772 {strides = array<i32>} : memref<64x63xf32, #tpu.memory_space<vmem>>, vector<64x63xf32>,
    %slice3A_775 = vector.extract_strided_slice %mul3A_7 {offsets = [0, 0, 0], sizes = [1, 63, 64], strides = [1, 1, 1]} : vector<256x63x64xf32> to vector<1x63x64xf32>
    %squeeze3A_776 = vector.shape_cast %slice3A_775 : vector<1x63x64xf32> to vector<63x64xf32>
    %slice3A_777 = vector.extract_strided_slice %mul3A_7 {offsets = [1, 0, 0], sizes = [1, 63, 64], strides = [1, 1, 1]} : vector<256x63x64xf32> to vector<1x63x64xf32>
    %squeeze3A_778 = vector.shape_cast %slice3A_777 : vector<1x63x64xf32> to vector<63x64xf32>
    %slice3A_779 = vector.extract_strided_slice %mul3A_7 {offsets = [2, 0, 0], sizes = [1, 63, 64], strides = [1, 1, 1]} : vector<256x63x64xf32> to vector<1x63x64xf32>
    %squeeze3A_780 = vector.shape_cast %slice3A_779 : vector<1x63x64xf32> to vector<63x64xf32>
    %slice3A_781 = vector.extract_strided_slice %mul3A_7 {offsets = [3, 0, 0], sizes = [1, 63, 64], strides = [1, 1, 1]} : vector<256x63x64xf32> to vector<1x63x64xf32>
    %squeeze3A_782 = vector.shape_cast %slice3A_781 : vector<1x63x64xf32> to vector<63x64xf32>
    %slice3A_783 = vector.extract_strided_slice %mul3A_7 {offsets = [4, 0, 0], sizes = [1, 63, 64], strides = [1, 1, 1]} : vector<256x63x64xf32> to vector<1x63x64xf32>
    %squeeze3A_784 = vector.shape_cast %slice3A_783 : vector<1x63x64xf32> to vector<63x64xf32>
    %slice3A_785 = vector.extract_strided_slice %mul3A_7 {offsets = [5, 0, 0], sizes = [1, 63, 64], strides = [1, 1, 1]} : vector<256x63x64xf32> to vector<1x63x64xf32>
    %squeeze3A_786 = vector.shape_cast %slice3A_785 : vector<1x63x64xf32> to vector<63x64xf32>
    %slice3A_787 = vector.extract_strided_slice %mul3A_7 {offsets = [6, 0, 0], sizes = [1, 63, 64], strides = [1, 1, 1]} : vector<256x63x64xf32> to vector<1x63x64xf32>
    %squeeze3A_788 = vector.shape_cast %slice3A_787 : vector<1x63x64xf32> to vector<63x64xf32>
    %slice3A_789 = vector.extract_strided_slice %mul3A_7 {offsets = [7, 0, 0], sizes = [1, 63, 64], strides = [1, 1, 1]} : vector<256x63x64xf32> to vector<1x63x64xf32>
    %squeeze3A_790 = vector.shape_cast %slice3A_789 : vector<1x63x64xf32> to vector<63x64xf32>
    %slice3A_791 = vector.extract_strided_slice %mul3A_7 {offsets = [8, 0, 0], sizes = [1, 63, 64], strides = [1, 1, 1]} : vector<256x63x64xf32> to vector<1x63x64xf32>
    %squeeze3A_792 = vector.shape_cast %slice3A_791 : vector<1x63x64xf32> to vector<63x64xf32>
    %add3A_793 = arith.addf %squeeze3A_776, %squeeze3A_792 : vector<63x64xf32>
    %slice3A_794 = vector.extract_strided_slice %mul3A_7 {offsets = [9, 0, 0], sizes = [1, 63, 64], strides = [1, 1, 1]} : vector<256x63x64xf32> to vector<1x63x64xf32>
    %squeeze3A_795 = vector.shape_cast %slice3A_794 : vector<1x63x64xf32> to vector<63x64xf32>
    %add3A_796 = arith.addf %squeeze3A_778, %squeeze3A_795 : vector<63x64xf32>
    %slice3A_797 = vector.extract_strided_slice %mul3A_7 {offsets = [10, 0, 0], sizes = [1, 63, 64], strides = [1, 1, 1]} : vector<256x63x64xf32> to vector<1x63x64xf32>
    %squeeze3A_798 = vector.shape_cast %slice3A_797 : vector<1x63x64xf32> to vector<63x64xf32>
    %add3A_799 = arith.addf %squeeze3A_780, %squeeze3A_798 : vector<63x64xf32>
    %slice3A_800 = vector.extract_strided_slice %mul3A_7 {offsets = [11, 0, 0], sizes = [1, 63, 64], strides = [1, 1, 1]} : vector<256x63x64xf32> to vector<1x63x64xf32>
    %squeeze3A_801 = vector.shape_cast %slice3A_800 : vector<1x63x64xf32> to vector<63x64xf32>
    %add3A_802 = arith.addf %squeeze3A_782, %squeeze3A_801 : vector<63x64xf32>
    %slice3A_803 = vector.extract_strided_slice %mul3A_7 {offsets = [12, 0, 0], sizes = [1, 63, 64], strides = [1, 1, 1]} : vector<256x63x64xf32> to vector<1x63x64xf32>
    %squeeze3A_804 = vector.shape_cast %slice3A_803 : vector<1x63x64xf32> to vector<63x64xf32>
    %add3A_805 = arith.addf %squeeze3A_784, %squeeze3A_804 : vector<63x64xf32>
    %slice3A_806 = vector.extract_strided_slice %mul3A_7 {offsets = [13, 0, 0], sizes = [1, 63, 64], strides = [1, 1, 1]} : vector<256x63x64xf32> to vector<1x63x64xf32>
    %squeeze3A_807 = vector.shape_cast %slice3A_806 : vector<1x63x64xf32> to vector<63x64xf32>
    %add3A_808 = arith.addf %squeeze3A_786, %squeeze3A_807 : vector<63x64xf32>
    %slice3A_809 = vector.extract_strided_slice %mul3A_7 {offsets = [14, 0, 0], sizes = [1, 63, 64], strides = [1, 1, 1]} : vector<256x63x64xf32> to vector<1x63x64xf32>
    %squeeze3A_810 = vector.shape_cast %slice3A_809 : vector<1x63x64xf32> to vector<63x64xf32>
    %add3A_811 = arith.addf %squeeze3A_788, %squeeze3A_810 : vector<63x64xf32>
    %slice3A_812 = vector.extract_strided_slice %mul3A_7 {offsets = [15, 0, 0], sizes = [1, 63, 64], strides = [1, 1, 1]} : vector<256x63x64xf32> to vector<1x63x64xf32>
    %squeeze3A_813 = vector.shape_cast %slice3A_812 : vector<1x63x64xf32> to vector<63x64xf32>
    %add3A_814 = arith.addf %squeeze3A_790, %squeeze3A_813 : vector<63x64xf32>
    %slice3A_815 = vector.extract_strided_slice %mul3A_7 {offsets = [16, 0, 0], sizes = [1, 63, 64], strides = [1, 1, 1]} : vector<256x63x64xf32> to vector<1x63x64xf32>
    %squeeze3A_816 = vector.shape_cast %slice3A_815 : vector<1x63x64xf32> to vector<63x64xf32>
    %add3A_817 = arith.addf %add3A_793, %squeeze3A_816 : vector<63x64xf32>
    %slice3A_818 = vector.extract_strided_slice %mul3A_7 {offsets = [17, 0, 0], sizes = [1, 63, 64], strides = [1, 1, 1]} : vector<256x63x64xf32> to vector<1x63x64xf32>
    %squeeze3A_819 = vector.shape_cast %slice3A_818 : vector<1x63x64xf32> to vector<63x64xf32>
    %add3A_820 = arith.addf %add3A_796, %squeeze3A_819 : vector<63x64xf32>
    %slice3A_821 = vector.extract_strided_slice %mul3A_7 {offsets = [18, 0, 0], sizes = [1, 63, 64], strides = [1, 1, 1]} : vector<256x63x64xf32> to vector<1x63x64xf32>
    %squeeze3A_822 = vector.shape_cast %slice3A_821 : vector<1x63x64xf32> to vector<63x64xf32>
    %add3A_823 = arith.addf %add3A_799, %squeeze3A_822 : vector<63x64xf32>
    %slice3A_824 = vector.extract_strided_slice %mul3A_7 {offsets = [19, 0, 0], sizes = [1, 63, 64], strides = [1, 1, 1]} : vector<256x63x64xf32> to vector<1x63x64xf32>
    %squeeze3A_825 = vector.shape_cast %slice3A_824 : vector<1x63x64xf32> to vector<63x64xf32>
    %add3A_826 = arith.addf %add3A_802, %squeeze3A_825 : vector<63x64xf32>
    %slice3A_827 = vector.extract_strided_slice %mul3A_7 {offsets = [20, 0, 0], sizes = [1, 63, 64], strides = [1, 1, 1]} : vector<256x63x64xf32> to vector<1x63x64xf32>
    %squeeze3A_828 = vector.shape_cast %slice3A_827 : vector<1x63x64xf32> to vector<63x64xf32>
    %add3A_829 = arith.addf %add3A_805, %squeeze3A_828 : vector<63x64xf32>
    %slice3A_830 = vector.extract_strided_slice %mul3A_7 {offsets = [21, 0, 0], sizes = [1, 63, 64], strides = [1, 1, 1]} : vector<256x63x64xf32> to vector<1x63x64xf32>
    %squeeze3A_831 = vector.shape_cast %slice3A_830 : vector<1x63x64xf32> to vector<63x64xf32>
    %add3A_832 = arith.addf %add3A_808, %squeeze3A_831 : vector<63x64xf32>
    %slice3A_833 = vector.extract_strided_slice %mul3A_7 {offsets = [22, 0, 0], sizes = [1, 63, 64], strides = [1, 1, 1]} : vector<256x63x64xf32> to vector<1x63x64xf32>
    %squeeze3A_834 = vector.shape_cast %slice3A_833 : vector<1x63x64xf32> to vector<63x64xf32>
    %add3A_835 = arith.addf %add3A_811, %squeeze3A_834 : vector<63x64xf32>
    %slice3A_836 = vector.extract_strided_slice %mul3A_7 {offsets = [23, 0, 0], sizes = [1, 63, 64], strides = [1, 1, 1]} : vector<256x63x64xf32> to vector<1x63x64xf32>
    %squeeze3A_837 = vector.shape_cast %slice3A_836 : vector<1x63x64xf32> to vector<63x64xf32>
    %add3A_838 = arith.addf %add3A_814, %squeeze3A_837 : vector<63x64xf32>
    %slice3A_839 = vector.extract_strided_slice %mul3A_7 {offsets = [24, 0, 0], sizes = [1, 63, 64], strides = [1, 1, 1]} : vector<256x63x64xf32> to vector<1x63x64xf32>
    %squeeze3A_840 = vector.shape_cast %slice3A_839 : vector<1x63x64xf32> to vector<63x64xf32>
    %add3A_841 = arith.addf %add3A_817, %squeeze3A_840 : vector<63x64xf32>
    %slice3A_842 = vector.extract_strided_slice %mul3A_7 {offsets = [25, 0, 0], sizes = [1, 63, 64], strides = [1, 1, 1]} : vector<256x63x64xf32> to vector<1x63x64xf32>
    %squeeze3A_843 = vector.shape_cast %slice3A_842 : vector<1x63x64xf32> to vector<63x64xf32>
    %add3A_844 = arith.addf %add3A_820, %squeeze3A_843 : vector<63x64xf32>
    %slice3A_845 = vector.extract_strided_slice %mul3A_7 {offsets = [26, 0, 0], sizes = [1, 63, 64], strides = [1, 1, 1]} : vector<256x63x64xf32> to vector<1x63x64xf32>
    %squeeze3A_846 = vector.shape_cast %slice3A_845 : vector<1x63x64xf32> to vector<63x64xf32>
    %add3A_847 = arith.addf %add3A_823, %squeeze3A_846 : vector<63x64xf32>
    %slice3A_848 = vector.extract_strided_slice %mul3A_7 {offsets = [27, 0, 0], sizes = [1, 63, 64], strides = [1, 1, 1]} : vector<256x63x64xf32> to vector<1x63x64xf32>
    %squeeze3A_849 = vector.shape_cast %slice3A_848 : vector<1x63x64xf32> to vector<63x64xf32>
    %add3A_850 = arith.addf %add3A_826, %squeeze3A_849 : vector<63x64xf32>
    %slice3A_851 = vector.extract_strided_slice %mul3A_7 {offsets = [28, 0, 0], sizes = [1, 63, 64], strides = [1, 1, 1]} : vector<256x63x64xf32> to vector<1x63x64xf32>
    %squeeze3A_852 = vector.shape_cast %slice3A_851 : vector<1x63x64xf32> to vector<63x64xf32>
    %add3A_853 = arith.addf %add3A_829, %squeeze3A_852 : vector<63x64xf32>
    %slice3A_854 = vector.extract_strided_slice %mul3A_7 {offsets = [29, 0, 0], sizes = [1, 63, 64], strides = [1, 1, 1]} : vector<256x63x64xf32> to vector<1x63x64xf32>
    %squeeze3A_855 = vector.shape_cast %slice3A_854 : vector<1x63x64xf32> to vector<63x64xf32>
    %add3A_856 = arith.addf %add3A_832, %squeeze3A_855 : vector<63x64xf32>
    %slice3A_857 = vector.extract_strided_slice %mul3A_7 {offsets = [30, 0, 0], sizes = [1, 63, 64], strides = [1, 1, 1]} : vector<256x63x64xf32> to vector<1x63x64xf32>
    %squeeze3A_858 = vector.shape_cast %slice3A_857 : vector<1x63x64xf32> to vector<63x64xf32>
    %add3A_859 = arith.addf %add3A_835, %squeeze3A_858 : vector<63x64xf32>
    %slice3A_860 = vector.extract_strided_slice %mul3A_7 {offsets = [31, 0, 0], sizes = [1, 63, 64], strides = [1, 1, 1]} : vector<256x63x64xf32> to vector<1x63x64xf32>
    %squeeze3A_861 = vector.shape_cast %slice3A_860 : vector<1x63x64xf32> to vector<63x64xf32>
    %add3A_862 = arith.addf %add3A_838, %squeeze3A_861 : vector<63x64xf32>
    %slice3A_863 = vector.extract_strided_slice %mul3A_7 {offsets = [32, 0, 0], sizes = [1, 63, 64], strides = [1, 1, 1]} : vector<256x63x64xf32> to vector<1x63x64xf32>
    %squeeze3A_864 = vector.shape_cast %slice3A_863 : vector<1x63x64xf32> to vector<63x64xf32>
    %add3A_865 = arith.addf %add3A_841, %squeeze3A_864 : vector<63x64xf32>
    %slice3A_866 = vector.extract_strided_slice %mul3A_7 {offsets = [33, 0, 0], sizes = [1, 63, 64], strides = [1, 1, 1]} : vector<256x63x64xf32> to vector<1x63x64xf32>
    %squeeze3A_867 = vector.shape_cast %slice3A_866 : vector<1x63x64xf32> to vector<63x64xf32>
    %add3A_868 = arith.addf %add3A_844, %squeeze3A_867 : vector<63x64xf32>
    %slice3A_869 = vector.extract_strided_slice %mul3A_7 {offsets = [34, 0, 0], sizes = [1, 63, 64], strides = [1, 1, 1]} : vector<256x63x64xf32> to vector<1x63x64xf32>
    %squeeze3A_870 = vector.shape_cast %slice3A_869 : vector<1x63x64xf32> to vector<63x64xf32>
    %add3A_871 = arith.addf %add3A_847, %squeeze3A_870 : vector<63x64xf32>
    %slice3A_872 = vector.extract_strided_slice %mul3A_7 {offsets = [35, 0, 0], sizes = [1, 63, 64], strides = [1, 1, 1]} : vector<256x63x64xf32> to vector<1x63x64xf32>
    %squeeze3A_873 = vector.shape_cast %slice3A_872 : vector<1x63x64xf32> to vector<63x64xf32>
    %add3A_874 = arith.addf %add3A_850, %squeeze3A_873 : vector<63x64xf32>
    %slice3A_875 = vector.extract_strided_slice %mul3A_7 {offsets = [36, 0, 0], sizes = [1, 63, 64], strides = [1, 1, 1]} : vector<256x63x64xf32> to vector<1x63x64xf32>
    %squeeze3A_876 = vector.shape_cast %slice3A_875 : vector<1x63x64xf32> to vector<63x64xf32>
    %add3A_877 = arith.addf %add3A_853, %squeeze3A_876 : vector<63x64xf32>
    %slice3A_878 = vector.extract_strided_slice %mul3A_7 {offsets = [37, 0, 0], sizes = [1, 63, 64], strides = [1, 1, 1]} : vector<256x63x64xf32> to vector<1x63x64xf32>
    %squeeze3A_879 = vector.shape_cast %slice3A_878 : vector<1x63x64xf32> to vector<63x64xf32>
    %add3A_880 = arith.addf %add3A_856, %squeeze3A_879 : vector<63x64xf32>
    %slice3A_881 = vector.extract_strided_slice %mul3A_7 {offsets = [38, 0, 0], sizes = [1, 63, 64], strides = [1, 1, 1]} : vector<256x63x64xf32> to vector<1x63x64xf32>
    %squeeze3A_882 = vector.shape_cast %slice3A_881 : vector<1x63x64xf32> to vector<63x64xf32>
    %add3A_883 = arith.addf %add3A_859, %squeeze3A_882 : vector<63x64xf32>
    %slice3A_884 = vector.extract_strided_slice %mul3A_7 {offsets = [39, 0, 0], sizes = [1, 63, 64], strides = [1, 1, 1]} : vector<256x63x64xf32> to vector<1x63x64xf32>
    %squeeze3A_885 = vector.shape_cast %slice3A_884 : vector<1x63x64xf32> to vector<63x64xf32>
    %add3A_886 = arith.addf %add3A_862, %squeeze3A_885 : vector<63x64xf32>
    %slice3A_887 = vector.extract_strided_slice %mul3A_7 {offsets = [40, 0, 0], sizes = [1, 63, 64], strides = [1, 1, 1]} : vector<256x63x64xf32> to vector<1x63x64xf32>
    %squeeze3A_888 = vector.shape_cast %slice3A_887 : vector<1x63x64xf32> to vector<63x64xf32>
    %add3A_889 = arith.addf %add3A_865, %squeeze3A_888 : vector<63x64xf32>
    %slice3A_890 = vector.extract_strided_slice %mul3A_7 {offsets = [41, 0, 0], sizes = [1, 63, 64], strides = [1, 1, 1]} : vector<256x63x64xf32> to vector<1x63x64xf32>
    %squeeze3A_891 = vector.shape_cast %slice3A_890 : vector<1x63x64xf32> to vector<63x64xf32>
    %add3A_892 = arith.addf %add3A_868, %squeeze3A_891 : vector<63x64xf32>
    %slice3A_893 = vector.extract_strided_slice %mul3A_7 {offsets = [42, 0, 0], sizes = [1, 63, 64], strides = [1, 1, 1]} : vector<256x63x64xf32> to vector<1x63x64xf32>
    %squeeze3A_894 = vector.shape_cast %slice3A_893 : vector<1x63x64xf32> to vector<63x64xf32>
    %add3A_895 = arith.addf %add3A_871, %squeeze3A_894 : vector<63x64xf32>
    %slice3A_896 = vector.extract_strided_slice %mul3A_7 {offsets = [43, 0, 0], sizes = [1, 63, 64], strides = [1, 1, 1]} : vector<256x63x64xf32> to vector<1x63x64xf32>
    %squeeze3A_897 = vector.shape_cast %slice3A_896 : vector<1x63x64xf32> to vector<63x64xf32>
    %add3A_898 = arith.addf %add3A_874, %squeeze3A_897 : vector<63x64xf32>
    %slice3A_899 = vector.extract_strided_slice %mul3A_7 {offsets = [44, 0, 0], sizes = [1, 63, 64], strides = [1, 1, 1]} : vector<256x63x64xf32> to vector<1x63x64xf32>
    %squeeze3A_900 = vector.shape_cast %slice3A_899 : vector<1x63x64xf32> to vector<63x64xf32>
    %add3A_901 = arith.addf %add3A_877, %squeeze3A_900 : vector<63x64xf32>
    %slice3A_902 = vector.extract_strided_slice %mul3A_7 {offsets = [45, 0, 0], sizes = [1, 63, 64], strides = [1, 1, 1]} : vector<256x63x64xf32> to vector<1x63x64xf32>
    %squeeze3A_903 = vector.shape_cast %slice3A_902 : vector<1x63x64xf32> to vector<63x64xf32>
    %add3A_904 = arith.addf %add3A_880, %squeeze3A_903 : vector<63x64xf32>
    %slice3A_905 = vector.extract_strided_slice %mul3A_7 {offsets = [46, 0, 0], sizes = [1, 63, 64], strides = [1, 1, 1]} : vector<256x63x64xf32> to vector<1x63x64xf32>
    %squeeze3A_906 = vector.shape_cast %slice3A_905 : vector<1x63x64xf32> to vector<63x64xf32>
    %add3A_907 = arith.addf %add3A_883, %squeeze3A_906 : vector<63x64xf32>
    %slice3A_908 = vector.extract_strided_slice %mul3A_7 {offsets = [47, 0, 0], sizes = [1, 63, 64], strides = [1, 1, 1]} : vector<256x63x64xf32> to vector<1x63x64xf32>
    %squeeze3A_909 = vector.shape_cast %slice3A_908 : vector<1x63x64xf32> to vector<63x64xf32>
    %add3A_910 = arith.addf %add3A_886, %squeeze3A_909 : vector<63x64xf32>
    %slice3A_911 = vector.extract_strided_slice %mul3A_7 {offsets = [48, 0, 0], sizes = [1, 63, 64], strides = [1, 1, 1]} : vector<256x63x64xf32> to vector<1x63x64xf32>
    %squeeze3A_912 = vector.shape_cast %slice3A_911 : vector<1x63x64xf32> to vector<63x64xf32>
    %add3A_913 = arith.addf %add3A_889, %squeeze3A_912 : vector<63x64xf32>
    %slice3A_914 = vector.extract_strided_slice %mul3A_7 {offsets = [49, 0, 0], sizes = [1, 63, 64], strides = [1, 1, 1]} : vector<256x63x64xf32> to vector<1x63x64xf32>
    %squeeze3A_915 = vector.shape_cast %slice3A_914 : vector<1x63x64xf32> to vector<63x64xf32>
    %add3A_916 = arith.addf %add3A_892, %squeeze3A_915 : vector<63x64xf32>
    %slice3A_917 = vector.extract_strided_slice %mul3A_7 {offsets = [50, 0, 0], sizes = [1, 63, 64], strides = [1, 1, 1]} : vector<256x63x64xf32> to vector<1x63x64xf32>
    %squeeze3A_918 = vector.shape_cast %slice3A_917 : vector<1x63x64xf32> to vector<63x64xf32>
    %add3A_919 = arith.addf %add3A_895, %squeeze3A_918 : vector<63x64xf32>
    %slice3A_920 = vector.extract_strided_slice %mul3A_7 {offsets = [51, 0, 0], sizes = [1, 63, 64], strides = [1, 1, 1]} : vector<256x63x64xf32> to vector<1x63x64xf32>
    %squeeze3A_921 = vector.shape_cast %slice3A_920 : vector<1x63x64xf32> to vector<63x64xf32>
    %add3A_922 = arith.addf %add3A_898, %squeeze3A_921 : vector<63x64xf32>
    %slice3A_923 = vector.extract_strided_slice %mul3A_7 {offsets = [52, 0, 0], sizes = [1, 63, 64], strides = [1, 1, 1]} : vector<256x63x64xf32> to vector<1x63x64xf32>
    %squeeze3A_924 = vector.shape_cast %slice3A_923 : vector<1x63x64xf32> to vector<63x64xf32>
    %add3A_925 = arith.addf %add3A_901, %squeeze3A_924 : vector<63x64xf32>
    %slice3A_926 = vector.extract_strided_slice %mul3A_7 {offsets = [53, 0, 0], sizes = [1, 63, 64], strides = [1, 1, 1]} : vector<256x63x64xf32> to vector<1x63x64xf32>
    %squeeze3A_927 = vector.shape_cast %slice3A_926 : vector<1x63x64xf32> to vector<63x64xf32>
    %add3A_928 = arith.addf %add3A_904, %squeeze3A_927 : vector<63x64xf32>
    %slice3A_929 = vector.extract_strided_slice %mul3A_7 {offsets = [54, 0, 0], sizes = [1, 63, 64], strides = [1, 1, 1]} : vector<256x63x64xf32> to vector<1x63x64xf32>
    %squeeze3A_930 = vector.shape_cast %slice3A_929 : vector<1x63x64xf32> to vector<63x64xf32>
    %add3A_931 = arith.addf %add3A_907, %squeeze3A_930 : vector<63x64xf32>
    %slice3A_932 = vector.extract_strided_slice %mul3A_7 {offsets = [55, 0, 0], sizes = [1, 63, 64], strides = [1, 1, 1]} : vector<256x63x64xf32> to vector<1x63x64xf32>
    %squeeze3A_933 = vector.shape_cast %slice3A_932 : vector<1x63x64xf32> to vector<63x64xf32>
    %add3A_934 = arith.addf %add3A_910, %squeeze3A_933 : vector<63x64xf32>
    %slice3A_935 = vector.extract_strided_slice %mul3A_7 {offsets = [56, 0, 0], sizes = [1, 63, 64], strides = [1, 1, 1]} : vector<256x63x64xf32> to vector<1x63x64xf32>
    %squeeze3A_936 = vector.shape_cast %slice3A_935 : vector<1x63x64xf32> to vector<63x64xf32>
    %add3A_937 = arith.addf %add3A_913, %squeeze3A_936 : vector<63x64xf32>
    %slice3A_938 = vector.extract_strided_slice %mul3A_7 {offsets = [57, 0, 0], sizes = [1, 63, 64], strides = [1, 1, 1]} : vector<256x63x64xf32> to vector<1x63x64xf32>
    %squeeze3A_939 = vector.shape_cast %slice3A_938 : vector<1x63x64xf32> to vector<63x64xf32>
    %add3A_940 = arith.addf %add3A_916, %squeeze3A_939 : vector<63x64xf32>
    %slice3A_941 = vector.extract_strided_slice %mul3A_7 {offsets = [58, 0, 0], sizes = [1, 63, 64], strides = [1, 1, 1]} : vector<256x63x64xf32> to vector<1x63x64xf32>
    %squeeze3A_942 = vector.shape_cast %slice3A_941 : vector<1x63x64xf32> to vector<63x64xf32>
    %add3A_943 = arith.addf %add3A_919, %squeeze3A_942 : vector<63x64xf32>
    %slice3A_944 = vector.extract_strided_slice %mul3A_7 {offsets = [59, 0, 0], sizes = [1, 63, 64], strides = [1, 1, 1]} : vector<256x63x64xf32> to vector<1x63x64xf32>
    %squeeze3A_945 = vector.shape_cast %slice3A_944 : vector<1x63x64xf32> to vector<63x64xf32>
    %add3A_946 = arith.addf %add3A_922, %squeeze3A_945 : vector<63x64xf32>
    %slice3A_947 = vector.extract_strided_slice %mul3A_7 {offsets = [60, 0, 0], sizes = [1, 63, 64], strides = [1, 1, 1]} : vector<256x63x64xf32> to vector<1x63x64xf32>
    %squeeze3A_948 = vector.shape_cast %slice3A_947 : vector<1x63x64xf32> to vector<63x64xf32>
    %add3A_949 = arith.addf %add3A_925, %squeeze3A_948 : vector<63x64xf32>
    %slice3A_950 = vector.extract_strided_slice %mul3A_7 {offsets = [61, 0, 0], sizes = [1, 63, 64], strides = [1, 1, 1]} : vector<256x63x64xf32> to vector<1x63x64xf32>
    %squeeze3A_951 = vector.shape_cast %slice3A_950 : vector<1x63x64xf32> to vector<63x64xf32>
    %add3A_952 = arith.addf %add3A_928, %squeeze3A_951 : vector<63x64xf32>
    %slice3A_953 = vector.extract_strided_slice %mul3A_7 {offsets = [62, 0, 0], sizes = [1, 63, 64], strides = [1, 1, 1]} : vector<256x63x64xf32> to vector<1x63x64xf32>
    %squeeze3A_954 = vector.shape_cast %slice3A_953 : vector<1x63x64xf32> to vector<63x64xf32>
    %add3A_955 = arith.addf %add3A_931, %squeeze3A_954 : vector<63x64xf32>
    %slice3A_956 = vector.extract_strided_slice %mul3A_7 {offsets = [63, 0, 0], sizes = [1, 63, 64], strides = [1, 1, 1]} : vector<256x63x64xf32> to vector<1x63x64xf32>
    %squeeze3A_957 = vector.shape_cast %slice3A_956 : vector<1x63x64xf32> to vector<63x64xf32>
    %add3A_958 = arith.addf %add3A_934, %squeeze3A_957 : vector<63x64xf32>
    %slice3A_959 = vector.extract_strided_slice %mul3A_7 {offsets = [64, 0, 0], sizes = [1, 63, 64], strides = [1, 1, 1]} : vector<256x63x64xf32> to vector<1x63x64xf32>
    %squeeze3A_960 = vector.shape_cast %slice3A_959 : vector<1x63x64xf32> to vector<63x64xf32>
    %add3A_961 = arith.addf %add3A_937, %squeeze3A_960 : vector<63x64xf32>
    %slice3A_962 = vector.extract_strided_slice %mul3A_7 {offsets = [65, 0, 0], sizes = [1, 63, 64], strides = [1, 1, 1]} : vector<256x63x64xf32> to vector<1x63x64xf32>
    %squeeze3A_963 = vector.shape_cast %slice3A_962 : vector<1x63x64xf32> to vector<63x64xf32>
    %add3A_964 = arith.addf %add3A_940, %squeeze3A_963 : vector<63x64xf32>
    %slice3A_965 = vector.extract_strided_slice %mul3A_7 {offsets = [66, 0, 0], sizes = [1, 63, 64], strides = [1, 1, 1]} : vector<256x63x64xf32> to vector<1x63x64xf32>
    %squeeze3A_966 = vector.shape_cast %slice3A_965 : vector<1x63x64xf32> to vector<63x64xf32>
    %add3A_967 = arith.addf %add3A_943, %squeeze3A_966 : vector<63x64xf32>
    %slice3A_968 = vector.extract_strided_slice %mul3A_7 {offsets = [67, 0, 0], sizes = [1, 63, 64], strides = [1, 1, 1]} : vector<256x63x64xf32> to vector<1x63x64xf32>
    %squeeze3A_969 = vector.shape_cast %slice3A_968 : vector<1x63x64xf32> to vector<63x64xf32>
    %add3A_970 = arith.addf %add3A_946, %squeeze3A_969 : vector<63x64xf32>
    %slice3A_971 = vector.extract_strided_slice %mul3A_7 {offsets = [68, 0, 0], sizes = [1, 63, 64], strides = [1, 1, 1]} : vector<256x63x64xf32> to vector<1x63x64xf32>
    %squeeze3A_972 = vector.shape_cast %slice3A_971 : vector<1x63x64xf32> to vector<63x64xf32>
    %add3A_973 = arith.addf %add3A_949, %squeeze3A_972 : vector<63x64xf32>
    %slice3A_974 = vector.extract_strided_slice %mul3A_7 {offsets = [69, 0, 0], sizes = [1, 63, 64], strides = [1, 1, 1]} : vector<256x63x64xf32> to vector<1x63x64xf32>
    %squeeze3A_975 = vector.shape_cast %slice3A_974 : vector<1x63x64xf32> to vector<63x64xf32>
    %add3A_976 = arith.addf %add3A_952, %squeeze3A_975 : vector<63x64xf32>
    %slice3A_977 = vector.extract_strided_slice %mul3A_7 {offsets = [70, 0, 0], sizes = [1, 63, 64], strides = [1, 1, 1]} : vector<256x63x64xf32> to vector<1x63x64xf32>
    %squeeze3A_978 = vector.shape_cast %slice3A_977 : vector<1x63x64xf32> to vector<63x64xf32>
    %add3A_979 = arith.addf %add3A_955, %squeeze3A_978 : vector<63x64xf32>
    %slice3A_980 = vector.extract_strided_slice %mul3A_7 {offsets = [71, 0, 0], sizes = [1, 63, 64], strides = [1, 1, 1]} : vector<256x63x64xf32> to vector<1x63x64xf32>
    %squeeze3A_981 = vector.shape_cast %slice3A_980 : vector<1x63x64xf32> to vector<63x64xf32>
    %add3A_982 = arith.addf %add3A_958, %squeeze3A_981 : vector<63x64xf32>
    %slice3A_983 = vector.extract_strided_slice %mul3A_7 {offsets = [72, 0, 0], sizes = [1, 63, 64], strides = [1, 1, 1]} : vector<256x63x64xf32> to vector<1x63x64xf32>
    %squeeze3A_984 = vector.shape_cast %slice3A_983 : vector<1x63x64xf32> to vector<63x64xf32>
    %add3A_985 = arith.addf %add3A_961, %squeeze3A_984 : vector<63x64xf32>
    %slice3A_986 = vector.extract_strided_slice %mul3A_7 {offsets = [73, 0, 0], sizes = [1, 63, 64], strides = [1, 1, 1]} : vector<256x63x64xf32> to vector<1x63x64xf32>
    %squeeze3A_987 = vector.shape_cast %slice3A_986 : vector<1x63x64xf32> to vector<63x64xf32>
    %add3A_988 = arith.addf %add3A_964, %squeeze3A_987 : vector<63x64xf32>
    %slice3A_989 = vector.extract_strided_slice %mul3A_7 {offsets = [74, 0, 0], sizes = [1, 63, 64], strides = [1, 1, 1]} : vector<256x63x64xf32> to vector<1x63x64xf32>
    %squeeze3A_990 = vector.shape_cast %slice3A_989 : vector<1x63x64xf32> to vector<63x64xf32>
    %add3A_991 = arith.addf %add3A_967, %squeeze3A_990 : vector<63x64xf32>
    %slice3A_992 = vector.extract_strided_slice %mul3A_7 {offsets = [75, 0, 0], sizes = [1, 63, 64], strides = [1, 1, 1]} : vector<256x63x64xf32> to vector<1x63x64xf32>
    %squeeze3A_993 = vector.shape_cast %slice3A_992 : vector<1x63x64xf32> to vector<63x64xf32>
    %add3A_994 = arith.addf %add3A_970, %squeeze3A_993 : vector<63x64xf32>
    %slice3A_995 = vector.extract_strided_slice %mul3A_7 {offsets = [76, 0, 0], sizes = [1, 63, 64], strides = [1, 1, 1]} : vector<256x63x64xf32> to vector<1x63x64xf32>
    %squeeze3A_996 = vector.shape_cast %slice3A_995 : vector<1x63x64xf32> to vector<63x64xf32>
    %add3A_997 = arith.addf %add3A_973, %squeeze3A_996 : vector<63x64xf32>
    %slice3A_998 = vector.extract_strided_slice %mul3A_7 {offsets = [77, 0, 0], sizes = [1, 63, 64], strides = [1, 1, 1]} : vector<256x63x64xf32> to vector<1x63x64xf32>
    %squeeze3A_999 = vector.shape_cast %slice3A_998 : vector<1x63x64xf32> to vector<63x64xf32>
    %add3A_1000 = arith.addf %add3A_976, %squeeze3A_999 : vector<63x64xf32>
    %slice3A_1001 = vector.extract_strided_slice %mul3A_7 {offsets = [78, 0, 0], sizes = [1, 63, 64], strides = [1, 1, 1]} : vector<256x63x64xf32> to vector<1x63x64xf32>
    %squeeze3A_1002 = vector.shape_cast %slice3A_1001 : vector<1x63x64xf32> to vector<63x64xf32>
    %add3A_1003 = arith.addf %add3A_979, %squeeze3A_1002 : vector<63x64xf32>
    %slice3A_1004 = vector.extract_strided_slice %mul3A_7 {offsets = [79, 0, 0], sizes = [1, 63, 64], strides = [1, 1, 1]} : vector<256x63x64xf32> to vector<1x63x64xf32>
    %squeeze3A_1005 = vector.shape_cast %slice3A_1004 : vector<1x63x64xf32> to vector<63x64xf32>
    %add3A_1006 = arith.addf %add3A_982, %squeeze3A_1005 : vector<63x64xf32>
    %slice3A_1007 = vector.extract_strided_slice %mul3A_7 {offsets = [80, 0, 0], sizes = [1, 63, 64], strides = [1, 1, 1]} : vector<256x63x64xf32> to vector<1x63x64xf32>
    %squeeze3A_1008 = vector.shape_cast %slice3A_1007 : vector<1x63x64xf32> to vector<63x64xf32>
    %add3A_1009 = arith.addf %add3A_985, %squeeze3A_1008 : vector<63x64xf32>
    %slice3A_1010 = vector.extract_strided_slice %mul3A_7 {offsets = [81, 0, 0], sizes = [1, 63, 64], strides = [1, 1, 1]} : vector<256x63x64xf32> to vector<1x63x64xf32>
    %squeeze3A_1011 = vector.shape_cast %slice3A_1010 : vector<1x63x64xf32> to vector<63x64xf32>
    %add3A_1012 = arith.addf %add3A_988, %squeeze3A_1011 : vector<63x64xf32>
    %slice3A_1013 = vector.extract_strided_slice %mul3A_7 {offsets = [82, 0, 0], sizes = [1, 63, 64], strides = [1, 1, 1]} : vector<256x63x64xf32> to vector<1x63x64xf32>
    %squeeze3A_1014 = vector.shape_cast %slice3A_1013 : vector<1x63x64xf32> to vector<63x64xf32>
    %add3A_1015 = arith.addf %add3A_991, %squeeze3A_1014 : vector<63x64xf32>
    %slice3A_1016 = vector.extract_strided_slice %mul3A_7 {offsets = [83, 0, 0], sizes = [1, 63, 64], strides = [1, 1, 1]} : vector<256x63x64xf32> to vector<1x63x64xf32>
    %squeeze3A_1017 = vector.shape_cast %slice3A_1016 : vector<1x63x64xf32> to vector<63x64xf32>
    %add3A_1018 = arith.addf %add3A_994, %squeeze3A_1017 : vector<63x64xf32>
    %slice3A_1019 = vector.extract_strided_slice %mul3A_7 {offsets = [84, 0, 0], sizes = [1, 63, 64], strides = [1, 1, 1]} : vector<256x63x64xf32> to vector<1x63x64xf32>
    %squeeze3A_1020 = vector.shape_cast %slice3A_1019 : vector<1x63x64xf32> to vector<63x64xf32>
    %add3A_1021 = arith.addf %add3A_997, %squeeze3A_1020 : vector<63x64xf32>
    %slice3A_1022 = vector.extract_strided_slice %mul3A_7 {offsets = [85, 0, 0], sizes = [1, 63, 64], strides = [1, 1, 1]} : vector<256x63x64xf32> to vector<1x63x64xf32>
    %squeeze3A_1023 = vector.shape_cast %slice3A_1022 : vector<1x63x64xf32> to vector<63x64xf32>
    %add3A_1024 = arith.addf %add3A_1000, %squeeze3A_1023 : vector<63x64xf32>
    %slice3A_1025 = vector.extract_strided_slice %mul3A_7 {offsets = [86, 0, 0], sizes = [1, 63, 64], strides = [1, 1, 1]} : vector<256x63x64xf32> to vector<1x63x64xf32>
    %squeeze3A_1026 = vector.shape_cast %slice3A_1025 : vector<1x63x64xf32> to vector<63x64xf32>
    %add3A_1027 = arith.addf %add3A_1003, %squeeze3A_1026 : vector<63x64xf32>
    %slice3A_1028 = vector.extract_strided_slice %mul3A_7 {offsets = [87, 0, 0], sizes = [1, 63, 64], strides = [1, 1, 1]} : vector<256x63x64xf32> to vector<1x63x64xf32>
    %squeeze3A_1029 = vector.shape_cast %slice3A_1028 : vector<1x63x64xf32> to vector<63x64xf32>
    %add3A_1030 = arith.addf %add3A_1006, %squeeze3A_1029 : vector<63x64xf32>
    %slice3A_1031 = vector.extract_strided_slice %mul3A_7 {offsets = [88, 0, 0], sizes = [1, 63, 64], strides = [1, 1, 1]} : vector<256x63x64xf32> to vector<1x63x64xf32>
    %squeeze3A_1032 = vector.shape_cast %slice3A_1031 : vector<1x63x64xf32> to vector<63x64xf32>
    %add3A_1033 = arith.addf %add3A_1009, %squeeze3A_1032 : vector<63x64xf32>
    %slice3A_1034 = vector.extract_strided_slice %mul3A_7 {offsets = [89, 0, 0], sizes = [1, 63, 64], strides = [1, 1, 1]} : vector<256x63x64xf32> to vector<1x63x64xf32>
    %squeeze3A_1035 = vector.shape_cast %slice3A_1034 : vector<1x63x64xf32> to vector<63x64xf32>
    %add3A_1036 = arith.addf %add3A_1012, %squeeze3A_1035 : vector<63x64xf32>
    %slice3A_1037 = vector.extract_strided_slice %mul3A_7 {offsets = [90, 0, 0], sizes = [1, 63, 64], strides = [1, 1, 1]} : vector<256x63x64xf32> to vector<1x63x64xf32>
    %squeeze3A_1038 = vector.shape_cast %slice3A_1037 : vector<1x63x64xf32> to vector<63x64xf32>
    %add3A_1039 = arith.addf %add3A_1015, %squeeze3A_1038 : vector<63x64xf32>
    %slice3A_1040 = vector.extract_strided_slice %mul3A_7 {offsets = [91, 0, 0], sizes = [1, 63, 64], strides = [1, 1, 1]} : vector<256x63x64xf32> to vector<1x63x64xf32>
    %squeeze3A_1041 = vector.shape_cast %slice3A_1040 : vector<1x63x64xf32> to vector<63x64xf32>
    %add3A_1042 = arith.addf %add3A_1018, %squeeze3A_1041 : vector<63x64xf32>
    %slice3A_1043 = vector.extract_strided_slice %mul3A_7 {offsets = [92, 0, 0], sizes = [1, 63, 64], strides = [1, 1, 1]} : vector<256x63x64xf32> to vector<1x63x64xf32>
    %squeeze3A_1044 = vector.shape_cast %slice3A_1043 : vector<1x63x64xf32> to vector<63x64xf32>
    %add3A_1045 = arith.addf %add3A_1021, %squeeze3A_1044 : vector<63x64xf32>
    %slice3A_1046 = vector.extract_strided_slice %mul3A_7 {offsets = [93, 0, 0], sizes = [1, 63, 64], strides = [1, 1, 1]} : vector<256x63x64xf32> to vector<1x63x64xf32>
    %squeeze3A_1047 = vector.shape_cast %slice3A_1046 : vector<1x63x64xf32> to vector<63x64xf32>
    %add3A_1048 = arith.addf %add3A_1024, %squeeze3A_1047 : vector<63x64xf32>
    %slice3A_1049 = vector.extract_strided_slice %mul3A_7 {offsets = [94, 0, 0], sizes = [1, 63, 64], strides = [1, 1, 1]} : vector<256x63x64xf32> to vector<1x63x64xf32>
    %squeeze3A_1050 = vector.shape_cast %slice3A_1049 : vector<1x63x64xf32> to vector<63x64xf32>
    %add3A_1051 = arith.addf %add3A_1027, %squeeze3A_1050 : vector<63x64xf32>
    %slice3A_1052 = vector.extract_strided_slice %mul3A_7 {offsets = [95, 0, 0], sizes = [1, 63, 64], strides = [1, 1, 1]} : vector<256x63x64xf32> to vector<1x63x64xf32>
    %squeeze3A_1053 = vector.shape_cast %slice3A_1052 : vector<1x63x64xf32> to vector<63x64xf32>
    %add3A_1054 = arith.addf %add3A_1030, %squeeze3A_1053 : vector<63x64xf32>
    %slice3A_1055 = vector.extract_strided_slice %mul3A_7 {offsets = [96, 0, 0], sizes = [1, 63, 64], strides = [1, 1, 1]} : vector<256x63x64xf32> to vector<1x63x64xf32>
    %squeeze3A_1056 = vector.shape_cast %slice3A_1055 : vector<1x63x64xf32> to vector<63x64xf32>
    %add3A_1057 = arith.addf %add3A_1033, %squeeze3A_1056 : vector<63x64xf32>
    %slice3A_1058 = vector.extract_strided_slice %mul3A_7 {offsets = [97, 0, 0], sizes = [1, 63, 64], strides = [1, 1, 1]} : vector<256x63x64xf32> to vector<1x63x64xf32>
    %squeeze3A_1059 = vector.shape_cast %slice3A_1058 : vector<1x63x64xf32> to vector<63x64xf32>
    %add3A_1060 = arith.addf %add3A_1036, %squeeze3A_1059 : vector<63x64xf32>
    %slice3A_1061 = vector.extract_strided_slice %mul3A_7 {offsets = [98, 0, 0], sizes = [1, 63, 64], strides = [1, 1, 1]} : vector<256x63x64xf32> to vector<1x63x64xf32>
    %squeeze3A_1062 = vector.shape_cast %slice3A_1061 : vector<1x63x64xf32> to vector<63x64xf32>
    %add3A_1063 = arith.addf %add3A_1039, %squeeze3A_1062 : vector<63x64xf32>
    %slice3A_1064 = vector.extract_strided_slice %mul3A_7 {offsets = [99, 0, 0], sizes = [1, 63, 64], strides = [1, 1, 1]} : vector<256x63x64xf32> to vector<1x63x64xf32>
    %squeeze3A_1065 = vector.shape_cast %slice3A_1064 : vector<1x63x64xf32> to vector<63x64xf32>
    %add3A_1066 = arith.addf %add3A_1042, %squeeze3A_1065 : vector<63x64xf32>
    %slice3A_1067 = vector.extract_strided_slice %mul3A_7 {offsets = [100, 0, 0], sizes = [1, 63, 64], strides = [1, 1, 1]} : vector<256x63x64xf32> to vector<1x63x64xf32>
    %squeeze3A_1068 = vector.shape_cast %slice3A_1067 : vector<1x63x64xf32> to vector<63x64xf32>
    %add3A_1069 = arith.addf %add3A_1045, %squeeze3A_1068 : vector<63x64xf32>
    %slice3A_1070 = vector.extract_strided_slice %mul3A_7 {offsets = [101, 0, 0], sizes = [1, 63, 64], strides = [1, 1, 1]} : vector<256x63x64xf32> to vector<1x63x64xf32>
    %squeeze3A_1071 = vector.shape_cast %slice3A_1070 : vector<1x63x64xf32> to vector<63x64xf32>
    %add3A_1072 = arith.addf %add3A_1048, %squeeze3A_1071 : vector<63x64xf32>
    %slice3A_1073 = vector.extract_strided_slice %mul3A_7 {offsets = [102, 0, 0], sizes = [1, 63, 64], strides = [1, 1, 1]} : vector<256x63x64xf32> to vector<1x63x64xf32>
    %squeeze3A_1074 = vector.shape_cast %slice3A_1073 : vector<1x63x64xf32> to vector<63x64xf32>
    %add3A_1075 = arith.addf %add3A_1051, %squeeze3A_1074 : vector<63x64xf32>
    %slice3A_1076 = vector.extract_strided_slice %mul3A_7 {offsets = [103, 0, 0], sizes = [1, 63, 64], strides = [1, 1, 1]} : vector<256x63x64xf32> to vector<1x63x64xf32>
    %squeeze3A_1077 = vector.shape_cast %slice3A_1076 : vector<1x63x64xf32> to vector<63x64xf32>
    %add3A_1078 = arith.addf %add3A_1054, %squeeze3A_1077 : vector<63x64xf32>
    %slice3A_1079 = vector.extract_strided_slice %mul3A_7 {offsets = [104, 0, 0], sizes = [1, 63, 64], strides = [1, 1, 1]} : vector<256x63x64xf32> to vector<1x63x64xf32>
    %squeeze3A_1080 = vector.shape_cast %slice3A_1079 : vector<1x63x64xf32> to vector<63x64xf32>
    %add3A_1081 = arith.addf %add3A_1057, %squeeze3A_1080 : vector<63x64xf32>
    %slice3A_1082 = vector.extract_strided_slice %mul3A_7 {offsets = [105, 0, 0], sizes = [1, 63, 64], strides = [1, 1, 1]} : vector<256x63x64xf32> to vector<1x63x64xf32>
    %squeeze3A_1083 = vector.shape_cast %slice3A_1082 : vector<1x63x64xf32> to vector<63x64xf32>
    %add3A_1084 = arith.addf %add3A_1060, %squeeze3A_1083 : vector<63x64xf32>
    %slice3A_1085 = vector.extract_strided_slice %mul3A_7 {offsets = [106, 0, 0], sizes = [1, 63, 64], strides = [1, 1, 1]} : vector<256x63x64xf32> to vector<1x63x64xf32>
    %squeeze3A_1086 = vector.shape_cast %slice3A_1085 : vector<1x63x64xf32> to vector<63x64xf32>
    %add3A_1087 = arith.addf %add3A_1063, %squeeze3A_1086 : vector<63x64xf32>
    %slice3A_1088 = vector.extract_strided_slice %mul3A_7 {offsets = [107, 0, 0], sizes = [1, 63, 64], strides = [1, 1, 1]} : vector<256x63x64xf32> to vector<1x63x64xf32>
    %squeeze3A_1089 = vector.shape_cast %slice3A_1088 : vector<1x63x64xf32> to vector<63x64xf32>
    %add3A_1090 = arith.addf %add3A_1066, %squeeze3A_1089 : vector<63x64xf32>
    %slice3A_1091 = vector.extract_strided_slice %mul3A_7 {offsets = [108, 0, 0], sizes = [1, 63, 64], strides = [1, 1, 1]} : vector<256x63x64xf32> to vector<1x63x64xf32>
    %squeeze3A_1092 = vector.shape_cast %slice3A_1091 : vector<1x63x64xf32> to vector<63x64xf32>
    %add3A_1093 = arith.addf %add3A_1069, %squeeze3A_1092 : vector<63x64xf32>
    %slice3A_1094 = vector.extract_strided_slice %mul3A_7 {offsets = [109, 0, 0], sizes = [1, 63, 64], strides = [1, 1, 1]} : vector<256x63x64xf32> to vector<1x63x64xf32>
    %squeeze3A_1095 = vector.shape_cast %slice3A_1094 : vector<1x63x64xf32> to vector<63x64xf32>
    %add3A_1096 = arith.addf %add3A_1072, %squeeze3A_1095 : vector<63x64xf32>
    %slice3A_1097 = vector.extract_strided_slice %mul3A_7 {offsets = [110, 0, 0], sizes = [1, 63, 64], strides = [1, 1, 1]} : vector<256x63x64xf32> to vector<1x63x64xf32>
    %squeeze3A_1098 = vector.shape_cast %slice3A_1097 : vector<1x63x64xf32> to vector<63x64xf32>
    %add3A_1099 = arith.addf %add3A_1075, %squeeze3A_1098 : vector<63x64xf32>
    %slice3A_1100 = vector.extract_strided_slice %mul3A_7 {offsets = [111, 0, 0], sizes = [1, 63, 64], strides = [1, 1, 1]} : vector<256x63x64xf32> to vector<1x63x64xf32>
    %squeeze3A_1101 = vector.shape_cast %slice3A_1100 : vector<1x63x64xf32> to vector<63x64xf32>
    %add3A_1102 = arith.addf %add3A_1078, %squeeze3A_1101 : vector<63x64xf32>
    %slice3A_1103 = vector.extract_strided_slice %mul3A_7 {offsets = [112, 0, 0], sizes = [1, 63, 64], strides = [1, 1, 1]} : vector<256x63x64xf32> to vector<1x63x64xf32>
    %squeeze3A_1104 = vector.shape_cast %slice3A_1103 : vector<1x63x64xf32> to vector<63x64xf32>
    %add3A_1105 = arith.addf %add3A_1081, %squeeze3A_1104 : vector<63x64xf32>
    %slice3A_1106 = vector.extract_strided_slice %mul3A_7 {offsets = [113, 0, 0], sizes = [1, 63, 64], strides = [1, 1, 1]} : vector<256x63x64xf32> to vector<1x63x64xf32>
    %squeeze3A_1107 = vector.shape_cast %slice3A_1106 : vector<1x63x64xf32> to vector<63x64xf32>
    %add3A_1108 = arith.addf %add3A_1084, %squeeze3A_1107 : vector<63x64xf32>
    %slice3A_1109 = vector.extract_strided_slice %mul3A_7 {offsets = [114, 0, 0], sizes = [1, 63, 64], strides = [1, 1, 1]} : vector<256x63x64xf32> to vector<1x63x64xf32>
    %squeeze3A_1110 = vector.shape_cast %slice3A_1109 : vector<1x63x64xf32> to vector<63x64xf32>
    %add3A_1111 = arith.addf %add3A_1087, %squeeze3A_1110 : vector<63x64xf32>
    %slice3A_1112 = vector.extract_strided_slice %mul3A_7 {offsets = [115, 0, 0], sizes = [1, 63, 64], strides = [1, 1, 1]} : vector<256x63x64xf32> to vector<1x63x64xf32>
    %squeeze3A_1113 = vector.shape_cast %slice3A_1112 : vector<1x63x64xf32> to vector<63x64xf32>
    %add3A_1114 = arith.addf %add3A_1090, %squeeze3A_1113 : vector<63x64xf32>
    %slice3A_1115 = vector.extract_strided_slice %mul3A_7 {offsets = [116, 0, 0], sizes = [1, 63, 64], strides = [1, 1, 1]} : vector<256x63x64xf32> to vector<1x63x64xf32>
    %squeeze3A_1116 = vector.shape_cast %slice3A_1115 : vector<1x63x64xf32> to vector<63x64xf32>
    %add3A_1117 = arith.addf %add3A_1093, %squeeze3A_1116 : vector<63x64xf32>
    %slice3A_1118 = vector.extract_strided_slice %mul3A_7 {offsets = [117, 0, 0], sizes = [1, 63, 64], strides = [1, 1, 1]} : vector<256x63x64xf32> to vector<1x63x64xf32>
    %squeeze3A_1119 = vector.shape_cast %slice3A_1118 : vector<1x63x64xf32> to vector<63x64xf32>
    %add3A_1120 = arith.addf %add3A_1096, %squeeze3A_1119 : vector<63x64xf32>
    %slice3A_1121 = vector.extract_strided_slice %mul3A_7 {offsets = [118, 0, 0], sizes = [1, 63, 64], strides = [1, 1, 1]} : vector<256x63x64xf32> to vector<1x63x64xf32>
    %squeeze3A_1122 = vector.shape_cast %slice3A_1121 : vector<1x63x64xf32> to vector<63x64xf32>
    %add3A_1123 = arith.addf %add3A_1099, %squeeze3A_1122 : vector<63x64xf32>
    %slice3A_1124 = vector.extract_strided_slice %mul3A_7 {offsets = [119, 0, 0], sizes = [1, 63, 64], strides = [1, 1, 1]} : vector<256x63x64xf32> to vector<1x63x64xf32>
    %squeeze3A_1125 = vector.shape_cast %slice3A_1124 : vector<1x63x64xf32> to vector<63x64xf32>
    %add3A_1126 = arith.addf %add3A_1102, %squeeze3A_1125 : vector<63x64xf32>
    %slice3A_1127 = vector.extract_strided_slice %mul3A_7 {offsets = [120, 0, 0], sizes = [1, 63, 64], strides = [1, 1, 1]} : vector<256x63x64xf32> to vector<1x63x64xf32>
    %squeeze3A_1128 = vector.shape_cast %slice3A_1127 : vector<1x63x64xf32> to vector<63x64xf32>
    %add3A_1129 = arith.addf %add3A_1105, %squeeze3A_1128 : vector<63x64xf32>
    %slice3A_1130 = vector.extract_strided_slice %mul3A_7 {offsets = [121, 0, 0], sizes = [1, 63, 64], strides = [1, 1, 1]} : vector<256x63x64xf32> to vector<1x63x64xf32>
    %squeeze3A_1131 = vector.shape_cast %slice3A_1130 : vector<1x63x64xf32> to vector<63x64xf32>
    %add3A_1132 = arith.addf %add3A_1108, %squeeze3A_1131 : vector<63x64xf32>
    %slice3A_1133 = vector.extract_strided_slice %mul3A_7 {offsets = [122, 0, 0], sizes = [1, 63, 64], strides = [1, 1, 1]} : vector<256x63x64xf32> to vector<1x63x64xf32>
    %squeeze3A_1134 = vector.shape_cast %slice3A_1133 : vector<1x63x64xf32> to vector<63x64xf32>
    %add3A_1135 = arith.addf %add3A_1111, %squeeze3A_1134 : vector<63x64xf32>
    %slice3A_1136 = vector.extract_strided_slice %mul3A_7 {offsets = [123, 0, 0], sizes = [1, 63, 64], strides = [1, 1, 1]} : vector<256x63x64xf32> to vector<1x63x64xf32>
    %squeeze3A_1137 = vector.shape_cast %slice3A_1136 : vector<1x63x64xf32> to vector<63x64xf32>
    %add3A_1138 = arith.addf %add3A_1114, %squeeze3A_1137 : vector<63x64xf32>
    %slice3A_1139 = vector.extract_strided_slice %mul3A_7 {offsets = [124, 0, 0], sizes = [1, 63, 64], strides = [1, 1, 1]} : vector<256x63x64xf32> to vector<1x63x64xf32>
    %squeeze3A_1140 = vector.shape_cast %slice3A_1139 : vector<1x63x64xf32> to vector<63x64xf32>
    %add3A_1141 = arith.addf %add3A_1117, %squeeze3A_1140 : vector<63x64xf32>
    %slice3A_1142 = vector.extract_strided_slice %mul3A_7 {offsets = [125, 0, 0], sizes = [1, 63, 64], strides = [1, 1, 1]} : vector<256x63x64xf32> to vector<1x63x64xf32>
    %squeeze3A_1143 = vector.shape_cast %slice3A_1142 : vector<1x63x64xf32> to vector<63x64xf32>
    %add3A_1144 = arith.addf %add3A_1120, %squeeze3A_1143 : vector<63x64xf32>
    %slice3A_1145 = vector.extract_strided_slice %mul3A_7 {offsets = [126, 0, 0], sizes = [1, 63, 64], strides = [1, 1, 1]} : vector<256x63x64xf32> to vector<1x63x64xf32>
    %squeeze3A_1146 = vector.shape_cast %slice3A_1145 : vector<1x63x64xf32> to vector<63x64xf32>
    %add3A_1147 = arith.addf %add3A_1123, %squeeze3A_1146 : vector<63x64xf32>
    %slice3A_1148 = vector.extract_strided_slice %mul3A_7 {offsets = [127, 0, 0], sizes = [1, 63, 64], strides = [1, 1, 1]} : vector<256x63x64xf32> to vector<1x63x64xf32>
    %squeeze3A_1149 = vector.shape_cast %slice3A_1148 : vector<1x63x64xf32> to vector<63x64xf32>
    %add3A_1150 = arith.addf %add3A_1126, %squeeze3A_1149 : vector<63x64xf32>
    %add3A_1151 = arith.addf %add3A_1129, %add3A_1132 : vector<63x64xf32>
    %add3A_1152 = arith.addf %add3A_1135, %add3A_1138 : vector<63x64xf32>
    %add3A_1153 = arith.addf %add3A_1151, %add3A_1152 : vector<63x64xf32>
    %add3A_1154 = arith.addf %add3A_1141, %add3A_1144 : vector<63x64xf32>
    %add3A_1155 = arith.addf %add3A_1147, %add3A_1150 : vector<63x64xf32>
    %add3A_1156 = arith.addf %add3A_1154, %add3A_1155 : vector<63x64xf32>
    %add3A_1157 = arith.addf %add3A_1153, %add3A_1156 : vector<63x64xf32>
    %slice3A_1158 = vector.extract_strided_slice %mul3A_7 {offsets = [128, 0, 0], sizes = [1, 63, 64], strides = [1, 1, 1]} : vector<256x63x64xf32> to vector<1x63x64xf32>
    %squeeze3A_1159 = vector.shape_cast %slice3A_1158 : vector<1x63x64xf32> to vector<63x64xf32>
    %slice3A_1160 = vector.extract_strided_slice %mul3A_7 {offsets = [129, 0, 0], sizes = [1, 63, 64], strides = [1, 1, 1]} : vector<256x63x64xf32> to vector<1x63x64xf32>
    %squeeze3A_1161 = vector.shape_cast %slice3A_1160 : vector<1x63x64xf32> to vector<63x64xf32>
    %slice3A_1162 = vector.extract_strided_slice %mul3A_7 {offsets = [130, 0, 0], sizes = [1, 63, 64], strides = [1, 1, 1]} : vector<256x63x64xf32> to vector<1x63x64xf32>
    %squeeze3A_1163 = vector.shape_cast %slice3A_1162 : vector<1x63x64xf32> to vector<63x64xf32>
    %slice3A_1164 = vector.extract_strided_slice %mul3A_7 {offsets = [131, 0, 0], sizes = [1, 63, 64], strides = [1, 1, 1]} : vector<256x63x64xf32> to vector<1x63x64xf32>
    %squeeze3A_1165 = vector.shape_cast %slice3A_1164 : vector<1x63x64xf32> to vector<63x64xf32>
    %slice3A_1166 = vector.extract_strided_slice %mul3A_7 {offsets = [132, 0, 0], sizes = [1, 63, 64], strides = [1, 1, 1]} : vector<256x63x64xf32> to vector<1x63x64xf32>
    %squeeze3A_1167 = vector.shape_cast %slice3A_1166 : vector<1x63x64xf32> to vector<63x64xf32>
    %slice3A_1168 = vector.extract_strided_slice %mul3A_7 {offsets = [133, 0, 0], sizes = [1, 63, 64], strides = [1, 1, 1]} : vector<256x63x64xf32> to vector<1x63x64xf32>
    %squeeze3A_1169 = vector.shape_cast %slice3A_1168 : vector<1x63x64xf32> to vector<63x64xf32>
    %slice3A_1170 = vector.extract_strided_slice %mul3A_7 {offsets = [134, 0, 0], sizes = [1, 63, 64], strides = [1, 1, 1]} : vector<256x63x64xf32> to vector<1x63x64xf32>
    %squeeze3A_1171 = vector.shape_cast %slice3A_1170 : vector<1x63x64xf32> to vector<63x64xf32>
    %slice3A_1172 = vector.extract_strided_slice %mul3A_7 {offsets = [135, 0, 0], sizes = [1, 63, 64], strides = [1, 1, 1]} : vector<256x63x64xf32> to vector<1x63x64xf32>
    %squeeze3A_1173 = vector.shape_cast %slice3A_1172 : vector<1x63x64xf32> to vector<63x64xf32>
    %slice3A_1174 = vector.extract_strided_slice %mul3A_7 {offsets = [136, 0, 0], sizes = [1, 63, 64], strides = [1, 1, 1]} : vector<256x63x64xf32> to vector<1x63x64xf32>
    %squeeze3A_1175 = vector.shape_cast %slice3A_1174 : vector<1x63x64xf32> to vector<63x64xf32>
    %add3A_1176 = arith.addf %squeeze3A_1159, %squeeze3A_1175 : vector<63x64xf32>
    %slice3A_1177 = vector.extract_strided_slice %mul3A_7 {offsets = [137, 0, 0], sizes = [1, 63, 64], strides = [1, 1, 1]} : vector<256x63x64xf32> to vector<1x63x64xf32>
    %squeeze3A_1178 = vector.shape_cast %slice3A_1177 : vector<1x63x64xf32> to vector<63x64xf32>
    %add3A_1179 = arith.addf %squeeze3A_1161, %squeeze3A_1178 : vector<63x64xf32>
    %slice3A_1180 = vector.extract_strided_slice %mul3A_7 {offsets = [138, 0, 0], sizes = [1, 63, 64], strides = [1, 1, 1]} : vector<256x63x64xf32> to vector<1x63x64xf32>
    %squeeze3A_1181 = vector.shape_cast %slice3A_1180 : vector<1x63x64xf32> to vector<63x64xf32>
    %add3A_1182 = arith.addf %squeeze3A_1163, %squeeze3A_1181 : vector<63x64xf32>
    %slice3A_1183 = vector.extract_strided_slice %mul3A_7 {offsets = [139, 0, 0], sizes = [1, 63, 64], strides = [1, 1, 1]} : vector<256x63x64xf32> to vector<1x63x64xf32>
    %squeeze3A_1184 = vector.shape_cast %slice3A_1183 : vector<1x63x64xf32> to vector<63x64xf32>
    %add3A_1185 = arith.addf %squeeze3A_1165, %squeeze3A_1184 : vector<63x64xf32>
    %slice3A_1186 = vector.extract_strided_slice %mul3A_7 {offsets = [140, 0, 0], sizes = [1, 63, 64], strides = [1, 1, 1]} : vector<256x63x64xf32> to vector<1x63x64xf32>
    %squeeze3A_1187 = vector.shape_cast %slice3A_1186 : vector<1x63x64xf32> to vector<63x64xf32>
    %add3A_1188 = arith.addf %squeeze3A_1167, %squeeze3A_1187 : vector<63x64xf32>
    %slice3A_1189 = vector.extract_strided_slice %mul3A_7 {offsets = [141, 0, 0], sizes = [1, 63, 64], strides = [1, 1, 1]} : vector<256x63x64xf32> to vector<1x63x64xf32>
    %squeeze3A_1190 = vector.shape_cast %slice3A_1189 : vector<1x63x64xf32> to vector<63x64xf32>
    %add3A_1191 = arith.addf %squeeze3A_1169, %squeeze3A_1190 : vector<63x64xf32>
    %slice3A_1192 = vector.extract_strided_slice %mul3A_7 {offsets = [142, 0, 0], sizes = [1, 63, 64], strides = [1, 1, 1]} : vector<256x63x64xf32> to vector<1x63x64xf32>
    %squeeze3A_1193 = vector.shape_cast %slice3A_1192 : vector<1x63x64xf32> to vector<63x64xf32>
    %add3A_1194 = arith.addf %squeeze3A_1171, %squeeze3A_1193 : vector<63x64xf32>
    %slice3A_1195 = vector.extract_strided_slice %mul3A_7 {offsets = [143, 0, 0], sizes = [1, 63, 64], strides = [1, 1, 1]} : vector<256x63x64xf32> to vector<1x63x64xf32>
    %squeeze3A_1196 = vector.shape_cast %slice3A_1195 : vector<1x63x64xf32> to vector<63x64xf32>
    %add3A_1197 = arith.addf %squeeze3A_1173, %squeeze3A_1196 : vector<63x64xf32>
    %slice3A_1198 = vector.extract_strided_slice %mul3A_7 {offsets = [144, 0, 0], sizes = [1, 63, 64], strides = [1, 1, 1]} : vector<256x63x64xf32> to vector<1x63x64xf32>
    %squeeze3A_1199 = vector.shape_cast %slice3A_1198 : vector<1x63x64xf32> to vector<63x64xf32>
    %add3A_1200 = arith.addf %add3A_1176, %squeeze3A_1199 : vector<63x64xf32>
    %slice3A_1201 = vector.extract_strided_slice %mul3A_7 {offsets = [145, 0, 0], sizes = [1, 63, 64], strides = [1, 1, 1]} : vector<256x63x64xf32> to vector<1x63x64xf32>
    %squeeze3A_1202 = vector.shape_cast %slice3A_1201 : vector<1x63x64xf32> to vector<63x64xf32>
    %add3A_1203 = arith.addf %add3A_1179, %squeeze3A_1202 : vector<63x64xf32>
    %slice3A_1204 = vector.extract_strided_slice %mul3A_7 {offsets = [146, 0, 0], sizes = [1, 63, 64], strides = [1, 1, 1]} : vector<256x63x64xf32> to vector<1x63x64xf32>
    %squeeze3A_1205 = vector.shape_cast %slice3A_1204 : vector<1x63x64xf32> to vector<63x64xf32>
    %add3A_1206 = arith.addf %add3A_1182, %squeeze3A_1205 : vector<63x64xf32>
    %slice3A_1207 = vector.extract_strided_slice %mul3A_7 {offsets = [147, 0, 0], sizes = [1, 63, 64], strides = [1, 1, 1]} : vector<256x63x64xf32> to vector<1x63x64xf32>
    %squeeze3A_1208 = vector.shape_cast %slice3A_1207 : vector<1x63x64xf32> to vector<63x64xf32>
    %add3A_1209 = arith.addf %add3A_1185, %squeeze3A_1208 : vector<63x64xf32>
    %slice3A_1210 = vector.extract_strided_slice %mul3A_7 {offsets = [148, 0, 0], sizes = [1, 63, 64], strides = [1, 1, 1]} : vector<256x63x64xf32> to vector<1x63x64xf32>
    %squeeze3A_1211 = vector.shape_cast %slice3A_1210 : vector<1x63x64xf32> to vector<63x64xf32>
    %add3A_1212 = arith.addf %add3A_1188, %squeeze3A_1211 : vector<63x64xf32>
    %slice3A_1213 = vector.extract_strided_slice %mul3A_7 {offsets = [149, 0, 0], sizes = [1, 63, 64], strides = [1, 1, 1]} : vector<256x63x64xf32> to vector<1x63x64xf32>
    %squeeze3A_1214 = vector.shape_cast %slice3A_1213 : vector<1x63x64xf32> to vector<63x64xf32>
    %add3A_1215 = arith.addf %add3A_1191, %squeeze3A_1214 : vector<63x64xf32>
    %slice3A_1216 = vector.extract_strided_slice %mul3A_7 {offsets = [150, 0, 0], sizes = [1, 63, 64], strides = [1, 1, 1]} : vector<256x63x64xf32> to vector<1x63x64xf32>
    %squeeze3A_1217 = vector.shape_cast %slice3A_1216 : vector<1x63x64xf32> to vector<63x64xf32>
    %add3A_1218 = arith.addf %add3A_1194, %squeeze3A_1217 : vector<63x64xf32>
    %slice3A_1219 = vector.extract_strided_slice %mul3A_7 {offsets = [151, 0, 0], sizes = [1, 63, 64], strides = [1, 1, 1]} : vector<256x63x64xf32> to vector<1x63x64xf32>
    %squeeze3A_1220 = vector.shape_cast %slice3A_1219 : vector<1x63x64xf32> to vector<63x64xf32>
    %add3A_1221 = arith.addf %add3A_1197, %squeeze3A_1220 : vector<63x64xf32>
    %slice3A_1222 = vector.extract_strided_slice %mul3A_7 {offsets = [152, 0, 0], sizes = [1, 63, 64], strides = [1, 1, 1]} : vector<256x63x64xf32> to vector<1x63x64xf32>
    %squeeze3A_1223 = vector.shape_cast %slice3A_1222 : vector<1x63x64xf32> to vector<63x64xf32>
    %add3A_1224 = arith.addf %add3A_1200, %squeeze3A_1223 : vector<63x64xf32>
    %slice3A_1225 = vector.extract_strided_slice %mul3A_7 {offsets = [153, 0, 0], sizes = [1, 63, 64], strides = [1, 1, 1]} : vector<256x63x64xf32> to vector<1x63x64xf32>
    %squeeze3A_1226 = vector.shape_cast %slice3A_1225 : vector<1x63x64xf32> to vector<63x64xf32>
    %add3A_1227 = arith.addf %add3A_1203, %squeeze3A_1226 : vector<63x64xf32>
    %slice3A_1228 = vector.extract_strided_slice %mul3A_7 {offsets = [154, 0, 0], sizes = [1, 63, 64], strides = [1, 1, 1]} : vector<256x63x64xf32> to vector<1x63x64xf32>
    %squeeze3A_1229 = vector.shape_cast %slice3A_1228 : vector<1x63x64xf32> to vector<63x64xf32>
    %add3A_1230 = arith.addf %add3A_1206, %squeeze3A_1229 : vector<63x64xf32>
    %slice3A_1231 = vector.extract_strided_slice %mul3A_7 {offsets = [155, 0, 0], sizes = [1, 63, 64], strides = [1, 1, 1]} : vector<256x63x64xf32> to vector<1x63x64xf32>
    %squeeze3A_1232 = vector.shape_cast %slice3A_1231 : vector<1x63x64xf32> to vector<63x64xf32>
    %add3A_1233 = arith.addf %add3A_1209, %squeeze3A_1232 : vector<63x64xf32>
    %slice3A_1234 = vector.extract_strided_slice %mul3A_7 {offsets = [156, 0, 0], sizes = [1, 63, 64], strides = [1, 1, 1]} : vector<256x63x64xf32> to vector<1x63x64xf32>
    %squeeze3A_1235 = vector.shape_cast %slice3A_1234 : vector<1x63x64xf32> to vector<63x64xf32>
    %add3A_1236 = arith.addf %add3A_1212, %squeeze3A_1235 : vector<63x64xf32>
    %slice3A_1237 = vector.extract_strided_slice %mul3A_7 {offsets = [157, 0, 0], sizes = [1, 63, 64], strides = [1, 1, 1]} : vector<256x63x64xf32> to vector<1x63x64xf32>
    %squeeze3A_1238 = vector.shape_cast %slice3A_1237 : vector<1x63x64xf32> to vector<63x64xf32>
    %add3A_1239 = arith.addf %add3A_1215, %squeeze3A_1238 : vector<63x64xf32>
    %slice3A_1240 = vector.extract_strided_slice %mul3A_7 {offsets = [158, 0, 0], sizes = [1, 63, 64], strides = [1, 1, 1]} : vector<256x63x64xf32> to vector<1x63x64xf32>
    %squeeze3A_1241 = vector.shape_cast %slice3A_1240 : vector<1x63x64xf32> to vector<63x64xf32>
    %add3A_1242 = arith.addf %add3A_1218, %squeeze3A_1241 : vector<63x64xf32>
    %slice3A_1243 = vector.extract_strided_slice %mul3A_7 {offsets = [159, 0, 0], sizes = [1, 63, 64], strides = [1, 1, 1]} : vector<256x63x64xf32> to vector<1x63x64xf32>
    %squeeze3A_1244 = vector.shape_cast %slice3A_1243 : vector<1x63x64xf32> to vector<63x64xf32>
    %add3A_1245 = arith.addf %add3A_1221, %squeeze3A_1244 : vector<63x64xf32>
    %slice3A_1246 = vector.extract_strided_slice %mul3A_7 {offsets = [160, 0, 0], sizes = [1, 63, 64], strides = [1, 1, 1]} : vector<256x63x64xf32> to vector<1x63x64xf32>
    %squeeze3A_1247 = vector.shape_cast %slice3A_1246 : vector<1x63x64xf32> to vector<63x64xf32>
    %add3A_1248 = arith.addf %add3A_1224, %squeeze3A_1247 : vector<63x64xf32>
    %slice3A_1249 = vector.extract_strided_slice %mul3A_7 {offsets = [161, 0, 0], sizes = [1, 63, 64], strides = [1, 1, 1]} : vector<256x63x64xf32> to vector<1x63x64xf32>
    %squeeze3A_1250 = vector.shape_cast %slice3A_1249 : vector<1x63x64xf32> to vector<63x64xf32>
    %add3A_1251 = arith.addf %add3A_1227, %squeeze3A_1250 : vector<63x64xf32>
    %slice3A_1252 = vector.extract_strided_slice %mul3A_7 {offsets = [162, 0, 0], sizes = [1, 63, 64], strides = [1, 1, 1]} : vector<256x63x64xf32> to vector<1x63x64xf32>
    %squeeze3A_1253 = vector.shape_cast %slice3A_1252 : vector<1x63x64xf32> to vector<63x64xf32>
    %add3A_1254 = arith.addf %add3A_1230, %squeeze3A_1253 : vector<63x64xf32>
    %slice3A_1255 = vector.extract_strided_slice %mul3A_7 {offsets = [163, 0, 0], sizes = [1, 63, 64], strides = [1, 1, 1]} : vector<256x63x64xf32> to vector<1x63x64xf32>
    %squeeze3A_1256 = vector.shape_cast %slice3A_1255 : vector<1x63x64xf32> to vector<63x64xf32>
    %add3A_1257 = arith.addf %add3A_1233, %squeeze3A_1256 : vector<63x64xf32>
    %slice3A_1258 = vector.extract_strided_slice %mul3A_7 {offsets = [164, 0, 0], sizes = [1, 63, 64], strides = [1, 1, 1]} : vector<256x63x64xf32> to vector<1x63x64xf32>
    %squeeze3A_1259 = vector.shape_cast %slice3A_1258 : vector<1x63x64xf32> to vector<63x64xf32>
    %add3A_1260 = arith.addf %add3A_1236, %squeeze3A_1259 : vector<63x64xf32>
    %slice3A_1261 = vector.extract_strided_slice %mul3A_7 {offsets = [165, 0, 0], sizes = [1, 63, 64], strides = [1, 1, 1]} : vector<256x63x64xf32> to vector<1x63x64xf32>
    %squeeze3A_1262 = vector.shape_cast %slice3A_1261 : vector<1x63x64xf32> to vector<63x64xf32>
    %add3A_1263 = arith.addf %add3A_1239, %squeeze3A_1262 : vector<63x64xf32>
    %slice3A_1264 = vector.extract_strided_slice %mul3A_7 {offsets = [166, 0, 0], sizes = [1, 63, 64], strides = [1, 1, 1]} : vector<256x63x64xf32> to vector<1x63x64xf32>
    %squeeze3A_1265 = vector.shape_cast %slice3A_1264 : vector<1x63x64xf32> to vector<63x64xf32>
    %add3A_1266 = arith.addf %add3A_1242, %squeeze3A_1265 : vector<63x64xf32>
    %slice3A_1267 = vector.extract_strided_slice %mul3A_7 {offsets = [167, 0, 0], sizes = [1, 63, 64], strides = [1, 1, 1]} : vector<256x63x64xf32> to vector<1x63x64xf32>
    %squeeze3A_1268 = vector.shape_cast %slice3A_1267 : vector<1x63x64xf32> to vector<63x64xf32>
    %add3A_1269 = arith.addf %add3A_1245, %squeeze3A_1268 : vector<63x64xf32>
    %slice3A_1270 = vector.extract_strided_slice %mul3A_7 {offsets = [168, 0, 0], sizes = [1, 63, 64], strides = [1, 1, 1]} : vector<256x63x64xf32> to vector<1x63x64xf32>
    %squeeze3A_1271 = vector.shape_cast %slice3A_1270 : vector<1x63x64xf32> to vector<63x64xf32>
    %add3A_1272 = arith.addf %add3A_1248, %squeeze3A_1271 : vector<63x64xf32>
    %slice3A_1273 = vector.extract_strided_slice %mul3A_7 {offsets = [169, 0, 0], sizes = [1, 63, 64], strides = [1, 1, 1]} : vector<256x63x64xf32> to vector<1x63x64xf32>
    %squeeze3A_1274 = vector.shape_cast %slice3A_1273 : vector<1x63x64xf32> to vector<63x64xf32>
    %add3A_1275 = arith.addf %add3A_1251, %squeeze3A_1274 : vector<63x64xf32>
    %slice3A_1276 = vector.extract_strided_slice %mul3A_7 {offsets = [170, 0, 0], sizes = [1, 63, 64], strides = [1, 1, 1]} : vector<256x63x64xf32> to vector<1x63x64xf32>
    %squeeze3A_1277 = vector.shape_cast %slice3A_1276 : vector<1x63x64xf32> to vector<63x64xf32>
    %add3A_1278 = arith.addf %add3A_1254, %squeeze3A_1277 : vector<63x64xf32>
    %slice3A_1279 = vector.extract_strided_slice %mul3A_7 {offsets = [171, 0, 0], sizes = [1, 63, 64], strides = [1, 1, 1]} : vector<256x63x64xf32> to vector<1x63x64xf32>
    %squeeze3A_1280 = vector.shape_cast %slice3A_1279 : vector<1x63x64xf32> to vector<63x64xf32>
    %add3A_1281 = arith.addf %add3A_1257, %squeeze3A_1280 : vector<63x64xf32>
    %slice3A_1282 = vector.extract_strided_slice %mul3A_7 {offsets = [172, 0, 0], sizes = [1, 63, 64], strides = [1, 1, 1]} : vector<256x63x64xf32> to vector<1x63x64xf32>
    %squeeze3A_1283 = vector.shape_cast %slice3A_1282 : vector<1x63x64xf32> to vector<63x64xf32>
    %add3A_1284 = arith.addf %add3A_1260, %squeeze3A_1283 : vector<63x64xf32>
    %slice3A_1285 = vector.extract_strided_slice %mul3A_7 {offsets = [173, 0, 0], sizes = [1, 63, 64], strides = [1, 1, 1]} : vector<256x63x64xf32> to vector<1x63x64xf32>
    %squeeze3A_1286 = vector.shape_cast %slice3A_1285 : vector<1x63x64xf32> to vector<63x64xf32>
    %add3A_1287 = arith.addf %add3A_1263, %squeeze3A_1286 : vector<63x64xf32>
    %slice3A_1288 = vector.extract_strided_slice %mul3A_7 {offsets = [174, 0, 0], sizes = [1, 63, 64], strides = [1, 1, 1]} : vector<256x63x64xf32> to vector<1x63x64xf32>
    %squeeze3A_1289 = vector.shape_cast %slice3A_1288 : vector<1x63x64xf32> to vector<63x64xf32>
    %add3A_1290 = arith.addf %add3A_1266, %squeeze3A_1289 : vector<63x64xf32>
    %slice3A_1291 = vector.extract_strided_slice %mul3A_7 {offsets = [175, 0, 0], sizes = [1, 63, 64], strides = [1, 1, 1]} : vector<256x63x64xf32> to vector<1x63x64xf32>
    %squeeze3A_1292 = vector.shape_cast %slice3A_1291 : vector<1x63x64xf32> to vector<63x64xf32>
    %add3A_1293 = arith.addf %add3A_1269, %squeeze3A_1292 : vector<63x64xf32>
    %slice3A_1294 = vector.extract_strided_slice %mul3A_7 {offsets = [176, 0, 0], sizes = [1, 63, 64], strides = [1, 1, 1]} : vector<256x63x64xf32> to vector<1x63x64xf32>
    %squeeze3A_1295 = vector.shape_cast %slice3A_1294 : vector<1x63x64xf32> to vector<63x64xf32>
    %add3A_1296 = arith.addf %add3A_1272, %squeeze3A_1295 : vector<63x64xf32>
    %slice3A_1297 = vector.extract_strided_slice %mul3A_7 {offsets = [177, 0, 0], sizes = [1, 63, 64], strides = [1, 1, 1]} : vector<256x63x64xf32> to vector<1x63x64xf32>
    %squeeze3A_1298 = vector.shape_cast %slice3A_1297 : vector<1x63x64xf32> to vector<63x64xf32>
    %add3A_1299 = arith.addf %add3A_1275, %squeeze3A_1298 : vector<63x64xf32>
    %slice3A_1300 = vector.extract_strided_slice %mul3A_7 {offsets = [178, 0, 0], sizes = [1, 63, 64], strides = [1, 1, 1]} : vector<256x63x64xf32> to vector<1x63x64xf32>
    %squeeze3A_1301 = vector.shape_cast %slice3A_1300 : vector<1x63x64xf32> to vector<63x64xf32>
    %add3A_1302 = arith.addf %add3A_1278, %squeeze3A_1301 : vector<63x64xf32>
    %slice3A_1303 = vector.extract_strided_slice %mul3A_7 {offsets = [179, 0, 0], sizes = [1, 63, 64], strides = [1, 1, 1]} : vector<256x63x64xf32> to vector<1x63x64xf32>
    %squeeze3A_1304 = vector.shape_cast %slice3A_1303 : vector<1x63x64xf32> to vector<63x64xf32>
    %add3A_1305 = arith.addf %add3A_1281, %squeeze3A_1304 : vector<63x64xf32>
    %slice3A_1306 = vector.extract_strided_slice %mul3A_7 {offsets = [180, 0, 0], sizes = [1, 63, 64], strides = [1, 1, 1]} : vector<256x63x64xf32> to vector<1x63x64xf32>
    %squeeze3A_1307 = vector.shape_cast %slice3A_1306 : vector<1x63x64xf32> to vector<63x64xf32>
    %add3A_1308 = arith.addf %add3A_1284, %squeeze3A_1307 : vector<63x64xf32>
    %slice3A_1309 = vector.extract_strided_slice %mul3A_7 {offsets = [181, 0, 0], sizes = [1, 63, 64], strides = [1, 1, 1]} : vector<256x63x64xf32> to vector<1x63x64xf32>
    %squeeze3A_1310 = vector.shape_cast %slice3A_1309 : vector<1x63x64xf32> to vector<63x64xf32>
    %add3A_1311 = arith.addf %add3A_1287, %squeeze3A_1310 : vector<63x64xf32>
    %slice3A_1312 = vector.extract_strided_slice %mul3A_7 {offsets = [182, 0, 0], sizes = [1, 63, 64], strides = [1, 1, 1]} : vector<256x63x64xf32> to vector<1x63x64xf32>
    %squeeze3A_1313 = vector.shape_cast %slice3A_1312 : vector<1x63x64xf32> to vector<63x64xf32>
    %add3A_1314 = arith.addf %add3A_1290, %squeeze3A_1313 : vector<63x64xf32>
    %slice3A_1315 = vector.extract_strided_slice %mul3A_7 {offsets = [183, 0, 0], sizes = [1, 63, 64], strides = [1, 1, 1]} : vector<256x63x64xf32> to vector<1x63x64xf32>
    %squeeze3A_1316 = vector.shape_cast %slice3A_1315 : vector<1x63x64xf32> to vector<63x64xf32>
    %add3A_1317 = arith.addf %add3A_1293, %squeeze3A_1316 : vector<63x64xf32>
    %slice3A_1318 = vector.extract_strided_slice %mul3A_7 {offsets = [184, 0, 0], sizes = [1, 63, 64], strides = [1, 1, 1]} : vector<256x63x64xf32> to vector<1x63x64xf32>
    %squeeze3A_1319 = vector.shape_cast %slice3A_1318 : vector<1x63x64xf32> to vector<63x64xf32>
    %add3A_1320 = arith.addf %add3A_1296, %squeeze3A_1319 : vector<63x64xf32>
    %slice3A_1321 = vector.extract_strided_slice %mul3A_7 {offsets = [185, 0, 0], sizes = [1, 63, 64], strides = [1, 1, 1]} : vector<256x63x64xf32> to vector<1x63x64xf32>
    %squeeze3A_1322 = vector.shape_cast %slice3A_1321 : vector<1x63x64xf32> to vector<63x64xf32>
    %add3A_1323 = arith.addf %add3A_1299, %squeeze3A_1322 : vector<63x64xf32>
    %slice3A_1324 = vector.extract_strided_slice %mul3A_7 {offsets = [186, 0, 0], sizes = [1, 63, 64], strides = [1, 1, 1]} : vector<256x63x64xf32> to vector<1x63x64xf32>
    %squeeze3A_1325 = vector.shape_cast %slice3A_1324 : vector<1x63x64xf32> to vector<63x64xf32>
    %add3A_1326 = arith.addf %add3A_1302, %squeeze3A_1325 : vector<63x64xf32>
    %slice3A_1327 = vector.extract_strided_slice %mul3A_7 {offsets = [187, 0, 0], sizes = [1, 63, 64], strides = [1, 1, 1]} : vector<256x63x64xf32> to vector<1x63x64xf32>
    %squeeze3A_1328 = vector.shape_cast %slice3A_1327 : vector<1x63x64xf32> to vector<63x64xf32>
    %add3A_1329 = arith.addf %add3A_1305, %squeeze3A_1328 : vector<63x64xf32>
    %slice3A_1330 = vector.extract_strided_slice %mul3A_7 {offsets = [188, 0, 0], sizes = [1, 63, 64], strides = [1, 1, 1]} : vector<256x63x64xf32> to vector<1x63x64xf32>
    %squeeze3A_1331 = vector.shape_cast %slice3A_1330 : vector<1x63x64xf32> to vector<63x64xf32>
    %add3A_1332 = arith.addf %add3A_1308, %squeeze3A_1331 : vector<63x64xf32>
    %slice3A_1333 = vector.extract_strided_slice %mul3A_7 {offsets = [189, 0, 0], sizes = [1, 63, 64], strides = [1, 1, 1]} : vector<256x63x64xf32> to vector<1x63x64xf32>
    %squeeze3A_1334 = vector.shape_cast %slice3A_1333 : vector<1x63x64xf32> to vector<63x64xf32>
    %add3A_1335 = arith.addf %add3A_1311, %squeeze3A_1334 : vector<63x64xf32>
    %slice3A_1336 = vector.extract_strided_slice %mul3A_7 {offsets = [190, 0, 0], sizes = [1, 63, 64], strides = [1, 1, 1]} : vector<256x63x64xf32> to vector<1x63x64xf32>
    %squeeze3A_1337 = vector.shape_cast %slice3A_1336 : vector<1x63x64xf32> to vector<63x64xf32>
    %add3A_1338 = arith.addf %add3A_1314, %squeeze3A_1337 : vector<63x64xf32>
    %slice3A_1339 = vector.extract_strided_slice %mul3A_7 {offsets = [191, 0, 0], sizes = [1, 63, 64], strides = [1, 1, 1]} : vector<256x63x64xf32> to vector<1x63x64xf32>
    %squeeze3A_1340 = vector.shape_cast %slice3A_1339 : vector<1x63x64xf32> to vector<63x64xf32>
    %add3A_1341 = arith.addf %add3A_1317, %squeeze3A_1340 : vector<63x64xf32>
    %slice3A_1342 = vector.extract_strided_slice %mul3A_7 {offsets = [192, 0, 0], sizes = [1, 63, 64], strides = [1, 1, 1]} : vector<256x63x64xf32> to vector<1x63x64xf32>
    %squeeze3A_1343 = vector.shape_cast %slice3A_1342 : vector<1x63x64xf32> to vector<63x64xf32>
    %add3A_1344 = arith.addf %add3A_1320, %squeeze3A_1343 : vector<63x64xf32>
    %slice3A_1345 = vector.extract_strided_slice %mul3A_7 {offsets = [193, 0, 0], sizes = [1, 63, 64], strides = [1, 1, 1]} : vector<256x63x64xf32> to vector<1x63x64xf32>
    %squeeze3A_1346 = vector.shape_cast %slice3A_1345 : vector<1x63x64xf32> to vector<63x64xf32>
    %add3A_1347 = arith.addf %add3A_1323, %squeeze3A_1346 : vector<63x64xf32>
    %slice3A_1348 = vector.extract_strided_slice %mul3A_7 {offsets = [194, 0, 0], sizes = [1, 63, 64], strides = [1, 1, 1]} : vector<256x63x64xf32> to vector<1x63x64xf32>
    %squeeze3A_1349 = vector.shape_cast %slice3A_1348 : vector<1x63x64xf32> to vector<63x64xf32>
    %add3A_1350 = arith.addf %add3A_1326, %squeeze3A_1349 : vector<63x64xf32>
    %slice3A_1351 = vector.extract_strided_slice %mul3A_7 {offsets = [195, 0, 0], sizes = [1, 63, 64], strides = [1, 1, 1]} : vector<256x63x64xf32> to vector<1x63x64xf32>
    %squeeze3A_1352 = vector.shape_cast %slice3A_1351 : vector<1x63x64xf32> to vector<63x64xf32>
    %add3A_1353 = arith.addf %add3A_1329, %squeeze3A_1352 : vector<63x64xf32>
    %slice3A_1354 = vector.extract_strided_slice %mul3A_7 {offsets = [196, 0, 0], sizes = [1, 63, 64], strides = [1, 1, 1]} : vector<256x63x64xf32> to vector<1x63x64xf32>
    %squeeze3A_1355 = vector.shape_cast %slice3A_1354 : vector<1x63x64xf32> to vector<63x64xf32>
    %add3A_1356 = arith.addf %add3A_1332, %squeeze3A_1355 : vector<63x64xf32>
    %slice3A_1357 = vector.extract_strided_slice %mul3A_7 {offsets = [197, 0, 0], sizes = [1, 63, 64], strides = [1, 1, 1]} : vector<256x63x64xf32> to vector<1x63x64xf32>
    %squeeze3A_1358 = vector.shape_cast %slice3A_1357 : vector<1x63x64xf32> to vector<63x64xf32>
    %add3A_1359 = arith.addf %add3A_1335, %squeeze3A_1358 : vector<63x64xf32>
    %slice3A_1360 = vector.extract_strided_slice %mul3A_7 {offsets = [198, 0, 0], sizes = [1, 63, 64], strides = [1, 1, 1]} : vector<256x63x64xf32> to vector<1x63x64xf32>
    %squeeze3A_1361 = vector.shape_cast %slice3A_1360 : vector<1x63x64xf32> to vector<63x64xf32>
    %add3A_1362 = arith.addf %add3A_1338, %squeeze3A_1361 : vector<63x64xf32>
    %slice3A_1363 = vector.extract_strided_slice %mul3A_7 {offsets = [199, 0, 0], sizes = [1, 63, 64], strides = [1, 1, 1]} : vector<256x63x64xf32> to vector<1x63x64xf32>
    %squeeze3A_1364 = vector.shape_cast %slice3A_1363 : vector<1x63x64xf32> to vector<63x64xf32>
    %add3A_1365 = arith.addf %add3A_1341, %squeeze3A_1364 : vector<63x64xf32>
    %slice3A_1366 = vector.extract_strided_slice %mul3A_7 {offsets = [200, 0, 0], sizes = [1, 63, 64], strides = [1, 1, 1]} : vector<256x63x64xf32> to vector<1x63x64xf32>
    %squeeze3A_1367 = vector.shape_cast %slice3A_1366 : vector<1x63x64xf32> to vector<63x64xf32>
    %add3A_1368 = arith.addf %add3A_1344, %squeeze3A_1367 : vector<63x64xf32>
    %slice3A_1369 = vector.extract_strided_slice %mul3A_7 {offsets = [201, 0, 0], sizes = [1, 63, 64], strides = [1, 1, 1]} : vector<256x63x64xf32> to vector<1x63x64xf32>
    %squeeze3A_1370 = vector.shape_cast %slice3A_1369 : vector<1x63x64xf32> to vector<63x64xf32>
    %add3A_1371 = arith.addf %add3A_1347, %squeeze3A_1370 : vector<63x64xf32>
    %slice3A_1372 = vector.extract_strided_slice %mul3A_7 {offsets = [202, 0, 0], sizes = [1, 63, 64], strides = [1, 1, 1]} : vector<256x63x64xf32> to vector<1x63x64xf32>
    %squeeze3A_1373 = vector.shape_cast %slice3A_1372 : vector<1x63x64xf32> to vector<63x64xf32>
    %add3A_1374 = arith.addf %add3A_1350, %squeeze3A_1373 : vector<63x64xf32>
    %slice3A_1375 = vector.extract_strided_slice %mul3A_7 {offsets = [203, 0, 0], sizes = [1, 63, 64], strides = [1, 1, 1]} : vector<256x63x64xf32> to vector<1x63x64xf32>
    %squeeze3A_1376 = vector.shape_cast %slice3A_1375 : vector<1x63x64xf32> to vector<63x64xf32>
    %add3A_1377 = arith.addf %add3A_1353, %squeeze3A_1376 : vector<63x64xf32>
    %slice3A_1378 = vector.extract_strided_slice %mul3A_7 {offsets = [204, 0, 0], sizes = [1, 63, 64], strides = [1, 1, 1]} : vector<256x63x64xf32> to vector<1x63x64xf32>
    %squeeze3A_1379 = vector.shape_cast %slice3A_1378 : vector<1x63x64xf32> to vector<63x64xf32>
    %add3A_1380 = arith.addf %add3A_1356, %squeeze3A_1379 : vector<63x64xf32>
    %slice3A_1381 = vector.extract_strided_slice %mul3A_7 {offsets = [205, 0, 0], sizes = [1, 63, 64], strides = [1, 1, 1]} : vector<256x63x64xf32> to vector<1x63x64xf32>
    %squeeze3A_1382 = vector.shape_cast %slice3A_1381 : vector<1x63x64xf32> to vector<63x64xf32>
    %add3A_1383 = arith.addf %add3A_1359, %squeeze3A_1382 : vector<63x64xf32>
    %slice3A_1384 = vector.extract_strided_slice %mul3A_7 {offsets = [206, 0, 0], sizes = [1, 63, 64], strides = [1, 1, 1]} : vector<256x63x64xf32> to vector<1x63x64xf32>
    %squeeze3A_1385 = vector.shape_cast %slice3A_1384 : vector<1x63x64xf32> to vector<63x64xf32>
    %add3A_1386 = arith.addf %add3A_1362, %squeeze3A_1385 : vector<63x64xf32>
    %slice3A_1387 = vector.extract_strided_slice %mul3A_7 {offsets = [207, 0, 0], sizes = [1, 63, 64], strides = [1, 1, 1]} : vector<256x63x64xf32> to vector<1x63x64xf32>
    %squeeze3A_1388 = vector.shape_cast %slice3A_1387 : vector<1x63x64xf32> to vector<63x64xf32>
    %add3A_1389 = arith.addf %add3A_1365, %squeeze3A_1388 : vector<63x64xf32>
    %slice3A_1390 = vector.extract_strided_slice %mul3A_7 {offsets = [208, 0, 0], sizes = [1, 63, 64], strides = [1, 1, 1]} : vector<256x63x64xf32> to vector<1x63x64xf32>
    %squeeze3A_1391 = vector.shape_cast %slice3A_1390 : vector<1x63x64xf32> to vector<63x64xf32>
    %add3A_1392 = arith.addf %add3A_1368, %squeeze3A_1391 : vector<63x64xf32>
    %slice3A_1393 = vector.extract_strided_slice %mul3A_7 {offsets = [209, 0, 0], sizes = [1, 63, 64], strides = [1, 1, 1]} : vector<256x63x64xf32> to vector<1x63x64xf32>
    %squeeze3A_1394 = vector.shape_cast %slice3A_1393 : vector<1x63x64xf32> to vector<63x64xf32>
    %add3A_1395 = arith.addf %add3A_1371, %squeeze3A_1394 : vector<63x64xf32>
    %slice3A_1396 = vector.extract_strided_slice %mul3A_7 {offsets = [210, 0, 0], sizes = [1, 63, 64], strides = [1, 1, 1]} : vector<256x63x64xf32> to vector<1x63x64xf32>
    %squeeze3A_1397 = vector.shape_cast %slice3A_1396 : vector<1x63x64xf32> to vector<63x64xf32>
    %add3A_1398 = arith.addf %add3A_1374, %squeeze3A_1397 : vector<63x64xf32>
    %slice3A_1399 = vector.extract_strided_slice %mul3A_7 {offsets = [211, 0, 0], sizes = [1, 63, 64], strides = [1, 1, 1]} : vector<256x63x64xf32> to vector<1x63x64xf32>
    %squeeze3A_1400 = vector.shape_cast %slice3A_1399 : vector<1x63x64xf32> to vector<63x64xf32>
    %add3A_1401 = arith.addf %add3A_1377, %squeeze3A_1400 : vector<63x64xf32>
    %slice3A_1402 = vector.extract_strided_slice %mul3A_7 {offsets = [212, 0, 0], sizes = [1, 63, 64], strides = [1, 1, 1]} : vector<256x63x64xf32> to vector<1x63x64xf32>
    %squeeze3A_1403 = vector.shape_cast %slice3A_1402 : vector<1x63x64xf32> to vector<63x64xf32>
    %add3A_1404 = arith.addf %add3A_1380, %squeeze3A_1403 : vector<63x64xf32>
    %slice3A_1405 = vector.extract_strided_slice %mul3A_7 {offsets = [213, 0, 0], sizes = [1, 63, 64], strides = [1, 1, 1]} : vector<256x63x64xf32> to vector<1x63x64xf32>
    %squeeze3A_1406 = vector.shape_cast %slice3A_1405 : vector<1x63x64xf32> to vector<63x64xf32>
    %add3A_1407 = arith.addf %add3A_1383, %squeeze3A_1406 : vector<63x64xf32>
    %slice3A_1408 = vector.extract_strided_slice %mul3A_7 {offsets = [214, 0, 0], sizes = [1, 63, 64], strides = [1, 1, 1]} : vector<256x63x64xf32> to vector<1x63x64xf32>
    %squeeze3A_1409 = vector.shape_cast %slice3A_1408 : vector<1x63x64xf32> to vector<63x64xf32>
    %add3A_1410 = arith.addf %add3A_1386, %squeeze3A_1409 : vector<63x64xf32>
    %slice3A_1411 = vector.extract_strided_slice %mul3A_7 {offsets = [215, 0, 0], sizes = [1, 63, 64], strides = [1, 1, 1]} : vector<256x63x64xf32> to vector<1x63x64xf32>
    %squeeze3A_1412 = vector.shape_cast %slice3A_1411 : vector<1x63x64xf32> to vector<63x64xf32>
    %add3A_1413 = arith.addf %add3A_1389, %squeeze3A_1412 : vector<63x64xf32>
    %slice3A_1414 = vector.extract_strided_slice %mul3A_7 {offsets = [216, 0, 0], sizes = [1, 63, 64], strides = [1, 1, 1]} : vector<256x63x64xf32> to vector<1x63x64xf32>
    %squeeze3A_1415 = vector.shape_cast %slice3A_1414 : vector<1x63x64xf32> to vector<63x64xf32>
    %add3A_1416 = arith.addf %add3A_1392, %squeeze3A_1415 : vector<63x64xf32>
    %slice3A_1417 = vector.extract_strided_slice %mul3A_7 {offsets = [217, 0, 0], sizes = [1, 63, 64], strides = [1, 1, 1]} : vector<256x63x64xf32> to vector<1x63x64xf32>
    %squeeze3A_1418 = vector.shape_cast %slice3A_1417 : vector<1x63x64xf32> to vector<63x64xf32>
    %add3A_1419 = arith.addf %add3A_1395, %squeeze3A_1418 : vector<63x64xf32>
    %slice3A_1420 = vector.extract_strided_slice %mul3A_7 {offsets = [218, 0, 0], sizes = [1, 63, 64], strides = [1, 1, 1]} : vector<256x63x64xf32> to vector<1x63x64xf32>
    %squeeze3A_1421 = vector.shape_cast %slice3A_1420 : vector<1x63x64xf32> to vector<63x64xf32>
    %add3A_1422 = arith.addf %add3A_1398, %squeeze3A_1421 : vector<63x64xf32>
    %slice3A_1423 = vector.extract_strided_slice %mul3A_7 {offsets = [219, 0, 0], sizes = [1, 63, 64], strides = [1, 1, 1]} : vector<256x63x64xf32> to vector<1x63x64xf32>
    %squeeze3A_1424 = vector.shape_cast %slice3A_1423 : vector<1x63x64xf32> to vector<63x64xf32>
    %add3A_1425 = arith.addf %add3A_1401, %squeeze3A_1424 : vector<63x64xf32>
    %slice3A_1426 = vector.extract_strided_slice %mul3A_7 {offsets = [220, 0, 0], sizes = [1, 63, 64], strides = [1, 1, 1]} : vector<256x63x64xf32> to vector<1x63x64xf32>
    %squeeze3A_1427 = vector.shape_cast %slice3A_1426 : vector<1x63x64xf32> to vector<63x64xf32>
    %add3A_1428 = arith.addf %add3A_1404, %squeeze3A_1427 : vector<63x64xf32>
    %slice3A_1429 = vector.extract_strided_slice %mul3A_7 {offsets = [221, 0, 0], sizes = [1, 63, 64], strides = [1, 1, 1]} : vector<256x63x64xf32> to vector<1x63x64xf32>
    %squeeze3A_1430 = vector.shape_cast %slice3A_1429 : vector<1x63x64xf32> to vector<63x64xf32>
    %add3A_1431 = arith.addf %add3A_1407, %squeeze3A_1430 : vector<63x64xf32>
    %slice3A_1432 = vector.extract_strided_slice %mul3A_7 {offsets = [222, 0, 0], sizes = [1, 63, 64], strides = [1, 1, 1]} : vector<256x63x64xf32> to vector<1x63x64xf32>
    %squeeze3A_1433 = vector.shape_cast %slice3A_1432 : vector<1x63x64xf32> to vector<63x64xf32>
    %add3A_1434 = arith.addf %add3A_1410, %squeeze3A_1433 : vector<63x64xf32>
    %slice3A_1435 = vector.extract_strided_slice %mul3A_7 {offsets = [223, 0, 0], sizes = [1, 63, 64], strides = [1, 1, 1]} : vector<256x63x64xf32> to vector<1x63x64xf32>
    %squeeze3A_1436 = vector.shape_cast %slice3A_1435 : vector<1x63x64xf32> to vector<63x64xf32>
    %add3A_1437 = arith.addf %add3A_1413, %squeeze3A_1436 : vector<63x64xf32>
    %slice3A_1438 = vector.extract_strided_slice %mul3A_7 {offsets = [224, 0, 0], sizes = [1, 63, 64], strides = [1, 1, 1]} : vector<256x63x64xf32> to vector<1x63x64xf32>
    %squeeze3A_1439 = vector.shape_cast %slice3A_1438 : vector<1x63x64xf32> to vector<63x64xf32>
    %add3A_1440 = arith.addf %add3A_1416, %squeeze3A_1439 : vector<63x64xf32>
    %slice3A_1441 = vector.extract_strided_slice %mul3A_7 {offsets = [225, 0, 0], sizes = [1, 63, 64], strides = [1, 1, 1]} : vector<256x63x64xf32> to vector<1x63x64xf32>
    %squeeze3A_1442 = vector.shape_cast %slice3A_1441 : vector<1x63x64xf32> to vector<63x64xf32>
    %add3A_1443 = arith.addf %add3A_1419, %squeeze3A_1442 : vector<63x64xf32>
    %slice3A_1444 = vector.extract_strided_slice %mul3A_7 {offsets = [226, 0, 0], sizes = [1, 63, 64], strides = [1, 1, 1]} : vector<256x63x64xf32> to vector<1x63x64xf32>
    %squeeze3A_1445 = vector.shape_cast %slice3A_1444 : vector<1x63x64xf32> to vector<63x64xf32>
    %add3A_1446 = arith.addf %add3A_1422, %squeeze3A_1445 : vector<63x64xf32>
    %slice3A_1447 = vector.extract_strided_slice %mul3A_7 {offsets = [227, 0, 0], sizes = [1, 63, 64], strides = [1, 1, 1]} : vector<256x63x64xf32> to vector<1x63x64xf32>
    %squeeze3A_1448 = vector.shape_cast %slice3A_1447 : vector<1x63x64xf32> to vector<63x64xf32>
    %add3A_1449 = arith.addf %add3A_1425, %squeeze3A_1448 : vector<63x64xf32>
    %slice3A_1450 = vector.extract_strided_slice %mul3A_7 {offsets = [228, 0, 0], sizes = [1, 63, 64], strides = [1, 1, 1]} : vector<256x63x64xf32> to vector<1x63x64xf32>
    %squeeze3A_1451 = vector.shape_cast %slice3A_1450 : vector<1x63x64xf32> to vector<63x64xf32>
    %add3A_1452 = arith.addf %add3A_1428, %squeeze3A_1451 : vector<63x64xf32>
    %slice3A_1453 = vector.extract_strided_slice %mul3A_7 {offsets = [229, 0, 0], sizes = [1, 63, 64], strides = [1, 1, 1]} : vector<256x63x64xf32> to vector<1x63x64xf32>
    %squeeze3A_1454 = vector.shape_cast %slice3A_1453 : vector<1x63x64xf32> to vector<63x64xf32>
    %add3A_1455 = arith.addf %add3A_1431, %squeeze3A_1454 : vector<63x64xf32>
    %slice3A_1456 = vector.extract_strided_slice %mul3A_7 {offsets = [230, 0, 0], sizes = [1, 63, 64], strides = [1, 1, 1]} : vector<256x63x64xf32> to vector<1x63x64xf32>
    %squeeze3A_1457 = vector.shape_cast %slice3A_1456 : vector<1x63x64xf32> to vector<63x64xf32>
    %add3A_1458 = arith.addf %add3A_1434, %squeeze3A_1457 : vector<63x64xf32>
    %slice3A_1459 = vector.extract_strided_slice %mul3A_7 {offsets = [231, 0, 0], sizes = [1, 63, 64], strides = [1, 1, 1]} : vector<256x63x64xf32> to vector<1x63x64xf32>
    %squeeze3A_1460 = vector.shape_cast %slice3A_1459 : vector<1x63x64xf32> to vector<63x64xf32>
    %add3A_1461 = arith.addf %add3A_1437, %squeeze3A_1460 : vector<63x64xf32>
    %slice3A_1462 = vector.extract_strided_slice %mul3A_7 {offsets = [232, 0, 0], sizes = [1, 63, 64], strides = [1, 1, 1]} : vector<256x63x64xf32> to vector<1x63x64xf32>
    %squeeze3A_1463 = vector.shape_cast %slice3A_1462 : vector<1x63x64xf32> to vector<63x64xf32>
    %add3A_1464 = arith.addf %add3A_1440, %squeeze3A_1463 : vector<63x64xf32>
    %slice3A_1465 = vector.extract_strided_slice %mul3A_7 {offsets = [233, 0, 0], sizes = [1, 63, 64], strides = [1, 1, 1]} : vector<256x63x64xf32> to vector<1x63x64xf32>
    %squeeze3A_1466 = vector.shape_cast %slice3A_1465 : vector<1x63x64xf32> to vector<63x64xf32>
    %add3A_1467 = arith.addf %add3A_1443, %squeeze3A_1466 : vector<63x64xf32>
    %slice3A_1468 = vector.extract_strided_slice %mul3A_7 {offsets = [234, 0, 0], sizes = [1, 63, 64], strides = [1, 1, 1]} : vector<256x63x64xf32> to vector<1x63x64xf32>
    %squeeze3A_1469 = vector.shape_cast %slice3A_1468 : vector<1x63x64xf32> to vector<63x64xf32>
    %add3A_1470 = arith.addf %add3A_1446, %squeeze3A_1469 : vector<63x64xf32>
    %slice3A_1471 = vector.extract_strided_slice %mul3A_7 {offsets = [235, 0, 0], sizes = [1, 63, 64], strides = [1, 1, 1]} : vector<256x63x64xf32> to vector<1x63x64xf32>
    %squeeze3A_1472 = vector.shape_cast %slice3A_1471 : vector<1x63x64xf32> to vector<63x64xf32>
    %add3A_1473 = arith.addf %add3A_1449, %squeeze3A_1472 : vector<63x64xf32>
    %slice3A_1474 = vector.extract_strided_slice %mul3A_7 {offsets = [236, 0, 0], sizes = [1, 63, 64], strides = [1, 1, 1]} : vector<256x63x64xf32> to vector<1x63x64xf32>
    %squeeze3A_1475 = vector.shape_cast %slice3A_1474 : vector<1x63x64xf32> to vector<63x64xf32>
    %add3A_1476 = arith.addf %add3A_1452, %squeeze3A_1475 : vector<63x64xf32>
    %slice3A_1477 = vector.extract_strided_slice %mul3A_7 {offsets = [237, 0, 0], sizes = [1, 63, 64], strides = [1, 1, 1]} : vector<256x63x64xf32> to vector<1x63x64xf32>
    %squeeze3A_1478 = vector.shape_cast %slice3A_1477 : vector<1x63x64xf32> to vector<63x64xf32>
    %add3A_1479 = arith.addf %add3A_1455, %squeeze3A_1478 : vector<63x64xf32>
    %slice3A_1480 = vector.extract_strided_slice %mul3A_7 {offsets = [238, 0, 0], sizes = [1, 63, 64], strides = [1, 1, 1]} : vector<256x63x64xf32> to vector<1x63x64xf32>
    %squeeze3A_1481 = vector.shape_cast %slice3A_1480 : vector<1x63x64xf32> to vector<63x64xf32>
    %add3A_1482 = arith.addf %add3A_1458, %squeeze3A_1481 : vector<63x64xf32>
    %slice3A_1483 = vector.extract_strided_slice %mul3A_7 {offsets = [239, 0, 0], sizes = [1, 63, 64], strides = [1, 1, 1]} : vector<256x63x64xf32> to vector<1x63x64xf32>
    %squeeze3A_1484 = vector.shape_cast %slice3A_1483 : vector<1x63x64xf32> to vector<63x64xf32>
    %add3A_1485 = arith.addf %add3A_1461, %squeeze3A_1484 : vector<63x64xf32>
    %slice3A_1486 = vector.extract_strided_slice %mul3A_7 {offsets = [240, 0, 0], sizes = [1, 63, 64], strides = [1, 1, 1]} : vector<256x63x64xf32> to vector<1x63x64xf32>
    %squeeze3A_1487 = vector.shape_cast %slice3A_1486 : vector<1x63x64xf32> to vector<63x64xf32>
    %add3A_1488 = arith.addf %add3A_1464, %squeeze3A_1487 : vector<63x64xf32>
    %slice3A_1489 = vector.extract_strided_slice %mul3A_7 {offsets = [241, 0, 0], sizes = [1, 63, 64], strides = [1, 1, 1]} : vector<256x63x64xf32> to vector<1x63x64xf32>
    %squeeze3A_1490 = vector.shape_cast %slice3A_1489 : vector<1x63x64xf32> to vector<63x64xf32>
    %add3A_1491 = arith.addf %add3A_1467, %squeeze3A_1490 : vector<63x64xf32>
    %slice3A_1492 = vector.extract_strided_slice %mul3A_7 {offsets = [242, 0, 0], sizes = [1, 63, 64], strides = [1, 1, 1]} : vector<256x63x64xf32> to vector<1x63x64xf32>
    %squeeze3A_1493 = vector.shape_cast %slice3A_1492 : vector<1x63x64xf32> to vector<63x64xf32>
    %add3A_1494 = arith.addf %add3A_1470, %squeeze3A_1493 : vector<63x64xf32>
    %slice3A_1495 = vector.extract_strided_slice %mul3A_7 {offsets = [243, 0, 0], sizes = [1, 63, 64], strides = [1, 1, 1]} : vector<256x63x64xf32> to vector<1x63x64xf32>
    %squeeze3A_1496 = vector.shape_cast %slice3A_1495 : vector<1x63x64xf32> to vector<63x64xf32>
    %add3A_1497 = arith.addf %add3A_1473, %squeeze3A_1496 : vector<63x64xf32>
    %slice3A_1498 = vector.extract_strided_slice %mul3A_7 {offsets = [244, 0, 0], sizes = [1, 63, 64], strides = [1, 1, 1]} : vector<256x63x64xf32> to vector<1x63x64xf32>
    %squeeze3A_1499 = vector.shape_cast %slice3A_1498 : vector<1x63x64xf32> to vector<63x64xf32>
    %add3A_1500 = arith.addf %add3A_1476, %squeeze3A_1499 : vector<63x64xf32>
    %slice3A_1501 = vector.extract_strided_slice %mul3A_7 {offsets = [245, 0, 0], sizes = [1, 63, 64], strides = [1, 1, 1]} : vector<256x63x64xf32> to vector<1x63x64xf32>
    %squeeze3A_1502 = vector.shape_cast %slice3A_1501 : vector<1x63x64xf32> to vector<63x64xf32>
    %add3A_1503 = arith.addf %add3A_1479, %squeeze3A_1502 : vector<63x64xf32>
    %slice3A_1504 = vector.extract_strided_slice %mul3A_7 {offsets = [246, 0, 0], sizes = [1, 63, 64], strides = [1, 1, 1]} : vector<256x63x64xf32> to vector<1x63x64xf32>
    %squeeze3A_1505 = vector.shape_cast %slice3A_1504 : vector<1x63x64xf32> to vector<63x64xf32>
    %add3A_1506 = arith.addf %add3A_1482, %squeeze3A_1505 : vector<63x64xf32>
    %slice3A_1507 = vector.extract_strided_slice %mul3A_7 {offsets = [247, 0, 0], sizes = [1, 63, 64], strides = [1, 1, 1]} : vector<256x63x64xf32> to vector<1x63x64xf32>
    %squeeze3A_1508 = vector.shape_cast %slice3A_1507 : vector<1x63x64xf32> to vector<63x64xf32>
    %add3A_1509 = arith.addf %add3A_1485, %squeeze3A_1508 : vector<63x64xf32>
    %slice3A_1510 = vector.extract_strided_slice %mul3A_7 {offsets = [248, 0, 0], sizes = [1, 63, 64], strides = [1, 1, 1]} : vector<256x63x64xf32> to vector<1x63x64xf32>
    %squeeze3A_1511 = vector.shape_cast %slice3A_1510 : vector<1x63x64xf32> to vector<63x64xf32>
    %add3A_1512 = arith.addf %add3A_1488, %squeeze3A_1511 : vector<63x64xf32>
    %slice3A_1513 = vector.extract_strided_slice %mul3A_7 {offsets = [249, 0, 0], sizes = [1, 63, 64], strides = [1, 1, 1]} : vector<256x63x64xf32> to vector<1x63x64xf32>
    %squeeze3A_1514 = vector.shape_cast %slice3A_1513 : vector<1x63x64xf32> to vector<63x64xf32>
    %add3A_1515 = arith.addf %add3A_1491, %squeeze3A_1514 : vector<63x64xf32>
    %slice3A_1516 = vector.extract_strided_slice %mul3A_7 {offsets = [250, 0, 0], sizes = [1, 63, 64], strides = [1, 1, 1]} : vector<256x63x64xf32> to vector<1x63x64xf32>
    %squeeze3A_1517 = vector.shape_cast %slice3A_1516 : vector<1x63x64xf32> to vector<63x64xf32>
    %add3A_1518 = arith.addf %add3A_1494, %squeeze3A_1517 : vector<63x64xf32>
    %slice3A_1519 = vector.extract_strided_slice %mul3A_7 {offsets = [251, 0, 0], sizes = [1, 63, 64], strides = [1, 1, 1]} : vector<256x63x64xf32> to vector<1x63x64xf32>
    %squeeze3A_1520 = vector.shape_cast %slice3A_1519 : vector<1x63x64xf32> to vector<63x64xf32>
    %add3A_1521 = arith.addf %add3A_1497, %squeeze3A_1520 : vector<63x64xf32>
    %slice3A_1522 = vector.extract_strided_slice %mul3A_7 {offsets = [252, 0, 0], sizes = [1, 63, 64], strides = [1, 1, 1]} : vector<256x63x64xf32> to vector<1x63x64xf32>
    %squeeze3A_1523 = vector.shape_cast %slice3A_1522 : vector<1x63x64xf32> to vector<63x64xf32>
    %add3A_1524 = arith.addf %add3A_1500, %squeeze3A_1523 : vector<63x64xf32>
    %slice3A_1525 = vector.extract_strided_slice %mul3A_7 {offsets = [253, 0, 0], sizes = [1, 63, 64], strides = [1, 1, 1]} : vector<256x63x64xf32> to vector<1x63x64xf32>
    %squeeze3A_1526 = vector.shape_cast %slice3A_1525 : vector<1x63x64xf32> to vector<63x64xf32>
    %add3A_1527 = arith.addf %add3A_1503, %squeeze3A_1526 : vector<63x64xf32>
    %slice3A_1528 = vector.extract_strided_slice %mul3A_7 {offsets = [254, 0, 0], sizes = [1, 63, 64], strides = [1, 1, 1]} : vector<256x63x64xf32> to vector<1x63x64xf32>
    %squeeze3A_1529 = vector.shape_cast %slice3A_1528 : vector<1x63x64xf32> to vector<63x64xf32>
    %add3A_1530 = arith.addf %add3A_1506, %squeeze3A_1529 : vector<63x64xf32>
    %slice3A_1531 = vector.extract_strided_slice %mul3A_7 {offsets = [255, 0, 0], sizes = [1, 63, 64], strides = [1, 1, 1]} : vector<256x63x64xf32> to vector<1x63x64xf32>
    %squeeze3A_1532 = vector.shape_cast %slice3A_1531 : vector<1x63x64xf32> to vector<63x64xf32>
    %add3A_1533 = arith.addf %add3A_1509, %squeeze3A_1532 : vector<63x64xf32>
    %add3A_1534 = arith.addf %add3A_1512, %add3A_1515 : vector<63x64xf32>
    %add3A_1535 = arith.addf %add3A_1518, %add3A_1521 : vector<63x64xf32>
    %add3A_1536 = arith.addf %add3A_1534, %add3A_1535 : vector<63x64xf32>
    %add3A_1537 = arith.addf %add3A_1524, %add3A_1527 : vector<63x64xf32>
    %add3A_1538 = arith.addf %add3A_1530, %add3A_1533 : vector<63x64xf32>
    %add3A_1539 = arith.addf %add3A_1537, %add3A_1538 : vector<63x64xf32>
    %add3A_1540 = arith.addf %add3A_1536, %add3A_1539 : vector<63x64xf32>
    %add3A_1541 = arith.addf %add3A_1157, %add3A_1540 : vector<63x64xf32>
    %swap3A_1542 = arith.constant 0 : index
    %swap3A_1543 = arith.constant 0 : index
    %swap3A_1544 = vector.load %arg2[%swap3A_1542, %swap3A_1543] : memref<63x64xf32, #tpu.memory_space<vmem>>, vector<63x64xf32>
    tpu.vector_store %arg2[%swap3A_1542, %swap3A_1543], %add3A_1541 {strides = array<i32>} : memref<63x64xf32, #tpu.memory_space<vmem>>, vector<63x64xf32>,
    return
  }
}

module attributes {stable_mosaic.version = 14 : i64} {
  func.func @_edge_weight_kernel(%arg0: memref<3x64x64xf32, #tpu.memory_space<vmem>>, %arg1: memref<64x63xf32, #tpu.memory_space<vmem>>, %arg2: memref<63x64xf32, #tpu.memory_space<vmem>>) attributes {dimension_semantics = [], scalar_prefetch = 0 : i64, scratch_operands = 0 : i64, tpu.core_type = #tpu.core_type<tc>} {
    %get3A = arith.constant 0 : index
    %get3A_0 = arith.constant 0 : index
    %get3A_1 = arith.constant 0 : index
    %get3A_2 = vector.load %arg0[%get3A, %get3A_0, %get3A_1] : memref<3x64x64xf32, #tpu.memory_space<vmem>>, vector<3x64x64xf32>
    %slice3A = vector.extract_strided_slice %get3A_2 {offsets = [0, 0, 0], sizes = [3, 64, 63], strides = [1, 1, 1]} : vector<3x64x64xf32> to vector<3x64x63xf32>
    %slice3A_3 = vector.extract_strided_slice %get3A_2 {offsets = [0, 0, 1], sizes = [3, 64, 63], strides = [1, 1, 1]} : vector<3x64x64xf32> to vector<3x64x63xf32>
    %sub3A = arith.subf %slice3A, %slice3A_3 : vector<3x64x63xf32>
    %slice3A_4 = vector.extract_strided_slice %get3A_2 {offsets = [0, 0, 0], sizes = [3, 63, 64], strides = [1, 1, 1]} : vector<3x64x64xf32> to vector<3x63x64xf32>
    %slice3A_5 = vector.extract_strided_slice %get3A_2 {offsets = [0, 1, 0], sizes = [3, 63, 64], strides = [1, 1, 1]} : vector<3x64x64xf32> to vector<3x63x64xf32>
    %sub3A_6 = arith.subf %slice3A_4, %slice3A_5 : vector<3x63x64xf32>
    %mul3A = arith.mulf %sub3A, %sub3A : vector<3x64x63xf32>
    %mul3A_7 = arith.mulf %sub3A_6, %sub3A_6 : vector<3x63x64xf32>
    %slice3A_8 = vector.extract_strided_slice %mul3A {offsets = [0, 0, 0], sizes = [1, 64, 63], strides = [1, 1, 1]} : vector<3x64x63xf32> to vector<1x64x63xf32>
    %squeeze3A = vector.shape_cast %slice3A_8 : vector<1x64x63xf32> to vector<64x63xf32>
    %slice3A_9 = vector.extract_strided_slice %mul3A {offsets = [1, 0, 0], sizes = [1, 64, 63], strides = [1, 1, 1]} : vector<3x64x63xf32> to vector<1x64x63xf32>
    %squeeze3A_10 = vector.shape_cast %slice3A_9 : vector<1x64x63xf32> to vector<64x63xf32>
    %add3A = arith.addf %squeeze3A, %squeeze3A_10 : vector<64x63xf32>
    %slice3A_11 = vector.extract_strided_slice %mul3A {offsets = [2, 0, 0], sizes = [1, 64, 63], strides = [1, 1, 1]} : vector<3x64x63xf32> to vector<1x64x63xf32>
    %squeeze3A_12 = vector.shape_cast %slice3A_11 : vector<1x64x63xf32> to vector<64x63xf32>
    %add3A_13 = arith.addf %add3A, %squeeze3A_12 : vector<64x63xf32>
    %swap3A = arith.constant 0 : index
    %swap3A_14 = arith.constant 0 : index
    %swap3A_15 = vector.load %arg1[%swap3A, %swap3A_14] : memref<64x63xf32, #tpu.memory_space<vmem>>, vector<64x63xf32>
    tpu.vector_store %arg1[%swap3A, %swap3A_14], %add3A_13 {strides = array<i32>} : memref<64x63xf32, #tpu.memory_space<vmem>>, vector<64x63xf32>,
    %slice3A_16 = vector.extract_strided_slice %mul3A_7 {offsets = [0, 0, 0], sizes = [1, 63, 64], strides = [1, 1, 1]} : vector<3x63x64xf32> to vector<1x63x64xf32>
    %squeeze3A_17 = vector.shape_cast %slice3A_16 : vector<1x63x64xf32> to vector<63x64xf32>
    %slice3A_18 = vector.extract_strided_slice %mul3A_7 {offsets = [1, 0, 0], sizes = [1, 63, 64], strides = [1, 1, 1]} : vector<3x63x64xf32> to vector<1x63x64xf32>
    %squeeze3A_19 = vector.shape_cast %slice3A_18 : vector<1x63x64xf32> to vector<63x64xf32>
    %add3A_20 = arith.addf %squeeze3A_17, %squeeze3A_19 : vector<63x64xf32>
    %slice3A_21 = vector.extract_strided_slice %mul3A_7 {offsets = [2, 0, 0], sizes = [1, 63, 64], strides = [1, 1, 1]} : vector<3x63x64xf32> to vector<1x63x64xf32>
    %squeeze3A_22 = vector.shape_cast %slice3A_21 : vector<1x63x64xf32> to vector<63x64xf32>
    %add3A_23 = arith.addf %add3A_20, %squeeze3A_22 : vector<63x64xf32>
    %swap3A_24 = arith.constant 0 : index
    %swap3A_25 = arith.constant 0 : index
    %swap3A_26 = vector.load %arg2[%swap3A_24, %swap3A_25] : memref<63x64xf32, #tpu.memory_space<vmem>>, vector<63x64xf32>
    tpu.vector_store %arg2[%swap3A_24, %swap3A_25], %add3A_23 {strides = array<i32>} : memref<63x64xf32, #tpu.memory_space<vmem>>, vector<63x64xf32>,
    return
  }
}

module attributes {stable_mosaic.version = 14 : i64} {
  func.func @_sigmoid_kernel(%arg0: memref<2x21x64x64xf32, #tpu.memory_space<vmem>>, %arg1: memref<2x21x64x64xf32, #tpu.memory_space<vmem>>) attributes {dimension_semantics = [], scalar_prefetch = 0 : i64, scratch_operands = 0 : i64, tpu.core_type = #tpu.core_type<tc>} {
    %get3A = arith.constant 0 : index
    %get3A_0 = arith.constant 0 : index
    %get3A_1 = arith.constant 0 : index
    %get3A_2 = arith.constant 0 : index
    %get3A_3 = vector.load %arg0[%get3A, %get3A_0, %get3A_1, %get3A_2] : memref<2x21x64x64xf32, #tpu.memory_space<vmem>>, vector<2x21x64x64xf32>
    %logistic3A = arith.negf %get3A_3 : vector<2x21x64x64xf32>
    %logistic3A_4 = math.exp %logistic3A : vector<2x21x64x64xf32>
    %logistic3A_5 = arith.constant 1.000000e+00 : f32
    %logistic3A_6 = vector.broadcast %logistic3A_5 : f32 to vector<2x21x64x64xf32>
    %logistic3A_7 = arith.addf %logistic3A_6, %logistic3A_4 : vector<2x21x64x64xf32>
    %logistic3A_8 = arith.divf %logistic3A_6, %logistic3A_7 : vector<2x21x64x64xf32>
    %swap3A = arith.constant 0 : index
    %swap3A_9 = arith.constant 0 : index
    %swap3A_10 = arith.constant 0 : index
    %swap3A_11 = arith.constant 0 : index
    %swap3A_12 = vector.load %arg1[%swap3A, %swap3A_9, %swap3A_10, %swap3A_11] : memref<2x21x64x64xf32, #tpu.memory_space<vmem>>, vector<2x21x64x64xf32>
    tpu.vector_store %arg1[%swap3A, %swap3A_9, %swap3A_10, %swap3A_11], %logistic3A_8 {strides = array<i32>} : memref<2x21x64x64xf32, #tpu.memory_space<vmem>>, vector<2x21x64x64xf32>,
    return
  }
}

module attributes {stable_mosaic.version = 14 : i64} {
  func.func @_loss_kernel(%arg0: memref<42x4096xf32, #tpu.memory_space<vmem>>, %arg1: memref<42x4096xf32, #tpu.memory_space<vmem>>, %arg2: memref<2x4096xf32, #tpu.memory_space<vmem>>, %arg3: memref<1x1xf32, #tpu.memory_space<vmem>>, %arg4: memref<1x1xf32, #tpu.memory_space<vmem>>) attributes {dimension_semantics = [], scalar_prefetch = 0 : i64, scratch_operands = 0 : i64, tpu.core_type = #tpu.core_type<tc>} {
    %get3A = arith.constant 0 : index
    %get3A_0 = arith.constant 0 : index
    %get3A_1 = vector.load %arg0[%get3A, %get3A_0] : memref<42x4096xf32, #tpu.memory_space<vmem>>, vector<21x4096xf32>
    %get3A_2 = arith.constant 0 : index
    %get3A_3 = arith.constant 0 : index
    %get3A_4 = vector.load %arg1[%get3A_2, %get3A_3] : memref<42x4096xf32, #tpu.memory_space<vmem>>, vector<21x4096xf32>
    %sub3A = arith.subf %get3A_1, %get3A_4 : vector<21x4096xf32>
    %abs3A = math.absf %sub3A : vector<21x4096xf32>
    %get3A_5 = arith.constant 0 : index
    %get3A_6 = arith.constant 0 : index
    %get3A_7 = vector.load %arg2[%get3A_5, %get3A_6] : memref<2x4096xf32, #tpu.memory_space<vmem>>, vector<1x4096xf32>
    %mul3A = vector.broadcast %get3A_7 : vector<1x4096xf32> to vector<21x4096xf32>
    %mul3A_8 = arith.mulf %mul3A, %abs3A : vector<21x4096xf32>
    %reduce_sum3A = vector.shape_cast %mul3A_8 : vector<21x4096xf32> to vector<1x21x4096xf32>
    %reduce_sum3A_9 = arith.constant dense<0.000000e+00> : vector<1xf32>
    %reduce_sum3A_10 = vector.multi_reduction <add>, %reduce_sum3A, %reduce_sum3A_9 [1, 2] : vector<1x21x4096xf32> to vector<1xf32>
    %reduce_sum3A_11 = vector.shape_cast %reduce_sum3A_10 : vector<1xf32> to vector<1x1x1xf32>
    %reduce_sum3A_12 = vector.extract %reduce_sum3A_11[0, 0, 0] : f32 from vector<1x1x1xf32>
    %add3A = arith.constant 0.000000e+00 : f32
    %add3A_13 = arith.addf %add3A, %reduce_sum3A_12 : f32
    %get3A_14 = arith.constant 21 : index
    %get3A_15 = arith.constant 0 : index
    %get3A_16 = vector.load %arg0[%get3A_14, %get3A_15] : memref<42x4096xf32, #tpu.memory_space<vmem>>, vector<21x4096xf32>
    %get3A_17 = arith.constant 21 : index
    %get3A_18 = arith.constant 0 : index
    %get3A_19 = vector.load %arg1[%get3A_17, %get3A_18] : memref<42x4096xf32, #tpu.memory_space<vmem>>, vector<21x4096xf32>
    %sub3A_20 = arith.subf %get3A_16, %get3A_19 : vector<21x4096xf32>
    %abs3A_21 = math.absf %sub3A_20 : vector<21x4096xf32>
    %get3A_22 = arith.constant 1 : index
    %get3A_23 = arith.constant 0 : index
    %get3A_24 = vector.load %arg2[%get3A_22, %get3A_23] : memref<2x4096xf32, #tpu.memory_space<vmem>>, vector<1x4096xf32>
    %mul3A_25 = vector.broadcast %get3A_24 : vector<1x4096xf32> to vector<21x4096xf32>
    %mul3A_26 = arith.mulf %mul3A_25, %abs3A_21 : vector<21x4096xf32>
    %reduce_sum3A_27 = vector.shape_cast %mul3A_26 : vector<21x4096xf32> to vector<1x21x4096xf32>
    %reduce_sum3A_28 = arith.constant dense<0.000000e+00> : vector<1xf32>
    %reduce_sum3A_29 = vector.multi_reduction <add>, %reduce_sum3A_27, %reduce_sum3A_28 [1, 2] : vector<1x21x4096xf32> to vector<1xf32>
    %reduce_sum3A_30 = vector.shape_cast %reduce_sum3A_29 : vector<1xf32> to vector<1x1x1xf32>
    %reduce_sum3A_31 = vector.extract %reduce_sum3A_30[0, 0, 0] : f32 from vector<1x1x1xf32>
    %add3A_32 = arith.addf %add3A_13, %reduce_sum3A_31 : f32
    %reshape3A = vector.broadcast %add3A_32 : f32 to vector<1x1xf32>
    %swap3A = arith.constant 0 : index
    %swap3A_33 = arith.constant 0 : index
    %swap3A_34 = vector.load %arg3[%swap3A, %swap3A_33] : memref<1x1xf32, #tpu.memory_space<vmem>>, vector<1x1xf32>
    tpu.vector_store %arg3[%swap3A, %swap3A_33], %reshape3A {strides = array<i32>} : memref<1x1xf32, #tpu.memory_space<vmem>>, vector<1x1xf32>,
    %get3A_35 = arith.constant 0 : index
    %get3A_36 = arith.constant 0 : index
    %get3A_37 = vector.load %arg2[%get3A_35, %get3A_36] : memref<2x4096xf32, #tpu.memory_space<vmem>>, vector<2x4096xf32>
    %reduce_sum3A_38 = vector.shape_cast %get3A_37 : vector<2x4096xf32> to vector<1x2x4096xf32>
    %reduce_sum3A_39 = arith.constant dense<0.000000e+00> : vector<1xf32>
    %reduce_sum3A_40 = vector.multi_reduction <add>, %reduce_sum3A_38, %reduce_sum3A_39 [1, 2] : vector<1x2x4096xf32> to vector<1xf32>
    %reduce_sum3A_41 = vector.shape_cast %reduce_sum3A_40 : vector<1xf32> to vector<1x1x1xf32>
    %reduce_sum3A_42 = vector.extract %reduce_sum3A_41[0, 0, 0] : f32 from vector<1x1x1xf32>
    %reshape3A_43 = vector.broadcast %reduce_sum3A_42 : f32 to vector<1x1xf32>
    %swap3A_44 = arith.constant 0 : index
    %swap3A_45 = arith.constant 0 : index
    %swap3A_46 = vector.load %arg4[%swap3A_44, %swap3A_45] : memref<1x1xf32, #tpu.memory_space<vmem>>, vector<1x1xf32>
    tpu.vector_store %arg4[%swap3A_44, %swap3A_45], %reshape3A_43 {strides = array<i32>} : memref<1x1xf32, #tpu.memory_space<vmem>>, vector<1x1xf32>,
    return
  }
}

</mosaic_0001>

<sc_bundles>
// kernel: kernel.9.cloned.1.call-start
scs
__scs_entry_jumppad:
0x0: {  	(pc) =	sbr.rel $0x88, $3  }
0x1: {  	(tag) =	ssettag $0x0;
	lr =	simm.s32 $0x1  }
0x2: {  	[smem:$0x3F9D] =	sst lr;
	_ =	strace $0xD0000000  }
0x3: {  	_ = 	snop  }
0x4: {  	_ = 	snop  }
0x5: {  	_ = 	snop  }
0x6: {  	_ = 	snop  }
0x7: {  	_ = 	snop  }
__scs_overlays_trampoline_lowered:
0x8: {  	[smem:$0x3FAC] =	sst s0  }
0x9: {  	[smem:$0x3FAD] =	sst s1  }
0xa: {  	[smem:$0x3FAE] =	sst s2  }
0xb: {  	[smem:$0x3FAF] =	sst s3  }
0xc: {  	[smem:$0x3FB0] =	sst s4  }
0xd: {  	[smem:$0x3FB1] =	sst s5  }
0xe: {  	[smem:$0x3FB2] =	sst s6  }
0xf: {  	[smem:$0x3FB3] =	sst s7  }
0x10: {  	[smem:$0x3FB4] =	sst s8  }
0x11: {  	[smem:$0x3FB5] =	sst s9;
	s0 =	simm.s32 @!p0 $0x0  }
0x12: {  	s1 =	sld [smem:$0x3F9B];
	s0 =	simm.s32 @p0 $0x1  }
0x13: {  	[smem:$0x3FB6] =	sst s0;
	s0 =	simm.s32 @!p1 $0x0  }
0x14: {  	s2 =	sld [smem:$0x3F9A];
	s0 =	simm.s32 @p1 $0x1  }
0x15: {  	[smem:$0x3FB7] =	sst s0;
	s0 =	simm.s32 @!p2 $0x0  }
0x16: {  	s3 =	sld [smem:$0x3FDB];
	s0 =	simm.s32 @p2 $0x1  }
0x17: {  	s4 =	simm.s32 $0x1BF5;
	[smem:$0x3FB9] =	sst s0  }
0x18: {  	s0 =	sld [smem:$0x3F9C];
	_ =	swait.ge [sflag:s4], $0x0  }
0x19: {  	s7 =	sld [smem:$0x3F9D]  }
0x1a: {  	s8 =	sadd.s32 $0xFFFFE003, lr  }
0x1b: {  	s9 =	sadd.s32 $0xFFFFFEF7, lr;
	s5 =	simm.s32 $0xFFFFFFFF;
	p2 =	slt.u32 s8, $0xFFFFF086  }
0x1c: {  	p1 =	slt.u32 s9, $0xF7A;
	s5 =	simm.s32 @!p2 $0x0  }
0x1d: {  	s5 =	simm.s32 @p1 $0x1;
	p0 =	seq.s32 s7, s2  }
0x1e: {  	s7 =	smul.u32 @!p0 $0xF7A, s2;
	p2 =	seq.s32 @!p0 s5, $0x0  }
0x1f: {  	s9 =	smul.u32 $0xF7A, s1;
	s8 =	simm.s32 @!p0 $0x1BF5;
	p2 =	por !p2, p0  }
0x20: {  	[sflag:s8] =	ssyncset.s32 @!p0 $0xFFFFF086;
	s6 =	sadd.s32 @!p0 s3, s7;
	s7 =	simm.s32 @!p0 $0x108  }
0x21: {  	s3 =	sadd.s32 s3, s9;
	s6 =	sadd.s32 @!p0 $0x88, s6;
	s7 =	simm.s32 @p2 $0x1082  }
0x22: {  	[simem:s7], [sflag:s8] =	dma.local @!p0 [hbm:s6], $0xF7A  }
0x23: {  	s9 =	sor.u32 $0xD0000000, s2;
	s6 =	simm.s32 $0x108;
	_ =	swait.ge @!p0 [sflag:s8], $0x0  }
0x24: {  	s3 =	sadd.s32 $0x88, s3;
	s6 =	simm.s32 @!p1 $0x1082;
	[sflag:s4] =	ssyncset.s32 $0xFFFFF086  }
0x25: {  	[simem:s6], [sflag:s4] =	dma.local [hbm:s3], $0xF7A  }
0x26: {  	[smem:$0x3F9D] =	sst s1;
	(tag) =	ssettag s2;
	_ =	strace s9  }
0x27: {  	s1 =	sld [smem:$0x3FAD]  }
0x28: {  	s2 =	sld [smem:$0x3FAE]  }
0x29: {  	s4 =	sld [smem:$0x3FB0]  }
0x2a: {  	p0 =	seq.s32 s5, $0x0;
	s5 =	sld [smem:$0x3FB1]  }
0x2b: {  	s6 =	sld [smem:$0x3FB2]  }
0x2c: {  	s7 =	sld [smem:$0x3FB3]  }
0x2d: {  	s3 =	simm.s32 $0x108;
	s8 =	sld [smem:$0x3FB4]  }
0x2e: {  	s3 =	simm.s32 @!p0 $0x1082;
	s9 =	sld [smem:$0x3FB5]  }
0x2f: {  	lr =	sadd.s32 s0, s3;
	s0 =	sld [smem:$0x3FAC]  }
0x30: {  	s3 =	sld [smem:$0x3FAF]  }
0x31: {  	[smem:$0x3FB8] =	sst s10  }
0x32: {  	s10 =	sld [smem:$0x3FB6];
	_ =	sdelay $0x3  }
0x33: {  	p0 =	seq.s32 s10, $0x1;
	s10 =	sld [smem:$0x3FB8];
	_ =	sdelay $0x3  }
0x34: {  	[smem:$0x3FB8] =	sst s10  }
0x35: {  	s10 =	sld [smem:$0x3FB7];
	_ =	sdelay $0x3  }
0x36: {  	p1 =	seq.s32 s10, $0x1;
	s10 =	sld [smem:$0x3FB8];
	_ =	sdelay $0x3  }
0x37: {  	[smem:$0x3FB8] =	sst s10  }
0x38: {  	s10 =	sld [smem:$0x3FB9]  }
0x39: {  	_ = 	snop;
	(pc) =	sbr.ind lr, $3  }
0x3a: {  	_ = 	snop  }
0x3b: {  	_ = 	snop  }
0x3c: {  	p2 =	seq.s32 s10, $0x1;
	s10 =	sld [smem:$0x3FB8]  }
0x3d: {  	_ =	shalt  }
0x3e: {  	_ =	shalt  }
0x3f: {  	_ =	shalt  }
0x40: {  	_ =	shalt  }
0x41: {  	_ =	shalt  }
0x42: {  	_ =	shalt  }
0x43: {  	_ =	shalt  }
0x44: {  	_ =	shalt  }
0x45: {  	_ =	shalt  }
0x46: {  	_ =	shalt  }
0x47: {  	_ =	shalt  }
0x48: {  	_ =	shalt  }
0x49: {  	_ =	shalt  }
0x4a: {  	_ =	shalt  }
0x4b: {  	_ =	shalt  }
0x4c: {  	_ =	shalt  }
0x4d: {  	_ =	shalt  }
0x4e: {  	_ =	shalt  }
0x4f: {  	_ =	shalt  }
0x50: {  	_ =	shalt  }
0x51: {  	_ =	shalt  }
0x52: {  	_ =	shalt  }
0x53: {  	_ =	shalt  }
0x54: {  	_ =	shalt  }
0x55: {  	_ =	shalt  }
0x56: {  	_ =	shalt  }
0x57: {  	_ =	shalt  }
0x58: {  	_ =	shalt  }
0x59: {  	_ =	shalt  }
0x5a: {  	_ =	shalt  }
0x5b: {  	_ =	shalt  }
0x5c: {  	_ =	shalt  }
0x5d: {  	_ =	shalt  }
0x5e: {  	_ =	shalt  }
0x5f: {  	_ =	shalt  }
0x60: {  	_ =	shalt  }
0x61: {  	_ =	shalt  }
0x62: {  	_ =	shalt  }
0x63: {  	_ =	shalt  }
0x64: {  	_ =	shalt  }
0x65: {  	_ =	shalt  }
0x66: {  	_ =	shalt  }
0x67: {  	_ =	shalt  }
0x68: {  	_ =	shalt  }
0x69: {  	_ =	shalt  }
0x6a: {  	_ =	shalt  }
0x6b: {  	_ =	shalt  }
0x6c: {  	_ =	shalt  }
0x6d: {  	_ =	shalt  }
0x6e: {  	_ =	shalt  }
0x6f: {  	_ =	shalt  }
0x70: {  	_ =	shalt  }
0x71: {  	_ =	shalt  }
0x72: {  	_ =	shalt  }
0x73: {  	_ =	shalt  }
0x74: {  	_ =	shalt  }
0x75: {  	_ =	shalt  }
0x76: {  	_ =	shalt  }
0x77: {  	_ =	shalt  }
0x78: {  	_ =	shalt  }
0x79: {  	_ =	shalt  }
0x7a: {  	_ =	shalt  }
0x7b: {  	_ =	shalt  }
0x7c: {  	_ =	shalt  }
0x7d: {  	_ =	shalt  }
0x7e: {  	_ =	shalt  }
0x7f: {  	_ =	shalt  }
0x80: {  	_ =	shalt  }
0x81: {  	_ =	shalt  }
0x82: {  	_ =	shalt  }
0x83: {  	_ =	shalt  }
0x84: {  	_ =	shalt  }
0x85: {  	_ =	shalt  }
0x86: {  	_ =	shalt  }
0x87: {  	_ =	shalt  }
.Lfunc_end0:
.L_simem_size_0:
called_computation_lowered:
.L_overlay_start_0:
0x88: {  	s2 =	sld [smem:$0x3FD9]  }
0x89: {  	s3 =	sld [smem:$0x3FFE];
	_ =	sdelay $0x1  }
0x8a: {  	s1 =	srdreg.scid  }
0x8b: {  	s0 =	sand.u32 $0x1, s1  }
0x8c: {  	s16 =	sshll.u32 s0, $0xA;
	s2 =	sadd.s32 s3, s2  }
0x8d: {  	s2 =	sadd.s32 s2, s16  }
0x8e: {  	[smem:$0x3FC4] =	sst s2  }
0x8f: {  	_ = 	snop  }
0x90: {  	(tm) =	ssettm $0x1  }
0x91: {  	s17 =	sld [smem:$0x3FFB];
	_ =	sdelay $0x3  }
0x92: {  	_ =	strace s17  }
0x93: {  	s2 =	sld [smem:$0x3FFC];
	_ =	sdelay $0x3  }
0x94: {  	_ =	strace s2  }
0x95: {  	s2 =	sld [smem:$0x3FFD];
	_ =	sdelay $0x3  }
0x96: {  	_ =	strace s2  }
0x97: {  	_ =	strace $0x8FFFFFFF  }
0x98: {  	s18 =	sld [smem:$0x3FDB];
	_ =	sdelay $0x1  }
0x99: {  	s19 =	simm.s32 $_scs_section_size  }
0x9a: {  	s4 =	simm.s32 $_size__tile_overlayer_lowered;
	s5 =	simm.s32 $_tile_overlayer_lowered  }
0x9b: {  	s22 =	simm.s32 $0x1BFF;
	s21 =	sshll.u32 s5, $0x1;
	s2 =	sadd.s32 s19, s18  }
0x9c: {  	s6 =	simm.s32 $0x0;
	s20 =	sshll.u32 s4, $0x1;
	s4 =	sadd.s32 s21, s2  }
0x9d: {  	[timem:s6], [sflag:s22] =	dma.local [hbm:s4], s20  }
0x9e: {  	_ =	swait.ge [sflag:s22], s20  }
0x9f: {  	s3 =	ssub.s32 $0x0, s20;
	[sflag:s22] =	ssyncset.done $0x0  }
0xa0: {  	[sflag:s22] =	ssyncadd.s32 s3;
	_ =	sdelay $0x1  }
0xa1: {  	s23 =	simm.s32 $0x1B8B  }
0xa2: {  	_ =	swait.ge [sflag:s23], $0x1  }
0xa3: {  	[sflag:s23] =	ssyncset.done $0x0  }
0xa4: {  	s25 =	simm.s32 $0x1B8E;
	s24 =	sld [smem:$0x3FFE];
	[sflag:s23] =	ssyncadd.s32 $0xFFFFFFFF  }
0xa5: {  	s26 =	simm.s32 $execute0_lowered;
	[smem:$0x3FD2] =	sst s25  }
0xa6: {  	s4 =	sshll.u32 s26, $0x1;
	_ =	strace $0x80000046;
	[dreg:$0x1] =	wrdreg $0xFFFFFFFF  }
0xa7: {  	s28 =	simm.s32 $_size_execute0_lowered;
	s2 =	sadd.s32 s2, s4;
	[dreg:$0x0] =	wrdreg $0x0  }
0xa8: {  	s4 =	sshll.u32 s28, $0x1;
	[dreg:$0x2] =	wrdreg s2  }
0xa9: {  	[dreg:$0x3] =	wrdreg s4  }
0xaa: {  	[dreg:$0x4] =	wrdreg $0xC0  }
0xab: {  	_ =	task [dreg:s6], $0x5FFFF  }
0xac: {  	[dreg:$0x1] =	wrdreg $0xFFFFFFFF  }
0xad: {  	[dreg:$0x0] =	wrdreg $0x60  }
0xae: {  	[dreg:$0x2] =	wrdreg s24  }
0xaf: {  	[dreg:$0x3] =	wrdreg $0x1BF800  }
0xb0: {  	[dreg:$0x4] =	wrdreg $0x1C1800  }
0xb1: {  	[dreg:$0x5] =	wrdreg $0x1C3800  }
0xb2: {  	[dreg:$0x6] =	wrdreg $0x1C5800  }
0xb3: {  	[dreg:$0x7] =	wrdreg $0x9  }
0xb4: {  	_ =	task.clear_ibuf [dreg:s6], $0x8FFFF;
	_ =	strace $0x90000046  }
0xb5: {  	s29 =	simm.s32 $0x9;
	_ =	strace $0x80000048  }
0xb6: {  	_ =	swait.ge [sflag:s29], $0x1  }
0xb7: {  	[sflag:s29] =	ssyncadd.s32 $0xFFFFFFFF  }
0xb8: {  	_ =	strace $0x90000048  }
0xb9: {  	_ =	sfence  }
0xba: {  	s30 =	sld [smem:$0x0];
	_ =	sdelay $0x2  }
0xbb: {  	s31 =	sshll.u32 s1, $0xD;
	s1 =	sshrl.u32 s1, $0x2  }
0xbc: {  	s3 =	sand.u32 $0x4000, s31;
	s1 =	sadd.s32 s1, s30  }
0xbd: {  	s0 =	sor.u32 s3, s0;
	s1 =	sshll.u32 s1, $0x11  }
0xbe: {  	s0 =	sor.u32 s1, s0  }
0xbf: {  	s0 =	sadd.s32 $0x8F2B, s0  }
0xc0: {  	[sflag:s0] =	ssyncadd.remote.s32 $0x1  }
0xc1: {  	_ =	sfence.sel $0xFFFF  }
0xc2: {  	[dreg:$0x0] =	wrdreg $0xFFFFFFFF;
	(pc) =	sbr.abs _section_cstart, $3  }
0xc3: {  	[dreg:$0x1] =	wrdreg $0xFFFFFFFF  }
0xc4: {  	_ =	task.clear_ibuf [dreg:s6], $0x2FFFF;
	_ =	strace $0x9FFFFFFF  }
0xc5: {  	(tm) =	ssettm $0x7FFFFFFF  }
tec
execute0_lowered:
.L_overlay_start_1:
0x0: {  	(tag) =	ssettag $0x1  }
0x1: {  	s0 =	rddreg [dreg:$0x0]  }
0x2: {  	s1 =	rddreg [dreg:$0x1]  }
0x3: {  	s2 =	rddreg [dreg:$0x2]  }
0x4: {  	s3 =	rddreg [dreg:$0x3]  }
0x5: {  	s4 =	rddreg [dreg:$0x4];
	s6 =	simm.s32 $0x0;
	s5 =	srdreg.scid  }
0x6: {  	s13 =	stileid.u32;
	s8 =	simm.f32 $1.999999960e-02;
	s28 =	simm.s32 $0x19F80  }
0x7: {  	s29 =	simm.s32 $0x1AF80;
	s30 =	simm.s32 $0x0;
	[smem:$0x7FF] =	sst s6  }
0x8: {  	s5 =	sand.u32 $0x1, s5;
	s11 =	sshll.u32 s13, $0x7;
	p0 =	seq.s32 s13, $0x0  }
0x9: {  	s17 =	sshll.u32 s13, $0x4;
	s26 =	sadd.s32 $0x80, s2;
	s31 =	sadd.s32 $0x80, s3  }
0xa: {  	p1 =	sne.s32 s13, $0x1;
	p2 =	seq.s32 s13, $0x1;
	_ =	strace $0x80000047  }
0xb: {  	s7 =	sshll.u32 s5, $0x8;
	s9 =	ssub.s32 $0x2, s5;
	s8 =	simm.s32 @!p0 $0x3F800000  }
0xc: {  	s15 =	sadd.s32 s17, s0;
	s18 =	sshll.u32 s5, $0x11;
	[dreg:$0xd] =	wrdreg s26  }
0xd: {  	v3 =	vimm.s32 $0x0;
	v5 =	vimm.s32 $0xFFFFFFFF;
	s22 =	sadd.s32 s11, s1;
	s23 =	sadd.s32 s11, s2;
	[dreg:$0xe] =	wrdreg s31;
	v0 =	vmov s8  }
0xe: {  	v8 =	vimm.s32 $0xECA86420;
	v6 =	vimm.s32 $0x8F80;
	s24 =	sadd.s32 s11, s3;
	s25 =	sshll.u32 s5, $0xE;
	[dreg:$0x8] =	wrdreg s22;
	(erf) = vrcp.f32 v0  }
0xf: {  	v7 =	vimm.s32 $0x7F80;
	v9 =	vimm.f32 $1.000000020e+30;
	vm0 =	vcmask $0xB08;
	s1 =	sadd.s32 $0x80, s1;
	p0 =	sgt.u32 s13, $0x1;
	[dreg:$0x9] =	wrdreg s23  }
0x10: {  	vm1 =	vcmask $0x1310;
	vm2 =	vcmask $0x1B18;
	vm3 =	vcmask $0x300;
	s26 =	simm.s32 $0x1000;
	s7 =	sadd.s32 s11, s7;
	[dreg:$0xa] =	wrdreg s24  }
0x11: {  	vm4 =	vcmask $0x2320;
	vm5 =	vcmask $0x2B28;
	vm6 =	vcmask $0x3330;
	s12 =	sshrl.u32 s9, $0x1;
	s21 =	sor.u32 s11, s18;
	[dreg:$0xc] =	wrdreg s1  }
0x12: {  	vm7 =	vcmask $0x3B38;
	vm8 =	vmmov $0xff;
	v12 =	vimm.f32 $1.000000000e+00;
	s18 =	simm.s32 $0x80;
	s22 =	simm.s32 $0x100;
	s7 =	sshrl.u32 s7, $0x3  }
.Ltmp0:
0x13: {  	v17 =	vimm.f32 $0.0e+00;
	vm9 =	vcmask $0x1714;
	v10 =	vunpack.c.l.s4.s8 v8;
	s17 =	ssub.s32 s9, s12;
	s12 =	sshrl.u32 s21, $0x3;
	(pc) =	sbr.rel .LBB2_1-.Ltmp0, $4  }
0x14: {  	v8 =	vimm.s32 $0x1F80;
	v17 =	vsel vm9, $0x3F800000, v17;
	v0 =	vlaneseq.u32;
	s21 =	simm.s32 $0x9F80;
	s10 =	sadd.s32 s7, s0;
	s0 =	sadd.s32 s0, s12  }
0x15: {  	vm9 =	vmmov $0x1f;
	v10 =	vunpack.c.0.s8.s32 v10;
	v1 =	vor.u32 $0x1F80, v0;
	s17 =	smax.u32 s17, $0x1;
	s19 =	sadd.s32 $0xA000, s10;
	[dreg:$0xb] =	wrdreg s0  }
0x16: {  	v2 =	vor.u32 $0x6F80, v0;
	v4 =	vor.u32 $0x8F80, v0;
	v11 =	vmul.u32 $0x2, v0;
	s20 =	sadd.s32 $0x8000, s10;
	s0 =	sadd.s32 s25, s15;
	[dreg:$0x6] =	wrdreg s19  }
0x17: {  	v13 =	vor.u32 $0x2F80, v0;
	v14 =	vor.u32 $0x11000, v0;
	v16 =	vmul.u32 $0x10, v0;
	[dreg:$0x7] =	wrdreg s20;
	s16 =	sadd.s32 $0xB000, s0;
	s20 =	simm.s32 $0x1;
	v15 =	vpop (erf)  }
.LBB2_37:
0x18: {  	[bflag:$0x0] =	sbarrier.arrive $0xFFFF  }
0x19: {  	[bflag:$0x0] =	sbarrier.arrive $0xFFFF  }
0x1a: {  	[bflag:$0x0] =	sbarrier.arrive $0xFFFF  }
0x1b: {  	[bflag:$0x0] =	sbarrier.arrive $0xFFFF  }
0x1c: {  	[bflag:$0x0] =	sbarrier.arrive $0xFFFF  }
.LBB2_34:
0x1d: {  	s30 =	sadd.s32 $0x1, s30  }
0x1e: {  	p3 =	sne.s32 s30, s17  }
.Ltmp1:
0x1f: {  	_ = 	snop;
	(pc) =	sbr.rel @!p3 .LBB2_35-.Ltmp1, $1  }
0x20: {  	_ =	sdelay $0x3  }
.LBB2_1:
.Ltmp2:
0x21: {  	(pc) =	sbr.rel @p0 .LBB2_37-.Ltmp2, $1  }
0x22: {  	_ =	sdelay $0x3  }
0x23: {  	s0 =	simm.s32 $0x0;
	s1 =	rddreg [dreg:$0x6];
	s2 =	simm.s32 $0x200  }
0x24: {  	[tilespmem:s0], [sflag:$0x1] =	stream.strided.gather [hbm4b:s1+s18], $0x1F80, s2, s18, $0x38;
	[tilespmem:$0x1C680] =	vst v63  }
0x25: {  	_ =	swait.ge [sflag:s20], $0x1F80  }
0x26: {  	[sflag:s20] =	ssyncset.done $0x0  }
0x27: {  	v20 =	vadd.s32 s0, v1;
	s31 =	rddreg [dreg:$0x7];
	[sflag:s20] =	ssyncadd.s32 $0xFFFFE080  }
0x28: {  	v19 =	vadd.s32 s0, v2;
	[tilespmem:s21], [sflag:$0x1] =	stream.strided.gather [hbm4b:s31+s18], $0x1F80, s2, s18, $0x38;
	[tilespmem:$0x1C680] =	vst v63  }
0x29: {  	v18 =	vadd.s32 s0, v4;
	_ =	swait.ge [sflag:s20], $0x1F80  }
0x2a: {  	[sflag:s20] =	ssyncset.done $0x0  }
0x2b: {  	v21 =	vor.u32 s0, v0;
	[sflag:s20] =	ssyncadd.s32 $0xFFFFE080  }
0x2c: {  	s0 =	simm.s32 $0x10;
	[tilespmem:v20+s6+$0x0] =	vst.idx.msk $0xffff, v21  }
.LBB2_3:
0x2d: {  	v20 =	vadd.s32 s0, v1;
	[tilespmem:v19+s6+$0x0] =	vst.idx.msk $0xffff, v3;
	s5 =	smov.u32 s0;
	p3 =	sne.s32 s0, $0xFF0  }
.Ltmp3:
0x2e: {  	v19 =	vadd.s32 s0, v2;
	[tilespmem:v18+s6+$0x0] =	vst.idx.msk $0xffff, v5;
	(pc) =	sbr.rel @p3 .LBB2_3-.Ltmp3, $3  }
0x2f: {  	s0 =	sadd.s32 $0x10, s0;
	v18 =	vadd.s32 s5, v4;
	_ =	sdelay $0x1  }
0x30: {  	v21 =	vor.u32 s5, v0  }
0x31: {  	[tilespmem:v20+s6+$0x0] =	vst.idx.msk $0xffff, v21  }
0x32: {  	_ =	sdelay $0x3  }
.Ltmp4:
0x33: {  	[tilespmem:v19+s6+$0x0] =	vst.idx.msk $0xffff, v3;
	(pc) =	sbr.rel .LBB2_5-.Ltmp4, $4  }
0x34: {  	s31 =	simm.s32 $0x0;
	[tilespmem:v18+s6+$0x0] =	vst.idx.msk $0xffff, v5  }
0x35: {  	[tilespmem:v6+s31+$0x0] =	vst.idx.msk $0x1, v3  }
0x36: {  	[tilespmem:v7+s31+$0x0] =	vst.idx.msk $0x1, v3  }
0x37: {  	[tilespmem:v8+s21+$0x0] =	vst.idx.msk $0x1, v9  }
.LBB2_8:
0x38: {  	vm10 =	veq.s32 v24, v27  }
0x39: {  	v24 =	vsel vm10, $0x0, v12  }
0x3a: {  	(xrf0) =	vmax.scan.msk.f32 $0xffff, v24;
	_ =	sdelay $0x5  }
0x3b: {  	v24, _, _ =	vpop (xrf0)  }
0x3c: {  	(v2sf) =	vpush v24, $0xF;
	_ =	sdelay $0xe  }
0x3d: {  	s0 =	spop (v2sf)  }
0x3e: {  	p3 =	sgt.f32 s0, $0.0e+00;
	_ =	sdelay $0x1  }
0x3f: {  	v20 =	vadd.s32 @p3 v21, v20  }
0x40: {  	v20 =	vadd.s32 @p3 $0x6F80, v20;
	_ =	sdelay $0x2  }
0x41: {  	s0 =	simm.s32 @p3 $0x0  }
0x42: {  	[tilespmem:v22+s0+$0x0] =	vst.idx.msk @p3 $0x1, v27  }
0x43: {  	v21 =	vld.idx.msk @p3 [tilespmem:v20+s0+$0x0], $0xffff;
	_ =	sdelay $0x3  }
0x44: {  	v22 =	vshll.u32 @p3 v19, $0x2  }
0x45: {  	v22 =	vadd.s32 @p3 v21, v22  }
0x46: {  	s1 =	simm.s32 @p3 $0x9F80;
	v22 =	vadd.s32 @p3 $0x2F80, v22  }
0x47: {  	v18 =	vld.idx.msk @p3 [tilespmem:v18+s1+$0x0], $0xffff  }
0x48: {  	v24 =	vadd.s32 @p3 v26, v25  }
0x49: {  	v24 =	vadd.s32 @p3 $0x6F80, v24;
	_ =	sdelay $0x1  }
0x4a: {  	[tilespmem:v22+s0+$0x0] =	vst.idx.msk @p3 $0x1, v23  }
0x4b: {  	v21 =	vadd.s32 @p3 $0x1, v21;
	[tilespmem:v22+s1+$0x0] =	vst.idx.msk @p3 $0x1, v18  }
0x4c: {  	[tilespmem:v20+s0+$0x0] =	vst.idx.msk @p3 $0x1, v21  }
0x4d: {  	v20 =	vld.idx.msk @p3 [tilespmem:v24+s0+$0x0], $0xffff;
	_ =	sdelay $0x3  }
0x4e: {  	v21 =	vshll.u32 @p3 v23, $0x2  }
0x4f: {  	v21 =	vadd.s32 @p3 v20, v21  }
0x50: {  	v21 =	vadd.s32 @p3 $0x2F80, v21  }
0x51: {  	s31 =	sadd.s32 $0x1, s31  }
0x52: {  	p4 =	sne.s32 s31, $0x1F80  }
.Ltmp5:
0x53: {  	_ = 	snop;
	(pc) =	sbr.rel @!p4 .LBB2_9-.Ltmp5, $4  }
0x54: {  	_ = 	snop  }
0x55: {  	[tilespmem:v21+s0+$0x0] =	vst.idx.msk @p3 $0x1, v19  }
0x56: {  	[tilespmem:v21+s1+$0x0] =	vst.idx.msk @p3 $0x1, v18;
	v18 =	vadd.s32 @p3 $0x1, v20  }
0x57: {  	[tilespmem:v24+s0+$0x0] =	vst.idx.msk @p3 $0x1, v18  }
.LBB2_5:
0x58: {  	v18 =	vmov s31;
	_ =	sdelay $0x4  }
0x59: {  	v18 =	vld.idx.msk [tilespmem:v18+s6+$0x0], $0xffff;
	_ =	sdelay $0x4  }
0x5a: {  	(v2sf) =	vpush v18, $0xD;
	_ =	sdelay $0x1  }
0x5b: {  	(v2sf) =	vpush v18, $0xC;
	_ =	sdelay $0x1  }
0x5c: {  	(v2sf) =	vpush v18, $0xE  }
0x5d: {  	(v2sf) =	vpush v18, $0xF  }
0x5e: {  	(v2sf) =	vpush v18, $0x9;
	_ =	sdelay $0x1  }
0x5f: {  	(v2sf) =	vpush v18, $0x8;
	_ =	sdelay $0x1  }
0x60: {  	(v2sf) =	vpush v18, $0xA;
	_ =	sdelay $0x1  }
0x61: {  	(v2sf) =	vpush v18, $0xB;
	_ =	sdelay $0x1  }
0x62: {  	(v2sf) =	vpush v18, $0x1  }
0x63: {  	s0 =	spop (v2sf);
	(v2sf) =	vpush v18, $0x0  }
0x64: {  	s5 =	smulhi.u32 $0x82082083, s0;
	s23 =	sshra.s32 s0, $0x1F  }
0x65: {  	s24 =	spop (v2sf);
	s23 =	smul.u32 $0x82082083, s23  }
0x66: {  	s1 =	smulhi.u32 $0x82082083, s24;
	s2 =	sshra.s32 s24, $0x1F  }
0x67: {  	s25 =	spop (v2sf);
	s2 =	smul.u32 $0x82082083, s2  }
0x68: {  	(v2sf) =	vpush v18, $0x2;
	s3 =	spop (v2sf);
	s7 =	smulhi.u32 $0x82082083, s25;
	s8 =	sshra.s32 s25, $0x1F  }
0x69: {  	s0 =	ssub.s32 s5, s0;
	s19 =	spop (v2sf);
	s8 =	smul.u32 $0x82082083, s8  }
0x6a: {  	(v2sf) =	vpush v18, $0x3;
	s10 =	smulhi.u32 $0x82082083, s3;
	s12 =	sshra.s32 s3, $0x1F;
	s0 =	sadd.s32 s23, s0  }
0x6b: {  	s1 =	ssub.s32 s1, s24;
	s9 =	spop (v2sf);
	s23 =	smul.u32 $0x82082083, s12  }
0x6c: {  	(v2sf) =	vpush v18, $0x4;
	s11 =	smulhi.u32 $0x82082083, s19;
	s13 =	sshra.s32 s19, $0x1F;
	s24 =	sadd.s32 s2, s1  }
0x6d: {  	s14 =	ssub.s32 s7, s25;
	s12 =	spop (v2sf);
	s2 =	smul.u32 $0x82082083, s13  }
0x6e: {  	(v2sf) =	vpush v18, $0x5;
	s7 =	smulhi.u32 $0x82082083, s9;
	s15 =	sshra.s32 s9, $0x1F;
	s5 =	sadd.s32 s8, s14  }
0x6f: {  	s14 =	ssub.s32 s10, s3;
	s13 =	spop (v2sf);
	s3 =	smul.u32 $0x82082083, s15  }
0x70: {  	(v2sf) =	vpush v18, $0x6;
	s8 =	smulhi.u32 $0x82082083, s12;
	s15 =	sshra.s32 s12, $0x1F;
	s23 =	sadd.s32 s23, s14  }
0x71: {  	s1 =	ssub.s32 s11, s19;
	s25 =	spop (v2sf);
	s10 =	smul.u32 $0x82082083, s15  }
0x72: {  	s11 =	smulhi.u32 $0x82082083, s13;
	s19 =	sshra.s32 s13, $0x1F;
	s14 =	spop (v2sf);
	(v2sf) =	vpush v18, $0x7  }
0x73: {  	s1 =	sadd.s32 s2, s1;
	s7 =	ssub.s32 s7, s9;
	s2 =	smul.u32 $0x82082083, s19  }
0x74: {  	s9 =	smulhi.u32 $0x82082083, s25;
	s19 =	sshra.s32 s25, $0x1F;
	s12 =	ssub.s32 s8, s12  }
0x75: {  	s3 =	sadd.s32 s3, s7;
	s8 =	smul.u32 $0x82082083, s19;
	s7 =	sadd.s32 s10, s12  }
0x76: {  	s11 =	ssub.s32 s11, s13;
	s10 =	smulhi.u32 $0x82082083, s14;
	s12 =	sshra.s32 s14, $0x1F  }
0x77: {  	s9 =	ssub.s32 s9, s25;
	s15 =	spop (v2sf);
	s12 =	smul.u32 $0x82082083, s12  }
0x78: {  	s2 =	sadd.s32 s2, s11;
	s13 =	smulhi.u32 $0x82082083, s15;
	s25 =	sshra.s32 s15, $0x1F  }
0x79: {  	s8 =	sadd.s32 s8, s9;
	s19 =	spop (v2sf);
	s9 =	smul.u32 $0x82082083, s25  }
0x7a: {  	s10 =	ssub.s32 s10, s14;
	s11 =	smulhi.u32 $0x82082083, s19;
	s14 =	sshra.s32 s19, $0x1F  }
0x7b: {  	s25 =	spop (v2sf);
	s10 =	sadd.s32 s12, s10;
	s12 =	smul.u32 $0x82082083, s14  }
0x7c: {  	s13 =	ssub.s32 s13, s15;
	s14 =	smulhi.u32 $0x82082083, s25;
	s15 =	sshra.s32 s25, $0x1F  }
0x7d: {  	s9 =	sadd.s32 s9, s13;
	s13 =	spop (v2sf);
	s15 =	smul.u32 $0x82082083, s15  }
0x7e: {  	v19 =	vmov s10;
	s10 =	ssub.s32 s11, s19;
	s11 =	smulhi.u32 $0x82082083, s13;
	s19 =	sshra.s32 s13, $0x1F  }
0x7f: {  	s10 =	sadd.s32 s12, s10;
	s12 =	spop (v2sf);
	v19 =	vnsel vm3, $0x0, v19;
	s19 =	smul.u32 $0x82082083, s19  }
0x80: {  	v19 =	vsel vm0, s8, v19;
	s8 =	ssub.s32 s14, s25;
	s14 =	smulhi.u32 $0x82082083, s12;
	s25 =	sshra.s32 s12, $0x1F  }
0x81: {  	v20 =	vmov s24;
	v21 =	vmov s3;
	v19 =	vsel vm1, s9, v19;
	s15 =	sadd.s32 s15, s8;
	s24 =	smul.u32 $0x82082083, s25;
	s25 =	spop (v2sf)  }
0x82: {  	v20 =	vsel vm0, s0, v20;
	v21 =	vsel vm0, s1, v21;
	v19 =	vsel vm2, s10, v19;
	s10 =	ssub.s32 s11, s13;
	s11 =	smulhi.u32 $0x82082083, s25;
	s13 =	sshra.s32 s25, $0x1F  }
0x83: {  	v20 =	vsel vm1, s5, v20;
	v21 =	vsel vm1, s7, v21;
	v19 =	vsel vm4, s15, v19;
	s0 =	sadd.s32 s19, s10;
	s15 =	ssub.s32 s14, s12;
	s19 =	smul.u32 $0x82082083, s13  }
0x84: {  	v20 =	vsel vm2, s23, v20;
	v21 =	vsel vm2, s2, v21;
	v19 =	vsel vm5, s0, v19;
	s23 =	sadd.s32 s24, s15;
	s1 =	ssub.s32 s11, s25  }
0x85: {  	v20 =	vcombine.low v21, v20;
	v19 =	vsel vm6, s23, v19;
	s24 =	sadd.s32 s19, s1  }
0x86: {  	v19 =	vsel vm7, s24, v19  }
0x87: {  	v20 =	vperm.xlane v20, v10;
	v19 =	vperm.xlane v19, v11;
	_ =	sdelay $0x1  }
0x88: {  	v19 =	vsel vm8, v19, v20  }
0x89: {  	v19 =	vadd.s32 v18, v19  }
0x8a: {  	v20 =	vshrl.u32 v19, $0x1F;
	v19 =	vshra.s32 v19, $0x5  }
0x8b: {  	v19 =	vadd.s32 v20, v19  }
0x8c: {  	v20 =	vmul.u32 $0xFFFFFFC1, v19  }
0x8d: {  	v21 =	vsub.s32 $0x0, v18  }
0x8e: {  	vm10 =	vlt.s32 v18, $0x1;
	vm11 =	vne.s32 v20, v21  }
0x8f: {  	vm10 =	vmand vm10, vm11  }
0x90: {  	v20 =	vsel vm10, $0xFFFFFFFF, v3  }
0x91: {  	v19 =	vadd.s32 v20, v19  }
0x92: {  	v20 =	vmul.u32 $0xFFFFFFC1, v19;
	_ =	sdelay $0x1  }
0x93: {  	v19 =	vshll.u32 v19, $0x6;
	v20 =	vadd.s32 v18, v20  }
0x94: {  	v21 =	vadd.s32 $0xFFFFF040, v18;
	vm10 =	vlt.s32 v18, $0xFC0;
	v23 =	vadd.s32 v19, v20  }
0x95: {  	v19 =	vsel vm10, v23, v21  }
0x96: {  	v20 =	vand.u32 $0xFFFFFF80, v19;
	v21 =	vand.u32 $0x7F, v19  }
0x97: {  	v22 =	vor.u32 v21, v20  }
0x98: {  	v22 =	vadd.s32 $0x1F80, v22;
	_ =	sdelay $0x4  }
0x99: {  	v25 =	vld.idx.msk [tilespmem:v22+s6+$0x0], $0xffff;
	_ =	sdelay $0x4  }
0x9a: {  	vm11 =	veq.s32 v25, v19  }
0x9b: {  	v24 =	vsel vm11, $0x0, v12  }
0x9c: {  	(xrf0) =	vmax.scan.msk.f32 $0xffff, v24;
	_ =	sdelay $0x5  }
0x9d: {  	v24, _, _ =	vpop (xrf0)  }
0x9e: {  	(v2sf) =	vpush v24, $0xF;
	_ =	sdelay $0xe  }
0x9f: {  	s25 =	spop (v2sf)  }
0xa0: {  	p3 =	sgt.f32 s25, $0.0e+00  }
.Ltmp6:
0xa1: {  	_ = 	snop;
	(pc) =	sbr.rel @!p3 .LBB2_6-.Ltmp6, $2  }
0xa2: {  	_ =	sdelay $0x2  }
0xa3: {  	v24 =	vmov v19  }
.LBB2_36:
0xa4: {  	v24 =	vadd.s32 $0x1F80, v25;
	_ =	sdelay $0x4  }
0xa5: {  	v24 =	vld.idx.msk [tilespmem:v24+s6+$0x0], $0xffff;
	_ =	sdelay $0x4  }
0xa6: {  	[tilespmem:v22+s6+$0x0] =	vst.idx.msk $0x1, v24;
	v22 =	vadd.s32 $0x1F80, v24;
	_ =	sdelay $0x4  }
0xa7: {  	v25 =	vld.idx.msk [tilespmem:v22+s6+$0x0], $0xffff;
	_ =	sdelay $0x4  }
0xa8: {  	vm11 =	veq.s32 v25, v24  }
0xa9: {  	v26 =	vsel vm11, $0x0, v12  }
0xaa: {  	(xrf0) =	vmax.scan.msk.f32 $0xffff, v26;
	_ =	sdelay $0x5  }
0xab: {  	v26, _, _ =	vpop (xrf0)  }
0xac: {  	(v2sf) =	vpush v26, $0xF;
	_ =	sdelay $0xe  }
0xad: {  	s0 =	spop (v2sf)  }
0xae: {  	p3 =	sgt.f32 s0, $0.0e+00  }
.Ltmp7:
0xaf: {  	_ = 	snop;
	(pc) =	sbr.rel @p3 .LBB2_36-.Ltmp7, $1  }
0xb0: {  	_ =	sdelay $0x3  }
.LBB2_6:
0xb1: {  	v23 =	vadd.s32 $0x1, v23;
	v25 =	vadd.s32 $0xFFFFF080, v18  }
0xb2: {  	v23 =	vsel vm10, v23, v25  }
0xb3: {  	v25 =	vand.u32 $0xFFFFFF80, v23;
	v26 =	vand.u32 $0x7F, v23  }
0xb4: {  	v27 =	vor.u32 v26, v25  }
0xb5: {  	v28 =	vadd.s32 $0x1F80, v27;
	_ =	sdelay $0x4  }
0xb6: {  	v29 =	vld.idx.msk [tilespmem:v28+s6+$0x0], $0xffff;
	_ =	sdelay $0x4  }
0xb7: {  	vm10 =	veq.s32 v29, v23  }
0xb8: {  	v27 =	vsel vm10, $0x0, v12  }
0xb9: {  	(xrf0) =	vmax.scan.msk.f32 $0xffff, v27;
	_ =	sdelay $0x5  }
0xba: {  	v27, _, _ =	vpop (xrf0)  }
0xbb: {  	(v2sf) =	vpush v27, $0xF;
	_ =	sdelay $0xe  }
0xbc: {  	s0 =	spop (v2sf)  }
0xbd: {  	p3 =	sgt.f32 s0, $0.0e+00  }
.Ltmp8:
0xbe: {  	_ = 	snop;
	(pc) =	sbr.rel @!p3 .LBB2_8-.Ltmp8, $2  }
0xbf: {  	_ =	sdelay $0x2  }
0xc0: {  	v27 =	vmov v23  }
.LBB2_7:
0xc1: {  	v27 =	vadd.s32 $0x1F80, v29;
	_ =	sdelay $0x4  }
0xc2: {  	v27 =	vld.idx.msk [tilespmem:v27+s6+$0x0], $0xffff;
	_ =	sdelay $0x4  }
0xc3: {  	[tilespmem:v28+s6+$0x0] =	vst.idx.msk $0x1, v27;
	v28 =	vadd.s32 $0x1F80, v27;
	_ =	sdelay $0x4  }
0xc4: {  	v29 =	vld.idx.msk [tilespmem:v28+s6+$0x0], $0xffff;
	_ =	sdelay $0x4  }
0xc5: {  	vm10 =	veq.s32 v29, v27  }
0xc6: {  	v30 =	vsel vm10, $0x0, v12  }
0xc7: {  	(xrf0) =	vmax.scan.msk.f32 $0xffff, v30;
	_ =	sdelay $0x5  }
0xc8: {  	v30, _, _ =	vpop (xrf0)  }
0xc9: {  	(v2sf) =	vpush v30, $0xF;
	_ =	sdelay $0xe  }
0xca: {  	s0 =	spop (v2sf)  }
0xcb: {  	p3 =	sgt.f32 s0, $0.0e+00  }
.Ltmp9:
0xcc: {  	_ = 	snop;
	(pc) =	sbr.rel @p3 .LBB2_7-.Ltmp9, $1  }
0xcd: {  	_ =	sdelay $0x3  }
.Ltmp10:
0xce: {  	_ = 	snop;
	(pc) =	sbr.rel .LBB2_8-.Ltmp10, $1  }
0xcf: {  	_ =	sdelay $0x3  }
.LBB2_9:
0xd0: {  	v18 =	vimm.s32 $0x1;
	s0 =	simm.s32 $0x7F80  }
.LBB2_10:
0xd1: {  	v19 =	vmov s0;
	_ =	sdelay $0x4  }
0xd2: {  	v19 =	vld.idx.msk [tilespmem:v19+s6+$0x0], $0xffff;
	_ =	sdelay $0x4  }
0xd3: {  	v20 =	vadd.s32 $0x6F80, v19;
	_ =	sdelay $0x4  }
0xd4: {  	v20 =	vld.idx.msk [tilespmem:v20+s6+$0x0], $0xffff;
	_ =	sdelay $0x3  }
0xd5: {  	v21 =	vshll.u32 v19, $0x2  }
0xd6: {  	vm10 =	vgt.s32 v20, v0;
	v20 =	vadd.s32 v13, v21  }
0xd7: {  	v20 =	vnsel vm10, $0x2F80, v20;
	_ =	sdelay $0x4  }
0xd8: {  	v61 =	vld.idx.msk [tilespmem:v20+s6+$0x0], $0xffff;
	_ =	sdelay $0x4  }
0xd9: {  	v22 =	vadd.s32 $0x8F80, v61  }
0xda: {  	v22 =	vnsel vm10, $0x8F80, v22;
	_ =	sdelay $0x4  }
0xdb: {  	v22 =	vld.idx.msk [tilespmem:v22+s6+$0x0], $0xffff;
	_ =	sdelay $0x4  }
0xdc: {  	vm11 =	vlt.s32 v22, $0x0  }
0xdd: {  	vm10 =	vmand vm10, vm11  }
0xde: {  	v62 =	vsel vm10, $0x1, v3  }
0xdf: {  	(xrf0) =	vadd.scan.msk.s32 $0xffff, v62;
	_ =	sdelay $0x5  }
0xe0: {  	v22, _, _ =	vpop (xrf0)  }
0xe1: {  	v22 =	vadd.s32 v22, v18  }
0xe2: {  	v22 =	vadd.s32 $0x7F7F, v22  }
0xe3: {  	v23 =	vnsel vm10, $0x0, v61;
	v22 =	vnsel vm10, $0x7F80, v22  }
0xe4: {  	v24 =	vadd.s32 $0x8F80, v23  }
0xe5: {  	p3 =	sne.s32 s0, $0x8F7F;
	v20 =	vld.idx.msk [tilespmem:v20+s21+$0x0], $0xffff;
	v23 =	vadd.s32 $0x1F80, v23  }
.Ltmp11:
0xe6: {  	_ = 	snop;
	(pc) =	sbr.rel @p3 .LBB2_10-.Ltmp11, $4  }
0xe7: {  	_ = 	snop  }
0xe8: {  	v63 =	vmpcnt.ones.xlane vm10;
	[tilespmem:v22+s6+$0x0] =	vst.idx.msk vm10, v61  }
0xe9: {  	[tilespmem:v24+s6+$0x0] =	vst.idx.msk vm10, v19  }
0xea: {  	s0 =	sadd.s32 $0x1, s0;
	v18 =	vadd.s32 v18, v63;
	[tilespmem:v23+s21+$0x0] =	vst.idx.msk vm10, v20  }
0xeb: {  	s0 =	simm.s32 $0x1F80  }
0xec: {  	v18 =	vor.u32 s0, v0;
	_ =	sdelay $0x4  }
0xed: {  	v19 =	vld.idx.msk [tilespmem:v18+s21+$0x0], $0xffff;
	_ =	sdelay $0x4  }
0xee: {  	v19 =	vmul.f32 v19, v15;
	_ =	sdelay $0x1  }
0xef: {  	v19 =	vsub.f32 $0.0e+00, v19;
	_ =	sdelay $0x1  }
0xf0: {  	v19 =	vmul.f32 $1.442695020e+00, v19;
	_ =	sdelay $0x1  }
0xf1: {  	(erf) = vpow2.f32 v19;
	_ =	sdelay $0x4  }
0xf2: {  	s31 =	simm.s32 $0x1F90  }
0xf3: {  	s0 =	simm.s32 $0x1FA0;
	v19 =	vor.u32 s31, v0  }
.LBB2_12:
0xf4: {  	p3 =	sne.s32 s0, $0x2F70;
	_ =	sdelay $0x1  }
0xf5: {  	v20 =	vpop (erf)  }
0xf6: {  	[tilespmem:v18+s21+$0x0] =	vst.idx.msk $0xffff, v20;
	v18 =	vmov v19  }
0xf7: {  	v19 =	vld.idx.msk [tilespmem:v19+s21+$0x0], $0xffff;
	_ =	sdelay $0x5  }
0xf8: {  	v19 =	vmul.f32 v19, v15;
	_ =	sdelay $0x1  }
0xf9: {  	v19 =	vsub.f32 $0.0e+00, v19;
	_ =	sdelay $0x1  }
0xfa: {  	v19 =	vmul.f32 $1.442695020e+00, v19;
	_ =	sdelay $0x1  }
0xfb: {  	(erf) = vpow2.f32 v19;
	_ =	sdelay $0x1  }
.Ltmp12:
0xfc: {  	(pc) =	sbr.rel @p3 .LBB2_12-.Ltmp12, $2  }
0xfd: {  	_ =	sdelay $0x2  }
0xfe: {  	v19 =	vor.u32 s0, v0;
	s0 =	sadd.s32 $0x10, s0  }
0xff: {  	_ =	sdelay $0x2  }
0x100: {  	v20 =	vpop (erf)  }
0x101: {  	[tilespmem:v18+s21+$0x0] =	vst.idx.msk $0xffff, v20  }
0x102: {  	v18 =	vld.idx.msk [tilespmem:v19+s21+$0x0], $0xffff;
	_ =	sdelay $0x4  }
0x103: {  	v18 =	vmul.f32 v18, v15;
	_ =	sdelay $0x1  }
0x104: {  	v18 =	vsub.f32 $0.0e+00, v18;
	_ =	sdelay $0x1  }
0x105: {  	v18 =	vmul.f32 $1.442695020e+00, v18;
	_ =	sdelay $0x1  }
0x106: {  	(erf) = vpow2.f32 v18;
	_ =	sdelay $0x8  }
0x107: {  	v18 =	vpop (erf)  }
0x108: {  	s0 =	rddreg [dreg:$0x8];
	s1 =	simm.s32 $0x8F80;
	[tilespmem:v19+s21+$0x0] =	vst.idx.msk $0xffff, v18  }
0x109: {  	[spmem:s0] =	stream.strided.scatter [tilespmem:s1], [sflag:$0x1], $0x1000, s22, s18, $0x38;
	[tilespmem:$0x1C680] =	vst v63  }
0x10a: {  	_ =	swait.ge [sflag:s20], $0x1000  }
0x10b: {  	[sflag:s20] =	ssyncset.done $0x0  }
0x10c: {  	s14 =	simm.s32 $0x7F80;
	s13 =	rddreg [dreg:$0x9];
	[sflag:s20] =	ssyncadd.s32 $0xFFFFF000  }
0x10d: {  	[spmem:s13] =	stream.strided.scatter [tilespmem:s14], [sflag:$0x1], $0x1000, s22, s18, $0x38;
	[tilespmem:$0x1C680] =	vst v63  }
0x10e: {  	_ =	swait.ge [sflag:s20], $0x1000  }
0x10f: {  	[sflag:s20] =	ssyncset.done $0x0  }
0x110: {  	s19 =	simm.s32 $0xBF00;
	s15 =	rddreg [dreg:$0xa];
	[sflag:s20] =	ssyncadd.s32 $0xFFFFF000  }
0x111: {  	[spmem:s15] =	stream.strided.scatter [tilespmem:s19], [sflag:$0x1], $0x1000, s22, s18, $0x38;
	[tilespmem:$0x1C680] =	vst v63  }
0x112: {  	_ =	swait.ge [sflag:s20], $0x1000  }
0x113: {  	[sflag:s20] =	ssyncset.done $0x0  }
0x114: {  	[sflag:s20] =	ssyncadd.s32 $0xFFFFF000  }
0x115: {  	[bflag:$0x0] =	sbarrier.arrive $0xFFFF  }
0x116: {  	s23 =	rddreg [dreg:$0xb]  }
0x117: {  	[tilespmem:s21], [sflag:$0x1] =	stream.strided.gather [hbm4b:s23+s18], $0x10000, s22, s18, $0x38;
	[tilespmem:$0x1C680] =	vst v63  }
0x118: {  	_ =	swait.ge [sflag:s20], $0x10000  }
0x119: {  	[sflag:s20] =	ssyncset.done $0x0  }
0x11a: {  	[sflag:s20] =	ssyncadd.s32 $0xFFFF0000  }
0x11b: {  	s24 =	rddreg [dreg:$0x1]  }
0x11c: {  	[tilespmem:s6], [sflag:$0x1] =	stream.strided.gather [spmem:s24], $0x1000, s22, s18, $0x38;
	[tilespmem:$0x1C680] =	vst v63  }
0x11d: {  	_ =	swait.ge [sflag:s20], $0x1000  }
0x11e: {  	[sflag:s20] =	ssyncset.done $0x0  }
0x11f: {  	[sflag:s20] =	ssyncadd.s32 $0xFFFFF000  }
0x120: {  	s25 =	rddreg [dreg:$0x2]  }
0x121: {  	[tilespmem:s26], [sflag:$0x1] =	stream.strided.gather [spmem:s25], $0x1000, s22, s18, $0x38;
	[tilespmem:$0x1C680] =	vst v63  }
0x122: {  	_ =	swait.ge [sflag:s20], $0x1000  }
0x123: {  	[sflag:s20] =	ssyncset.done $0x0  }
0x124: {  	[sflag:s20] =	ssyncadd.s32 $0xFFFFF000  }
0x125: {  	s31 =	rddreg [dreg:$0x3]  }
0x126: {  	[tilespmem:s28], [sflag:$0x1] =	stream.strided.gather [spmem:s31], $0x1000, s22, s18, $0x38;
	[tilespmem:$0x1C680] =	vst v63  }
0x127: {  	_ =	swait.ge [sflag:s20], $0x1000  }
0x128: {  	[sflag:s20] =	ssyncset.done $0x0  }
0x129: {  	s0 =	simm.s32 $0x1FFF;
	[sflag:s20] =	ssyncadd.s32 $0xFFFFF000  }
.LBB2_14:
0x12a: {  	v18 =	vmov s0;
	_ =	sdelay $0x4  }
0x12b: {  	v18 =	vld.idx.msk [tilespmem:v18+s6+$0x0], $0xffff;
	_ =	sdelay $0x5  }
0x12c: {  	v19 =	vadd.s32 $0x10000, v18;
	v20 =	vshll.u32 v18, $0x4  }
0x12d: {  	v20 =	vor.u32 v0, v20  }
0x12e: {  	v18 =	vld.idx.msk [tilespmem:v18+s6+$0x0], $0xffff;
	_ =	sdelay $0x2  }
0x12f: {  	v19 =	vld.idx.msk [tilespmem:v19+s21+$0x0], $0xffff  }
0x130: {  	v20 =	vld.idx.msk [tilespmem:v20+s21+$0x0], $0xffff  }
0x131: {  	v18 =	vshll.u32 v18, $0x4  }
0x132: {  	p3 =	sne.s32 s0, $0x1000;
	v18 =	vor.u32 v0, v18  }
.Ltmp13:
0x133: {  	_ = 	snop;
	(pc) =	sbr.rel @p3 .LBB2_14-.Ltmp13, $3  }
0x134: {  	_ = 	snop  }
0x135: {  	v19 =	vmul.f32 v20, v19;
	_ =	sdelay $0x1  }
0x136: {  	s0 =	sadd.s32 $0xFFFFFFFF, s0;
	[tilespmem:v18+s21+$0x0] =	vst.idx.add.f32.msk $0xffff, v19  }
0x137: {  	s0 =	simm.s32 $0x1000  }
0x138: {  	v18 =	vmov s0;
	_ =	sdelay $0x4  }
0x139: {  	v18 =	vld.idx.msk [tilespmem:v18+s6+$0x0], $0xffff;
	_ =	sdelay $0x7  }
0x13a: {  	v19 =	vld.idx.msk [tilespmem:v18+s6+$0x0], $0xffff;
	_ =	sdelay $0x2  }
0x13b: {  	v20 =	vadd.s32 $0x10000, v18;
	v18 =	vshll.u32 v18, $0x4  }
0x13c: {  	v18 =	vor.u32 v0, v18  }
0x13d: {  	v19 =	vshll.u32 v19, $0x4  }
0x13e: {  	v21 =	vor.u32 v0, v19;
	_ =	sdelay $0x1  }
0x13f: {  	v22 =	vld.idx.msk [tilespmem:v20+s21+$0x0], $0xffff  }
0x140: {  	v19 =	vld.idx.msk [tilespmem:v18+s21+$0x0], $0xffff;
	_ =	sdelay $0x1  }
0x141: {  	v20 =	vld.idx.msk [tilespmem:v21+s21+$0x0], $0xffff;
	_ =	sdelay $0x2  }
0x142: {  	v21 =	vmul.f32 v19, v22;
	_ =	sdelay $0x1  }
0x143: {  	v21 =	vsub.f32 v20, v21  }
0x144: {  	s31 =	simm.s32 $0x1001  }
0x145: {  	s0 =	simm.s32 $0x1002;
	v20 =	vmov s31;
	v21 =	vmul.f32 v21, v22  }
.LBB2_16:
0x146: {  	p3 =	sne.s32 s0, $0x1FFF  }
0x147: {  	v19 =	vadd.f32 v21, v19;
	_ =	sdelay $0x1  }
0x148: {  	[tilespmem:v18+s21+$0x0] =	vst.idx.msk $0xffff, v19  }
0x149: {  	v18 =	vld.idx.msk [tilespmem:v20+s6+$0x0], $0xffff;
	_ =	sdelay $0x7  }
0x14a: {  	v19 =	vld.idx.msk [tilespmem:v18+s6+$0x0], $0xffff;
	_ =	sdelay $0x3  }
0x14b: {  	v20 =	vadd.s32 $0x10000, v18;
	v18 =	vshll.u32 v18, $0x4  }
0x14c: {  	v18 =	vor.u32 v0, v18  }
0x14d: {  	v19 =	vshll.u32 v19, $0x4  }
0x14e: {  	v21 =	vor.u32 v0, v19;
	_ =	sdelay $0x1  }
0x14f: {  	v22 =	vld.idx.msk [tilespmem:v20+s21+$0x0], $0xffff  }
0x150: {  	v19 =	vld.idx.msk [tilespmem:v18+s21+$0x0], $0xffff;
	_ =	sdelay $0x1  }
0x151: {  	v20 =	vld.idx.msk [tilespmem:v21+s21+$0x0], $0xffff;
	_ =	sdelay $0x3  }
.Ltmp14:
0x152: {  	v21 =	vmul.f32 v19, v22;
	(pc) =	sbr.rel @p3 .LBB2_16-.Ltmp14, $3  }
0x153: {  	_ = 	snop  }
0x154: {  	v21 =	vsub.f32 v20, v21;
	_ =	sdelay $0x1  }
0x155: {  	v20 =	vmov s0;
	s0 =	sadd.s32 $0x1, s0;
	v21 =	vmul.f32 v21, v22  }
0x156: {  	_ =	sdelay $0x1  }
0x157: {  	v19 =	vadd.f32 v21, v19;
	_ =	sdelay $0x1  }
0x158: {  	[tilespmem:v18+s21+$0x0] =	vst.idx.msk $0xffff, v19  }
0x159: {  	v18 =	vld.idx.msk [tilespmem:v20+s6+$0x0], $0xffff;
	_ =	sdelay $0x7  }
0x15a: {  	v19 =	vld.idx.msk [tilespmem:v18+s6+$0x0], $0xffff;
	_ =	sdelay $0x2  }
0x15b: {  	v20 =	vadd.s32 $0x10000, v18;
	v18 =	vshll.u32 v18, $0x4  }
0x15c: {  	v18 =	vor.u32 v0, v18  }
0x15d: {  	v19 =	vshll.u32 v19, $0x4  }
0x15e: {  	v19 =	vor.u32 v0, v19;
	_ =	sdelay $0x1  }
0x15f: {  	v20 =	vld.idx.msk [tilespmem:v20+s21+$0x0], $0xffff  }
0x160: {  	v63 =	vld.idx.msk [tilespmem:v18+s21+$0x0], $0xffff;
	_ =	sdelay $0x1  }
0x161: {  	v19 =	vld.idx.msk [tilespmem:v19+s21+$0x0], $0xffff;
	_ =	sdelay $0x2  }
0x162: {  	v22 =	vmul.f32 v63, v20;
	_ =	sdelay $0x1  }
0x163: {  	v19 =	vsub.f32 v19, v22;
	_ =	sdelay $0x1  }
.Ltmp15:
0x164: {  	v19 =	vmul.f32 v19, v20;
	(pc) =	sbr.rel @p1 .LBB2_21-.Ltmp15, $3  }
0x165: {  	_ = 	snop  }
0x166: {  	v19 =	vadd.f32 v19, v63;
	_ =	sdelay $0x1  }
0x167: {  	s31 =	simm.s32 $0x0;
	[tilespmem:v18+s21+$0x0] =	vst.idx.msk $0xffff, v19  }
0x168: {  	v18 =	vmov s31  }
0x169: {  	v18 =	vshll.u32 v18, $0x4  }
0x16a: {  	v18 =	vor.u32 v16, v18  }
0x16b: {  	v18 =	vor.u32 $0x5, v18;
	_ =	sdelay $0x2  }
0x16c: {  	s0 =	simm.s32 $0x10  }
0x16d: {  	s23 =	simm.s32 $0x20;
	s5 =	simm.s32 $0x0;
	v19 =	vmov s0  }
.LBB2_19:
0x16e: {  	p3 =	sne.s32 s23, $0xFF0;
	v19 =	vshll.u32 v19, $0x4;
	v20 =	vld.idx.msk [tilespmem:v18+s21+$0x0], $0xffff  }
0x16f: {  	v21 =	vor.u32 s5, v14;
	s5 =	smov.u32 s0;
	s0 =	smov.u32 s23;
	v18 =	vor.u32 v16, v19  }
.Ltmp16:
0x170: {  	v18 =	vor.u32 $0x5, v18;
	(pc) =	sbr.rel @p3 .LBB2_19-.Ltmp16, $2  }
0x171: {  	_ =	sdelay $0x2  }
0x172: {  	s23 =	sadd.s32 $0x10, s23;
	v19 =	vmov s0;
	[tilespmem:v21+s21+$0x0] =	vst.idx.msk $0xffff, v20  }
0x173: {  	_ =	sdelay $0x2  }
0x174: {  	v19 =	vshll.u32 v19, $0x4  }
0x175: {  	v18 =	vld.idx.msk [tilespmem:v18+s21+$0x0], $0xffff;
	v20 =	vor.u32 s5, v14;
	v19 =	vor.u32 v16, v19  }
0x176: {  	v19 =	vor.u32 $0x5, v19;
	_ =	sdelay $0x3  }
0x177: {  	[tilespmem:v20+s21+$0x0] =	vst.idx.msk $0xffff, v18  }
0x178: {  	v18 =	vld.idx.msk [tilespmem:v19+s21+$0x0], $0xffff;
	v19 =	vor.u32 s0, v14;
	_ =	sdelay $0x4  }
0x179: {  	[tilespmem:v19+s21+$0x0] =	vst.idx.msk $0xffff, v18  }
0x17a: {  	[spmem:s4] =	stream.linear.scatter [tilespmem:s29], [sflag:$0x1], $0x1000, $0x38;
	[tilespmem:$0x1C680] =	vst v63  }
0x17b: {  	_ =	swait.ge [sflag:s20], $0x1000  }
0x17c: {  	[sflag:s20] =	ssyncset.done $0x0  }
0x17d: {  	[sflag:s20] =	ssyncadd.s32 $0xFFFFF000  }
.LBB2_21:
0x17e: {  	s0 =	simm.s32 $0x11000  }
0x17f: {  	[bflag:$0x0] =	sbarrier.arrive $0xFFFF;
	v18 =	vmov s0  }
0x180: {  	[tilespmem:s29], [sflag:$0x1] =	stream.linear.gather [spmem:s4], $0x1000, $0x38;
	[tilespmem:$0x1C680] =	vst v63  }
0x181: {  	_ =	swait.ge [sflag:s20], $0x1000  }
0x182: {  	[sflag:s20] =	ssyncset.done $0x0  }
0x183: {  	[sflag:s20] =	ssyncadd.s32 $0xFFFFF000  }
0x184: {  	v18 =	vld.idx.msk [tilespmem:v18+s21+$0x0], $0xffff;
	_ =	sdelay $0x4  }
0x185: {  	v19 =	vmax.f32 v18, $9.999999960e-13  }
0x186: {  	v18 =	vor.u32 s31, v0;
	(erf) = vrcp.f32 v19;
	_ =	sdelay $0x4  }
0x187: {  	v20 =	vld.idx.msk [tilespmem:v18+s21+$0x0], $0xffff;
	_ =	sdelay $0x3  }
0x188: {  	s25 =	simm.s32 $0x11001;
	v21 =	vpop (erf)  }
0x189: {  	s0 =	simm.s32 $0x11002;
	v19 =	vmov s25;
	v20 =	vmul.f32 v21, v20  }
.LBB2_22:
0x18a: {  	p3 =	sne.s32 s0, $0x11FFF  }
0x18b: {  	v21 =	vpsel p2, v17, v20  }
0x18c: {  	v20 =	vsel vm9, v20, v21  }
0x18d: {  	[tilespmem:v18+s21+$0x0] =	vst.idx.msk $0xffff, v20  }
0x18e: {  	v18 =	vld.idx.msk [tilespmem:v19+s21+$0x0], $0xffff;
	_ =	sdelay $0x4  }
0x18f: {  	s31 =	sadd.s32 $0x10, s31  }
0x190: {  	v19 =	vmax.f32 v18, $9.999999960e-13;
	v18 =	vor.u32 s31, v0  }
0x191: {  	(erf) = vrcp.f32 v19;
	_ =	sdelay $0x3  }
0x192: {  	v20 =	vld.idx.msk [tilespmem:v18+s21+$0x0], $0xffff;
	_ =	sdelay $0x1  }
.Ltmp17:
0x193: {  	(pc) =	sbr.rel @p3 .LBB2_22-.Ltmp17, $3  }
0x194: {  	_ =	sdelay $0x1  }
0x195: {  	v21 =	vpop (erf)  }
0x196: {  	v19 =	vmov s0;
	s0 =	sadd.s32 $0x1, s0;
	v20 =	vmul.f32 v21, v20  }
0x197: {  	_ =	sdelay $0x1  }
0x198: {  	v21 =	vpsel p2, v17, v20  }
0x199: {  	v20 =	vsel vm9, v20, v21  }
0x19a: {  	[tilespmem:v18+s21+$0x0] =	vst.idx.msk $0xffff, v20  }
0x19b: {  	v18 =	vld.idx.msk [tilespmem:v19+s21+$0x0], $0xffff;
	_ =	sdelay $0x4  }
0x19c: {  	s0 =	sadd.s32 $0x10, s31;
	v18 =	vmax.f32 v18, $9.999999960e-13  }
0x19d: {  	v19 =	vor.u32 s0, v0;
	(erf) = vrcp.f32 v18;
	_ =	sdelay $0x4  }
0x19e: {  	v18 =	vld.idx.msk [tilespmem:v19+s21+$0x0], $0xffff;
	_ =	sdelay $0x3  }
0x19f: {  	v63 =	vpop (erf)  }
0x1a0: {  	v18 =	vmul.f32 v63, v18;
	_ =	sdelay $0x1  }
0x1a1: {  	v20 =	vpsel p2, v17, v18  }
0x1a2: {  	v18 =	vsel vm9, v18, v20  }
0x1a3: {  	[tilespmem:v19+s21+$0x0] =	vst.idx.msk $0xffff, v18  }
0x1a4: {  	[bflag:$0x0] =	sbarrier.arrive $0xFFFF  }
0x1a5: {  	s24 =	rddreg [dreg:$0xc]  }
0x1a6: {  	[tilespmem:s6], [sflag:$0x1] =	stream.strided.gather [spmem:s24], $0x1000, s22, s18, $0x38;
	[tilespmem:$0x1C680] =	vst v63  }
0x1a7: {  	_ =	swait.ge [sflag:s20], $0x1000  }
0x1a8: {  	[sflag:s20] =	ssyncset.done $0x0  }
0x1a9: {  	s25 =	rddreg [dreg:$0xd];
	[sflag:s20] =	ssyncadd.s32 $0xFFFFF000  }
0x1aa: {  	[tilespmem:s26], [sflag:$0x1] =	stream.strided.gather [spmem:s25], $0x1000, s22, s18, $0x38;
	[tilespmem:$0x1C680] =	vst v63  }
0x1ab: {  	_ =	swait.ge [sflag:s20], $0x1000  }
0x1ac: {  	[sflag:s20] =	ssyncset.done $0x0  }
0x1ad: {  	s31 =	rddreg [dreg:$0xe];
	[sflag:s20] =	ssyncadd.s32 $0xFFFFF000  }
0x1ae: {  	[tilespmem:s28], [sflag:$0x1] =	stream.strided.gather [spmem:s31], $0x1000, s22, s18, $0x38;
	[tilespmem:$0x1C680] =	vst v63  }
0x1af: {  	_ =	swait.ge [sflag:s20], $0x1000  }
0x1b0: {  	[sflag:s20] =	ssyncset.done $0x0  }
0x1b1: {  	s0 =	simm.s32 $0x1FFF;
	[sflag:s20] =	ssyncadd.s32 $0xFFFFF000  }
.LBB2_24:
0x1b2: {  	v18 =	vmov s0;
	_ =	sdelay $0x4  }
0x1b3: {  	v18 =	vld.idx.msk [tilespmem:v18+s6+$0x0], $0xffff;
	_ =	sdelay $0x5  }
0x1b4: {  	v19 =	vadd.s32 $0x10000, v18;
	v20 =	vshll.u32 v18, $0x4  }
0x1b5: {  	v20 =	vor.u32 v0, v20  }
0x1b6: {  	v18 =	vld.idx.msk [tilespmem:v18+s6+$0x0], $0xffff;
	_ =	sdelay $0x2  }
0x1b7: {  	v19 =	vld.idx.msk [tilespmem:v19+s21+$0x0], $0xffff  }
0x1b8: {  	v20 =	vld.idx.msk [tilespmem:v20+s21+$0x0], $0xffff  }
0x1b9: {  	v18 =	vshll.u32 v18, $0x4  }
0x1ba: {  	p3 =	sne.s32 s0, $0x1000;
	v18 =	vor.u32 v0, v18  }
.Ltmp18:
0x1bb: {  	_ = 	snop;
	(pc) =	sbr.rel @p3 .LBB2_24-.Ltmp18, $3  }
0x1bc: {  	_ = 	snop  }
0x1bd: {  	v19 =	vmul.f32 v20, v19;
	_ =	sdelay $0x1  }
0x1be: {  	s0 =	sadd.s32 $0xFFFFFFFF, s0;
	[tilespmem:v18+s21+$0x0] =	vst.idx.add.f32.msk $0xffff, v19  }
0x1bf: {  	s0 =	simm.s32 $0x1000  }
0x1c0: {  	v18 =	vmov s0;
	_ =	sdelay $0x4  }
0x1c1: {  	v18 =	vld.idx.msk [tilespmem:v18+s6+$0x0], $0xffff;
	_ =	sdelay $0x7  }
0x1c2: {  	v19 =	vld.idx.msk [tilespmem:v18+s6+$0x0], $0xffff;
	_ =	sdelay $0x2  }
0x1c3: {  	v20 =	vadd.s32 $0x10000, v18;
	v18 =	vshll.u32 v18, $0x4  }
0x1c4: {  	v18 =	vor.u32 v0, v18  }
0x1c5: {  	v19 =	vshll.u32 v19, $0x4  }
0x1c6: {  	v21 =	vor.u32 v0, v19;
	_ =	sdelay $0x1  }
0x1c7: {  	v22 =	vld.idx.msk [tilespmem:v20+s21+$0x0], $0xffff  }
0x1c8: {  	v19 =	vld.idx.msk [tilespmem:v18+s21+$0x0], $0xffff;
	_ =	sdelay $0x1  }
0x1c9: {  	v20 =	vld.idx.msk [tilespmem:v21+s21+$0x0], $0xffff;
	_ =	sdelay $0x2  }
0x1ca: {  	v21 =	vmul.f32 v19, v22;
	_ =	sdelay $0x1  }
0x1cb: {  	v21 =	vsub.f32 v20, v21  }
0x1cc: {  	s31 =	simm.s32 $0x1001  }
0x1cd: {  	s0 =	simm.s32 $0x1002;
	v20 =	vmov s31;
	v21 =	vmul.f32 v21, v22  }
.LBB2_26:
0x1ce: {  	p3 =	sne.s32 s0, $0x1FFF  }
0x1cf: {  	v19 =	vadd.f32 v21, v19;
	_ =	sdelay $0x1  }
0x1d0: {  	[tilespmem:v18+s21+$0x0] =	vst.idx.msk $0xffff, v19  }
0x1d1: {  	v18 =	vld.idx.msk [tilespmem:v20+s6+$0x0], $0xffff;
	_ =	sdelay $0x7  }
0x1d2: {  	v19 =	vld.idx.msk [tilespmem:v18+s6+$0x0], $0xffff;
	_ =	sdelay $0x3  }
0x1d3: {  	v20 =	vadd.s32 $0x10000, v18;
	v18 =	vshll.u32 v18, $0x4  }
0x1d4: {  	v18 =	vor.u32 v0, v18  }
0x1d5: {  	v19 =	vshll.u32 v19, $0x4  }
0x1d6: {  	v21 =	vor.u32 v0, v19;
	_ =	sdelay $0x1  }
0x1d7: {  	v22 =	vld.idx.msk [tilespmem:v20+s21+$0x0], $0xffff  }
0x1d8: {  	v19 =	vld.idx.msk [tilespmem:v18+s21+$0x0], $0xffff;
	_ =	sdelay $0x1  }
0x1d9: {  	v20 =	vld.idx.msk [tilespmem:v21+s21+$0x0], $0xffff;
	_ =	sdelay $0x3  }
.Ltmp19:
0x1da: {  	v21 =	vmul.f32 v19, v22;
	(pc) =	sbr.rel @p3 .LBB2_26-.Ltmp19, $3  }
0x1db: {  	_ = 	snop  }
0x1dc: {  	v21 =	vsub.f32 v20, v21;
	_ =	sdelay $0x1  }
0x1dd: {  	v20 =	vmov s0;
	s0 =	sadd.s32 $0x1, s0;
	v21 =	vmul.f32 v21, v22  }
0x1de: {  	_ =	sdelay $0x1  }
0x1df: {  	v19 =	vadd.f32 v21, v19;
	_ =	sdelay $0x1  }
0x1e0: {  	[tilespmem:v18+s21+$0x0] =	vst.idx.msk $0xffff, v19  }
0x1e1: {  	v18 =	vld.idx.msk [tilespmem:v20+s6+$0x0], $0xffff;
	_ =	sdelay $0x7  }
0x1e2: {  	v19 =	vld.idx.msk [tilespmem:v18+s6+$0x0], $0xffff;
	_ =	sdelay $0x2  }
0x1e3: {  	v20 =	vadd.s32 $0x10000, v18;
	v18 =	vshll.u32 v18, $0x4  }
0x1e4: {  	v18 =	vor.u32 v0, v18  }
0x1e5: {  	v19 =	vshll.u32 v19, $0x4  }
0x1e6: {  	v19 =	vor.u32 v0, v19;
	_ =	sdelay $0x1  }
0x1e7: {  	v20 =	vld.idx.msk [tilespmem:v20+s21+$0x0], $0xffff  }
0x1e8: {  	v63 =	vld.idx.msk [tilespmem:v18+s21+$0x0], $0xffff;
	_ =	sdelay $0x1  }
0x1e9: {  	v19 =	vld.idx.msk [tilespmem:v19+s21+$0x0], $0xffff;
	_ =	sdelay $0x2  }
0x1ea: {  	v22 =	vmul.f32 v63, v20;
	_ =	sdelay $0x1  }
0x1eb: {  	v19 =	vsub.f32 v19, v22;
	_ =	sdelay $0x1  }
.Ltmp20:
0x1ec: {  	v19 =	vmul.f32 v19, v20;
	(pc) =	sbr.rel @p1 .LBB2_31-.Ltmp20, $3  }
0x1ed: {  	_ = 	snop  }
0x1ee: {  	v19 =	vadd.f32 v19, v63;
	_ =	sdelay $0x1  }
0x1ef: {  	s31 =	simm.s32 $0x0;
	[tilespmem:v18+s21+$0x0] =	vst.idx.msk $0xffff, v19  }
0x1f0: {  	v18 =	vmov s31  }
0x1f1: {  	v18 =	vshll.u32 v18, $0x4  }
0x1f2: {  	v18 =	vor.u32 v16, v18  }
0x1f3: {  	v18 =	vor.u32 $0x5, v18;
	_ =	sdelay $0x2  }
0x1f4: {  	s0 =	simm.s32 $0x10  }
0x1f5: {  	s23 =	simm.s32 $0x20;
	s5 =	simm.s32 $0x0;
	v19 =	vmov s0  }
.LBB2_29:
0x1f6: {  	p3 =	sne.s32 s23, $0xFF0;
	v19 =	vshll.u32 v19, $0x4;
	v20 =	vld.idx.msk [tilespmem:v18+s21+$0x0], $0xffff  }
0x1f7: {  	v21 =	vor.u32 s5, v14;
	s5 =	smov.u32 s0;
	s0 =	smov.u32 s23;
	v18 =	vor.u32 v16, v19  }
.Ltmp21:
0x1f8: {  	v18 =	vor.u32 $0x5, v18;
	(pc) =	sbr.rel @p3 .LBB2_29-.Ltmp21, $2  }
0x1f9: {  	_ =	sdelay $0x2  }
0x1fa: {  	s23 =	sadd.s32 $0x10, s23;
	v19 =	vmov s0;
	[tilespmem:v21+s21+$0x0] =	vst.idx.msk $0xffff, v20  }
0x1fb: {  	_ =	sdelay $0x2  }
0x1fc: {  	v19 =	vshll.u32 v19, $0x4  }
0x1fd: {  	v18 =	vld.idx.msk [tilespmem:v18+s21+$0x0], $0xffff;
	v20 =	vor.u32 s5, v14;
	v19 =	vor.u32 v16, v19  }
0x1fe: {  	v19 =	vor.u32 $0x5, v19;
	_ =	sdelay $0x3  }
0x1ff: {  	[tilespmem:v20+s21+$0x0] =	vst.idx.msk $0xffff, v18  }
0x200: {  	v18 =	vld.idx.msk [tilespmem:v19+s21+$0x0], $0xffff;
	v19 =	vor.u32 s0, v14;
	_ =	sdelay $0x4  }
0x201: {  	[tilespmem:v19+s21+$0x0] =	vst.idx.msk $0xffff, v18  }
0x202: {  	[spmem:s4] =	stream.linear.scatter [tilespmem:s29], [sflag:$0x1], $0x1000, $0x38;
	[tilespmem:$0x1C680] =	vst v63  }
0x203: {  	_ =	swait.ge [sflag:s20], $0x1000  }
0x204: {  	[sflag:s20] =	ssyncset.done $0x0  }
0x205: {  	[sflag:s20] =	ssyncadd.s32 $0xFFFFF000  }
.LBB2_31:
0x206: {  	s0 =	simm.s32 $0x11000  }
0x207: {  	[bflag:$0x0] =	sbarrier.arrive $0xFFFF;
	v18 =	vmov s0  }
0x208: {  	[tilespmem:s29], [sflag:$0x1] =	stream.linear.gather [spmem:s4], $0x1000, $0x38;
	[tilespmem:$0x1C680] =	vst v63  }
0x209: {  	_ =	swait.ge [sflag:s20], $0x1000  }
0x20a: {  	[sflag:s20] =	ssyncset.done $0x0  }
0x20b: {  	[sflag:s20] =	ssyncadd.s32 $0xFFFFF000  }
0x20c: {  	v18 =	vld.idx.msk [tilespmem:v18+s21+$0x0], $0xffff;
	_ =	sdelay $0x4  }
0x20d: {  	v19 =	vmax.f32 v18, $9.999999960e-13  }
0x20e: {  	v18 =	vor.u32 s31, v0;
	(erf) = vrcp.f32 v19;
	_ =	sdelay $0x4  }
0x20f: {  	v20 =	vld.idx.msk [tilespmem:v18+s21+$0x0], $0xffff;
	_ =	sdelay $0x3  }
0x210: {  	s25 =	simm.s32 $0x11001;
	v21 =	vpop (erf)  }
0x211: {  	s0 =	simm.s32 $0x11002;
	v19 =	vmov s25;
	v20 =	vmul.f32 v21, v20  }
.LBB2_32:
0x212: {  	p3 =	sne.s32 s0, $0x11FFF  }
0x213: {  	v21 =	vpsel p2, v17, v20  }
0x214: {  	v20 =	vsel vm9, v20, v21  }
0x215: {  	[tilespmem:v18+s21+$0x0] =	vst.idx.msk $0xffff, v20  }
0x216: {  	v18 =	vld.idx.msk [tilespmem:v19+s21+$0x0], $0xffff;
	_ =	sdelay $0x4  }
0x217: {  	s31 =	sadd.s32 $0x10, s31  }
0x218: {  	v19 =	vmax.f32 v18, $9.999999960e-13;
	v18 =	vor.u32 s31, v0  }
0x219: {  	(erf) = vrcp.f32 v19;
	_ =	sdelay $0x3  }
0x21a: {  	v20 =	vld.idx.msk [tilespmem:v18+s21+$0x0], $0xffff;
	_ =	sdelay $0x1  }
.Ltmp22:
0x21b: {  	(pc) =	sbr.rel @p3 .LBB2_32-.Ltmp22, $3  }
0x21c: {  	_ =	sdelay $0x1  }
0x21d: {  	v21 =	vpop (erf)  }
0x21e: {  	v19 =	vmov s0;
	s0 =	sadd.s32 $0x1, s0;
	v20 =	vmul.f32 v21, v20  }
0x21f: {  	_ =	sdelay $0x1  }
0x220: {  	v21 =	vpsel p2, v17, v20  }
0x221: {  	v20 =	vsel vm9, v20, v21  }
0x222: {  	[tilespmem:v18+s21+$0x0] =	vst.idx.msk $0xffff, v20  }
0x223: {  	v18 =	vld.idx.msk [tilespmem:v19+s21+$0x0], $0xffff;
	_ =	sdelay $0x4  }
0x224: {  	s0 =	sadd.s32 $0x10, s31;
	v18 =	vmax.f32 v18, $9.999999960e-13  }
0x225: {  	v19 =	vor.u32 s0, v0;
	(erf) = vrcp.f32 v18;
	_ =	sdelay $0x4  }
0x226: {  	v18 =	vld.idx.msk [tilespmem:v19+s21+$0x0], $0xffff;
	_ =	sdelay $0x3  }
0x227: {  	v63 =	vpop (erf)  }
0x228: {  	v18 =	vmul.f32 v63, v18;
	_ =	sdelay $0x1  }
0x229: {  	v20 =	vpsel p2, v17, v18  }
0x22a: {  	v18 =	vsel vm9, v18, v20  }
0x22b: {  	[tilespmem:v19+s21+$0x0] =	vst.idx.msk $0xffff, v18  }
.Ltmp23:
0x22c: {  	[bflag:$0x0] =	sbarrier.arrive $0xFFFF;
	(pc) =	sbr.rel .LBB2_34-.Ltmp23, $4  }
0x22d: {  	[hbm4b:s16+s18] =	stream.strided.scatter [tilespmem:s21], [sflag:$0x1], $0x10000, s22, s18, $0x38;
	[tilespmem:$0x1C680] =	vst v63  }
0x22e: {  	_ =	swait.ge [sflag:s20], $0x10000  }
0x22f: {  	[sflag:s20] =	ssyncset.done $0x0  }
0x230: {  	[sflag:s20] =	ssyncadd.s32 $0xFFFF0000  }
.LBB2_35:
0x231: {  	_ =	sfence.sel $0x180000  }
0x232: {  	[bflag:$0x0] =	sbarrier.arrive $0xFFFF  }
0x233: {  	_ =	strace $0x90000047  }
0x234: {  	s0 =	stileid.u32;
	[bflag:$0x2] =	sbarrier.arrive $0xFFFF  }
0x235: {  	p0 =	sne.s32 s0, $0x0;
	s0 =	rddreg [dreg:$0x5]  }
0x236: {  	s0 =	sadd.s32 @!p0 $0x100000, s0  }
0x237: {  	[sflag:s0] =	ssyncadd.tile.s32 @!p0 $0x1;
	_ =	shalt  }
.Lfunc_end2:
_tile_overlayer_lowered:
.L_overlay_start_2:
0x238: {  	(tag) =	ssettag $0x2  }
0x239: {  	s0 =	rddreg [dreg:$0x0];
	s2 =	stileid.u32  }
0x23a: {  	s1 =	rddreg [dreg:$0x1];
	p0 =	sne.s32 s2, $0x0  }
0x23b: {  	s3 =	rddreg [dreg:$0x2];
	[bflag:$0x3] =	sbarrier.arrive $0xFFFF;
	s2 =	simm.s32 @!p0 $0x1C01  }
0x23c: {  	[timem:s3], [sflag:s2] =	dma.local @!p0 [hbm:s0], s1  }
0x23d: {  	s0 =	simm.s32 @!p0 $0x1  }
0x23e: {  	_ =	swait.ge @!p0 [sflag:s0], s1  }
0x23f: {  	s1 =	ssub.s32 @!p0 $0x0, s1;
	[sflag:s0] =	ssyncset.done @!p0 $0x0  }
0x240: {  	[sflag:s0] =	ssyncadd.s32 @!p0 s1  }
0x241: {  	[bflag:$0x3] =	sbarrier.arrive $0xFFFF  }
0x242: {  	_ =	shalt  }

</sc_bundles>
